<compile_context>
chip_gen: v7x
topology: tpu7x:2x2x1
jax: 0.10.2.dev20260603
libtpu: 0.0.44.dev20260713+nightly
codegen_flags: <defaults>
</compile_context>

<pallas_src>
import math

import jax
import jax.numpy as jnp
from jax import lax
from jax.experimental import pallas as pl
from jax.experimental.pallas import tpu as pltpu
from jax.experimental.pallas import tpu_sc as plsc

VOCAB = 1000000
D = 64
BATCH = 4096
SEQ = 200
L = 16
GROUP = 128
B_BLK = 256
G_PER_UNIT = B_BLK // GROUP
BB_PER_S = BATCH // B_BLK
UNITS = SEQ * BB_PER_S
NW = 32
UNITS_PER_W = UNITS // NW
NB = 4
SCALE = math.sqrt(D)


def _emb_kernel(idx_hbm, tab_hbm, out_hbm,
                idx_all, rows0, rows1, rows2, rows3, t0, t1,
                gsem0, gsem1, gsem2, gsem3, ssem0, ssem1):
    wid = lax.axis_index("s") * 2 + lax.axis_index("c")
    u0 = wid * UNITS_PER_W
    rows = (rows0, rows1, rows2, rows3)
    trans = (t0, t1)
    gsem = (gsem0, gsem1, gsem2, gsem3)
    ssem = (ssem0, ssem1)
    row_ids = [lax.iota(jnp.int32, L) + L * k for k in range(D // L)]

    pltpu.sync_copy(
        idx_hbm.at[pl.ds(u0 * G_PER_UNIT, UNITS_PER_W * G_PER_UNIT)], idx_all
    )

    def gather_copies(g, b):
        for m in range(B_BLK // L):
            idxv = idx_all[g * G_PER_UNIT + m // (GROUP // L),
                           pl.ds((m % (GROUP // L)) * L, L)]
            pltpu.async_copy(
                tab_hbm.at[idxv],
                rows[b].at[pl.ds(m * L, L)],
                gsem[b],
            )

    def drain_gathers(b):
        for m in range(B_BLK // L):
            pltpu.make_async_copy(
                tab_hbm.at[idx_all[0, pl.ds(0, L)]],
                rows[b].at[pl.ds(m * L, L)],
                gsem[b],
            ).wait()

    def out_slice(g):
        u = u0 + g
        return out_hbm.at[u // BB_PER_S, :, pl.ds((u % BB_PER_S) * B_BLK, B_BLK)]

    def store_copy(g, sb):
        return pltpu.async_copy(
            trans[sb].at[:, pl.ds(0, B_BLK)], out_slice(g), ssem[sb]
        )

    for p in range(NB - 1):
        gather_copies(p, p)

    def quad_body(i, carry):
        for b in range(NB):
            g = NB * i + b
            sb = b % 2
            drain_gathers(b)

            @pl.when(g + NB - 1 < UNITS_PER_W)
            def _():
                gather_copies(g + NB - 1, (b + NB - 1) % NB)

            @pl.when(g >= 2)
            def _():
                pltpu.make_async_copy(
                    trans[sb].at[:, pl.ds(0, B_BLK)], out_slice(g), ssem[sb]
                ).wait()

            col0 = jnp.zeros((L,), jnp.int32)
            first = [rows[b][0, pl.ds(L * k, L)] for k in range(D // L)]

            def tok_body(j, carry2):
                col = carry2[0]
                loaded = carry2[1:]
                jn = jnp.minimum(j + 1, B_BLK - 1)
                nxt = [rows[b][jn, pl.ds(L * k, L)] for k in range(D // L)]
                for k in range(D // L):
                    plsc.store_scatter(
                        trans[sb], [row_ids[k], col], loaded[k] * SCALE
                    )
                return (col + 1, *nxt)

            lax.fori_loop(0, B_BLK, tok_body, (col0, *first), unroll=8)

            store_copy(g, sb)
        return carry

    lax.fori_loop(0, UNITS_PER_W // NB, quad_body, 0, unroll=False)

    for sb in (0, 1):
        pltpu.make_async_copy(
            trans[sb].at[:, pl.ds(0, B_BLK)],
            out_slice(UNITS_PER_W - 2 + sb),
            ssem[sb],
        ).wait()


@jax.jit
def kernel(token_indices, embedding_weight):
    idx2 = token_indices.T.reshape(UNITS * G_PER_UNIT, GROUP)
    mesh = plsc.VectorSubcoreMesh(core_axis_name="c", subcore_axis_name="s")
    out3 = pl.kernel(
        _emb_kernel,
        mesh=mesh,
        out_type=jax.ShapeDtypeStruct((SEQ, D, BATCH), jnp.float32),
        scratch_types=[
            pltpu.VMEM((UNITS_PER_W * G_PER_UNIT, GROUP), jnp.int32),
            pltpu.VMEM((B_BLK, D), jnp.float32),
            pltpu.VMEM((B_BLK, D), jnp.float32),
            pltpu.VMEM((B_BLK, D), jnp.float32),
            pltpu.VMEM((B_BLK, D), jnp.float32),
            pltpu.VMEM((D, B_BLK + 1), jnp.float32),
            pltpu.VMEM((D, B_BLK + 1), jnp.float32),
            pltpu.SemaphoreType.DMA,
            pltpu.SemaphoreType.DMA,
            pltpu.SemaphoreType.DMA,
            pltpu.SemaphoreType.DMA,
            pltpu.SemaphoreType.DMA,
            pltpu.SemaphoreType.DMA,
        ],
        compiler_params=pltpu.CompilerParams(
            use_tc_tiling_on_sc=False, needs_layout_passes=False
        ),
    )(idx2, embedding_weight)
    return out3.transpose(2, 0, 1)

# --- scband reference (transcript-rebuilt; emitter-appended) ---
"""Pipeline reference for scband-embeddings-1468878815705 (READ-ONLY COPY).

The authoritative reference and input builder live on the scoring server;
editing this copy changes nothing except your own understanding.
"""

import jax, jax.numpy as jnp
import numpy as np
import math

VOCAB_SIZE = 1000000
D_MODEL = 64
BATCH = 4096
SEQ_LEN = 200


def setup_inputs(seed: int = 0) -> dict:
    key = jax.random.key(seed)
    k_idx, k_tab = jax.random.split(key)
    token_indices = jax.random.randint(k_idx, (BATCH, SEQ_LEN), 0, VOCAB_SIZE, dtype=jnp.int32)
    embedding_weight = jax.random.normal(k_tab, (VOCAB_SIZE, D_MODEL), dtype=jnp.float32)
    return {"token_indices": token_indices, "embedding_weight": embedding_weight}


def reference(token_indices, embedding_weight):
    scale = math.sqrt(D_MODEL)
    emb = jnp.take(embedding_weight, token_indices, axis=0)
    return emb * scale

if __name__ == "__main__":
    import jax
    _d = setup_inputs()
    print(jax.jit(kernel)(*tuple(_d.values())))

</pallas_src>

<mosaic_0001>
#map = affine_map<(d0, d1) -> (0, 0)>
#map1 = affine_map<(d0, d1) -> (0, 0, 0)>
module attributes {stable_mosaic.version = 14 : i64} {
  func.func @_emb_kernel(%arg0: i32, %arg1: i32, %arg2: memref<6400x128xi32, #tpu.memory_space<hbm>>, %arg3: memref<1000000x64xf32, #tpu.memory_space<hbm>>, %arg4: memref<200x64x4096xf32, #tpu.memory_space<hbm>>, %arg5: memref<200x128xi32, #tpu.memory_space<vmem>>, %arg6: memref<256x64xf32, #tpu.memory_space<vmem>>, %arg7: memref<256x64xf32, #tpu.memory_space<vmem>>, %arg8: memref<256x64xf32, #tpu.memory_space<vmem>>, %arg9: memref<256x64xf32, #tpu.memory_space<vmem>>, %arg10: memref<64x257xf32, #tpu.memory_space<vmem>>, %arg11: memref<64x257xf32, #tpu.memory_space<vmem>>, %arg12: memref<!tpu.dma_semaphore, #tpu.memory_space<semaphore_mem>>, %arg13: memref<!tpu.dma_semaphore, #tpu.memory_space<semaphore_mem>>, %arg14: memref<!tpu.dma_semaphore, #tpu.memory_space<semaphore_mem>>, %arg15: memref<!tpu.dma_semaphore, #tpu.memory_space<semaphore_mem>>, %arg16: memref<!tpu.dma_semaphore, #tpu.memory_space<semaphore_mem>>, %arg17: memref<!tpu.dma_semaphore, #tpu.memory_space<semaphore_mem>>) attributes {dimension_semantics = [#tpu.dimension_semantics<core_parallel>, #tpu.dimension_semantics<subcore_parallel>], iteration_bounds = array<i64: 2, 16>, scalar_prefetch = 0 : i64, scratch_operands = 13 : i64, tpu.core_type = #tpu.core_type<sc_vector_subcore>, window_params = [{transform_indices = #map}, {transform_indices = #map}, {transform_indices = #map1}]} {
    %mul3A = arith.constant 2 : i32
    %mul3A_0 = arith.muli %arg1, %mul3A : i32
    %add3A = arith.addi %mul3A_0, %arg0 : i32
    %mul3A_1 = arith.constant 100 : i32
    %mul3A_2 = arith.muli %add3A, %mul3A_1 : i32
    %iota3A = tpu.iota {dimensions = array<i32: 0>} : vector<16xi32>
    %add3A_3 = arith.constant 0 : i32
    %add3A_4 = vector.broadcast %add3A_3 : i32 to vector<16xi32>
    %add3A_5 = arith.addi %iota3A, %add3A_4 : vector<16xi32>
    %iota3A_6 = tpu.iota {dimensions = array<i32: 0>} : vector<16xi32>
    %add3A_7 = arith.constant 16 : i32
    %add3A_8 = vector.broadcast %add3A_7 : i32 to vector<16xi32>
    %add3A_9 = arith.addi %iota3A_6, %add3A_8 : vector<16xi32>
    %iota3A_10 = tpu.iota {dimensions = array<i32: 0>} : vector<16xi32>
    %add3A_11 = arith.constant 32 : i32
    %add3A_12 = vector.broadcast %add3A_11 : i32 to vector<16xi32>
    %add3A_13 = arith.addi %iota3A_10, %add3A_12 : vector<16xi32>
    %iota3A_14 = tpu.iota {dimensions = array<i32: 0>} : vector<16xi32>
    %add3A_15 = arith.constant 48 : i32
    %add3A_16 = vector.broadcast %add3A_15 : i32 to vector<16xi32>
    %add3A_17 = arith.addi %iota3A_14, %add3A_16 : vector<16xi32>
    %mul3A_18 = arith.constant 2 : i32
    %mul3A_19 = arith.muli %mul3A_2, %mul3A_18 : i32
    "tpu.region"() ({
      %run_scoped3A = tpu.sem_alloc : memref<!tpu.dma_semaphore, #tpu.memory_space<semaphore_mem>>
      %dma_start3A_604 = arith.constant 0 : i32
      %dma_start3A_605 = tpu.memref_slice %arg2[%mul3A_19, %dma_start3A_604] : memref<6400x128xi32, #tpu.memory_space<hbm>> -> memref<200x128xi32, #tpu.memory_space<hbm>>
      %dma_start3A_606 = arith.constant 0 : i32
      %dma_start3A_607 = tpu.memref_slice %arg2[%mul3A_19, %dma_start3A_606] : memref<6400x128xi32, #tpu.memory_space<hbm>> -> memref<200x128xi32, #tpu.memory_space<hbm>>
      tpu.enqueue_dma source(%dma_start3A_607 : memref<200x128xi32, #tpu.memory_space<hbm>>) target(%arg5 : memref<200x128xi32, #tpu.memory_space<vmem>>) target_semaphore(%run_scoped3A : memref<!tpu.dma_semaphore, #tpu.memory_space<semaphore_mem>>)
      %dma_wait3A_608 = arith.constant 0 : i32
      %dma_wait3A_609 = tpu.memref_slice %arg2[%mul3A_19, %dma_wait3A_608] : memref<6400x128xi32, #tpu.memory_space<hbm>> -> memref<200x128xi32, #tpu.memory_space<hbm>>
      %dma_wait3A_610 = arith.constant 0 : i32
      %dma_wait3A_611 = tpu.memref_slice %arg2[%mul3A_19, %dma_wait3A_610] : memref<6400x128xi32, #tpu.memory_space<hbm>> -> memref<200x128xi32, #tpu.memory_space<hbm>>
      tpu.wait_dma2 semaphore(%run_scoped3A : memref<!tpu.dma_semaphore, #tpu.memory_space<semaphore_mem>>) src(%dma_wait3A_611 : memref<200x128xi32, #tpu.memory_space<hbm>>) dst(%arg5 : memref<200x128xi32, #tpu.memory_space<vmem>>)
      tpu.yield
    }) : () -> ()
    %get3A = arith.constant 0 : i32
    %get3A_20 = arith.index_cast %get3A : i32 to index
    %get3A_21 = arith.constant 0 : index
    %get3A_22 = tpu.vector_load %arg5[%get3A_20, %get3A_21] {strides = array<i32>} : memref<200x128xi32, #tpu.memory_space<vmem>>, vector<16xi32>,
    %dma_start3A = arith.constant 0 : i32
    %dma_start3A_23 = arith.constant 0 : i32
    %dma_start3A_24 = tpu.memref_slice %arg6[%dma_start3A, %dma_start3A_23] : memref<256x64xf32, #tpu.memory_space<vmem>> -> memref<16x64xf32, #tpu.memory_space<vmem>>
    %dma_start3A_25 = arith.constant 0 : i32
    %dma_start3A_26 = arith.constant 0 : i32
    %dma_start3A_27 = tpu.memref_slice %arg3[%dma_start3A_25, %dma_start3A_26] : memref<1000000x64xf32, #tpu.memory_space<hbm>> -> memref<1000000x64xf32, #tpu.memory_space<hbm>>
    tpu.enqueue_indirect_dma source(%dma_start3A_27 : memref<1000000x64xf32, #tpu.memory_space<hbm>>) target(%dma_start3A_24 : memref<16x64xf32, #tpu.memory_space<vmem>>) offsets(%get3A_22 : vector<16xi32>) semaphore(%arg12 : memref<!tpu.dma_semaphore, #tpu.memory_space<semaphore_mem>>)
    %get3A_28 = arith.constant 0 : i32
    %get3A_29 = arith.index_cast %get3A_28 : i32 to index
    %get3A_30 = arith.constant 16 : index
    %get3A_31 = tpu.vector_load %arg5[%get3A_29, %get3A_30] {strides = array<i32>} : memref<200x128xi32, #tpu.memory_space<vmem>>, vector<16xi32>,
    %dma_start3A_32 = arith.constant 16 : i32
    %dma_start3A_33 = arith.constant 0 : i32
    %dma_start3A_34 = tpu.memref_slice %arg6[%dma_start3A_32, %dma_start3A_33] : memref<256x64xf32, #tpu.memory_space<vmem>> -> memref<16x64xf32, #tpu.memory_space<vmem>>
    %dma_start3A_35 = arith.constant 0 : i32
    %dma_start3A_36 = arith.constant 0 : i32
    %dma_start3A_37 = tpu.memref_slice %arg3[%dma_start3A_35, %dma_start3A_36] : memref<1000000x64xf32, #tpu.memory_space<hbm>> -> memref<1000000x64xf32, #tpu.memory_space<hbm>>
    tpu.enqueue_indirect_dma source(%dma_start3A_37 : memref<1000000x64xf32, #tpu.memory_space<hbm>>) target(%dma_start3A_34 : memref<16x64xf32, #tpu.memory_space<vmem>>) offsets(%get3A_31 : vector<16xi32>) semaphore(%arg12 : memref<!tpu.dma_semaphore, #tpu.memory_space<semaphore_mem>>)
    %get3A_38 = arith.constant 0 : i32
    %get3A_39 = arith.index_cast %get3A_38 : i32 to index
    %get3A_40 = arith.constant 32 : index
    %get3A_41 = tpu.vector_load %arg5[%get3A_39, %get3A_40] {strides = array<i32>} : memref<200x128xi32, #tpu.memory_space<vmem>>, vector<16xi32>,
    %dma_start3A_42 = arith.constant 32 : i32
    %dma_start3A_43 = arith.constant 0 : i32
    %dma_start3A_44 = tpu.memref_slice %arg6[%dma_start3A_42, %dma_start3A_43] : memref<256x64xf32, #tpu.memory_space<vmem>> -> memref<16x64xf32, #tpu.memory_space<vmem>>
    %dma_start3A_45 = arith.constant 0 : i32
    %dma_start3A_46 = arith.constant 0 : i32
    %dma_start3A_47 = tpu.memref_slice %arg3[%dma_start3A_45, %dma_start3A_46] : memref<1000000x64xf32, #tpu.memory_space<hbm>> -> memref<1000000x64xf32, #tpu.memory_space<hbm>>
    tpu.enqueue_indirect_dma source(%dma_start3A_47 : memref<1000000x64xf32, #tpu.memory_space<hbm>>) target(%dma_start3A_44 : memref<16x64xf32, #tpu.memory_space<vmem>>) offsets(%get3A_41 : vector<16xi32>) semaphore(%arg12 : memref<!tpu.dma_semaphore, #tpu.memory_space<semaphore_mem>>)
    %get3A_48 = arith.constant 0 : i32
    %get3A_49 = arith.index_cast %get3A_48 : i32 to index
    %get3A_50 = arith.constant 48 : index
    %get3A_51 = tpu.vector_load %arg5[%get3A_49, %get3A_50] {strides = array<i32>} : memref<200x128xi32, #tpu.memory_space<vmem>>, vector<16xi32>,
    %dma_start3A_52 = arith.constant 48 : i32
    %dma_start3A_53 = arith.constant 0 : i32
    %dma_start3A_54 = tpu.memref_slice %arg6[%dma_start3A_52, %dma_start3A_53] : memref<256x64xf32, #tpu.memory_space<vmem>> -> memref<16x64xf32, #tpu.memory_space<vmem>>
    %dma_start3A_55 = arith.constant 0 : i32
    %dma_start3A_56 = arith.constant 0 : i32
    %dma_start3A_57 = tpu.memref_slice %arg3[%dma_start3A_55, %dma_start3A_56] : memref<1000000x64xf32, #tpu.memory_space<hbm>> -> memref<1000000x64xf32, #tpu.memory_space<hbm>>
    tpu.enqueue_indirect_dma source(%dma_start3A_57 : memref<1000000x64xf32, #tpu.memory_space<hbm>>) target(%dma_start3A_54 : memref<16x64xf32, #tpu.memory_space<vmem>>) offsets(%get3A_51 : vector<16xi32>) semaphore(%arg12 : memref<!tpu.dma_semaphore, #tpu.memory_space<semaphore_mem>>)
    %get3A_58 = arith.constant 0 : i32
    %get3A_59 = arith.index_cast %get3A_58 : i32 to index
    %get3A_60 = arith.constant 64 : index
    %get3A_61 = tpu.vector_load %arg5[%get3A_59, %get3A_60] {strides = array<i32>} : memref<200x128xi32, #tpu.memory_space<vmem>>, vector<16xi32>,
    %dma_start3A_62 = arith.constant 64 : i32
    %dma_start3A_63 = arith.constant 0 : i32
    %dma_start3A_64 = tpu.memref_slice %arg6[%dma_start3A_62, %dma_start3A_63] : memref<256x64xf32, #tpu.memory_space<vmem>> -> memref<16x64xf32, #tpu.memory_space<vmem>>
    %dma_start3A_65 = arith.constant 0 : i32
    %dma_start3A_66 = arith.constant 0 : i32
    %dma_start3A_67 = tpu.memref_slice %arg3[%dma_start3A_65, %dma_start3A_66] : memref<1000000x64xf32, #tpu.memory_space<hbm>> -> memref<1000000x64xf32, #tpu.memory_space<hbm>>
    tpu.enqueue_indirect_dma source(%dma_start3A_67 : memref<1000000x64xf32, #tpu.memory_space<hbm>>) target(%dma_start3A_64 : memref<16x64xf32, #tpu.memory_space<vmem>>) offsets(%get3A_61 : vector<16xi32>) semaphore(%arg12 : memref<!tpu.dma_semaphore, #tpu.memory_space<semaphore_mem>>)
    %get3A_68 = arith.constant 0 : i32
    %get3A_69 = arith.index_cast %get3A_68 : i32 to index
    %get3A_70 = arith.constant 80 : index
    %get3A_71 = tpu.vector_load %arg5[%get3A_69, %get3A_70] {strides = array<i32>} : memref<200x128xi32, #tpu.memory_space<vmem>>, vector<16xi32>,
    %dma_start3A_72 = arith.constant 80 : i32
    %dma_start3A_73 = arith.constant 0 : i32
    %dma_start3A_74 = tpu.memref_slice %arg6[%dma_start3A_72, %dma_start3A_73] : memref<256x64xf32, #tpu.memory_space<vmem>> -> memref<16x64xf32, #tpu.memory_space<vmem>>
    %dma_start3A_75 = arith.constant 0 : i32
    %dma_start3A_76 = arith.constant 0 : i32
    %dma_start3A_77 = tpu.memref_slice %arg3[%dma_start3A_75, %dma_start3A_76] : memref<1000000x64xf32, #tpu.memory_space<hbm>> -> memref<1000000x64xf32, #tpu.memory_space<hbm>>
    tpu.enqueue_indirect_dma source(%dma_start3A_77 : memref<1000000x64xf32, #tpu.memory_space<hbm>>) target(%dma_start3A_74 : memref<16x64xf32, #tpu.memory_space<vmem>>) offsets(%get3A_71 : vector<16xi32>) semaphore(%arg12 : memref<!tpu.dma_semaphore, #tpu.memory_space<semaphore_mem>>)
    %get3A_78 = arith.constant 0 : i32
    %get3A_79 = arith.index_cast %get3A_78 : i32 to index
    %get3A_80 = arith.constant 96 : index
    %get3A_81 = tpu.vector_load %arg5[%get3A_79, %get3A_80] {strides = array<i32>} : memref<200x128xi32, #tpu.memory_space<vmem>>, vector<16xi32>,
    %dma_start3A_82 = arith.constant 96 : i32
    %dma_start3A_83 = arith.constant 0 : i32
    %dma_start3A_84 = tpu.memref_slice %arg6[%dma_start3A_82, %dma_start3A_83] : memref<256x64xf32, #tpu.memory_space<vmem>> -> memref<16x64xf32, #tpu.memory_space<vmem>>
    %dma_start3A_85 = arith.constant 0 : i32
    %dma_start3A_86 = arith.constant 0 : i32
    %dma_start3A_87 = tpu.memref_slice %arg3[%dma_start3A_85, %dma_start3A_86] : memref<1000000x64xf32, #tpu.memory_space<hbm>> -> memref<1000000x64xf32, #tpu.memory_space<hbm>>
    tpu.enqueue_indirect_dma source(%dma_start3A_87 : memref<1000000x64xf32, #tpu.memory_space<hbm>>) target(%dma_start3A_84 : memref<16x64xf32, #tpu.memory_space<vmem>>) offsets(%get3A_81 : vector<16xi32>) semaphore(%arg12 : memref<!tpu.dma_semaphore, #tpu.memory_space<semaphore_mem>>)
    %get3A_88 = arith.constant 0 : i32
    %get3A_89 = arith.index_cast %get3A_88 : i32 to index
    %get3A_90 = arith.constant 112 : index
    %get3A_91 = tpu.vector_load %arg5[%get3A_89, %get3A_90] {strides = array<i32>} : memref<200x128xi32, #tpu.memory_space<vmem>>, vector<16xi32>,
    %dma_start3A_92 = arith.constant 112 : i32
    %dma_start3A_93 = arith.constant 0 : i32
    %dma_start3A_94 = tpu.memref_slice %arg6[%dma_start3A_92, %dma_start3A_93] : memref<256x64xf32, #tpu.memory_space<vmem>> -> memref<16x64xf32, #tpu.memory_space<vmem>>
    %dma_start3A_95 = arith.constant 0 : i32
    %dma_start3A_96 = arith.constant 0 : i32
    %dma_start3A_97 = tpu.memref_slice %arg3[%dma_start3A_95, %dma_start3A_96] : memref<1000000x64xf32, #tpu.memory_space<hbm>> -> memref<1000000x64xf32, #tpu.memory_space<hbm>>
    tpu.enqueue_indirect_dma source(%dma_start3A_97 : memref<1000000x64xf32, #tpu.memory_space<hbm>>) target(%dma_start3A_94 : memref<16x64xf32, #tpu.memory_space<vmem>>) offsets(%get3A_91 : vector<16xi32>) semaphore(%arg12 : memref<!tpu.dma_semaphore, #tpu.memory_space<semaphore_mem>>)
    %get3A_98 = arith.constant 1 : i32
    %get3A_99 = arith.index_cast %get3A_98 : i32 to index
    %get3A_100 = arith.constant 0 : index
    %get3A_101 = tpu.vector_load %arg5[%get3A_99, %get3A_100] {strides = array<i32>} : memref<200x128xi32, #tpu.memory_space<vmem>>, vector<16xi32>,
    %dma_start3A_102 = arith.constant 128 : i32
    %dma_start3A_103 = arith.constant 0 : i32
    %dma_start3A_104 = tpu.memref_slice %arg6[%dma_start3A_102, %dma_start3A_103] : memref<256x64xf32, #tpu.memory_space<vmem>> -> memref<16x64xf32, #tpu.memory_space<vmem>>
    %dma_start3A_105 = arith.constant 0 : i32
    %dma_start3A_106 = arith.constant 0 : i32
    %dma_start3A_107 = tpu.memref_slice %arg3[%dma_start3A_105, %dma_start3A_106] : memref<1000000x64xf32, #tpu.memory_space<hbm>> -> memref<1000000x64xf32, #tpu.memory_space<hbm>>
    tpu.enqueue_indirect_dma source(%dma_start3A_107 : memref<1000000x64xf32, #tpu.memory_space<hbm>>) target(%dma_start3A_104 : memref<16x64xf32, #tpu.memory_space<vmem>>) offsets(%get3A_101 : vector<16xi32>) semaphore(%arg12 : memref<!tpu.dma_semaphore, #tpu.memory_space<semaphore_mem>>)
    %get3A_108 = arith.constant 1 : i32
    %get3A_109 = arith.index_cast %get3A_108 : i32 to index
    %get3A_110 = arith.constant 16 : index
    %get3A_111 = tpu.vector_load %arg5[%get3A_109, %get3A_110] {strides = array<i32>} : memref<200x128xi32, #tpu.memory_space<vmem>>, vector<16xi32>,
    %dma_start3A_112 = arith.constant 144 : i32
    %dma_start3A_113 = arith.constant 0 : i32
    %dma_start3A_114 = tpu.memref_slice %arg6[%dma_start3A_112, %dma_start3A_113] : memref<256x64xf32, #tpu.memory_space<vmem>> -> memref<16x64xf32, #tpu.memory_space<vmem>>
    %dma_start3A_115 = arith.constant 0 : i32
    %dma_start3A_116 = arith.constant 0 : i32
    %dma_start3A_117 = tpu.memref_slice %arg3[%dma_start3A_115, %dma_start3A_116] : memref<1000000x64xf32, #tpu.memory_space<hbm>> -> memref<1000000x64xf32, #tpu.memory_space<hbm>>
    tpu.enqueue_indirect_dma source(%dma_start3A_117 : memref<1000000x64xf32, #tpu.memory_space<hbm>>) target(%dma_start3A_114 : memref<16x64xf32, #tpu.memory_space<vmem>>) offsets(%get3A_111 : vector<16xi32>) semaphore(%arg12 : memref<!tpu.dma_semaphore, #tpu.memory_space<semaphore_mem>>)
    %get3A_118 = arith.constant 1 : i32
    %get3A_119 = arith.index_cast %get3A_118 : i32 to index
    %get3A_120 = arith.constant 32 : index
    %get3A_121 = tpu.vector_load %arg5[%get3A_119, %get3A_120] {strides = array<i32>} : memref<200x128xi32, #tpu.memory_space<vmem>>, vector<16xi32>,
    %dma_start3A_122 = arith.constant 160 : i32
    %dma_start3A_123 = arith.constant 0 : i32
    %dma_start3A_124 = tpu.memref_slice %arg6[%dma_start3A_122, %dma_start3A_123] : memref<256x64xf32, #tpu.memory_space<vmem>> -> memref<16x64xf32, #tpu.memory_space<vmem>>
    %dma_start3A_125 = arith.constant 0 : i32
    %dma_start3A_126 = arith.constant 0 : i32
    %dma_start3A_127 = tpu.memref_slice %arg3[%dma_start3A_125, %dma_start3A_126] : memref<1000000x64xf32, #tpu.memory_space<hbm>> -> memref<1000000x64xf32, #tpu.memory_space<hbm>>
    tpu.enqueue_indirect_dma source(%dma_start3A_127 : memref<1000000x64xf32, #tpu.memory_space<hbm>>) target(%dma_start3A_124 : memref<16x64xf32, #tpu.memory_space<vmem>>) offsets(%get3A_121 : vector<16xi32>) semaphore(%arg12 : memref<!tpu.dma_semaphore, #tpu.memory_space<semaphore_mem>>)
    %get3A_128 = arith.constant 1 : i32
    %get3A_129 = arith.index_cast %get3A_128 : i32 to index
    %get3A_130 = arith.constant 48 : index
    %get3A_131 = tpu.vector_load %arg5[%get3A_129, %get3A_130] {strides = array<i32>} : memref<200x128xi32, #tpu.memory_space<vmem>>, vector<16xi32>,
    %dma_start3A_132 = arith.constant 176 : i32
    %dma_start3A_133 = arith.constant 0 : i32
    %dma_start3A_134 = tpu.memref_slice %arg6[%dma_start3A_132, %dma_start3A_133] : memref<256x64xf32, #tpu.memory_space<vmem>> -> memref<16x64xf32, #tpu.memory_space<vmem>>
    %dma_start3A_135 = arith.constant 0 : i32
    %dma_start3A_136 = arith.constant 0 : i32
    %dma_start3A_137 = tpu.memref_slice %arg3[%dma_start3A_135, %dma_start3A_136] : memref<1000000x64xf32, #tpu.memory_space<hbm>> -> memref<1000000x64xf32, #tpu.memory_space<hbm>>
    tpu.enqueue_indirect_dma source(%dma_start3A_137 : memref<1000000x64xf32, #tpu.memory_space<hbm>>) target(%dma_start3A_134 : memref<16x64xf32, #tpu.memory_space<vmem>>) offsets(%get3A_131 : vector<16xi32>) semaphore(%arg12 : memref<!tpu.dma_semaphore, #tpu.memory_space<semaphore_mem>>)
    %get3A_138 = arith.constant 1 : i32
    %get3A_139 = arith.index_cast %get3A_138 : i32 to index
    %get3A_140 = arith.constant 64 : index
    %get3A_141 = tpu.vector_load %arg5[%get3A_139, %get3A_140] {strides = array<i32>} : memref<200x128xi32, #tpu.memory_space<vmem>>, vector<16xi32>,
    %dma_start3A_142 = arith.constant 192 : i32
    %dma_start3A_143 = arith.constant 0 : i32
    %dma_start3A_144 = tpu.memref_slice %arg6[%dma_start3A_142, %dma_start3A_143] : memref<256x64xf32, #tpu.memory_space<vmem>> -> memref<16x64xf32, #tpu.memory_space<vmem>>
    %dma_start3A_145 = arith.constant 0 : i32
    %dma_start3A_146 = arith.constant 0 : i32
    %dma_start3A_147 = tpu.memref_slice %arg3[%dma_start3A_145, %dma_start3A_146] : memref<1000000x64xf32, #tpu.memory_space<hbm>> -> memref<1000000x64xf32, #tpu.memory_space<hbm>>
    tpu.enqueue_indirect_dma source(%dma_start3A_147 : memref<1000000x64xf32, #tpu.memory_space<hbm>>) target(%dma_start3A_144 : memref<16x64xf32, #tpu.memory_space<vmem>>) offsets(%get3A_141 : vector<16xi32>) semaphore(%arg12 : memref<!tpu.dma_semaphore, #tpu.memory_space<semaphore_mem>>)
    %get3A_148 = arith.constant 1 : i32
    %get3A_149 = arith.index_cast %get3A_148 : i32 to index
    %get3A_150 = arith.constant 80 : index
    %get3A_151 = tpu.vector_load %arg5[%get3A_149, %get3A_150] {strides = array<i32>} : memref<200x128xi32, #tpu.memory_space<vmem>>, vector<16xi32>,
    %dma_start3A_152 = arith.constant 208 : i32
    %dma_start3A_153 = arith.constant 0 : i32
    %dma_start3A_154 = tpu.memref_slice %arg6[%dma_start3A_152, %dma_start3A_153] : memref<256x64xf32, #tpu.memory_space<vmem>> -> memref<16x64xf32, #tpu.memory_space<vmem>>
    %dma_start3A_155 = arith.constant 0 : i32
    %dma_start3A_156 = arith.constant 0 : i32
    %dma_start3A_157 = tpu.memref_slice %arg3[%dma_start3A_155, %dma_start3A_156] : memref<1000000x64xf32, #tpu.memory_space<hbm>> -> memref<1000000x64xf32, #tpu.memory_space<hbm>>
    tpu.enqueue_indirect_dma source(%dma_start3A_157 : memref<1000000x64xf32, #tpu.memory_space<hbm>>) target(%dma_start3A_154 : memref<16x64xf32, #tpu.memory_space<vmem>>) offsets(%get3A_151 : vector<16xi32>) semaphore(%arg12 : memref<!tpu.dma_semaphore, #tpu.memory_space<semaphore_mem>>)
    %get3A_158 = arith.constant 1 : i32
    %get3A_159 = arith.index_cast %get3A_158 : i32 to index
    %get3A_160 = arith.constant 96 : index
    %get3A_161 = tpu.vector_load %arg5[%get3A_159, %get3A_160] {strides = array<i32>} : memref<200x128xi32, #tpu.memory_space<vmem>>, vector<16xi32>,
    %dma_start3A_162 = arith.constant 224 : i32
    %dma_start3A_163 = arith.constant 0 : i32
    %dma_start3A_164 = tpu.memref_slice %arg6[%dma_start3A_162, %dma_start3A_163] : memref<256x64xf32, #tpu.memory_space<vmem>> -> memref<16x64xf32, #tpu.memory_space<vmem>>
    %dma_start3A_165 = arith.constant 0 : i32
    %dma_start3A_166 = arith.constant 0 : i32
    %dma_start3A_167 = tpu.memref_slice %arg3[%dma_start3A_165, %dma_start3A_166] : memref<1000000x64xf32, #tpu.memory_space<hbm>> -> memref<1000000x64xf32, #tpu.memory_space<hbm>>
    tpu.enqueue_indirect_dma source(%dma_start3A_167 : memref<1000000x64xf32, #tpu.memory_space<hbm>>) target(%dma_start3A_164 : memref<16x64xf32, #tpu.memory_space<vmem>>) offsets(%get3A_161 : vector<16xi32>) semaphore(%arg12 : memref<!tpu.dma_semaphore, #tpu.memory_space<semaphore_mem>>)
    %get3A_168 = arith.constant 1 : i32
    %get3A_169 = arith.index_cast %get3A_168 : i32 to index
    %get3A_170 = arith.constant 112 : index
    %get3A_171 = tpu.vector_load %arg5[%get3A_169, %get3A_170] {strides = array<i32>} : memref<200x128xi32, #tpu.memory_space<vmem>>, vector<16xi32>,
    %dma_start3A_172 = arith.constant 240 : i32
    %dma_start3A_173 = arith.constant 0 : i32
    %dma_start3A_174 = tpu.memref_slice %arg6[%dma_start3A_172, %dma_start3A_173] : memref<256x64xf32, #tpu.memory_space<vmem>> -> memref<16x64xf32, #tpu.memory_space<vmem>>
    %dma_start3A_175 = arith.constant 0 : i32
    %dma_start3A_176 = arith.constant 0 : i32
    %dma_start3A_177 = tpu.memref_slice %arg3[%dma_start3A_175, %dma_start3A_176] : memref<1000000x64xf32, #tpu.memory_space<hbm>> -> memref<1000000x64xf32, #tpu.memory_space<hbm>>
    tpu.enqueue_indirect_dma source(%dma_start3A_177 : memref<1000000x64xf32, #tpu.memory_space<hbm>>) target(%dma_start3A_174 : memref<16x64xf32, #tpu.memory_space<vmem>>) offsets(%get3A_171 : vector<16xi32>) semaphore(%arg12 : memref<!tpu.dma_semaphore, #tpu.memory_space<semaphore_mem>>)
    %get3A_178 = arith.constant 2 : i32
    %get3A_179 = arith.index_cast %get3A_178 : i32 to index
    %get3A_180 = arith.constant 0 : index
    %get3A_181 = tpu.vector_load %arg5[%get3A_179, %get3A_180] {strides = array<i32>} : memref<200x128xi32, #tpu.memory_space<vmem>>, vector<16xi32>,
    %dma_start3A_182 = arith.constant 0 : i32
    %dma_start3A_183 = arith.constant 0 : i32
    %dma_start3A_184 = tpu.memref_slice %arg7[%dma_start3A_182, %dma_start3A_183] : memref<256x64xf32, #tpu.memory_space<vmem>> -> memref<16x64xf32, #tpu.memory_space<vmem>>
    %dma_start3A_185 = arith.constant 0 : i32
    %dma_start3A_186 = arith.constant 0 : i32
    %dma_start3A_187 = tpu.memref_slice %arg3[%dma_start3A_185, %dma_start3A_186] : memref<1000000x64xf32, #tpu.memory_space<hbm>> -> memref<1000000x64xf32, #tpu.memory_space<hbm>>
    tpu.enqueue_indirect_dma source(%dma_start3A_187 : memref<1000000x64xf32, #tpu.memory_space<hbm>>) target(%dma_start3A_184 : memref<16x64xf32, #tpu.memory_space<vmem>>) offsets(%get3A_181 : vector<16xi32>) semaphore(%arg13 : memref<!tpu.dma_semaphore, #tpu.memory_space<semaphore_mem>>)
    %get3A_188 = arith.constant 2 : i32
    %get3A_189 = arith.index_cast %get3A_188 : i32 to index
    %get3A_190 = arith.constant 16 : index
    %get3A_191 = tpu.vector_load %arg5[%get3A_189, %get3A_190] {strides = array<i32>} : memref<200x128xi32, #tpu.memory_space<vmem>>, vector<16xi32>,
    %dma_start3A_192 = arith.constant 16 : i32
    %dma_start3A_193 = arith.constant 0 : i32
    %dma_start3A_194 = tpu.memref_slice %arg7[%dma_start3A_192, %dma_start3A_193] : memref<256x64xf32, #tpu.memory_space<vmem>> -> memref<16x64xf32, #tpu.memory_space<vmem>>
    %dma_start3A_195 = arith.constant 0 : i32
    %dma_start3A_196 = arith.constant 0 : i32
    %dma_start3A_197 = tpu.memref_slice %arg3[%dma_start3A_195, %dma_start3A_196] : memref<1000000x64xf32, #tpu.memory_space<hbm>> -> memref<1000000x64xf32, #tpu.memory_space<hbm>>
    tpu.enqueue_indirect_dma source(%dma_start3A_197 : memref<1000000x64xf32, #tpu.memory_space<hbm>>) target(%dma_start3A_194 : memref<16x64xf32, #tpu.memory_space<vmem>>) offsets(%get3A_191 : vector<16xi32>) semaphore(%arg13 : memref<!tpu.dma_semaphore, #tpu.memory_space<semaphore_mem>>)
    %get3A_198 = arith.constant 2 : i32
    %get3A_199 = arith.index_cast %get3A_198 : i32 to index
    %get3A_200 = arith.constant 32 : index
    %get3A_201 = tpu.vector_load %arg5[%get3A_199, %get3A_200] {strides = array<i32>} : memref<200x128xi32, #tpu.memory_space<vmem>>, vector<16xi32>,
    %dma_start3A_202 = arith.constant 32 : i32
    %dma_start3A_203 = arith.constant 0 : i32
    %dma_start3A_204 = tpu.memref_slice %arg7[%dma_start3A_202, %dma_start3A_203] : memref<256x64xf32, #tpu.memory_space<vmem>> -> memref<16x64xf32, #tpu.memory_space<vmem>>
    %dma_start3A_205 = arith.constant 0 : i32
    %dma_start3A_206 = arith.constant 0 : i32
    %dma_start3A_207 = tpu.memref_slice %arg3[%dma_start3A_205, %dma_start3A_206] : memref<1000000x64xf32, #tpu.memory_space<hbm>> -> memref<1000000x64xf32, #tpu.memory_space<hbm>>
    tpu.enqueue_indirect_dma source(%dma_start3A_207 : memref<1000000x64xf32, #tpu.memory_space<hbm>>) target(%dma_start3A_204 : memref<16x64xf32, #tpu.memory_space<vmem>>) offsets(%get3A_201 : vector<16xi32>) semaphore(%arg13 : memref<!tpu.dma_semaphore, #tpu.memory_space<semaphore_mem>>)
    %get3A_208 = arith.constant 2 : i32
    %get3A_209 = arith.index_cast %get3A_208 : i32 to index
    %get3A_210 = arith.constant 48 : index
    %get3A_211 = tpu.vector_load %arg5[%get3A_209, %get3A_210] {strides = array<i32>} : memref<200x128xi32, #tpu.memory_space<vmem>>, vector<16xi32>,
    %dma_start3A_212 = arith.constant 48 : i32
    %dma_start3A_213 = arith.constant 0 : i32
    %dma_start3A_214 = tpu.memref_slice %arg7[%dma_start3A_212, %dma_start3A_213] : memref<256x64xf32, #tpu.memory_space<vmem>> -> memref<16x64xf32, #tpu.memory_space<vmem>>
    %dma_start3A_215 = arith.constant 0 : i32
    %dma_start3A_216 = arith.constant 0 : i32
    %dma_start3A_217 = tpu.memref_slice %arg3[%dma_start3A_215, %dma_start3A_216] : memref<1000000x64xf32, #tpu.memory_space<hbm>> -> memref<1000000x64xf32, #tpu.memory_space<hbm>>
    tpu.enqueue_indirect_dma source(%dma_start3A_217 : memref<1000000x64xf32, #tpu.memory_space<hbm>>) target(%dma_start3A_214 : memref<16x64xf32, #tpu.memory_space<vmem>>) offsets(%get3A_211 : vector<16xi32>) semaphore(%arg13 : memref<!tpu.dma_semaphore, #tpu.memory_space<semaphore_mem>>)
    %get3A_218 = arith.constant 2 : i32
    %get3A_219 = arith.index_cast %get3A_218 : i32 to index
    %get3A_220 = arith.constant 64 : index
    %get3A_221 = tpu.vector_load %arg5[%get3A_219, %get3A_220] {strides = array<i32>} : memref<200x128xi32, #tpu.memory_space<vmem>>, vector<16xi32>,
    %dma_start3A_222 = arith.constant 64 : i32
    %dma_start3A_223 = arith.constant 0 : i32
    %dma_start3A_224 = tpu.memref_slice %arg7[%dma_start3A_222, %dma_start3A_223] : memref<256x64xf32, #tpu.memory_space<vmem>> -> memref<16x64xf32, #tpu.memory_space<vmem>>
    %dma_start3A_225 = arith.constant 0 : i32
    %dma_start3A_226 = arith.constant 0 : i32
    %dma_start3A_227 = tpu.memref_slice %arg3[%dma_start3A_225, %dma_start3A_226] : memref<1000000x64xf32, #tpu.memory_space<hbm>> -> memref<1000000x64xf32, #tpu.memory_space<hbm>>
    tpu.enqueue_indirect_dma source(%dma_start3A_227 : memref<1000000x64xf32, #tpu.memory_space<hbm>>) target(%dma_start3A_224 : memref<16x64xf32, #tpu.memory_space<vmem>>) offsets(%get3A_221 : vector<16xi32>) semaphore(%arg13 : memref<!tpu.dma_semaphore, #tpu.memory_space<semaphore_mem>>)
    %get3A_228 = arith.constant 2 : i32
    %get3A_229 = arith.index_cast %get3A_228 : i32 to index
    %get3A_230 = arith.constant 80 : index
    %get3A_231 = tpu.vector_load %arg5[%get3A_229, %get3A_230] {strides = array<i32>} : memref<200x128xi32, #tpu.memory_space<vmem>>, vector<16xi32>,
    %dma_start3A_232 = arith.constant 80 : i32
    %dma_start3A_233 = arith.constant 0 : i32
    %dma_start3A_234 = tpu.memref_slice %arg7[%dma_start3A_232, %dma_start3A_233] : memref<256x64xf32, #tpu.memory_space<vmem>> -> memref<16x64xf32, #tpu.memory_space<vmem>>
    %dma_start3A_235 = arith.constant 0 : i32
    %dma_start3A_236 = arith.constant 0 : i32
    %dma_start3A_237 = tpu.memref_slice %arg3[%dma_start3A_235, %dma_start3A_236] : memref<1000000x64xf32, #tpu.memory_space<hbm>> -> memref<1000000x64xf32, #tpu.memory_space<hbm>>
    tpu.enqueue_indirect_dma source(%dma_start3A_237 : memref<1000000x64xf32, #tpu.memory_space<hbm>>) target(%dma_start3A_234 : memref<16x64xf32, #tpu.memory_space<vmem>>) offsets(%get3A_231 : vector<16xi32>) semaphore(%arg13 : memref<!tpu.dma_semaphore, #tpu.memory_space<semaphore_mem>>)
    %get3A_238 = arith.constant 2 : i32
    %get3A_239 = arith.index_cast %get3A_238 : i32 to index
    %get3A_240 = arith.constant 96 : index
    %get3A_241 = tpu.vector_load %arg5[%get3A_239, %get3A_240] {strides = array<i32>} : memref<200x128xi32, #tpu.memory_space<vmem>>, vector<16xi32>,
    %dma_start3A_242 = arith.constant 96 : i32
    %dma_start3A_243 = arith.constant 0 : i32
    %dma_start3A_244 = tpu.memref_slice %arg7[%dma_start3A_242, %dma_start3A_243] : memref<256x64xf32, #tpu.memory_space<vmem>> -> memref<16x64xf32, #tpu.memory_space<vmem>>
    %dma_start3A_245 = arith.constant 0 : i32
    %dma_start3A_246 = arith.constant 0 : i32
    %dma_start3A_247 = tpu.memref_slice %arg3[%dma_start3A_245, %dma_start3A_246] : memref<1000000x64xf32, #tpu.memory_space<hbm>> -> memref<1000000x64xf32, #tpu.memory_space<hbm>>
    tpu.enqueue_indirect_dma source(%dma_start3A_247 : memref<1000000x64xf32, #tpu.memory_space<hbm>>) target(%dma_start3A_244 : memref<16x64xf32, #tpu.memory_space<vmem>>) offsets(%get3A_241 : vector<16xi32>) semaphore(%arg13 : memref<!tpu.dma_semaphore, #tpu.memory_space<semaphore_mem>>)
    %get3A_248 = arith.constant 2 : i32
    %get3A_249 = arith.index_cast %get3A_248 : i32 to index
    %get3A_250 = arith.constant 112 : index
    %get3A_251 = tpu.vector_load %arg5[%get3A_249, %get3A_250] {strides = array<i32>} : memref<200x128xi32, #tpu.memory_space<vmem>>, vector<16xi32>,
    %dma_start3A_252 = arith.constant 112 : i32
    %dma_start3A_253 = arith.constant 0 : i32
    %dma_start3A_254 = tpu.memref_slice %arg7[%dma_start3A_252, %dma_start3A_253] : memref<256x64xf32, #tpu.memory_space<vmem>> -> memref<16x64xf32, #tpu.memory_space<vmem>>
    %dma_start3A_255 = arith.constant 0 : i32
    %dma_start3A_256 = arith.constant 0 : i32
    %dma_start3A_257 = tpu.memref_slice %arg3[%dma_start3A_255, %dma_start3A_256] : memref<1000000x64xf32, #tpu.memory_space<hbm>> -> memref<1000000x64xf32, #tpu.memory_space<hbm>>
    tpu.enqueue_indirect_dma source(%dma_start3A_257 : memref<1000000x64xf32, #tpu.memory_space<hbm>>) target(%dma_start3A_254 : memref<16x64xf32, #tpu.memory_space<vmem>>) offsets(%get3A_251 : vector<16xi32>) semaphore(%arg13 : memref<!tpu.dma_semaphore, #tpu.memory_space<semaphore_mem>>)
    %get3A_258 = arith.constant 3 : i32
    %get3A_259 = arith.index_cast %get3A_258 : i32 to index
    %get3A_260 = arith.constant 0 : index
    %get3A_261 = tpu.vector_load %arg5[%get3A_259, %get3A_260] {strides = array<i32>} : memref<200x128xi32, #tpu.memory_space<vmem>>, vector<16xi32>,
    %dma_start3A_262 = arith.constant 128 : i32
    %dma_start3A_263 = arith.constant 0 : i32
    %dma_start3A_264 = tpu.memref_slice %arg7[%dma_start3A_262, %dma_start3A_263] : memref<256x64xf32, #tpu.memory_space<vmem>> -> memref<16x64xf32, #tpu.memory_space<vmem>>
    %dma_start3A_265 = arith.constant 0 : i32
    %dma_start3A_266 = arith.constant 0 : i32
    %dma_start3A_267 = tpu.memref_slice %arg3[%dma_start3A_265, %dma_start3A_266] : memref<1000000x64xf32, #tpu.memory_space<hbm>> -> memref<1000000x64xf32, #tpu.memory_space<hbm>>
    tpu.enqueue_indirect_dma source(%dma_start3A_267 : memref<1000000x64xf32, #tpu.memory_space<hbm>>) target(%dma_start3A_264 : memref<16x64xf32, #tpu.memory_space<vmem>>) offsets(%get3A_261 : vector<16xi32>) semaphore(%arg13 : memref<!tpu.dma_semaphore, #tpu.memory_space<semaphore_mem>>)
    %get3A_268 = arith.constant 3 : i32
    %get3A_269 = arith.index_cast %get3A_268 : i32 to index
    %get3A_270 = arith.constant 16 : index
    %get3A_271 = tpu.vector_load %arg5[%get3A_269, %get3A_270] {strides = array<i32>} : memref<200x128xi32, #tpu.memory_space<vmem>>, vector<16xi32>,
    %dma_start3A_272 = arith.constant 144 : i32
    %dma_start3A_273 = arith.constant 0 : i32
    %dma_start3A_274 = tpu.memref_slice %arg7[%dma_start3A_272, %dma_start3A_273] : memref<256x64xf32, #tpu.memory_space<vmem>> -> memref<16x64xf32, #tpu.memory_space<vmem>>
    %dma_start3A_275 = arith.constant 0 : i32
    %dma_start3A_276 = arith.constant 0 : i32
    %dma_start3A_277 = tpu.memref_slice %arg3[%dma_start3A_275, %dma_start3A_276] : memref<1000000x64xf32, #tpu.memory_space<hbm>> -> memref<1000000x64xf32, #tpu.memory_space<hbm>>
    tpu.enqueue_indirect_dma source(%dma_start3A_277 : memref<1000000x64xf32, #tpu.memory_space<hbm>>) target(%dma_start3A_274 : memref<16x64xf32, #tpu.memory_space<vmem>>) offsets(%get3A_271 : vector<16xi32>) semaphore(%arg13 : memref<!tpu.dma_semaphore, #tpu.memory_space<semaphore_mem>>)
    %get3A_278 = arith.constant 3 : i32
    %get3A_279 = arith.index_cast %get3A_278 : i32 to index
    %get3A_280 = arith.constant 32 : index
    %get3A_281 = tpu.vector_load %arg5[%get3A_279, %get3A_280] {strides = array<i32>} : memref<200x128xi32, #tpu.memory_space<vmem>>, vector<16xi32>,
    %dma_start3A_282 = arith.constant 160 : i32
    %dma_start3A_283 = arith.constant 0 : i32
    %dma_start3A_284 = tpu.memref_slice %arg7[%dma_start3A_282, %dma_start3A_283] : memref<256x64xf32, #tpu.memory_space<vmem>> -> memref<16x64xf32, #tpu.memory_space<vmem>>
    %dma_start3A_285 = arith.constant 0 : i32
    %dma_start3A_286 = arith.constant 0 : i32
    %dma_start3A_287 = tpu.memref_slice %arg3[%dma_start3A_285, %dma_start3A_286] : memref<1000000x64xf32, #tpu.memory_space<hbm>> -> memref<1000000x64xf32, #tpu.memory_space<hbm>>
    tpu.enqueue_indirect_dma source(%dma_start3A_287 : memref<1000000x64xf32, #tpu.memory_space<hbm>>) target(%dma_start3A_284 : memref<16x64xf32, #tpu.memory_space<vmem>>) offsets(%get3A_281 : vector<16xi32>) semaphore(%arg13 : memref<!tpu.dma_semaphore, #tpu.memory_space<semaphore_mem>>)
    %get3A_288 = arith.constant 3 : i32
    %get3A_289 = arith.index_cast %get3A_288 : i32 to index
    %get3A_290 = arith.constant 48 : index
    %get3A_291 = tpu.vector_load %arg5[%get3A_289, %get3A_290] {strides = array<i32>} : memref<200x128xi32, #tpu.memory_space<vmem>>, vector<16xi32>,
    %dma_start3A_292 = arith.constant 176 : i32
    %dma_start3A_293 = arith.constant 0 : i32
    %dma_start3A_294 = tpu.memref_slice %arg7[%dma_start3A_292, %dma_start3A_293] : memref<256x64xf32, #tpu.memory_space<vmem>> -> memref<16x64xf32, #tpu.memory_space<vmem>>
    %dma_start3A_295 = arith.constant 0 : i32
    %dma_start3A_296 = arith.constant 0 : i32
    %dma_start3A_297 = tpu.memref_slice %arg3[%dma_start3A_295, %dma_start3A_296] : memref<1000000x64xf32, #tpu.memory_space<hbm>> -> memref<1000000x64xf32, #tpu.memory_space<hbm>>
    tpu.enqueue_indirect_dma source(%dma_start3A_297 : memref<1000000x64xf32, #tpu.memory_space<hbm>>) target(%dma_start3A_294 : memref<16x64xf32, #tpu.memory_space<vmem>>) offsets(%get3A_291 : vector<16xi32>) semaphore(%arg13 : memref<!tpu.dma_semaphore, #tpu.memory_space<semaphore_mem>>)
    %get3A_298 = arith.constant 3 : i32
    %get3A_299 = arith.index_cast %get3A_298 : i32 to index
    %get3A_300 = arith.constant 64 : index
    %get3A_301 = tpu.vector_load %arg5[%get3A_299, %get3A_300] {strides = array<i32>} : memref<200x128xi32, #tpu.memory_space<vmem>>, vector<16xi32>,
    %dma_start3A_302 = arith.constant 192 : i32
    %dma_start3A_303 = arith.constant 0 : i32
    %dma_start3A_304 = tpu.memref_slice %arg7[%dma_start3A_302, %dma_start3A_303] : memref<256x64xf32, #tpu.memory_space<vmem>> -> memref<16x64xf32, #tpu.memory_space<vmem>>
    %dma_start3A_305 = arith.constant 0 : i32
    %dma_start3A_306 = arith.constant 0 : i32
    %dma_start3A_307 = tpu.memref_slice %arg3[%dma_start3A_305, %dma_start3A_306] : memref<1000000x64xf32, #tpu.memory_space<hbm>> -> memref<1000000x64xf32, #tpu.memory_space<hbm>>
    tpu.enqueue_indirect_dma source(%dma_start3A_307 : memref<1000000x64xf32, #tpu.memory_space<hbm>>) target(%dma_start3A_304 : memref<16x64xf32, #tpu.memory_space<vmem>>) offsets(%get3A_301 : vector<16xi32>) semaphore(%arg13 : memref<!tpu.dma_semaphore, #tpu.memory_space<semaphore_mem>>)
    %get3A_308 = arith.constant 3 : i32
    %get3A_309 = arith.index_cast %get3A_308 : i32 to index
    %get3A_310 = arith.constant 80 : index
    %get3A_311 = tpu.vector_load %arg5[%get3A_309, %get3A_310] {strides = array<i32>} : memref<200x128xi32, #tpu.memory_space<vmem>>, vector<16xi32>,
    %dma_start3A_312 = arith.constant 208 : i32
    %dma_start3A_313 = arith.constant 0 : i32
    %dma_start3A_314 = tpu.memref_slice %arg7[%dma_start3A_312, %dma_start3A_313] : memref<256x64xf32, #tpu.memory_space<vmem>> -> memref<16x64xf32, #tpu.memory_space<vmem>>
    %dma_start3A_315 = arith.constant 0 : i32
    %dma_start3A_316 = arith.constant 0 : i32
    %dma_start3A_317 = tpu.memref_slice %arg3[%dma_start3A_315, %dma_start3A_316] : memref<1000000x64xf32, #tpu.memory_space<hbm>> -> memref<1000000x64xf32, #tpu.memory_space<hbm>>
    tpu.enqueue_indirect_dma source(%dma_start3A_317 : memref<1000000x64xf32, #tpu.memory_space<hbm>>) target(%dma_start3A_314 : memref<16x64xf32, #tpu.memory_space<vmem>>) offsets(%get3A_311 : vector<16xi32>) semaphore(%arg13 : memref<!tpu.dma_semaphore, #tpu.memory_space<semaphore_mem>>)
    %get3A_318 = arith.constant 3 : i32
    %get3A_319 = arith.index_cast %get3A_318 : i32 to index
    %get3A_320 = arith.constant 96 : index
    %get3A_321 = tpu.vector_load %arg5[%get3A_319, %get3A_320] {strides = array<i32>} : memref<200x128xi32, #tpu.memory_space<vmem>>, vector<16xi32>,
    %dma_start3A_322 = arith.constant 224 : i32
    %dma_start3A_323 = arith.constant 0 : i32
    %dma_start3A_324 = tpu.memref_slice %arg7[%dma_start3A_322, %dma_start3A_323] : memref<256x64xf32, #tpu.memory_space<vmem>> -> memref<16x64xf32, #tpu.memory_space<vmem>>
    %dma_start3A_325 = arith.constant 0 : i32
    %dma_start3A_326 = arith.constant 0 : i32
    %dma_start3A_327 = tpu.memref_slice %arg3[%dma_start3A_325, %dma_start3A_326] : memref<1000000x64xf32, #tpu.memory_space<hbm>> -> memref<1000000x64xf32, #tpu.memory_space<hbm>>
    tpu.enqueue_indirect_dma source(%dma_start3A_327 : memref<1000000x64xf32, #tpu.memory_space<hbm>>) target(%dma_start3A_324 : memref<16x64xf32, #tpu.memory_space<vmem>>) offsets(%get3A_321 : vector<16xi32>) semaphore(%arg13 : memref<!tpu.dma_semaphore, #tpu.memory_space<semaphore_mem>>)
    %get3A_328 = arith.constant 3 : i32
    %get3A_329 = arith.index_cast %get3A_328 : i32 to index
    %get3A_330 = arith.constant 112 : index
    %get3A_331 = tpu.vector_load %arg5[%get3A_329, %get3A_330] {strides = array<i32>} : memref<200x128xi32, #tpu.memory_space<vmem>>, vector<16xi32>,
    %dma_start3A_332 = arith.constant 240 : i32
    %dma_start3A_333 = arith.constant 0 : i32
    %dma_start3A_334 = tpu.memref_slice %arg7[%dma_start3A_332, %dma_start3A_333] : memref<256x64xf32, #tpu.memory_space<vmem>> -> memref<16x64xf32, #tpu.memory_space<vmem>>
    %dma_start3A_335 = arith.constant 0 : i32
    %dma_start3A_336 = arith.constant 0 : i32
    %dma_start3A_337 = tpu.memref_slice %arg3[%dma_start3A_335, %dma_start3A_336] : memref<1000000x64xf32, #tpu.memory_space<hbm>> -> memref<1000000x64xf32, #tpu.memory_space<hbm>>
    tpu.enqueue_indirect_dma source(%dma_start3A_337 : memref<1000000x64xf32, #tpu.memory_space<hbm>>) target(%dma_start3A_334 : memref<16x64xf32, #tpu.memory_space<vmem>>) offsets(%get3A_331 : vector<16xi32>) semaphore(%arg13 : memref<!tpu.dma_semaphore, #tpu.memory_space<semaphore_mem>>)
    %get3A_338 = arith.constant 4 : i32
    %get3A_339 = arith.index_cast %get3A_338 : i32 to index
    %get3A_340 = arith.constant 0 : index
    %get3A_341 = tpu.vector_load %arg5[%get3A_339, %get3A_340] {strides = array<i32>} : memref<200x128xi32, #tpu.memory_space<vmem>>, vector<16xi32>,
    %dma_start3A_342 = arith.constant 0 : i32
    %dma_start3A_343 = arith.constant 0 : i32
    %dma_start3A_344 = tpu.memref_slice %arg8[%dma_start3A_342, %dma_start3A_343] : memref<256x64xf32, #tpu.memory_space<vmem>> -> memref<16x64xf32, #tpu.memory_space<vmem>>
    %dma_start3A_345 = arith.constant 0 : i32
    %dma_start3A_346 = arith.constant 0 : i32
    %dma_start3A_347 = tpu.memref_slice %arg3[%dma_start3A_345, %dma_start3A_346] : memref<1000000x64xf32, #tpu.memory_space<hbm>> -> memref<1000000x64xf32, #tpu.memory_space<hbm>>
    tpu.enqueue_indirect_dma source(%dma_start3A_347 : memref<1000000x64xf32, #tpu.memory_space<hbm>>) target(%dma_start3A_344 : memref<16x64xf32, #tpu.memory_space<vmem>>) offsets(%get3A_341 : vector<16xi32>) semaphore(%arg14 : memref<!tpu.dma_semaphore, #tpu.memory_space<semaphore_mem>>)
    %get3A_348 = arith.constant 4 : i32
    %get3A_349 = arith.index_cast %get3A_348 : i32 to index
    %get3A_350 = arith.constant 16 : index
    %get3A_351 = tpu.vector_load %arg5[%get3A_349, %get3A_350] {strides = array<i32>} : memref<200x128xi32, #tpu.memory_space<vmem>>, vector<16xi32>,
    %dma_start3A_352 = arith.constant 16 : i32
    %dma_start3A_353 = arith.constant 0 : i32
    %dma_start3A_354 = tpu.memref_slice %arg8[%dma_start3A_352, %dma_start3A_353] : memref<256x64xf32, #tpu.memory_space<vmem>> -> memref<16x64xf32, #tpu.memory_space<vmem>>
    %dma_start3A_355 = arith.constant 0 : i32
    %dma_start3A_356 = arith.constant 0 : i32
    %dma_start3A_357 = tpu.memref_slice %arg3[%dma_start3A_355, %dma_start3A_356] : memref<1000000x64xf32, #tpu.memory_space<hbm>> -> memref<1000000x64xf32, #tpu.memory_space<hbm>>
    tpu.enqueue_indirect_dma source(%dma_start3A_357 : memref<1000000x64xf32, #tpu.memory_space<hbm>>) target(%dma_start3A_354 : memref<16x64xf32, #tpu.memory_space<vmem>>) offsets(%get3A_351 : vector<16xi32>) semaphore(%arg14 : memref<!tpu.dma_semaphore, #tpu.memory_space<semaphore_mem>>)
    %get3A_358 = arith.constant 4 : i32
    %get3A_359 = arith.index_cast %get3A_358 : i32 to index
    %get3A_360 = arith.constant 32 : index
    %get3A_361 = tpu.vector_load %arg5[%get3A_359, %get3A_360] {strides = array<i32>} : memref<200x128xi32, #tpu.memory_space<vmem>>, vector<16xi32>,
    %dma_start3A_362 = arith.constant 32 : i32
    %dma_start3A_363 = arith.constant 0 : i32
    %dma_start3A_364 = tpu.memref_slice %arg8[%dma_start3A_362, %dma_start3A_363] : memref<256x64xf32, #tpu.memory_space<vmem>> -> memref<16x64xf32, #tpu.memory_space<vmem>>
    %dma_start3A_365 = arith.constant 0 : i32
    %dma_start3A_366 = arith.constant 0 : i32
    %dma_start3A_367 = tpu.memref_slice %arg3[%dma_start3A_365, %dma_start3A_366] : memref<1000000x64xf32, #tpu.memory_space<hbm>> -> memref<1000000x64xf32, #tpu.memory_space<hbm>>
    tpu.enqueue_indirect_dma source(%dma_start3A_367 : memref<1000000x64xf32, #tpu.memory_space<hbm>>) target(%dma_start3A_364 : memref<16x64xf32, #tpu.memory_space<vmem>>) offsets(%get3A_361 : vector<16xi32>) semaphore(%arg14 : memref<!tpu.dma_semaphore, #tpu.memory_space<semaphore_mem>>)
    %get3A_368 = arith.constant 4 : i32
    %get3A_369 = arith.index_cast %get3A_368 : i32 to index
    %get3A_370 = arith.constant 48 : index
    %get3A_371 = tpu.vector_load %arg5[%get3A_369, %get3A_370] {strides = array<i32>} : memref<200x128xi32, #tpu.memory_space<vmem>>, vector<16xi32>,
    %dma_start3A_372 = arith.constant 48 : i32
    %dma_start3A_373 = arith.constant 0 : i32
    %dma_start3A_374 = tpu.memref_slice %arg8[%dma_start3A_372, %dma_start3A_373] : memref<256x64xf32, #tpu.memory_space<vmem>> -> memref<16x64xf32, #tpu.memory_space<vmem>>
    %dma_start3A_375 = arith.constant 0 : i32
    %dma_start3A_376 = arith.constant 0 : i32
    %dma_start3A_377 = tpu.memref_slice %arg3[%dma_start3A_375, %dma_start3A_376] : memref<1000000x64xf32, #tpu.memory_space<hbm>> -> memref<1000000x64xf32, #tpu.memory_space<hbm>>
    tpu.enqueue_indirect_dma source(%dma_start3A_377 : memref<1000000x64xf32, #tpu.memory_space<hbm>>) target(%dma_start3A_374 : memref<16x64xf32, #tpu.memory_space<vmem>>) offsets(%get3A_371 : vector<16xi32>) semaphore(%arg14 : memref<!tpu.dma_semaphore, #tpu.memory_space<semaphore_mem>>)
    %get3A_378 = arith.constant 4 : i32
    %get3A_379 = arith.index_cast %get3A_378 : i32 to index
    %get3A_380 = arith.constant 64 : index
    %get3A_381 = tpu.vector_load %arg5[%get3A_379, %get3A_380] {strides = array<i32>} : memref<200x128xi32, #tpu.memory_space<vmem>>, vector<16xi32>,
    %dma_start3A_382 = arith.constant 64 : i32
    %dma_start3A_383 = arith.constant 0 : i32
    %dma_start3A_384 = tpu.memref_slice %arg8[%dma_start3A_382, %dma_start3A_383] : memref<256x64xf32, #tpu.memory_space<vmem>> -> memref<16x64xf32, #tpu.memory_space<vmem>>
    %dma_start3A_385 = arith.constant 0 : i32
    %dma_start3A_386 = arith.constant 0 : i32
    %dma_start3A_387 = tpu.memref_slice %arg3[%dma_start3A_385, %dma_start3A_386] : memref<1000000x64xf32, #tpu.memory_space<hbm>> -> memref<1000000x64xf32, #tpu.memory_space<hbm>>
    tpu.enqueue_indirect_dma source(%dma_start3A_387 : memref<1000000x64xf32, #tpu.memory_space<hbm>>) target(%dma_start3A_384 : memref<16x64xf32, #tpu.memory_space<vmem>>) offsets(%get3A_381 : vector<16xi32>) semaphore(%arg14 : memref<!tpu.dma_semaphore, #tpu.memory_space<semaphore_mem>>)
    %get3A_388 = arith.constant 4 : i32
    %get3A_389 = arith.index_cast %get3A_388 : i32 to index
    %get3A_390 = arith.constant 80 : index
    %get3A_391 = tpu.vector_load %arg5[%get3A_389, %get3A_390] {strides = array<i32>} : memref<200x128xi32, #tpu.memory_space<vmem>>, vector<16xi32>,
    %dma_start3A_392 = arith.constant 80 : i32
    %dma_start3A_393 = arith.constant 0 : i32
    %dma_start3A_394 = tpu.memref_slice %arg8[%dma_start3A_392, %dma_start3A_393] : memref<256x64xf32, #tpu.memory_space<vmem>> -> memref<16x64xf32, #tpu.memory_space<vmem>>
    %dma_start3A_395 = arith.constant 0 : i32
    %dma_start3A_396 = arith.constant 0 : i32
    %dma_start3A_397 = tpu.memref_slice %arg3[%dma_start3A_395, %dma_start3A_396] : memref<1000000x64xf32, #tpu.memory_space<hbm>> -> memref<1000000x64xf32, #tpu.memory_space<hbm>>
    tpu.enqueue_indirect_dma source(%dma_start3A_397 : memref<1000000x64xf32, #tpu.memory_space<hbm>>) target(%dma_start3A_394 : memref<16x64xf32, #tpu.memory_space<vmem>>) offsets(%get3A_391 : vector<16xi32>) semaphore(%arg14 : memref<!tpu.dma_semaphore, #tpu.memory_space<semaphore_mem>>)
    %get3A_398 = arith.constant 4 : i32
    %get3A_399 = arith.index_cast %get3A_398 : i32 to index
    %get3A_400 = arith.constant 96 : index
    %get3A_401 = tpu.vector_load %arg5[%get3A_399, %get3A_400] {strides = array<i32>} : memref<200x128xi32, #tpu.memory_space<vmem>>, vector<16xi32>,
    %dma_start3A_402 = arith.constant 96 : i32
    %dma_start3A_403 = arith.constant 0 : i32
    %dma_start3A_404 = tpu.memref_slice %arg8[%dma_start3A_402, %dma_start3A_403] : memref<256x64xf32, #tpu.memory_space<vmem>> -> memref<16x64xf32, #tpu.memory_space<vmem>>
    %dma_start3A_405 = arith.constant 0 : i32
    %dma_start3A_406 = arith.constant 0 : i32
    %dma_start3A_407 = tpu.memref_slice %arg3[%dma_start3A_405, %dma_start3A_406] : memref<1000000x64xf32, #tpu.memory_space<hbm>> -> memref<1000000x64xf32, #tpu.memory_space<hbm>>
    tpu.enqueue_indirect_dma source(%dma_start3A_407 : memref<1000000x64xf32, #tpu.memory_space<hbm>>) target(%dma_start3A_404 : memref<16x64xf32, #tpu.memory_space<vmem>>) offsets(%get3A_401 : vector<16xi32>) semaphore(%arg14 : memref<!tpu.dma_semaphore, #tpu.memory_space<semaphore_mem>>)
    %get3A_408 = arith.constant 4 : i32
    %get3A_409 = arith.index_cast %get3A_408 : i32 to index
    %get3A_410 = arith.constant 112 : index
    %get3A_411 = tpu.vector_load %arg5[%get3A_409, %get3A_410] {strides = array<i32>} : memref<200x128xi32, #tpu.memory_space<vmem>>, vector<16xi32>,
    %dma_start3A_412 = arith.constant 112 : i32
    %dma_start3A_413 = arith.constant 0 : i32
    %dma_start3A_414 = tpu.memref_slice %arg8[%dma_start3A_412, %dma_start3A_413] : memref<256x64xf32, #tpu.memory_space<vmem>> -> memref<16x64xf32, #tpu.memory_space<vmem>>
    %dma_start3A_415 = arith.constant 0 : i32
    %dma_start3A_416 = arith.constant 0 : i32
    %dma_start3A_417 = tpu.memref_slice %arg3[%dma_start3A_415, %dma_start3A_416] : memref<1000000x64xf32, #tpu.memory_space<hbm>> -> memref<1000000x64xf32, #tpu.memory_space<hbm>>
    tpu.enqueue_indirect_dma source(%dma_start3A_417 : memref<1000000x64xf32, #tpu.memory_space<hbm>>) target(%dma_start3A_414 : memref<16x64xf32, #tpu.memory_space<vmem>>) offsets(%get3A_411 : vector<16xi32>) semaphore(%arg14 : memref<!tpu.dma_semaphore, #tpu.memory_space<semaphore_mem>>)
    %get3A_418 = arith.constant 5 : i32
    %get3A_419 = arith.index_cast %get3A_418 : i32 to index
    %get3A_420 = arith.constant 0 : index
    %get3A_421 = tpu.vector_load %arg5[%get3A_419, %get3A_420] {strides = array<i32>} : memref<200x128xi32, #tpu.memory_space<vmem>>, vector<16xi32>,
    %dma_start3A_422 = arith.constant 128 : i32
    %dma_start3A_423 = arith.constant 0 : i32
    %dma_start3A_424 = tpu.memref_slice %arg8[%dma_start3A_422, %dma_start3A_423] : memref<256x64xf32, #tpu.memory_space<vmem>> -> memref<16x64xf32, #tpu.memory_space<vmem>>
    %dma_start3A_425 = arith.constant 0 : i32
    %dma_start3A_426 = arith.constant 0 : i32
    %dma_start3A_427 = tpu.memref_slice %arg3[%dma_start3A_425, %dma_start3A_426] : memref<1000000x64xf32, #tpu.memory_space<hbm>> -> memref<1000000x64xf32, #tpu.memory_space<hbm>>
    tpu.enqueue_indirect_dma source(%dma_start3A_427 : memref<1000000x64xf32, #tpu.memory_space<hbm>>) target(%dma_start3A_424 : memref<16x64xf32, #tpu.memory_space<vmem>>) offsets(%get3A_421 : vector<16xi32>) semaphore(%arg14 : memref<!tpu.dma_semaphore, #tpu.memory_space<semaphore_mem>>)
    %get3A_428 = arith.constant 5 : i32
    %get3A_429 = arith.index_cast %get3A_428 : i32 to index
    %get3A_430 = arith.constant 16 : index
    %get3A_431 = tpu.vector_load %arg5[%get3A_429, %get3A_430] {strides = array<i32>} : memref<200x128xi32, #tpu.memory_space<vmem>>, vector<16xi32>,
    %dma_start3A_432 = arith.constant 144 : i32
    %dma_start3A_433 = arith.constant 0 : i32
    %dma_start3A_434 = tpu.memref_slice %arg8[%dma_start3A_432, %dma_start3A_433] : memref<256x64xf32, #tpu.memory_space<vmem>> -> memref<16x64xf32, #tpu.memory_space<vmem>>
    %dma_start3A_435 = arith.constant 0 : i32
    %dma_start3A_436 = arith.constant 0 : i32
    %dma_start3A_437 = tpu.memref_slice %arg3[%dma_start3A_435, %dma_start3A_436] : memref<1000000x64xf32, #tpu.memory_space<hbm>> -> memref<1000000x64xf32, #tpu.memory_space<hbm>>
    tpu.enqueue_indirect_dma source(%dma_start3A_437 : memref<1000000x64xf32, #tpu.memory_space<hbm>>) target(%dma_start3A_434 : memref<16x64xf32, #tpu.memory_space<vmem>>) offsets(%get3A_431 : vector<16xi32>) semaphore(%arg14 : memref<!tpu.dma_semaphore, #tpu.memory_space<semaphore_mem>>)
    %get3A_438 = arith.constant 5 : i32
    %get3A_439 = arith.index_cast %get3A_438 : i32 to index
    %get3A_440 = arith.constant 32 : index
    %get3A_441 = tpu.vector_load %arg5[%get3A_439, %get3A_440] {strides = array<i32>} : memref<200x128xi32, #tpu.memory_space<vmem>>, vector<16xi32>,
    %dma_start3A_442 = arith.constant 160 : i32
    %dma_start3A_443 = arith.constant 0 : i32
    %dma_start3A_444 = tpu.memref_slice %arg8[%dma_start3A_442, %dma_start3A_443] : memref<256x64xf32, #tpu.memory_space<vmem>> -> memref<16x64xf32, #tpu.memory_space<vmem>>
    %dma_start3A_445 = arith.constant 0 : i32
    %dma_start3A_446 = arith.constant 0 : i32
    %dma_start3A_447 = tpu.memref_slice %arg3[%dma_start3A_445, %dma_start3A_446] : memref<1000000x64xf32, #tpu.memory_space<hbm>> -> memref<1000000x64xf32, #tpu.memory_space<hbm>>
    tpu.enqueue_indirect_dma source(%dma_start3A_447 : memref<1000000x64xf32, #tpu.memory_space<hbm>>) target(%dma_start3A_444 : memref<16x64xf32, #tpu.memory_space<vmem>>) offsets(%get3A_441 : vector<16xi32>) semaphore(%arg14 : memref<!tpu.dma_semaphore, #tpu.memory_space<semaphore_mem>>)
    %get3A_448 = arith.constant 5 : i32
    %get3A_449 = arith.index_cast %get3A_448 : i32 to index
    %get3A_450 = arith.constant 48 : index
    %get3A_451 = tpu.vector_load %arg5[%get3A_449, %get3A_450] {strides = array<i32>} : memref<200x128xi32, #tpu.memory_space<vmem>>, vector<16xi32>,
    %dma_start3A_452 = arith.constant 176 : i32
    %dma_start3A_453 = arith.constant 0 : i32
    %dma_start3A_454 = tpu.memref_slice %arg8[%dma_start3A_452, %dma_start3A_453] : memref<256x64xf32, #tpu.memory_space<vmem>> -> memref<16x64xf32, #tpu.memory_space<vmem>>
    %dma_start3A_455 = arith.constant 0 : i32
    %dma_start3A_456 = arith.constant 0 : i32
    %dma_start3A_457 = tpu.memref_slice %arg3[%dma_start3A_455, %dma_start3A_456] : memref<1000000x64xf32, #tpu.memory_space<hbm>> -> memref<1000000x64xf32, #tpu.memory_space<hbm>>
    tpu.enqueue_indirect_dma source(%dma_start3A_457 : memref<1000000x64xf32, #tpu.memory_space<hbm>>) target(%dma_start3A_454 : memref<16x64xf32, #tpu.memory_space<vmem>>) offsets(%get3A_451 : vector<16xi32>) semaphore(%arg14 : memref<!tpu.dma_semaphore, #tpu.memory_space<semaphore_mem>>)
    %get3A_458 = arith.constant 5 : i32
    %get3A_459 = arith.index_cast %get3A_458 : i32 to index
    %get3A_460 = arith.constant 64 : index
    %get3A_461 = tpu.vector_load %arg5[%get3A_459, %get3A_460] {strides = array<i32>} : memref<200x128xi32, #tpu.memory_space<vmem>>, vector<16xi32>,
    %dma_start3A_462 = arith.constant 192 : i32
    %dma_start3A_463 = arith.constant 0 : i32
    %dma_start3A_464 = tpu.memref_slice %arg8[%dma_start3A_462, %dma_start3A_463] : memref<256x64xf32, #tpu.memory_space<vmem>> -> memref<16x64xf32, #tpu.memory_space<vmem>>
    %dma_start3A_465 = arith.constant 0 : i32
    %dma_start3A_466 = arith.constant 0 : i32
    %dma_start3A_467 = tpu.memref_slice %arg3[%dma_start3A_465, %dma_start3A_466] : memref<1000000x64xf32, #tpu.memory_space<hbm>> -> memref<1000000x64xf32, #tpu.memory_space<hbm>>
    tpu.enqueue_indirect_dma source(%dma_start3A_467 : memref<1000000x64xf32, #tpu.memory_space<hbm>>) target(%dma_start3A_464 : memref<16x64xf32, #tpu.memory_space<vmem>>) offsets(%get3A_461 : vector<16xi32>) semaphore(%arg14 : memref<!tpu.dma_semaphore, #tpu.memory_space<semaphore_mem>>)
    %get3A_468 = arith.constant 5 : i32
    %get3A_469 = arith.index_cast %get3A_468 : i32 to index
    %get3A_470 = arith.constant 80 : index
    %get3A_471 = tpu.vector_load %arg5[%get3A_469, %get3A_470] {strides = array<i32>} : memref<200x128xi32, #tpu.memory_space<vmem>>, vector<16xi32>,
    %dma_start3A_472 = arith.constant 208 : i32
    %dma_start3A_473 = arith.constant 0 : i32
    %dma_start3A_474 = tpu.memref_slice %arg8[%dma_start3A_472, %dma_start3A_473] : memref<256x64xf32, #tpu.memory_space<vmem>> -> memref<16x64xf32, #tpu.memory_space<vmem>>
    %dma_start3A_475 = arith.constant 0 : i32
    %dma_start3A_476 = arith.constant 0 : i32
    %dma_start3A_477 = tpu.memref_slice %arg3[%dma_start3A_475, %dma_start3A_476] : memref<1000000x64xf32, #tpu.memory_space<hbm>> -> memref<1000000x64xf32, #tpu.memory_space<hbm>>
    tpu.enqueue_indirect_dma source(%dma_start3A_477 : memref<1000000x64xf32, #tpu.memory_space<hbm>>) target(%dma_start3A_474 : memref<16x64xf32, #tpu.memory_space<vmem>>) offsets(%get3A_471 : vector<16xi32>) semaphore(%arg14 : memref<!tpu.dma_semaphore, #tpu.memory_space<semaphore_mem>>)
    %get3A_478 = arith.constant 5 : i32
    %get3A_479 = arith.index_cast %get3A_478 : i32 to index
    %get3A_480 = arith.constant 96 : index
    %get3A_481 = tpu.vector_load %arg5[%get3A_479, %get3A_480] {strides = array<i32>} : memref<200x128xi32, #tpu.memory_space<vmem>>, vector<16xi32>,
    %dma_start3A_482 = arith.constant 224 : i32
    %dma_start3A_483 = arith.constant 0 : i32
    %dma_start3A_484 = tpu.memref_slice %arg8[%dma_start3A_482, %dma_start3A_483] : memref<256x64xf32, #tpu.memory_space<vmem>> -> memref<16x64xf32, #tpu.memory_space<vmem>>
    %dma_start3A_485 = arith.constant 0 : i32
    %dma_start3A_486 = arith.constant 0 : i32
    %dma_start3A_487 = tpu.memref_slice %arg3[%dma_start3A_485, %dma_start3A_486] : memref<1000000x64xf32, #tpu.memory_space<hbm>> -> memref<1000000x64xf32, #tpu.memory_space<hbm>>
    tpu.enqueue_indirect_dma source(%dma_start3A_487 : memref<1000000x64xf32, #tpu.memory_space<hbm>>) target(%dma_start3A_484 : memref<16x64xf32, #tpu.memory_space<vmem>>) offsets(%get3A_481 : vector<16xi32>) semaphore(%arg14 : memref<!tpu.dma_semaphore, #tpu.memory_space<semaphore_mem>>)
    %get3A_488 = arith.constant 5 : i32
    %get3A_489 = arith.index_cast %get3A_488 : i32 to index
    %get3A_490 = arith.constant 112 : index
    %get3A_491 = tpu.vector_load %arg5[%get3A_489, %get3A_490] {strides = array<i32>} : memref<200x128xi32, #tpu.memory_space<vmem>>, vector<16xi32>,
    %dma_start3A_492 = arith.constant 240 : i32
    %dma_start3A_493 = arith.constant 0 : i32
    %dma_start3A_494 = tpu.memref_slice %arg8[%dma_start3A_492, %dma_start3A_493] : memref<256x64xf32, #tpu.memory_space<vmem>> -> memref<16x64xf32, #tpu.memory_space<vmem>>
    %dma_start3A_495 = arith.constant 0 : i32
    %dma_start3A_496 = arith.constant 0 : i32
    %dma_start3A_497 = tpu.memref_slice %arg3[%dma_start3A_495, %dma_start3A_496] : memref<1000000x64xf32, #tpu.memory_space<hbm>> -> memref<1000000x64xf32, #tpu.memory_space<hbm>>
    tpu.enqueue_indirect_dma source(%dma_start3A_497 : memref<1000000x64xf32, #tpu.memory_space<hbm>>) target(%dma_start3A_494 : memref<16x64xf32, #tpu.memory_space<vmem>>) offsets(%get3A_491 : vector<16xi32>) semaphore(%arg14 : memref<!tpu.dma_semaphore, #tpu.memory_space<semaphore_mem>>)
    %scan3A = arith.constant 0 : i32
    %scan3A_498 = arith.constant 0 : i32
    %scan3A_499 = arith.constant 25 : i32
    %scan3A_500 = arith.addi %scan3A_498, %scan3A_499 : i32
    %scan3A_501 = arith.constant 1 : i32
    scf.for %scan3A_604 = %scan3A_498 to %scan3A_500 step %scan3A_501  : i32 {
      %mul3A_605 = arith.constant 4 : i32
      %mul3A_606 = arith.muli %mul3A_605, %scan3A_604 : i32
      %add3A_607 = arith.constant 0 : i32
      %add3A_608 = arith.addi %mul3A_606, %add3A_607 : i32
      %get3A_609 = arith.constant 0 : i32
      %get3A_610 = arith.index_cast %get3A_609 : i32 to index
      %get3A_611 = arith.constant 0 : index
      %get3A_612 = tpu.vector_load %arg5[%get3A_610, %get3A_611] {strides = array<i32>} : memref<200x128xi32, #tpu.memory_space<vmem>>, vector<16xi32>,
      %dma_wait3A_613 = arith.constant 0 : i32
      %dma_wait3A_614 = arith.constant 0 : i32
      %dma_wait3A_615 = tpu.memref_slice %arg6[%dma_wait3A_613, %dma_wait3A_614] : memref<256x64xf32, #tpu.memory_space<vmem>> -> memref<16x64xf32, #tpu.memory_space<vmem>>
      %dma_wait3A_616 = arith.constant 0 : i32
      %dma_wait3A_617 = arith.constant 0 : i32
      %dma_wait3A_618 = tpu.memref_slice %arg3[%dma_wait3A_616, %dma_wait3A_617] : memref<1000000x64xf32, #tpu.memory_space<hbm>> -> memref<1000000x64xf32, #tpu.memory_space<hbm>>
      tpu.wait_indirect_dma semaphore(%arg12 : memref<!tpu.dma_semaphore, #tpu.memory_space<semaphore_mem>>) src(%dma_wait3A_618 : memref<1000000x64xf32, #tpu.memory_space<hbm>>) dst(%dma_wait3A_615 : memref<16x64xf32, #tpu.memory_space<vmem>>)
      %get3A_619 = arith.constant 0 : i32
      %get3A_620 = arith.index_cast %get3A_619 : i32 to index
      %get3A_621 = arith.constant 0 : index
      %get3A_622 = tpu.vector_load %arg5[%get3A_620, %get3A_621] {strides = array<i32>} : memref<200x128xi32, #tpu.memory_space<vmem>>, vector<16xi32>,
      %dma_wait3A_623 = arith.constant 16 : i32
      %dma_wait3A_624 = arith.constant 0 : i32
      %dma_wait3A_625 = tpu.memref_slice %arg6[%dma_wait3A_623, %dma_wait3A_624] : memref<256x64xf32, #tpu.memory_space<vmem>> -> memref<16x64xf32, #tpu.memory_space<vmem>>
      %dma_wait3A_626 = arith.constant 0 : i32
      %dma_wait3A_627 = arith.constant 0 : i32
      %dma_wait3A_628 = tpu.memref_slice %arg3[%dma_wait3A_626, %dma_wait3A_627] : memref<1000000x64xf32, #tpu.memory_space<hbm>> -> memref<1000000x64xf32, #tpu.memory_space<hbm>>
      tpu.wait_indirect_dma semaphore(%arg12 : memref<!tpu.dma_semaphore, #tpu.memory_space<semaphore_mem>>) src(%dma_wait3A_628 : memref<1000000x64xf32, #tpu.memory_space<hbm>>) dst(%dma_wait3A_625 : memref<16x64xf32, #tpu.memory_space<vmem>>)
      %get3A_629 = arith.constant 0 : i32
      %get3A_630 = arith.index_cast %get3A_629 : i32 to index
      %get3A_631 = arith.constant 0 : index
      %get3A_632 = tpu.vector_load %arg5[%get3A_630, %get3A_631] {strides = array<i32>} : memref<200x128xi32, #tpu.memory_space<vmem>>, vector<16xi32>,
      %dma_wait3A_633 = arith.constant 32 : i32
      %dma_wait3A_634 = arith.constant 0 : i32
      %dma_wait3A_635 = tpu.memref_slice %arg6[%dma_wait3A_633, %dma_wait3A_634] : memref<256x64xf32, #tpu.memory_space<vmem>> -> memref<16x64xf32, #tpu.memory_space<vmem>>
      %dma_wait3A_636 = arith.constant 0 : i32
      %dma_wait3A_637 = arith.constant 0 : i32
      %dma_wait3A_638 = tpu.memref_slice %arg3[%dma_wait3A_636, %dma_wait3A_637] : memref<1000000x64xf32, #tpu.memory_space<hbm>> -> memref<1000000x64xf32, #tpu.memory_space<hbm>>
      tpu.wait_indirect_dma semaphore(%arg12 : memref<!tpu.dma_semaphore, #tpu.memory_space<semaphore_mem>>) src(%dma_wait3A_638 : memref<1000000x64xf32, #tpu.memory_space<hbm>>) dst(%dma_wait3A_635 : memref<16x64xf32, #tpu.memory_space<vmem>>)
      %get3A_639 = arith.constant 0 : i32
      %get3A_640 = arith.index_cast %get3A_639 : i32 to index
      %get3A_641 = arith.constant 0 : index
      %get3A_642 = tpu.vector_load %arg5[%get3A_640, %get3A_641] {strides = array<i32>} : memref<200x128xi32, #tpu.memory_space<vmem>>, vector<16xi32>,
      %dma_wait3A_643 = arith.constant 48 : i32
      %dma_wait3A_644 = arith.constant 0 : i32
      %dma_wait3A_645 = tpu.memref_slice %arg6[%dma_wait3A_643, %dma_wait3A_644] : memref<256x64xf32, #tpu.memory_space<vmem>> -> memref<16x64xf32, #tpu.memory_space<vmem>>
      %dma_wait3A_646 = arith.constant 0 : i32
      %dma_wait3A_647 = arith.constant 0 : i32
      %dma_wait3A_648 = tpu.memref_slice %arg3[%dma_wait3A_646, %dma_wait3A_647] : memref<1000000x64xf32, #tpu.memory_space<hbm>> -> memref<1000000x64xf32, #tpu.memory_space<hbm>>
      tpu.wait_indirect_dma semaphore(%arg12 : memref<!tpu.dma_semaphore, #tpu.memory_space<semaphore_mem>>) src(%dma_wait3A_648 : memref<1000000x64xf32, #tpu.memory_space<hbm>>) dst(%dma_wait3A_645 : memref<16x64xf32, #tpu.memory_space<vmem>>)
      %get3A_649 = arith.constant 0 : i32
      %get3A_650 = arith.index_cast %get3A_649 : i32 to index
      %get3A_651 = arith.constant 0 : index
      %get3A_652 = tpu.vector_load %arg5[%get3A_650, %get3A_651] {strides = array<i32>} : memref<200x128xi32, #tpu.memory_space<vmem>>, vector<16xi32>,
      %dma_wait3A_653 = arith.constant 64 : i32
      %dma_wait3A_654 = arith.constant 0 : i32
      %dma_wait3A_655 = tpu.memref_slice %arg6[%dma_wait3A_653, %dma_wait3A_654] : memref<256x64xf32, #tpu.memory_space<vmem>> -> memref<16x64xf32, #tpu.memory_space<vmem>>
      %dma_wait3A_656 = arith.constant 0 : i32
      %dma_wait3A_657 = arith.constant 0 : i32
      %dma_wait3A_658 = tpu.memref_slice %arg3[%dma_wait3A_656, %dma_wait3A_657] : memref<1000000x64xf32, #tpu.memory_space<hbm>> -> memref<1000000x64xf32, #tpu.memory_space<hbm>>
      tpu.wait_indirect_dma semaphore(%arg12 : memref<!tpu.dma_semaphore, #tpu.memory_space<semaphore_mem>>) src(%dma_wait3A_658 : memref<1000000x64xf32, #tpu.memory_space<hbm>>) dst(%dma_wait3A_655 : memref<16x64xf32, #tpu.memory_space<vmem>>)
      %get3A_659 = arith.constant 0 : i32
      %get3A_660 = arith.index_cast %get3A_659 : i32 to index
      %get3A_661 = arith.constant 0 : index
      %get3A_662 = tpu.vector_load %arg5[%get3A_660, %get3A_661] {strides = array<i32>} : memref<200x128xi32, #tpu.memory_space<vmem>>, vector<16xi32>,
      %dma_wait3A_663 = arith.constant 80 : i32
      %dma_wait3A_664 = arith.constant 0 : i32
      %dma_wait3A_665 = tpu.memref_slice %arg6[%dma_wait3A_663, %dma_wait3A_664] : memref<256x64xf32, #tpu.memory_space<vmem>> -> memref<16x64xf32, #tpu.memory_space<vmem>>
      %dma_wait3A_666 = arith.constant 0 : i32
      %dma_wait3A_667 = arith.constant 0 : i32
      %dma_wait3A_668 = tpu.memref_slice %arg3[%dma_wait3A_666, %dma_wait3A_667] : memref<1000000x64xf32, #tpu.memory_space<hbm>> -> memref<1000000x64xf32, #tpu.memory_space<hbm>>
      tpu.wait_indirect_dma semaphore(%arg12 : memref<!tpu.dma_semaphore, #tpu.memory_space<semaphore_mem>>) src(%dma_wait3A_668 : memref<1000000x64xf32, #tpu.memory_space<hbm>>) dst(%dma_wait3A_665 : memref<16x64xf32, #tpu.memory_space<vmem>>)
      %get3A_669 = arith.constant 0 : i32
      %get3A_670 = arith.index_cast %get3A_669 : i32 to index
      %get3A_671 = arith.constant 0 : index
      %get3A_672 = tpu.vector_load %arg5[%get3A_670, %get3A_671] {strides = array<i32>} : memref<200x128xi32, #tpu.memory_space<vmem>>, vector<16xi32>,
      %dma_wait3A_673 = arith.constant 96 : i32
      %dma_wait3A_674 = arith.constant 0 : i32
      %dma_wait3A_675 = tpu.memref_slice %arg6[%dma_wait3A_673, %dma_wait3A_674] : memref<256x64xf32, #tpu.memory_space<vmem>> -> memref<16x64xf32, #tpu.memory_space<vmem>>
      %dma_wait3A_676 = arith.constant 0 : i32
      %dma_wait3A_677 = arith.constant 0 : i32
      %dma_wait3A_678 = tpu.memref_slice %arg3[%dma_wait3A_676, %dma_wait3A_677] : memref<1000000x64xf32, #tpu.memory_space<hbm>> -> memref<1000000x64xf32, #tpu.memory_space<hbm>>
      tpu.wait_indirect_dma semaphore(%arg12 : memref<!tpu.dma_semaphore, #tpu.memory_space<semaphore_mem>>) src(%dma_wait3A_678 : memref<1000000x64xf32, #tpu.memory_space<hbm>>) dst(%dma_wait3A_675 : memref<16x64xf32, #tpu.memory_space<vmem>>)
      %get3A_679 = arith.constant 0 : i32
      %get3A_680 = arith.index_cast %get3A_679 : i32 to index
      %get3A_681 = arith.constant 0 : index
      %get3A_682 = tpu.vector_load %arg5[%get3A_680, %get3A_681] {strides = array<i32>} : memref<200x128xi32, #tpu.memory_space<vmem>>, vector<16xi32>,
      %dma_wait3A_683 = arith.constant 112 : i32
      %dma_wait3A_684 = arith.constant 0 : i32
      %dma_wait3A_685 = tpu.memref_slice %arg6[%dma_wait3A_683, %dma_wait3A_684] : memref<256x64xf32, #tpu.memory_space<vmem>> -> memref<16x64xf32, #tpu.memory_space<vmem>>
      %dma_wait3A_686 = arith.constant 0 : i32
      %dma_wait3A_687 = arith.constant 0 : i32
      %dma_wait3A_688 = tpu.memref_slice %arg3[%dma_wait3A_686, %dma_wait3A_687] : memref<1000000x64xf32, #tpu.memory_space<hbm>> -> memref<1000000x64xf32, #tpu.memory_space<hbm>>
      tpu.wait_indirect_dma semaphore(%arg12 : memref<!tpu.dma_semaphore, #tpu.memory_space<semaphore_mem>>) src(%dma_wait3A_688 : memref<1000000x64xf32, #tpu.memory_space<hbm>>) dst(%dma_wait3A_685 : memref<16x64xf32, #tpu.memory_space<vmem>>)
      %get3A_689 = arith.constant 0 : i32
      %get3A_690 = arith.index_cast %get3A_689 : i32 to index
      %get3A_691 = arith.constant 0 : index
      %get3A_692 = tpu.vector_load %arg5[%get3A_690, %get3A_691] {strides = array<i32>} : memref<200x128xi32, #tpu.memory_space<vmem>>, vector<16xi32>,
      %dma_wait3A_693 = arith.constant 128 : i32
      %dma_wait3A_694 = arith.constant 0 : i32
      %dma_wait3A_695 = tpu.memref_slice %arg6[%dma_wait3A_693, %dma_wait3A_694] : memref<256x64xf32, #tpu.memory_space<vmem>> -> memref<16x64xf32, #tpu.memory_space<vmem>>
      %dma_wait3A_696 = arith.constant 0 : i32
      %dma_wait3A_697 = arith.constant 0 : i32
      %dma_wait3A_698 = tpu.memref_slice %arg3[%dma_wait3A_696, %dma_wait3A_697] : memref<1000000x64xf32, #tpu.memory_space<hbm>> -> memref<1000000x64xf32, #tpu.memory_space<hbm>>
      tpu.wait_indirect_dma semaphore(%arg12 : memref<!tpu.dma_semaphore, #tpu.memory_space<semaphore_mem>>) src(%dma_wait3A_698 : memref<1000000x64xf32, #tpu.memory_space<hbm>>) dst(%dma_wait3A_695 : memref<16x64xf32, #tpu.memory_space<vmem>>)
      %get3A_699 = arith.constant 0 : i32
      %get3A_700 = arith.index_cast %get3A_699 : i32 to index
      %get3A_701 = arith.constant 0 : index
      %get3A_702 = tpu.vector_load %arg5[%get3A_700, %get3A_701] {strides = array<i32>} : memref<200x128xi32, #tpu.memory_space<vmem>>, vector<16xi32>,
      %dma_wait3A_703 = arith.constant 144 : i32
      %dma_wait3A_704 = arith.constant 0 : i32
      %dma_wait3A_705 = tpu.memref_slice %arg6[%dma_wait3A_703, %dma_wait3A_704] : memref<256x64xf32, #tpu.memory_space<vmem>> -> memref<16x64xf32, #tpu.memory_space<vmem>>
      %dma_wait3A_706 = arith.constant 0 : i32
      %dma_wait3A_707 = arith.constant 0 : i32
      %dma_wait3A_708 = tpu.memref_slice %arg3[%dma_wait3A_706, %dma_wait3A_707] : memref<1000000x64xf32, #tpu.memory_space<hbm>> -> memref<1000000x64xf32, #tpu.memory_space<hbm>>
      tpu.wait_indirect_dma semaphore(%arg12 : memref<!tpu.dma_semaphore, #tpu.memory_space<semaphore_mem>>) src(%dma_wait3A_708 : memref<1000000x64xf32, #tpu.memory_space<hbm>>) dst(%dma_wait3A_705 : memref<16x64xf32, #tpu.memory_space<vmem>>)
      %get3A_709 = arith.constant 0 : i32
      %get3A_710 = arith.index_cast %get3A_709 : i32 to index
      %get3A_711 = arith.constant 0 : index
      %get3A_712 = tpu.vector_load %arg5[%get3A_710, %get3A_711] {strides = array<i32>} : memref<200x128xi32, #tpu.memory_space<vmem>>, vector<16xi32>,
      %dma_wait3A_713 = arith.constant 160 : i32
      %dma_wait3A_714 = arith.constant 0 : i32
      %dma_wait3A_715 = tpu.memref_slice %arg6[%dma_wait3A_713, %dma_wait3A_714] : memref<256x64xf32, #tpu.memory_space<vmem>> -> memref<16x64xf32, #tpu.memory_space<vmem>>
      %dma_wait3A_716 = arith.constant 0 : i32
      %dma_wait3A_717 = arith.constant 0 : i32
      %dma_wait3A_718 = tpu.memref_slice %arg3[%dma_wait3A_716, %dma_wait3A_717] : memref<1000000x64xf32, #tpu.memory_space<hbm>> -> memref<1000000x64xf32, #tpu.memory_space<hbm>>
      tpu.wait_indirect_dma semaphore(%arg12 : memref<!tpu.dma_semaphore, #tpu.memory_space<semaphore_mem>>) src(%dma_wait3A_718 : memref<1000000x64xf32, #tpu.memory_space<hbm>>) dst(%dma_wait3A_715 : memref<16x64xf32, #tpu.memory_space<vmem>>)
      %get3A_719 = arith.constant 0 : i32
      %get3A_720 = arith.index_cast %get3A_719 : i32 to index
      %get3A_721 = arith.constant 0 : index
      %get3A_722 = tpu.vector_load %arg5[%get3A_720, %get3A_721] {strides = array<i32>} : memref<200x128xi32, #tpu.memory_space<vmem>>, vector<16xi32>,
      %dma_wait3A_723 = arith.constant 176 : i32
      %dma_wait3A_724 = arith.constant 0 : i32
      %dma_wait3A_725 = tpu.memref_slice %arg6[%dma_wait3A_723, %dma_wait3A_724] : memref<256x64xf32, #tpu.memory_space<vmem>> -> memref<16x64xf32, #tpu.memory_space<vmem>>
      %dma_wait3A_726 = arith.constant 0 : i32
      %dma_wait3A_727 = arith.constant 0 : i32
      %dma_wait3A_728 = tpu.memref_slice %arg3[%dma_wait3A_726, %dma_wait3A_727] : memref<1000000x64xf32, #tpu.memory_space<hbm>> -> memref<1000000x64xf32, #tpu.memory_space<hbm>>
      tpu.wait_indirect_dma semaphore(%arg12 : memref<!tpu.dma_semaphore, #tpu.memory_space<semaphore_mem>>) src(%dma_wait3A_728 : memref<1000000x64xf32, #tpu.memory_space<hbm>>) dst(%dma_wait3A_725 : memref<16x64xf32, #tpu.memory_space<vmem>>)
      %get3A_729 = arith.constant 0 : i32
      %get3A_730 = arith.index_cast %get3A_729 : i32 to index
      %get3A_731 = arith.constant 0 : index
      %get3A_732 = tpu.vector_load %arg5[%get3A_730, %get3A_731] {strides = array<i32>} : memref<200x128xi32, #tpu.memory_space<vmem>>, vector<16xi32>,
      %dma_wait3A_733 = arith.constant 192 : i32
      %dma_wait3A_734 = arith.constant 0 : i32
      %dma_wait3A_735 = tpu.memref_slice %arg6[%dma_wait3A_733, %dma_wait3A_734] : memref<256x64xf32, #tpu.memory_space<vmem>> -> memref<16x64xf32, #tpu.memory_space<vmem>>
      %dma_wait3A_736 = arith.constant 0 : i32
      %dma_wait3A_737 = arith.constant 0 : i32
      %dma_wait3A_738 = tpu.memref_slice %arg3[%dma_wait3A_736, %dma_wait3A_737] : memref<1000000x64xf32, #tpu.memory_space<hbm>> -> memref<1000000x64xf32, #tpu.memory_space<hbm>>
      tpu.wait_indirect_dma semaphore(%arg12 : memref<!tpu.dma_semaphore, #tpu.memory_space<semaphore_mem>>) src(%dma_wait3A_738 : memref<1000000x64xf32, #tpu.memory_space<hbm>>) dst(%dma_wait3A_735 : memref<16x64xf32, #tpu.memory_space<vmem>>)
      %get3A_739 = arith.constant 0 : i32
      %get3A_740 = arith.index_cast %get3A_739 : i32 to index
      %get3A_741 = arith.constant 0 : index
      %get3A_742 = tpu.vector_load %arg5[%get3A_740, %get3A_741] {strides = array<i32>} : memref<200x128xi32, #tpu.memory_space<vmem>>, vector<16xi32>,
      %dma_wait3A_743 = arith.constant 208 : i32
      %dma_wait3A_744 = arith.constant 0 : i32
      %dma_wait3A_745 = tpu.memref_slice %arg6[%dma_wait3A_743, %dma_wait3A_744] : memref<256x64xf32, #tpu.memory_space<vmem>> -> memref<16x64xf32, #tpu.memory_space<vmem>>
      %dma_wait3A_746 = arith.constant 0 : i32
      %dma_wait3A_747 = arith.constant 0 : i32
      %dma_wait3A_748 = tpu.memref_slice %arg3[%dma_wait3A_746, %dma_wait3A_747] : memref<1000000x64xf32, #tpu.memory_space<hbm>> -> memref<1000000x64xf32, #tpu.memory_space<hbm>>
      tpu.wait_indirect_dma semaphore(%arg12 : memref<!tpu.dma_semaphore, #tpu.memory_space<semaphore_mem>>) src(%dma_wait3A_748 : memref<1000000x64xf32, #tpu.memory_space<hbm>>) dst(%dma_wait3A_745 : memref<16x64xf32, #tpu.memory_space<vmem>>)
      %get3A_749 = arith.constant 0 : i32
      %get3A_750 = arith.index_cast %get3A_749 : i32 to index
      %get3A_751 = arith.constant 0 : index
      %get3A_752 = tpu.vector_load %arg5[%get3A_750, %get3A_751] {strides = array<i32>} : memref<200x128xi32, #tpu.memory_space<vmem>>, vector<16xi32>,
      %dma_wait3A_753 = arith.constant 224 : i32
      %dma_wait3A_754 = arith.constant 0 : i32
      %dma_wait3A_755 = tpu.memref_slice %arg6[%dma_wait3A_753, %dma_wait3A_754] : memref<256x64xf32, #tpu.memory_space<vmem>> -> memref<16x64xf32, #tpu.memory_space<vmem>>
      %dma_wait3A_756 = arith.constant 0 : i32
      %dma_wait3A_757 = arith.constant 0 : i32
      %dma_wait3A_758 = tpu.memref_slice %arg3[%dma_wait3A_756, %dma_wait3A_757] : memref<1000000x64xf32, #tpu.memory_space<hbm>> -> memref<1000000x64xf32, #tpu.memory_space<hbm>>
      tpu.wait_indirect_dma semaphore(%arg12 : memref<!tpu.dma_semaphore, #tpu.memory_space<semaphore_mem>>) src(%dma_wait3A_758 : memref<1000000x64xf32, #tpu.memory_space<hbm>>) dst(%dma_wait3A_755 : memref<16x64xf32, #tpu.memory_space<vmem>>)
      %get3A_759 = arith.constant 0 : i32
      %get3A_760 = arith.index_cast %get3A_759 : i32 to index
      %get3A_761 = arith.constant 0 : index
      %get3A_762 = tpu.vector_load %arg5[%get3A_760, %get3A_761] {strides = array<i32>} : memref<200x128xi32, #tpu.memory_space<vmem>>, vector<16xi32>,
      %dma_wait3A_763 = arith.constant 240 : i32
      %dma_wait3A_764 = arith.constant 0 : i32
      %dma_wait3A_765 = tpu.memref_slice %arg6[%dma_wait3A_763, %dma_wait3A_764] : memref<256x64xf32, #tpu.memory_space<vmem>> -> memref<16x64xf32, #tpu.memory_space<vmem>>
      %dma_wait3A_766 = arith.constant 0 : i32
      %dma_wait3A_767 = arith.constant 0 : i32
      %dma_wait3A_768 = tpu.memref_slice %arg3[%dma_wait3A_766, %dma_wait3A_767] : memref<1000000x64xf32, #tpu.memory_space<hbm>> -> memref<1000000x64xf32, #tpu.memory_space<hbm>>
      tpu.wait_indirect_dma semaphore(%arg12 : memref<!tpu.dma_semaphore, #tpu.memory_space<semaphore_mem>>) src(%dma_wait3A_768 : memref<1000000x64xf32, #tpu.memory_space<hbm>>) dst(%dma_wait3A_765 : memref<16x64xf32, #tpu.memory_space<vmem>>)
      %add3A_769 = arith.constant 4 : i32
      %add3A_770 = arith.addi %add3A_608, %add3A_769 : i32
      %sub3A_771 = arith.constant 1 : i32
      %sub3A_772 = arith.subi %add3A_770, %sub3A_771 : i32
      %lt3A_773 = arith.constant 100 : i32
      %lt3A_774 = arith.cmpi slt, %sub3A_772, %lt3A_773 : i32
      %convert_element_type3A = arith.extui %lt3A_774 : i1 to i32
      %cond3A = arith.constant 0 : i32
      %cond3A_775 = arith.cmpi ne, %convert_element_type3A, %cond3A : i32
      scf.if %cond3A_775 {
        %add3A_1629 = arith.constant 4 : i32
        %add3A_1630 = arith.addi %add3A_608, %add3A_1629 : i32
        %sub3A_1631 = arith.constant 1 : i32
        %sub3A_1632 = arith.subi %add3A_1630, %sub3A_1631 : i32
        %mul3A_1633 = arith.constant 2 : i32
        %mul3A_1634 = arith.muli %sub3A_1632, %mul3A_1633 : i32
        %add3A_1635 = arith.constant 0 : i32
        %add3A_1636 = arith.addi %mul3A_1634, %add3A_1635 : i32
        %get3A_1637 = arith.index_cast %add3A_1636 : i32 to index
        %get3A_1638 = arith.constant 0 : index
        %get3A_1639 = tpu.vector_load %arg5[%get3A_1637, %get3A_1638] {strides = array<i32>} : memref<200x128xi32, #tpu.memory_space<vmem>>, vector<16xi32>,
        %dma_start3A_1640 = arith.constant 0 : i32
        %dma_start3A_1641 = arith.constant 0 : i32
        %dma_start3A_1642 = tpu.memref_slice %arg9[%dma_start3A_1640, %dma_start3A_1641] : memref<256x64xf32, #tpu.memory_space<vmem>> -> memref<16x64xf32, #tpu.memory_space<vmem>>
        %dma_start3A_1643 = arith.constant 0 : i32
        %dma_start3A_1644 = arith.constant 0 : i32
        %dma_start3A_1645 = tpu.memref_slice %arg3[%dma_start3A_1643, %dma_start3A_1644] : memref<1000000x64xf32, #tpu.memory_space<hbm>> -> memref<1000000x64xf32, #tpu.memory_space<hbm>>
        tpu.enqueue_indirect_dma source(%dma_start3A_1645 : memref<1000000x64xf32, #tpu.memory_space<hbm>>) target(%dma_start3A_1642 : memref<16x64xf32, #tpu.memory_space<vmem>>) offsets(%get3A_1639 : vector<16xi32>) semaphore(%arg15 : memref<!tpu.dma_semaphore, #tpu.memory_space<semaphore_mem>>)
        %mul3A_1646 = arith.constant 2 : i32
        %mul3A_1647 = arith.muli %sub3A_1632, %mul3A_1646 : i32
        %add3A_1648 = arith.constant 0 : i32
        %add3A_1649 = arith.addi %mul3A_1647, %add3A_1648 : i32
        %get3A_1650 = arith.index_cast %add3A_1649 : i32 to index
        %get3A_1651 = arith.constant 16 : index
        %get3A_1652 = tpu.vector_load %arg5[%get3A_1650, %get3A_1651] {strides = array<i32>} : memref<200x128xi32, #tpu.memory_space<vmem>>, vector<16xi32>,
        %dma_start3A_1653 = arith.constant 16 : i32
        %dma_start3A_1654 = arith.constant 0 : i32
        %dma_start3A_1655 = tpu.memref_slice %arg9[%dma_start3A_1653, %dma_start3A_1654] : memref<256x64xf32, #tpu.memory_space<vmem>> -> memref<16x64xf32, #tpu.memory_space<vmem>>
        %dma_start3A_1656 = arith.constant 0 : i32
        %dma_start3A_1657 = arith.constant 0 : i32
        %dma_start3A_1658 = tpu.memref_slice %arg3[%dma_start3A_1656, %dma_start3A_1657] : memref<1000000x64xf32, #tpu.memory_space<hbm>> -> memref<1000000x64xf32, #tpu.memory_space<hbm>>
        tpu.enqueue_indirect_dma source(%dma_start3A_1658 : memref<1000000x64xf32, #tpu.memory_space<hbm>>) target(%dma_start3A_1655 : memref<16x64xf32, #tpu.memory_space<vmem>>) offsets(%get3A_1652 : vector<16xi32>) semaphore(%arg15 : memref<!tpu.dma_semaphore, #tpu.memory_space<semaphore_mem>>)
        %mul3A_1659 = arith.constant 2 : i32
        %mul3A_1660 = arith.muli %sub3A_1632, %mul3A_1659 : i32
        %add3A_1661 = arith.constant 0 : i32
        %add3A_1662 = arith.addi %mul3A_1660, %add3A_1661 : i32
        %get3A_1663 = arith.index_cast %add3A_1662 : i32 to index
        %get3A_1664 = arith.constant 32 : index
        %get3A_1665 = tpu.vector_load %arg5[%get3A_1663, %get3A_1664] {strides = array<i32>} : memref<200x128xi32, #tpu.memory_space<vmem>>, vector<16xi32>,
        %dma_start3A_1666 = arith.constant 32 : i32
        %dma_start3A_1667 = arith.constant 0 : i32
        %dma_start3A_1668 = tpu.memref_slice %arg9[%dma_start3A_1666, %dma_start3A_1667] : memref<256x64xf32, #tpu.memory_space<vmem>> -> memref<16x64xf32, #tpu.memory_space<vmem>>
        %dma_start3A_1669 = arith.constant 0 : i32
        %dma_start3A_1670 = arith.constant 0 : i32
        %dma_start3A_1671 = tpu.memref_slice %arg3[%dma_start3A_1669, %dma_start3A_1670] : memref<1000000x64xf32, #tpu.memory_space<hbm>> -> memref<1000000x64xf32, #tpu.memory_space<hbm>>
        tpu.enqueue_indirect_dma source(%dma_start3A_1671 : memref<1000000x64xf32, #tpu.memory_space<hbm>>) target(%dma_start3A_1668 : memref<16x64xf32, #tpu.memory_space<vmem>>) offsets(%get3A_1665 : vector<16xi32>) semaphore(%arg15 : memref<!tpu.dma_semaphore, #tpu.memory_space<semaphore_mem>>)
        %mul3A_1672 = arith.constant 2 : i32
        %mul3A_1673 = arith.muli %sub3A_1632, %mul3A_1672 : i32
        %add3A_1674 = arith.constant 0 : i32
        %add3A_1675 = arith.addi %mul3A_1673, %add3A_1674 : i32
        %get3A_1676 = arith.index_cast %add3A_1675 : i32 to index
        %get3A_1677 = arith.constant 48 : index
        %get3A_1678 = tpu.vector_load %arg5[%get3A_1676, %get3A_1677] {strides = array<i32>} : memref<200x128xi32, #tpu.memory_space<vmem>>, vector<16xi32>,
        %dma_start3A_1679 = arith.constant 48 : i32
        %dma_start3A_1680 = arith.constant 0 : i32
        %dma_start3A_1681 = tpu.memref_slice %arg9[%dma_start3A_1679, %dma_start3A_1680] : memref<256x64xf32, #tpu.memory_space<vmem>> -> memref<16x64xf32, #tpu.memory_space<vmem>>
        %dma_start3A_1682 = arith.constant 0 : i32
        %dma_start3A_1683 = arith.constant 0 : i32
        %dma_start3A_1684 = tpu.memref_slice %arg3[%dma_start3A_1682, %dma_start3A_1683] : memref<1000000x64xf32, #tpu.memory_space<hbm>> -> memref<1000000x64xf32, #tpu.memory_space<hbm>>
        tpu.enqueue_indirect_dma source(%dma_start3A_1684 : memref<1000000x64xf32, #tpu.memory_space<hbm>>) target(%dma_start3A_1681 : memref<16x64xf32, #tpu.memory_space<vmem>>) offsets(%get3A_1678 : vector<16xi32>) semaphore(%arg15 : memref<!tpu.dma_semaphore, #tpu.memory_space<semaphore_mem>>)
        %mul3A_1685 = arith.constant 2 : i32
        %mul3A_1686 = arith.muli %sub3A_1632, %mul3A_1685 : i32
        %add3A_1687 = arith.constant 0 : i32
        %add3A_1688 = arith.addi %mul3A_1686, %add3A_1687 : i32
        %get3A_1689 = arith.index_cast %add3A_1688 : i32 to index
        %get3A_1690 = arith.constant 64 : index
        %get3A_1691 = tpu.vector_load %arg5[%get3A_1689, %get3A_1690] {strides = array<i32>} : memref<200x128xi32, #tpu.memory_space<vmem>>, vector<16xi32>,
        %dma_start3A_1692 = arith.constant 64 : i32
        %dma_start3A_1693 = arith.constant 0 : i32
        %dma_start3A_1694 = tpu.memref_slice %arg9[%dma_start3A_1692, %dma_start3A_1693] : memref<256x64xf32, #tpu.memory_space<vmem>> -> memref<16x64xf32, #tpu.memory_space<vmem>>
        %dma_start3A_1695 = arith.constant 0 : i32
        %dma_start3A_1696 = arith.constant 0 : i32
        %dma_start3A_1697 = tpu.memref_slice %arg3[%dma_start3A_1695, %dma_start3A_1696] : memref<1000000x64xf32, #tpu.memory_space<hbm>> -> memref<1000000x64xf32, #tpu.memory_space<hbm>>
        tpu.enqueue_indirect_dma source(%dma_start3A_1697 : memref<1000000x64xf32, #tpu.memory_space<hbm>>) target(%dma_start3A_1694 : memref<16x64xf32, #tpu.memory_space<vmem>>) offsets(%get3A_1691 : vector<16xi32>) semaphore(%arg15 : memref<!tpu.dma_semaphore, #tpu.memory_space<semaphore_mem>>)
        %mul3A_1698 = arith.constant 2 : i32
        %mul3A_1699 = arith.muli %sub3A_1632, %mul3A_1698 : i32
        %add3A_1700 = arith.constant 0 : i32
        %add3A_1701 = arith.addi %mul3A_1699, %add3A_1700 : i32
        %get3A_1702 = arith.index_cast %add3A_1701 : i32 to index
        %get3A_1703 = arith.constant 80 : index
        %get3A_1704 = tpu.vector_load %arg5[%get3A_1702, %get3A_1703] {strides = array<i32>} : memref<200x128xi32, #tpu.memory_space<vmem>>, vector<16xi32>,
        %dma_start3A_1705 = arith.constant 80 : i32
        %dma_start3A_1706 = arith.constant 0 : i32
        %dma_start3A_1707 = tpu.memref_slice %arg9[%dma_start3A_1705, %dma_start3A_1706] : memref<256x64xf32, #tpu.memory_space<vmem>> -> memref<16x64xf32, #tpu.memory_space<vmem>>
        %dma_start3A_1708 = arith.constant 0 : i32
        %dma_start3A_1709 = arith.constant 0 : i32
        %dma_start3A_1710 = tpu.memref_slice %arg3[%dma_start3A_1708, %dma_start3A_1709] : memref<1000000x64xf32, #tpu.memory_space<hbm>> -> memref<1000000x64xf32, #tpu.memory_space<hbm>>
        tpu.enqueue_indirect_dma source(%dma_start3A_1710 : memref<1000000x64xf32, #tpu.memory_space<hbm>>) target(%dma_start3A_1707 : memref<16x64xf32, #tpu.memory_space<vmem>>) offsets(%get3A_1704 : vector<16xi32>) semaphore(%arg15 : memref<!tpu.dma_semaphore, #tpu.memory_space<semaphore_mem>>)
        %mul3A_1711 = arith.constant 2 : i32
        %mul3A_1712 = arith.muli %sub3A_1632, %mul3A_1711 : i32
        %add3A_1713 = arith.constant 0 : i32
        %add3A_1714 = arith.addi %mul3A_1712, %add3A_1713 : i32
        %get3A_1715 = arith.index_cast %add3A_1714 : i32 to index
        %get3A_1716 = arith.constant 96 : index
        %get3A_1717 = tpu.vector_load %arg5[%get3A_1715, %get3A_1716] {strides = array<i32>} : memref<200x128xi32, #tpu.memory_space<vmem>>, vector<16xi32>,
        %dma_start3A_1718 = arith.constant 96 : i32
        %dma_start3A_1719 = arith.constant 0 : i32
        %dma_start3A_1720 = tpu.memref_slice %arg9[%dma_start3A_1718, %dma_start3A_1719] : memref<256x64xf32, #tpu.memory_space<vmem>> -> memref<16x64xf32, #tpu.memory_space<vmem>>
        %dma_start3A_1721 = arith.constant 0 : i32
        %dma_start3A_1722 = arith.constant 0 : i32
        %dma_start3A_1723 = tpu.memref_slice %arg3[%dma_start3A_1721, %dma_start3A_1722] : memref<1000000x64xf32, #tpu.memory_space<hbm>> -> memref<1000000x64xf32, #tpu.memory_space<hbm>>
        tpu.enqueue_indirect_dma source(%dma_start3A_1723 : memref<1000000x64xf32, #tpu.memory_space<hbm>>) target(%dma_start3A_1720 : memref<16x64xf32, #tpu.memory_space<vmem>>) offsets(%get3A_1717 : vector<16xi32>) semaphore(%arg15 : memref<!tpu.dma_semaphore, #tpu.memory_space<semaphore_mem>>)
        %mul3A_1724 = arith.constant 2 : i32
        %mul3A_1725 = arith.muli %sub3A_1632, %mul3A_1724 : i32
        %add3A_1726 = arith.constant 0 : i32
        %add3A_1727 = arith.addi %mul3A_1725, %add3A_1726 : i32
        %get3A_1728 = arith.index_cast %add3A_1727 : i32 to index
        %get3A_1729 = arith.constant 112 : index
        %get3A_1730 = tpu.vector_load %arg5[%get3A_1728, %get3A_1729] {strides = array<i32>} : memref<200x128xi32, #tpu.memory_space<vmem>>, vector<16xi32>,
        %dma_start3A_1731 = arith.constant 112 : i32
        %dma_start3A_1732 = arith.constant 0 : i32
        %dma_start3A_1733 = tpu.memref_slice %arg9[%dma_start3A_1731, %dma_start3A_1732] : memref<256x64xf32, #tpu.memory_space<vmem>> -> memref<16x64xf32, #tpu.memory_space<vmem>>
        %dma_start3A_1734 = arith.constant 0 : i32
        %dma_start3A_1735 = arith.constant 0 : i32
        %dma_start3A_1736 = tpu.memref_slice %arg3[%dma_start3A_1734, %dma_start3A_1735] : memref<1000000x64xf32, #tpu.memory_space<hbm>> -> memref<1000000x64xf32, #tpu.memory_space<hbm>>
        tpu.enqueue_indirect_dma source(%dma_start3A_1736 : memref<1000000x64xf32, #tpu.memory_space<hbm>>) target(%dma_start3A_1733 : memref<16x64xf32, #tpu.memory_space<vmem>>) offsets(%get3A_1730 : vector<16xi32>) semaphore(%arg15 : memref<!tpu.dma_semaphore, #tpu.memory_space<semaphore_mem>>)
        %mul3A_1737 = arith.constant 2 : i32
        %mul3A_1738 = arith.muli %sub3A_1632, %mul3A_1737 : i32
        %add3A_1739 = arith.constant 1 : i32
        %add3A_1740 = arith.addi %mul3A_1738, %add3A_1739 : i32
        %get3A_1741 = arith.index_cast %add3A_1740 : i32 to index
        %get3A_1742 = arith.constant 0 : index
        %get3A_1743 = tpu.vector_load %arg5[%get3A_1741, %get3A_1742] {strides = array<i32>} : memref<200x128xi32, #tpu.memory_space<vmem>>, vector<16xi32>,
        %dma_start3A_1744 = arith.constant 128 : i32
        %dma_start3A_1745 = arith.constant 0 : i32
        %dma_start3A_1746 = tpu.memref_slice %arg9[%dma_start3A_1744, %dma_start3A_1745] : memref<256x64xf32, #tpu.memory_space<vmem>> -> memref<16x64xf32, #tpu.memory_space<vmem>>
        %dma_start3A_1747 = arith.constant 0 : i32
        %dma_start3A_1748 = arith.constant 0 : i32
        %dma_start3A_1749 = tpu.memref_slice %arg3[%dma_start3A_1747, %dma_start3A_1748] : memref<1000000x64xf32, #tpu.memory_space<hbm>> -> memref<1000000x64xf32, #tpu.memory_space<hbm>>
        tpu.enqueue_indirect_dma source(%dma_start3A_1749 : memref<1000000x64xf32, #tpu.memory_space<hbm>>) target(%dma_start3A_1746 : memref<16x64xf32, #tpu.memory_space<vmem>>) offsets(%get3A_1743 : vector<16xi32>) semaphore(%arg15 : memref<!tpu.dma_semaphore, #tpu.memory_space<semaphore_mem>>)
        %mul3A_1750 = arith.constant 2 : i32
        %mul3A_1751 = arith.muli %sub3A_1632, %mul3A_1750 : i32
        %add3A_1752 = arith.constant 1 : i32
        %add3A_1753 = arith.addi %mul3A_1751, %add3A_1752 : i32
        %get3A_1754 = arith.index_cast %add3A_1753 : i32 to index
        %get3A_1755 = arith.constant 16 : index
        %get3A_1756 = tpu.vector_load %arg5[%get3A_1754, %get3A_1755] {strides = array<i32>} : memref<200x128xi32, #tpu.memory_space<vmem>>, vector<16xi32>,
        %dma_start3A_1757 = arith.constant 144 : i32
        %dma_start3A_1758 = arith.constant 0 : i32
        %dma_start3A_1759 = tpu.memref_slice %arg9[%dma_start3A_1757, %dma_start3A_1758] : memref<256x64xf32, #tpu.memory_space<vmem>> -> memref<16x64xf32, #tpu.memory_space<vmem>>
        %dma_start3A_1760 = arith.constant 0 : i32
        %dma_start3A_1761 = arith.constant 0 : i32
        %dma_start3A_1762 = tpu.memref_slice %arg3[%dma_start3A_1760, %dma_start3A_1761] : memref<1000000x64xf32, #tpu.memory_space<hbm>> -> memref<1000000x64xf32, #tpu.memory_space<hbm>>
        tpu.enqueue_indirect_dma source(%dma_start3A_1762 : memref<1000000x64xf32, #tpu.memory_space<hbm>>) target(%dma_start3A_1759 : memref<16x64xf32, #tpu.memory_space<vmem>>) offsets(%get3A_1756 : vector<16xi32>) semaphore(%arg15 : memref<!tpu.dma_semaphore, #tpu.memory_space<semaphore_mem>>)
        %mul3A_1763 = arith.constant 2 : i32
        %mul3A_1764 = arith.muli %sub3A_1632, %mul3A_1763 : i32
        %add3A_1765 = arith.constant 1 : i32
        %add3A_1766 = arith.addi %mul3A_1764, %add3A_1765 : i32
        %get3A_1767 = arith.index_cast %add3A_1766 : i32 to index
        %get3A_1768 = arith.constant 32 : index
        %get3A_1769 = tpu.vector_load %arg5[%get3A_1767, %get3A_1768] {strides = array<i32>} : memref<200x128xi32, #tpu.memory_space<vmem>>, vector<16xi32>,
        %dma_start3A_1770 = arith.constant 160 : i32
        %dma_start3A_1771 = arith.constant 0 : i32
        %dma_start3A_1772 = tpu.memref_slice %arg9[%dma_start3A_1770, %dma_start3A_1771] : memref<256x64xf32, #tpu.memory_space<vmem>> -> memref<16x64xf32, #tpu.memory_space<vmem>>
        %dma_start3A_1773 = arith.constant 0 : i32
        %dma_start3A_1774 = arith.constant 0 : i32
        %dma_start3A_1775 = tpu.memref_slice %arg3[%dma_start3A_1773, %dma_start3A_1774] : memref<1000000x64xf32, #tpu.memory_space<hbm>> -> memref<1000000x64xf32, #tpu.memory_space<hbm>>
        tpu.enqueue_indirect_dma source(%dma_start3A_1775 : memref<1000000x64xf32, #tpu.memory_space<hbm>>) target(%dma_start3A_1772 : memref<16x64xf32, #tpu.memory_space<vmem>>) offsets(%get3A_1769 : vector<16xi32>) semaphore(%arg15 : memref<!tpu.dma_semaphore, #tpu.memory_space<semaphore_mem>>)
        %mul3A_1776 = arith.constant 2 : i32
        %mul3A_1777 = arith.muli %sub3A_1632, %mul3A_1776 : i32
        %add3A_1778 = arith.constant 1 : i32
        %add3A_1779 = arith.addi %mul3A_1777, %add3A_1778 : i32
        %get3A_1780 = arith.index_cast %add3A_1779 : i32 to index
        %get3A_1781 = arith.constant 48 : index
        %get3A_1782 = tpu.vector_load %arg5[%get3A_1780, %get3A_1781] {strides = array<i32>} : memref<200x128xi32, #tpu.memory_space<vmem>>, vector<16xi32>,
        %dma_start3A_1783 = arith.constant 176 : i32
        %dma_start3A_1784 = arith.constant 0 : i32
        %dma_start3A_1785 = tpu.memref_slice %arg9[%dma_start3A_1783, %dma_start3A_1784] : memref<256x64xf32, #tpu.memory_space<vmem>> -> memref<16x64xf32, #tpu.memory_space<vmem>>
        %dma_start3A_1786 = arith.constant 0 : i32
        %dma_start3A_1787 = arith.constant 0 : i32
        %dma_start3A_1788 = tpu.memref_slice %arg3[%dma_start3A_1786, %dma_start3A_1787] : memref<1000000x64xf32, #tpu.memory_space<hbm>> -> memref<1000000x64xf32, #tpu.memory_space<hbm>>
        tpu.enqueue_indirect_dma source(%dma_start3A_1788 : memref<1000000x64xf32, #tpu.memory_space<hbm>>) target(%dma_start3A_1785 : memref<16x64xf32, #tpu.memory_space<vmem>>) offsets(%get3A_1782 : vector<16xi32>) semaphore(%arg15 : memref<!tpu.dma_semaphore, #tpu.memory_space<semaphore_mem>>)
        %mul3A_1789 = arith.constant 2 : i32
        %mul3A_1790 = arith.muli %sub3A_1632, %mul3A_1789 : i32
        %add3A_1791 = arith.constant 1 : i32
        %add3A_1792 = arith.addi %mul3A_1790, %add3A_1791 : i32
        %get3A_1793 = arith.index_cast %add3A_1792 : i32 to index
        %get3A_1794 = arith.constant 64 : index
        %get3A_1795 = tpu.vector_load %arg5[%get3A_1793, %get3A_1794] {strides = array<i32>} : memref<200x128xi32, #tpu.memory_space<vmem>>, vector<16xi32>,
        %dma_start3A_1796 = arith.constant 192 : i32
        %dma_start3A_1797 = arith.constant 0 : i32
        %dma_start3A_1798 = tpu.memref_slice %arg9[%dma_start3A_1796, %dma_start3A_1797] : memref<256x64xf32, #tpu.memory_space<vmem>> -> memref<16x64xf32, #tpu.memory_space<vmem>>
        %dma_start3A_1799 = arith.constant 0 : i32
        %dma_start3A_1800 = arith.constant 0 : i32
        %dma_start3A_1801 = tpu.memref_slice %arg3[%dma_start3A_1799, %dma_start3A_1800] : memref<1000000x64xf32, #tpu.memory_space<hbm>> -> memref<1000000x64xf32, #tpu.memory_space<hbm>>
        tpu.enqueue_indirect_dma source(%dma_start3A_1801 : memref<1000000x64xf32, #tpu.memory_space<hbm>>) target(%dma_start3A_1798 : memref<16x64xf32, #tpu.memory_space<vmem>>) offsets(%get3A_1795 : vector<16xi32>) semaphore(%arg15 : memref<!tpu.dma_semaphore, #tpu.memory_space<semaphore_mem>>)
        %mul3A_1802 = arith.constant 2 : i32
        %mul3A_1803 = arith.muli %sub3A_1632, %mul3A_1802 : i32
        %add3A_1804 = arith.constant 1 : i32
        %add3A_1805 = arith.addi %mul3A_1803, %add3A_1804 : i32
        %get3A_1806 = arith.index_cast %add3A_1805 : i32 to index
        %get3A_1807 = arith.constant 80 : index
        %get3A_1808 = tpu.vector_load %arg5[%get3A_1806, %get3A_1807] {strides = array<i32>} : memref<200x128xi32, #tpu.memory_space<vmem>>, vector<16xi32>,
        %dma_start3A_1809 = arith.constant 208 : i32
        %dma_start3A_1810 = arith.constant 0 : i32
        %dma_start3A_1811 = tpu.memref_slice %arg9[%dma_start3A_1809, %dma_start3A_1810] : memref<256x64xf32, #tpu.memory_space<vmem>> -> memref<16x64xf32, #tpu.memory_space<vmem>>
        %dma_start3A_1812 = arith.constant 0 : i32
        %dma_start3A_1813 = arith.constant 0 : i32
        %dma_start3A_1814 = tpu.memref_slice %arg3[%dma_start3A_1812, %dma_start3A_1813] : memref<1000000x64xf32, #tpu.memory_space<hbm>> -> memref<1000000x64xf32, #tpu.memory_space<hbm>>
        tpu.enqueue_indirect_dma source(%dma_start3A_1814 : memref<1000000x64xf32, #tpu.memory_space<hbm>>) target(%dma_start3A_1811 : memref<16x64xf32, #tpu.memory_space<vmem>>) offsets(%get3A_1808 : vector<16xi32>) semaphore(%arg15 : memref<!tpu.dma_semaphore, #tpu.memory_space<semaphore_mem>>)
        %mul3A_1815 = arith.constant 2 : i32
        %mul3A_1816 = arith.muli %sub3A_1632, %mul3A_1815 : i32
        %add3A_1817 = arith.constant 1 : i32
        %add3A_1818 = arith.addi %mul3A_1816, %add3A_1817 : i32
        %get3A_1819 = arith.index_cast %add3A_1818 : i32 to index
        %get3A_1820 = arith.constant 96 : index
        %get3A_1821 = tpu.vector_load %arg5[%get3A_1819, %get3A_1820] {strides = array<i32>} : memref<200x128xi32, #tpu.memory_space<vmem>>, vector<16xi32>,
        %dma_start3A_1822 = arith.constant 224 : i32
        %dma_start3A_1823 = arith.constant 0 : i32
        %dma_start3A_1824 = tpu.memref_slice %arg9[%dma_start3A_1822, %dma_start3A_1823] : memref<256x64xf32, #tpu.memory_space<vmem>> -> memref<16x64xf32, #tpu.memory_space<vmem>>
        %dma_start3A_1825 = arith.constant 0 : i32
        %dma_start3A_1826 = arith.constant 0 : i32
        %dma_start3A_1827 = tpu.memref_slice %arg3[%dma_start3A_1825, %dma_start3A_1826] : memref<1000000x64xf32, #tpu.memory_space<hbm>> -> memref<1000000x64xf32, #tpu.memory_space<hbm>>
        tpu.enqueue_indirect_dma source(%dma_start3A_1827 : memref<1000000x64xf32, #tpu.memory_space<hbm>>) target(%dma_start3A_1824 : memref<16x64xf32, #tpu.memory_space<vmem>>) offsets(%get3A_1821 : vector<16xi32>) semaphore(%arg15 : memref<!tpu.dma_semaphore, #tpu.memory_space<semaphore_mem>>)
        %mul3A_1828 = arith.constant 2 : i32
        %mul3A_1829 = arith.muli %sub3A_1632, %mul3A_1828 : i32
        %add3A_1830 = arith.constant 1 : i32
        %add3A_1831 = arith.addi %mul3A_1829, %add3A_1830 : i32
        %get3A_1832 = arith.index_cast %add3A_1831 : i32 to index
        %get3A_1833 = arith.constant 112 : index
        %get3A_1834 = tpu.vector_load %arg5[%get3A_1832, %get3A_1833] {strides = array<i32>} : memref<200x128xi32, #tpu.memory_space<vmem>>, vector<16xi32>,
        %dma_start3A_1835 = arith.constant 240 : i32
        %dma_start3A_1836 = arith.constant 0 : i32
        %dma_start3A_1837 = tpu.memref_slice %arg9[%dma_start3A_1835, %dma_start3A_1836] : memref<256x64xf32, #tpu.memory_space<vmem>> -> memref<16x64xf32, #tpu.memory_space<vmem>>
        %dma_start3A_1838 = arith.constant 0 : i32
        %dma_start3A_1839 = arith.constant 0 : i32
        %dma_start3A_1840 = tpu.memref_slice %arg3[%dma_start3A_1838, %dma_start3A_1839] : memref<1000000x64xf32, #tpu.memory_space<hbm>> -> memref<1000000x64xf32, #tpu.memory_space<hbm>>
        tpu.enqueue_indirect_dma source(%dma_start3A_1840 : memref<1000000x64xf32, #tpu.memory_space<hbm>>) target(%dma_start3A_1837 : memref<16x64xf32, #tpu.memory_space<vmem>>) offsets(%get3A_1834 : vector<16xi32>) semaphore(%arg15 : memref<!tpu.dma_semaphore, #tpu.memory_space<semaphore_mem>>)
      } else {
      }
      %ge3A = arith.constant 2 : i32
      %ge3A_776 = arith.cmpi sge, %add3A_608, %ge3A : i32
      %convert_element_type3A_777 = arith.extui %ge3A_776 : i1 to i32
      %cond3A_778 = arith.constant 0 : i32
      %cond3A_779 = arith.cmpi ne, %convert_element_type3A_777, %cond3A_778 : i32
      scf.if %cond3A_779 {
        %add3A_1629 = arith.addi %mul3A_2, %add3A_608 : i32
        %jit3A_1630 = arith.constant 16 : i32
        %div3A_1631 = arith.divsi %add3A_1629, %jit3A_1630 : i32
        %sign3A_1632 = arith.constant 0 : i32
        %sign3A_1633 = arith.cmpi sgt, %add3A_1629, %sign3A_1632 : i32
        %sign3A_1634 = arith.extui %sign3A_1633 : i1 to i32
        %sign3A_1635 = arith.constant 0 : i32
        %sign3A_1636 = arith.cmpi slt, %add3A_1629, %sign3A_1635 : i32
        %sign3A_1637 = arith.extui %sign3A_1636 : i1 to i32
        %sign3A_1638 = arith.subi %sign3A_1634, %sign3A_1637 : i32
        %sign3A_1639 = arith.constant 0 : i32
        %sign3A_1640 = arith.cmpi sgt, %jit3A_1630, %sign3A_1639 : i32
        %sign3A_1641 = arith.extui %sign3A_1640 : i1 to i32
        %sign3A_1642 = arith.constant 0 : i32
        %sign3A_1643 = arith.cmpi slt, %jit3A_1630, %sign3A_1642 : i32
        %sign3A_1644 = arith.extui %sign3A_1643 : i1 to i32
        %sign3A_1645 = arith.subi %sign3A_1641, %sign3A_1644 : i32
        %ne3A_1646 = arith.cmpi ne, %sign3A_1638, %sign3A_1645 : i32
        %rem3A_1647 = arith.remsi %add3A_1629, %jit3A_1630 : i32
        %ne3A_1648 = arith.constant 0 : i32
        %ne3A_1649 = arith.cmpi ne, %rem3A_1647, %ne3A_1648 : i32
        %and3A_1650 = arith.andi %ne3A_1646, %ne3A_1649 : i1
        %sub3A_1651 = arith.constant 1 : i32
        %sub3A_1652 = arith.subi %div3A_1631, %sub3A_1651 : i32
        %select_n3A_1653 = arith.select %and3A_1650, %sub3A_1652, %div3A_1631 : i32
        %jit3A_1654 = arith.constant 16 : i32
        %eq3A_1655 = arith.constant 0 : i32
        %eq3A_1656 = arith.cmpi eq, %jit3A_1654, %eq3A_1655 : i32
        %jit3A_1657 = arith.constant 1 : i32
        %select_n3A_1658 = arith.select %eq3A_1656, %jit3A_1657, %jit3A_1654 : i32
        %rem3A_1659 = arith.remsi %add3A_1629, %select_n3A_1658 : i32
        %ne3A_1660 = arith.constant 0 : i32
        %ne3A_1661 = arith.cmpi ne, %rem3A_1659, %ne3A_1660 : i32
        %lt3A_1662 = arith.constant 0 : i32
        %lt3A_1663 = arith.cmpi slt, %rem3A_1659, %lt3A_1662 : i32
        %lt3A_1664 = arith.constant 0 : i32
        %lt3A_1665 = arith.cmpi slt, %select_n3A_1658, %lt3A_1664 : i32
        %ne3A_1666 = arith.xori %lt3A_1663, %lt3A_1665 : i1
        %and3A_1667 = arith.andi %ne3A_1666, %ne3A_1661 : i1
        %add3A_1668 = arith.addi %rem3A_1659, %select_n3A_1658 : i32
        %select_n3A_1669 = arith.select %and3A_1667, %add3A_1668, %rem3A_1659 : i32
        %mul3A_1670 = arith.constant 256 : i32
        %mul3A_1671 = arith.muli %select_n3A_1669, %mul3A_1670 : i32
        %dma_wait3A_1672 = arith.constant 0 : i32
        %dma_wait3A_1673 = arith.constant 0 : i32
        %dma_wait3A_1674 = tpu.memref_slice %arg10[%dma_wait3A_1672, %dma_wait3A_1673] : memref<64x257xf32, #tpu.memory_space<vmem>> -> memref<64x256xf32, #tpu.memory_space<vmem>>
        %dma_wait3A_1675 = arith.constant 0 : i32
        %dma_wait3A_1676 = tpu.memref_slice %arg4[%select_n3A_1653, %dma_wait3A_1675, %mul3A_1671] : memref<200x64x4096xf32, #tpu.memory_space<hbm>> -> memref<1x64x256xf32, #tpu.memory_space<hbm>>
        %dma_wait3A_1677 = tpu.memref_squeeze %dma_wait3A_1676 : memref<1x64x256xf32, #tpu.memory_space<hbm>> -> memref<64x256xf32, #tpu.memory_space<hbm>>
        %dma_wait3A_1678 = arith.constant 0 : i32
        %dma_wait3A_1679 = tpu.memref_slice %arg4[%select_n3A_1653, %dma_wait3A_1678, %mul3A_1671] : memref<200x64x4096xf32, #tpu.memory_space<hbm>> -> memref<1x64x256xf32, #tpu.memory_space<hbm>>
        %dma_wait3A_1680 = tpu.memref_squeeze %dma_wait3A_1679 : memref<1x64x256xf32, #tpu.memory_space<hbm>> -> memref<64x256xf32, #tpu.memory_space<hbm>>
        %dma_wait3A_1681 = arith.constant 0 : i32
        %dma_wait3A_1682 = arith.constant 0 : i32
        %dma_wait3A_1683 = tpu.memref_slice %arg10[%dma_wait3A_1681, %dma_wait3A_1682] : memref<64x257xf32, #tpu.memory_space<vmem>> -> memref<64x256xf32, #tpu.memory_space<vmem>>
        tpu.wait_dma2 semaphore(%arg16 : memref<!tpu.dma_semaphore, #tpu.memory_space<semaphore_mem>>) src(%dma_wait3A_1683 : memref<64x256xf32, #tpu.memory_space<vmem>>) dst(%dma_wait3A_1680 : memref<64x256xf32, #tpu.memory_space<hbm>>)
      } else {
      }
      %broadcast_in_dim3A = arith.constant 0 : i32
      %broadcast_in_dim3A_780 = vector.broadcast %broadcast_in_dim3A : i32 to vector<16xi32>
      %get3A_781 = arith.constant 0 : i32
      %get3A_782 = arith.index_cast %get3A_781 : i32 to index
      %get3A_783 = arith.constant 0 : index
      %get3A_784 = tpu.vector_load %arg6[%get3A_782, %get3A_783] {strides = array<i32>} : memref<256x64xf32, #tpu.memory_space<vmem>>, vector<16xf32>,
      %get3A_785 = arith.constant 0 : i32
      %get3A_786 = arith.index_cast %get3A_785 : i32 to index
      %get3A_787 = arith.constant 16 : index
      %get3A_788 = tpu.vector_load %arg6[%get3A_786, %get3A_787] {strides = array<i32>} : memref<256x64xf32, #tpu.memory_space<vmem>>, vector<16xf32>,
      %get3A_789 = arith.constant 0 : i32
      %get3A_790 = arith.index_cast %get3A_789 : i32 to index
      %get3A_791 = arith.constant 32 : index
      %get3A_792 = tpu.vector_load %arg6[%get3A_790, %get3A_791] {strides = array<i32>} : memref<256x64xf32, #tpu.memory_space<vmem>>, vector<16xf32>,
      %get3A_793 = arith.constant 0 : i32
      %get3A_794 = arith.index_cast %get3A_793 : i32 to index
      %get3A_795 = arith.constant 48 : index
      %get3A_796 = tpu.vector_load %arg6[%get3A_794, %get3A_795] {strides = array<i32>} : memref<256x64xf32, #tpu.memory_space<vmem>>, vector<16xf32>,
      %scan3A_797 = arith.constant 0 : i32
      %scan3A_798 = arith.constant 256 : i32
      %scan3A_799 = arith.addi %scan3A_797, %scan3A_798 : i32
      %scan3A_800 = arith.constant 8 : i32
      %scan3A_801:5 = scf.for %scan3A_1629 = %scan3A_797 to %scan3A_799 step %scan3A_800 iter_args(%scan3A_1630 = %broadcast_in_dim3A_780, %scan3A_1631 = %get3A_784, %scan3A_1632 = %get3A_788, %scan3A_1633 = %get3A_792, %scan3A_1634 = %get3A_796) -> (vector<16xi32>, vector<16xf32>, vector<16xf32>, vector<16xf32>, vector<16xf32>)  : i32 {
        %add3A_1635 = arith.constant 1 : i32
        %add3A_1636 = arith.addi %scan3A_1629, %add3A_1635 : i32
        %min3A = arith.constant 255 : i32
        %min3A_1637 = arith.minsi %add3A_1636, %min3A : i32
        %get3A_1638 = arith.index_cast %min3A_1637 : i32 to index
        %get3A_1639 = arith.constant 0 : index
        %get3A_1640 = tpu.vector_load %arg6[%get3A_1638, %get3A_1639] {strides = array<i32>} : memref<256x64xf32, #tpu.memory_space<vmem>>, vector<16xf32>,
        %get3A_1641 = arith.index_cast %min3A_1637 : i32 to index
        %get3A_1642 = arith.constant 16 : index
        %get3A_1643 = tpu.vector_load %arg6[%get3A_1641, %get3A_1642] {strides = array<i32>} : memref<256x64xf32, #tpu.memory_space<vmem>>, vector<16xf32>,
        %get3A_1644 = arith.index_cast %min3A_1637 : i32 to index
        %get3A_1645 = arith.constant 32 : index
        %get3A_1646 = tpu.vector_load %arg6[%get3A_1644, %get3A_1645] {strides = array<i32>} : memref<256x64xf32, #tpu.memory_space<vmem>>, vector<16xf32>,
        %get3A_1647 = arith.index_cast %min3A_1637 : i32 to index
        %get3A_1648 = arith.constant 48 : index
        %get3A_1649 = tpu.vector_load %arg6[%get3A_1647, %get3A_1648] {strides = array<i32>} : memref<256x64xf32, #tpu.memory_space<vmem>>, vector<16xf32>,
        %mul3A_1650 = arith.constant 8.000000e+00 : f32
        %mul3A_1651 = vector.broadcast %mul3A_1650 : f32 to vector<16xf32>
        %mul3A_1652 = arith.mulf %scan3A_1631, %mul3A_1651 : vector<16xf32>
        tpu.vector_store_idx %arg10[%add3A_5, %scan3A_1630], %mul3A_1652 : memref<64x257xf32, #tpu.memory_space<vmem>>[vector<16xi32>, vector<16xi32>], vector<16xf32>,
        %mul3A_1653 = arith.constant 8.000000e+00 : f32
        %mul3A_1654 = vector.broadcast %mul3A_1653 : f32 to vector<16xf32>
        %mul3A_1655 = arith.mulf %scan3A_1632, %mul3A_1654 : vector<16xf32>
        tpu.vector_store_idx %arg10[%add3A_9, %scan3A_1630], %mul3A_1655 : memref<64x257xf32, #tpu.memory_space<vmem>>[vector<16xi32>, vector<16xi32>], vector<16xf32>,
        %mul3A_1656 = arith.constant 8.000000e+00 : f32
        %mul3A_1657 = vector.broadcast %mul3A_1656 : f32 to vector<16xf32>
        %mul3A_1658 = arith.mulf %scan3A_1633, %mul3A_1657 : vector<16xf32>
        tpu.vector_store_idx %arg10[%add3A_13, %scan3A_1630], %mul3A_1658 : memref<64x257xf32, #tpu.memory_space<vmem>>[vector<16xi32>, vector<16xi32>], vector<16xf32>,
        %mul3A_1659 = arith.constant 8.000000e+00 : f32
        %mul3A_1660 = vector.broadcast %mul3A_1659 : f32 to vector<16xf32>
        %mul3A_1661 = arith.mulf %scan3A_1634, %mul3A_1660 : vector<16xf32>
        tpu.vector_store_idx %arg10[%add3A_17, %scan3A_1630], %mul3A_1661 : memref<64x257xf32, #tpu.memory_space<vmem>>[vector<16xi32>, vector<16xi32>], vector<16xf32>,
        %add3A_1662 = arith.constant 1 : i32
        %add3A_1663 = vector.broadcast %add3A_1662 : i32 to vector<16xi32>
        %add3A_1664 = arith.addi %scan3A_1630, %add3A_1663 : vector<16xi32>
        %scan3A_1665 = arith.constant 1 : i32
        %scan3A_1666 = arith.addi %scan3A_1629, %scan3A_1665 : i32
        %add3A_1667 = arith.constant 1 : i32
        %add3A_1668 = arith.addi %scan3A_1666, %add3A_1667 : i32
        %min3A_1669 = arith.constant 255 : i32
        %min3A_1670 = arith.minsi %add3A_1668, %min3A_1669 : i32
        %get3A_1671 = arith.index_cast %min3A_1670 : i32 to index
        %get3A_1672 = arith.constant 0 : index
        %get3A_1673 = tpu.vector_load %arg6[%get3A_1671, %get3A_1672] {strides = array<i32>} : memref<256x64xf32, #tpu.memory_space<vmem>>, vector<16xf32>,
        %get3A_1674 = arith.index_cast %min3A_1670 : i32 to index
        %get3A_1675 = arith.constant 16 : index
        %get3A_1676 = tpu.vector_load %arg6[%get3A_1674, %get3A_1675] {strides = array<i32>} : memref<256x64xf32, #tpu.memory_space<vmem>>, vector<16xf32>,
        %get3A_1677 = arith.index_cast %min3A_1670 : i32 to index
        %get3A_1678 = arith.constant 32 : index
        %get3A_1679 = tpu.vector_load %arg6[%get3A_1677, %get3A_1678] {strides = array<i32>} : memref<256x64xf32, #tpu.memory_space<vmem>>, vector<16xf32>,
        %get3A_1680 = arith.index_cast %min3A_1670 : i32 to index
        %get3A_1681 = arith.constant 48 : index
        %get3A_1682 = tpu.vector_load %arg6[%get3A_1680, %get3A_1681] {strides = array<i32>} : memref<256x64xf32, #tpu.memory_space<vmem>>, vector<16xf32>,
        %mul3A_1683 = arith.constant 8.000000e+00 : f32
        %mul3A_1684 = vector.broadcast %mul3A_1683 : f32 to vector<16xf32>
        %mul3A_1685 = arith.mulf %get3A_1640, %mul3A_1684 : vector<16xf32>
        tpu.vector_store_idx %arg10[%add3A_5, %add3A_1664], %mul3A_1685 : memref<64x257xf32, #tpu.memory_space<vmem>>[vector<16xi32>, vector<16xi32>], vector<16xf32>,
        %mul3A_1686 = arith.constant 8.000000e+00 : f32
        %mul3A_1687 = vector.broadcast %mul3A_1686 : f32 to vector<16xf32>
        %mul3A_1688 = arith.mulf %get3A_1643, %mul3A_1687 : vector<16xf32>
        tpu.vector_store_idx %arg10[%add3A_9, %add3A_1664], %mul3A_1688 : memref<64x257xf32, #tpu.memory_space<vmem>>[vector<16xi32>, vector<16xi32>], vector<16xf32>,
        %mul3A_1689 = arith.constant 8.000000e+00 : f32
        %mul3A_1690 = vector.broadcast %mul3A_1689 : f32 to vector<16xf32>
        %mul3A_1691 = arith.mulf %get3A_1646, %mul3A_1690 : vector<16xf32>
        tpu.vector_store_idx %arg10[%add3A_13, %add3A_1664], %mul3A_1691 : memref<64x257xf32, #tpu.memory_space<vmem>>[vector<16xi32>, vector<16xi32>], vector<16xf32>,
        %mul3A_1692 = arith.constant 8.000000e+00 : f32
        %mul3A_1693 = vector.broadcast %mul3A_1692 : f32 to vector<16xf32>
        %mul3A_1694 = arith.mulf %get3A_1649, %mul3A_1693 : vector<16xf32>
        tpu.vector_store_idx %arg10[%add3A_17, %add3A_1664], %mul3A_1694 : memref<64x257xf32, #tpu.memory_space<vmem>>[vector<16xi32>, vector<16xi32>], vector<16xf32>,
        %add3A_1695 = arith.constant 1 : i32
        %add3A_1696 = vector.broadcast %add3A_1695 : i32 to vector<16xi32>
        %add3A_1697 = arith.addi %add3A_1664, %add3A_1696 : vector<16xi32>
        %scan3A_1698 = arith.constant 2 : i32
        %scan3A_1699 = arith.addi %scan3A_1629, %scan3A_1698 : i32
        %add3A_1700 = arith.constant 1 : i32
        %add3A_1701 = arith.addi %scan3A_1699, %add3A_1700 : i32
        %min3A_1702 = arith.constant 255 : i32
        %min3A_1703 = arith.minsi %add3A_1701, %min3A_1702 : i32
        %get3A_1704 = arith.index_cast %min3A_1703 : i32 to index
        %get3A_1705 = arith.constant 0 : index
        %get3A_1706 = tpu.vector_load %arg6[%get3A_1704, %get3A_1705] {strides = array<i32>} : memref<256x64xf32, #tpu.memory_space<vmem>>, vector<16xf32>,
        %get3A_1707 = arith.index_cast %min3A_1703 : i32 to index
        %get3A_1708 = arith.constant 16 : index
        %get3A_1709 = tpu.vector_load %arg6[%get3A_1707, %get3A_1708] {strides = array<i32>} : memref<256x64xf32, #tpu.memory_space<vmem>>, vector<16xf32>,
        %get3A_1710 = arith.index_cast %min3A_1703 : i32 to index
        %get3A_1711 = arith.constant 32 : index
        %get3A_1712 = tpu.vector_load %arg6[%get3A_1710, %get3A_1711] {strides = array<i32>} : memref<256x64xf32, #tpu.memory_space<vmem>>, vector<16xf32>,
        %get3A_1713 = arith.index_cast %min3A_1703 : i32 to index
        %get3A_1714 = arith.constant 48 : index
        %get3A_1715 = tpu.vector_load %arg6[%get3A_1713, %get3A_1714] {strides = array<i32>} : memref<256x64xf32, #tpu.memory_space<vmem>>, vector<16xf32>,
        %mul3A_1716 = arith.constant 8.000000e+00 : f32
        %mul3A_1717 = vector.broadcast %mul3A_1716 : f32 to vector<16xf32>
        %mul3A_1718 = arith.mulf %get3A_1673, %mul3A_1717 : vector<16xf32>
        tpu.vector_store_idx %arg10[%add3A_5, %add3A_1697], %mul3A_1718 : memref<64x257xf32, #tpu.memory_space<vmem>>[vector<16xi32>, vector<16xi32>], vector<16xf32>,
        %mul3A_1719 = arith.constant 8.000000e+00 : f32
        %mul3A_1720 = vector.broadcast %mul3A_1719 : f32 to vector<16xf32>
        %mul3A_1721 = arith.mulf %get3A_1676, %mul3A_1720 : vector<16xf32>
        tpu.vector_store_idx %arg10[%add3A_9, %add3A_1697], %mul3A_1721 : memref<64x257xf32, #tpu.memory_space<vmem>>[vector<16xi32>, vector<16xi32>], vector<16xf32>,
        %mul3A_1722 = arith.constant 8.000000e+00 : f32
        %mul3A_1723 = vector.broadcast %mul3A_1722 : f32 to vector<16xf32>
        %mul3A_1724 = arith.mulf %get3A_1679, %mul3A_1723 : vector<16xf32>
        tpu.vector_store_idx %arg10[%add3A_13, %add3A_1697], %mul3A_1724 : memref<64x257xf32, #tpu.memory_space<vmem>>[vector<16xi32>, vector<16xi32>], vector<16xf32>,
        %mul3A_1725 = arith.constant 8.000000e+00 : f32
        %mul3A_1726 = vector.broadcast %mul3A_1725 : f32 to vector<16xf32>
        %mul3A_1727 = arith.mulf %get3A_1682, %mul3A_1726 : vector<16xf32>
        tpu.vector_store_idx %arg10[%add3A_17, %add3A_1697], %mul3A_1727 : memref<64x257xf32, #tpu.memory_space<vmem>>[vector<16xi32>, vector<16xi32>], vector<16xf32>,
        %add3A_1728 = arith.constant 1 : i32
        %add3A_1729 = vector.broadcast %add3A_1728 : i32 to vector<16xi32>
        %add3A_1730 = arith.addi %add3A_1697, %add3A_1729 : vector<16xi32>
        %scan3A_1731 = arith.constant 3 : i32
        %scan3A_1732 = arith.addi %scan3A_1629, %scan3A_1731 : i32
        %add3A_1733 = arith.constant 1 : i32
        %add3A_1734 = arith.addi %scan3A_1732, %add3A_1733 : i32
        %min3A_1735 = arith.constant 255 : i32
        %min3A_1736 = arith.minsi %add3A_1734, %min3A_1735 : i32
        %get3A_1737 = arith.index_cast %min3A_1736 : i32 to index
        %get3A_1738 = arith.constant 0 : index
        %get3A_1739 = tpu.vector_load %arg6[%get3A_1737, %get3A_1738] {strides = array<i32>} : memref<256x64xf32, #tpu.memory_space<vmem>>, vector<16xf32>,
        %get3A_1740 = arith.index_cast %min3A_1736 : i32 to index
        %get3A_1741 = arith.constant 16 : index
        %get3A_1742 = tpu.vector_load %arg6[%get3A_1740, %get3A_1741] {strides = array<i32>} : memref<256x64xf32, #tpu.memory_space<vmem>>, vector<16xf32>,
        %get3A_1743 = arith.index_cast %min3A_1736 : i32 to index
        %get3A_1744 = arith.constant 32 : index
        %get3A_1745 = tpu.vector_load %arg6[%get3A_1743, %get3A_1744] {strides = array<i32>} : memref<256x64xf32, #tpu.memory_space<vmem>>, vector<16xf32>,
        %get3A_1746 = arith.index_cast %min3A_1736 : i32 to index
        %get3A_1747 = arith.constant 48 : index
        %get3A_1748 = tpu.vector_load %arg6[%get3A_1746, %get3A_1747] {strides = array<i32>} : memref<256x64xf32, #tpu.memory_space<vmem>>, vector<16xf32>,
        %mul3A_1749 = arith.constant 8.000000e+00 : f32
        %mul3A_1750 = vector.broadcast %mul3A_1749 : f32 to vector<16xf32>
        %mul3A_1751 = arith.mulf %get3A_1706, %mul3A_1750 : vector<16xf32>
        tpu.vector_store_idx %arg10[%add3A_5, %add3A_1730], %mul3A_1751 : memref<64x257xf32, #tpu.memory_space<vmem>>[vector<16xi32>, vector<16xi32>], vector<16xf32>,
        %mul3A_1752 = arith.constant 8.000000e+00 : f32
        %mul3A_1753 = vector.broadcast %mul3A_1752 : f32 to vector<16xf32>
        %mul3A_1754 = arith.mulf %get3A_1709, %mul3A_1753 : vector<16xf32>
        tpu.vector_store_idx %arg10[%add3A_9, %add3A_1730], %mul3A_1754 : memref<64x257xf32, #tpu.memory_space<vmem>>[vector<16xi32>, vector<16xi32>], vector<16xf32>,
        %mul3A_1755 = arith.constant 8.000000e+00 : f32
        %mul3A_1756 = vector.broadcast %mul3A_1755 : f32 to vector<16xf32>
        %mul3A_1757 = arith.mulf %get3A_1712, %mul3A_1756 : vector<16xf32>
        tpu.vector_store_idx %arg10[%add3A_13, %add3A_1730], %mul3A_1757 : memref<64x257xf32, #tpu.memory_space<vmem>>[vector<16xi32>, vector<16xi32>], vector<16xf32>,
        %mul3A_1758 = arith.constant 8.000000e+00 : f32
        %mul3A_1759 = vector.broadcast %mul3A_1758 : f32 to vector<16xf32>
        %mul3A_1760 = arith.mulf %get3A_1715, %mul3A_1759 : vector<16xf32>
        tpu.vector_store_idx %arg10[%add3A_17, %add3A_1730], %mul3A_1760 : memref<64x257xf32, #tpu.memory_space<vmem>>[vector<16xi32>, vector<16xi32>], vector<16xf32>,
        %add3A_1761 = arith.constant 1 : i32
        %add3A_1762 = vector.broadcast %add3A_1761 : i32 to vector<16xi32>
        %add3A_1763 = arith.addi %add3A_1730, %add3A_1762 : vector<16xi32>
        %scan3A_1764 = arith.constant 4 : i32
        %scan3A_1765 = arith.addi %scan3A_1629, %scan3A_1764 : i32
        %add3A_1766 = arith.constant 1 : i32
        %add3A_1767 = arith.addi %scan3A_1765, %add3A_1766 : i32
        %min3A_1768 = arith.constant 255 : i32
        %min3A_1769 = arith.minsi %add3A_1767, %min3A_1768 : i32
        %get3A_1770 = arith.index_cast %min3A_1769 : i32 to index
        %get3A_1771 = arith.constant 0 : index
        %get3A_1772 = tpu.vector_load %arg6[%get3A_1770, %get3A_1771] {strides = array<i32>} : memref<256x64xf32, #tpu.memory_space<vmem>>, vector<16xf32>,
        %get3A_1773 = arith.index_cast %min3A_1769 : i32 to index
        %get3A_1774 = arith.constant 16 : index
        %get3A_1775 = tpu.vector_load %arg6[%get3A_1773, %get3A_1774] {strides = array<i32>} : memref<256x64xf32, #tpu.memory_space<vmem>>, vector<16xf32>,
        %get3A_1776 = arith.index_cast %min3A_1769 : i32 to index
        %get3A_1777 = arith.constant 32 : index
        %get3A_1778 = tpu.vector_load %arg6[%get3A_1776, %get3A_1777] {strides = array<i32>} : memref<256x64xf32, #tpu.memory_space<vmem>>, vector<16xf32>,
        %get3A_1779 = arith.index_cast %min3A_1769 : i32 to index
        %get3A_1780 = arith.constant 48 : index
        %get3A_1781 = tpu.vector_load %arg6[%get3A_1779, %get3A_1780] {strides = array<i32>} : memref<256x64xf32, #tpu.memory_space<vmem>>, vector<16xf32>,
        %mul3A_1782 = arith.constant 8.000000e+00 : f32
        %mul3A_1783 = vector.broadcast %mul3A_1782 : f32 to vector<16xf32>
        %mul3A_1784 = arith.mulf %get3A_1739, %mul3A_1783 : vector<16xf32>
        tpu.vector_store_idx %arg10[%add3A_5, %add3A_1763], %mul3A_1784 : memref<64x257xf32, #tpu.memory_space<vmem>>[vector<16xi32>, vector<16xi32>], vector<16xf32>,
        %mul3A_1785 = arith.constant 8.000000e+00 : f32
        %mul3A_1786 = vector.broadcast %mul3A_1785 : f32 to vector<16xf32>
        %mul3A_1787 = arith.mulf %get3A_1742, %mul3A_1786 : vector<16xf32>
        tpu.vector_store_idx %arg10[%add3A_9, %add3A_1763], %mul3A_1787 : memref<64x257xf32, #tpu.memory_space<vmem>>[vector<16xi32>, vector<16xi32>], vector<16xf32>,
        %mul3A_1788 = arith.constant 8.000000e+00 : f32
        %mul3A_1789 = vector.broadcast %mul3A_1788 : f32 to vector<16xf32>
        %mul3A_1790 = arith.mulf %get3A_1745, %mul3A_1789 : vector<16xf32>
        tpu.vector_store_idx %arg10[%add3A_13, %add3A_1763], %mul3A_1790 : memref<64x257xf32, #tpu.memory_space<vmem>>[vector<16xi32>, vector<16xi32>], vector<16xf32>,
        %mul3A_1791 = arith.constant 8.000000e+00 : f32
        %mul3A_1792 = vector.broadcast %mul3A_1791 : f32 to vector<16xf32>
        %mul3A_1793 = arith.mulf %get3A_1748, %mul3A_1792 : vector<16xf32>
        tpu.vector_store_idx %arg10[%add3A_17, %add3A_1763], %mul3A_1793 : memref<64x257xf32, #tpu.memory_space<vmem>>[vector<16xi32>, vector<16xi32>], vector<16xf32>,
        %add3A_1794 = arith.constant 1 : i32
        %add3A_1795 = vector.broadcast %add3A_1794 : i32 to vector<16xi32>
        %add3A_1796 = arith.addi %add3A_1763, %add3A_1795 : vector<16xi32>
        %scan3A_1797 = arith.constant 5 : i32
        %scan3A_1798 = arith.addi %scan3A_1629, %scan3A_1797 : i32
        %add3A_1799 = arith.constant 1 : i32
        %add3A_1800 = arith.addi %scan3A_1798, %add3A_1799 : i32
        %min3A_1801 = arith.constant 255 : i32
        %min3A_1802 = arith.minsi %add3A_1800, %min3A_1801 : i32
        %get3A_1803 = arith.index_cast %min3A_1802 : i32 to index
        %get3A_1804 = arith.constant 0 : index
        %get3A_1805 = tpu.vector_load %arg6[%get3A_1803, %get3A_1804] {strides = array<i32>} : memref<256x64xf32, #tpu.memory_space<vmem>>, vector<16xf32>,
        %get3A_1806 = arith.index_cast %min3A_1802 : i32 to index
        %get3A_1807 = arith.constant 16 : index
        %get3A_1808 = tpu.vector_load %arg6[%get3A_1806, %get3A_1807] {strides = array<i32>} : memref<256x64xf32, #tpu.memory_space<vmem>>, vector<16xf32>,
        %get3A_1809 = arith.index_cast %min3A_1802 : i32 to index
        %get3A_1810 = arith.constant 32 : index
        %get3A_1811 = tpu.vector_load %arg6[%get3A_1809, %get3A_1810] {strides = array<i32>} : memref<256x64xf32, #tpu.memory_space<vmem>>, vector<16xf32>,
        %get3A_1812 = arith.index_cast %min3A_1802 : i32 to index
        %get3A_1813 = arith.constant 48 : index
        %get3A_1814 = tpu.vector_load %arg6[%get3A_1812, %get3A_1813] {strides = array<i32>} : memref<256x64xf32, #tpu.memory_space<vmem>>, vector<16xf32>,
        %mul3A_1815 = arith.constant 8.000000e+00 : f32
        %mul3A_1816 = vector.broadcast %mul3A_1815 : f32 to vector<16xf32>
        %mul3A_1817 = arith.mulf %get3A_1772, %mul3A_1816 : vector<16xf32>
        tpu.vector_store_idx %arg10[%add3A_5, %add3A_1796], %mul3A_1817 : memref<64x257xf32, #tpu.memory_space<vmem>>[vector<16xi32>, vector<16xi32>], vector<16xf32>,
        %mul3A_1818 = arith.constant 8.000000e+00 : f32
        %mul3A_1819 = vector.broadcast %mul3A_1818 : f32 to vector<16xf32>
        %mul3A_1820 = arith.mulf %get3A_1775, %mul3A_1819 : vector<16xf32>
        tpu.vector_store_idx %arg10[%add3A_9, %add3A_1796], %mul3A_1820 : memref<64x257xf32, #tpu.memory_space<vmem>>[vector<16xi32>, vector<16xi32>], vector<16xf32>,
        %mul3A_1821 = arith.constant 8.000000e+00 : f32
        %mul3A_1822 = vector.broadcast %mul3A_1821 : f32 to vector<16xf32>
        %mul3A_1823 = arith.mulf %get3A_1778, %mul3A_1822 : vector<16xf32>
        tpu.vector_store_idx %arg10[%add3A_13, %add3A_1796], %mul3A_1823 : memref<64x257xf32, #tpu.memory_space<vmem>>[vector<16xi32>, vector<16xi32>], vector<16xf32>,
        %mul3A_1824 = arith.constant 8.000000e+00 : f32
        %mul3A_1825 = vector.broadcast %mul3A_1824 : f32 to vector<16xf32>
        %mul3A_1826 = arith.mulf %get3A_1781, %mul3A_1825 : vector<16xf32>
        tpu.vector_store_idx %arg10[%add3A_17, %add3A_1796], %mul3A_1826 : memref<64x257xf32, #tpu.memory_space<vmem>>[vector<16xi32>, vector<16xi32>], vector<16xf32>,
        %add3A_1827 = arith.constant 1 : i32
        %add3A_1828 = vector.broadcast %add3A_1827 : i32 to vector<16xi32>
        %add3A_1829 = arith.addi %add3A_1796, %add3A_1828 : vector<16xi32>
        %scan3A_1830 = arith.constant 6 : i32
        %scan3A_1831 = arith.addi %scan3A_1629, %scan3A_1830 : i32
        %add3A_1832 = arith.constant 1 : i32
        %add3A_1833 = arith.addi %scan3A_1831, %add3A_1832 : i32
        %min3A_1834 = arith.constant 255 : i32
        %min3A_1835 = arith.minsi %add3A_1833, %min3A_1834 : i32
        %get3A_1836 = arith.index_cast %min3A_1835 : i32 to index
        %get3A_1837 = arith.constant 0 : index
        %get3A_1838 = tpu.vector_load %arg6[%get3A_1836, %get3A_1837] {strides = array<i32>} : memref<256x64xf32, #tpu.memory_space<vmem>>, vector<16xf32>,
        %get3A_1839 = arith.index_cast %min3A_1835 : i32 to index
        %get3A_1840 = arith.constant 16 : index
        %get3A_1841 = tpu.vector_load %arg6[%get3A_1839, %get3A_1840] {strides = array<i32>} : memref<256x64xf32, #tpu.memory_space<vmem>>, vector<16xf32>,
        %get3A_1842 = arith.index_cast %min3A_1835 : i32 to index
        %get3A_1843 = arith.constant 32 : index
        %get3A_1844 = tpu.vector_load %arg6[%get3A_1842, %get3A_1843] {strides = array<i32>} : memref<256x64xf32, #tpu.memory_space<vmem>>, vector<16xf32>,
        %get3A_1845 = arith.index_cast %min3A_1835 : i32 to index
        %get3A_1846 = arith.constant 48 : index
        %get3A_1847 = tpu.vector_load %arg6[%get3A_1845, %get3A_1846] {strides = array<i32>} : memref<256x64xf32, #tpu.memory_space<vmem>>, vector<16xf32>,
        %mul3A_1848 = arith.constant 8.000000e+00 : f32
        %mul3A_1849 = vector.broadcast %mul3A_1848 : f32 to vector<16xf32>
        %mul3A_1850 = arith.mulf %get3A_1805, %mul3A_1849 : vector<16xf32>
        tpu.vector_store_idx %arg10[%add3A_5, %add3A_1829], %mul3A_1850 : memref<64x257xf32, #tpu.memory_space<vmem>>[vector<16xi32>, vector<16xi32>], vector<16xf32>,
        %mul3A_1851 = arith.constant 8.000000e+00 : f32
        %mul3A_1852 = vector.broadcast %mul3A_1851 : f32 to vector<16xf32>
        %mul3A_1853 = arith.mulf %get3A_1808, %mul3A_1852 : vector<16xf32>
        tpu.vector_store_idx %arg10[%add3A_9, %add3A_1829], %mul3A_1853 : memref<64x257xf32, #tpu.memory_space<vmem>>[vector<16xi32>, vector<16xi32>], vector<16xf32>,
        %mul3A_1854 = arith.constant 8.000000e+00 : f32
        %mul3A_1855 = vector.broadcast %mul3A_1854 : f32 to vector<16xf32>
        %mul3A_1856 = arith.mulf %get3A_1811, %mul3A_1855 : vector<16xf32>
        tpu.vector_store_idx %arg10[%add3A_13, %add3A_1829], %mul3A_1856 : memref<64x257xf32, #tpu.memory_space<vmem>>[vector<16xi32>, vector<16xi32>], vector<16xf32>,
        %mul3A_1857 = arith.constant 8.000000e+00 : f32
        %mul3A_1858 = vector.broadcast %mul3A_1857 : f32 to vector<16xf32>
        %mul3A_1859 = arith.mulf %get3A_1814, %mul3A_1858 : vector<16xf32>
        tpu.vector_store_idx %arg10[%add3A_17, %add3A_1829], %mul3A_1859 : memref<64x257xf32, #tpu.memory_space<vmem>>[vector<16xi32>, vector<16xi32>], vector<16xf32>,
        %add3A_1860 = arith.constant 1 : i32
        %add3A_1861 = vector.broadcast %add3A_1860 : i32 to vector<16xi32>
        %add3A_1862 = arith.addi %add3A_1829, %add3A_1861 : vector<16xi32>
        %scan3A_1863 = arith.constant 7 : i32
        %scan3A_1864 = arith.addi %scan3A_1629, %scan3A_1863 : i32
        %add3A_1865 = arith.constant 1 : i32
        %add3A_1866 = arith.addi %scan3A_1864, %add3A_1865 : i32
        %min3A_1867 = arith.constant 255 : i32
        %min3A_1868 = arith.minsi %add3A_1866, %min3A_1867 : i32
        %get3A_1869 = arith.index_cast %min3A_1868 : i32 to index
        %get3A_1870 = arith.constant 0 : index
        %get3A_1871 = tpu.vector_load %arg6[%get3A_1869, %get3A_1870] {strides = array<i32>} : memref<256x64xf32, #tpu.memory_space<vmem>>, vector<16xf32>,
        %get3A_1872 = arith.index_cast %min3A_1868 : i32 to index
        %get3A_1873 = arith.constant 16 : index
        %get3A_1874 = tpu.vector_load %arg6[%get3A_1872, %get3A_1873] {strides = array<i32>} : memref<256x64xf32, #tpu.memory_space<vmem>>, vector<16xf32>,
        %get3A_1875 = arith.index_cast %min3A_1868 : i32 to index
        %get3A_1876 = arith.constant 32 : index
        %get3A_1877 = tpu.vector_load %arg6[%get3A_1875, %get3A_1876] {strides = array<i32>} : memref<256x64xf32, #tpu.memory_space<vmem>>, vector<16xf32>,
        %get3A_1878 = arith.index_cast %min3A_1868 : i32 to index
        %get3A_1879 = arith.constant 48 : index
        %get3A_1880 = tpu.vector_load %arg6[%get3A_1878, %get3A_1879] {strides = array<i32>} : memref<256x64xf32, #tpu.memory_space<vmem>>, vector<16xf32>,
        %mul3A_1881 = arith.constant 8.000000e+00 : f32
        %mul3A_1882 = vector.broadcast %mul3A_1881 : f32 to vector<16xf32>
        %mul3A_1883 = arith.mulf %get3A_1838, %mul3A_1882 : vector<16xf32>
        tpu.vector_store_idx %arg10[%add3A_5, %add3A_1862], %mul3A_1883 : memref<64x257xf32, #tpu.memory_space<vmem>>[vector<16xi32>, vector<16xi32>], vector<16xf32>,
        %mul3A_1884 = arith.constant 8.000000e+00 : f32
        %mul3A_1885 = vector.broadcast %mul3A_1884 : f32 to vector<16xf32>
        %mul3A_1886 = arith.mulf %get3A_1841, %mul3A_1885 : vector<16xf32>
        tpu.vector_store_idx %arg10[%add3A_9, %add3A_1862], %mul3A_1886 : memref<64x257xf32, #tpu.memory_space<vmem>>[vector<16xi32>, vector<16xi32>], vector<16xf32>,
        %mul3A_1887 = arith.constant 8.000000e+00 : f32
        %mul3A_1888 = vector.broadcast %mul3A_1887 : f32 to vector<16xf32>
        %mul3A_1889 = arith.mulf %get3A_1844, %mul3A_1888 : vector<16xf32>
        tpu.vector_store_idx %arg10[%add3A_13, %add3A_1862], %mul3A_1889 : memref<64x257xf32, #tpu.memory_space<vmem>>[vector<16xi32>, vector<16xi32>], vector<16xf32>,
        %mul3A_1890 = arith.constant 8.000000e+00 : f32
        %mul3A_1891 = vector.broadcast %mul3A_1890 : f32 to vector<16xf32>
        %mul3A_1892 = arith.mulf %get3A_1847, %mul3A_1891 : vector<16xf32>
        tpu.vector_store_idx %arg10[%add3A_17, %add3A_1862], %mul3A_1892 : memref<64x257xf32, #tpu.memory_space<vmem>>[vector<16xi32>, vector<16xi32>], vector<16xf32>,
        %add3A_1893 = arith.constant 1 : i32
        %add3A_1894 = vector.broadcast %add3A_1893 : i32 to vector<16xi32>
        %add3A_1895 = arith.addi %add3A_1862, %add3A_1894 : vector<16xi32>
        scf.yield %add3A_1895, %get3A_1871, %get3A_1874, %get3A_1877, %get3A_1880 : vector<16xi32>, vector<16xf32>, vector<16xf32>, vector<16xf32>, vector<16xf32>
      }
      %scan3A_802 = arith.constant 256 : i32
      %add3A_803 = arith.addi %mul3A_2, %add3A_608 : i32
      %jit3A_804 = arith.constant 16 : i32
      %div3A_805 = arith.divsi %add3A_803, %jit3A_804 : i32
      %sign3A_806 = arith.constant 0 : i32
      %sign3A_807 = arith.cmpi sgt, %add3A_803, %sign3A_806 : i32
      %sign3A_808 = arith.extui %sign3A_807 : i1 to i32
      %sign3A_809 = arith.constant 0 : i32
      %sign3A_810 = arith.cmpi slt, %add3A_803, %sign3A_809 : i32
      %sign3A_811 = arith.extui %sign3A_810 : i1 to i32
      %sign3A_812 = arith.subi %sign3A_808, %sign3A_811 : i32
      %sign3A_813 = arith.constant 0 : i32
      %sign3A_814 = arith.cmpi sgt, %jit3A_804, %sign3A_813 : i32
      %sign3A_815 = arith.extui %sign3A_814 : i1 to i32
      %sign3A_816 = arith.constant 0 : i32
      %sign3A_817 = arith.cmpi slt, %jit3A_804, %sign3A_816 : i32
      %sign3A_818 = arith.extui %sign3A_817 : i1 to i32
      %sign3A_819 = arith.subi %sign3A_815, %sign3A_818 : i32
      %ne3A_820 = arith.cmpi ne, %sign3A_812, %sign3A_819 : i32
      %rem3A_821 = arith.remsi %add3A_803, %jit3A_804 : i32
      %ne3A_822 = arith.constant 0 : i32
      %ne3A_823 = arith.cmpi ne, %rem3A_821, %ne3A_822 : i32
      %and3A_824 = arith.andi %ne3A_820, %ne3A_823 : i1
      %sub3A_825 = arith.constant 1 : i32
      %sub3A_826 = arith.subi %div3A_805, %sub3A_825 : i32
      %select_n3A_827 = arith.select %and3A_824, %sub3A_826, %div3A_805 : i32
      %jit3A_828 = arith.constant 16 : i32
      %eq3A_829 = arith.constant 0 : i32
      %eq3A_830 = arith.cmpi eq, %jit3A_828, %eq3A_829 : i32
      %jit3A_831 = arith.constant 1 : i32
      %select_n3A_832 = arith.select %eq3A_830, %jit3A_831, %jit3A_828 : i32
      %rem3A_833 = arith.remsi %add3A_803, %select_n3A_832 : i32
      %ne3A_834 = arith.constant 0 : i32
      %ne3A_835 = arith.cmpi ne, %rem3A_833, %ne3A_834 : i32
      %lt3A_836 = arith.constant 0 : i32
      %lt3A_837 = arith.cmpi slt, %rem3A_833, %lt3A_836 : i32
      %lt3A_838 = arith.constant 0 : i32
      %lt3A_839 = arith.cmpi slt, %select_n3A_832, %lt3A_838 : i32
      %ne3A_840 = arith.xori %lt3A_837, %lt3A_839 : i1
      %and3A_841 = arith.andi %ne3A_840, %ne3A_835 : i1
      %add3A_842 = arith.addi %rem3A_833, %select_n3A_832 : i32
      %select_n3A_843 = arith.select %and3A_841, %add3A_842, %rem3A_833 : i32
      %mul3A_844 = arith.constant 256 : i32
      %mul3A_845 = arith.muli %select_n3A_843, %mul3A_844 : i32
      %dma_start3A_846 = arith.constant 0 : i32
      %dma_start3A_847 = arith.constant 0 : i32
      %dma_start3A_848 = tpu.memref_slice %arg10[%dma_start3A_846, %dma_start3A_847] : memref<64x257xf32, #tpu.memory_space<vmem>> -> memref<64x256xf32, #tpu.memory_space<vmem>>
      %dma_start3A_849 = arith.constant 0 : i32
      %dma_start3A_850 = tpu.memref_slice %arg4[%select_n3A_827, %dma_start3A_849, %mul3A_845] : memref<200x64x4096xf32, #tpu.memory_space<hbm>> -> memref<1x64x256xf32, #tpu.memory_space<hbm>>
      %dma_start3A_851 = tpu.memref_squeeze %dma_start3A_850 : memref<1x64x256xf32, #tpu.memory_space<hbm>> -> memref<64x256xf32, #tpu.memory_space<hbm>>
      %dma_start3A_852 = arith.constant 0 : i32
      %dma_start3A_853 = tpu.memref_slice %arg4[%select_n3A_827, %dma_start3A_852, %mul3A_845] : memref<200x64x4096xf32, #tpu.memory_space<hbm>> -> memref<1x64x256xf32, #tpu.memory_space<hbm>>
      %dma_start3A_854 = tpu.memref_squeeze %dma_start3A_853 : memref<1x64x256xf32, #tpu.memory_space<hbm>> -> memref<64x256xf32, #tpu.memory_space<hbm>>
      %dma_start3A_855 = arith.constant 0 : i32
      %dma_start3A_856 = arith.constant 0 : i32
      %dma_start3A_857 = tpu.memref_slice %arg10[%dma_start3A_855, %dma_start3A_856] : memref<64x257xf32, #tpu.memory_space<vmem>> -> memref<64x256xf32, #tpu.memory_space<vmem>>
      tpu.enqueue_dma source(%dma_start3A_857 : memref<64x256xf32, #tpu.memory_space<vmem>>) target(%dma_start3A_854 : memref<64x256xf32, #tpu.memory_space<hbm>>) target_semaphore(%arg16 : memref<!tpu.dma_semaphore, #tpu.memory_space<semaphore_mem>>)
      %mul3A_858 = arith.constant 4 : i32
      %mul3A_859 = arith.muli %mul3A_858, %scan3A_604 : i32
      %add3A_860 = arith.constant 1 : i32
      %add3A_861 = arith.addi %mul3A_859, %add3A_860 : i32
      %get3A_862 = arith.constant 0 : i32
      %get3A_863 = arith.index_cast %get3A_862 : i32 to index
      %get3A_864 = arith.constant 0 : index
      %get3A_865 = tpu.vector_load %arg5[%get3A_863, %get3A_864] {strides = array<i32>} : memref<200x128xi32, #tpu.memory_space<vmem>>, vector<16xi32>,
      %dma_wait3A_866 = arith.constant 0 : i32
      %dma_wait3A_867 = arith.constant 0 : i32
      %dma_wait3A_868 = tpu.memref_slice %arg7[%dma_wait3A_866, %dma_wait3A_867] : memref<256x64xf32, #tpu.memory_space<vmem>> -> memref<16x64xf32, #tpu.memory_space<vmem>>
      %dma_wait3A_869 = arith.constant 0 : i32
      %dma_wait3A_870 = arith.constant 0 : i32
      %dma_wait3A_871 = tpu.memref_slice %arg3[%dma_wait3A_869, %dma_wait3A_870] : memref<1000000x64xf32, #tpu.memory_space<hbm>> -> memref<1000000x64xf32, #tpu.memory_space<hbm>>
      tpu.wait_indirect_dma semaphore(%arg13 : memref<!tpu.dma_semaphore, #tpu.memory_space<semaphore_mem>>) src(%dma_wait3A_871 : memref<1000000x64xf32, #tpu.memory_space<hbm>>) dst(%dma_wait3A_868 : memref<16x64xf32, #tpu.memory_space<vmem>>)
      %get3A_872 = arith.constant 0 : i32
      %get3A_873 = arith.index_cast %get3A_872 : i32 to index
      %get3A_874 = arith.constant 0 : index
      %get3A_875 = tpu.vector_load %arg5[%get3A_873, %get3A_874] {strides = array<i32>} : memref<200x128xi32, #tpu.memory_space<vmem>>, vector<16xi32>,
      %dma_wait3A_876 = arith.constant 16 : i32
      %dma_wait3A_877 = arith.constant 0 : i32
      %dma_wait3A_878 = tpu.memref_slice %arg7[%dma_wait3A_876, %dma_wait3A_877] : memref<256x64xf32, #tpu.memory_space<vmem>> -> memref<16x64xf32, #tpu.memory_space<vmem>>
      %dma_wait3A_879 = arith.constant 0 : i32
      %dma_wait3A_880 = arith.constant 0 : i32
      %dma_wait3A_881 = tpu.memref_slice %arg3[%dma_wait3A_879, %dma_wait3A_880] : memref<1000000x64xf32, #tpu.memory_space<hbm>> -> memref<1000000x64xf32, #tpu.memory_space<hbm>>
      tpu.wait_indirect_dma semaphore(%arg13 : memref<!tpu.dma_semaphore, #tpu.memory_space<semaphore_mem>>) src(%dma_wait3A_881 : memref<1000000x64xf32, #tpu.memory_space<hbm>>) dst(%dma_wait3A_878 : memref<16x64xf32, #tpu.memory_space<vmem>>)
      %get3A_882 = arith.constant 0 : i32
      %get3A_883 = arith.index_cast %get3A_882 : i32 to index
      %get3A_884 = arith.constant 0 : index
      %get3A_885 = tpu.vector_load %arg5[%get3A_883, %get3A_884] {strides = array<i32>} : memref<200x128xi32, #tpu.memory_space<vmem>>, vector<16xi32>,
      %dma_wait3A_886 = arith.constant 32 : i32
      %dma_wait3A_887 = arith.constant 0 : i32
      %dma_wait3A_888 = tpu.memref_slice %arg7[%dma_wait3A_886, %dma_wait3A_887] : memref<256x64xf32, #tpu.memory_space<vmem>> -> memref<16x64xf32, #tpu.memory_space<vmem>>
      %dma_wait3A_889 = arith.constant 0 : i32
      %dma_wait3A_890 = arith.constant 0 : i32
      %dma_wait3A_891 = tpu.memref_slice %arg3[%dma_wait3A_889, %dma_wait3A_890] : memref<1000000x64xf32, #tpu.memory_space<hbm>> -> memref<1000000x64xf32, #tpu.memory_space<hbm>>
      tpu.wait_indirect_dma semaphore(%arg13 : memref<!tpu.dma_semaphore, #tpu.memory_space<semaphore_mem>>) src(%dma_wait3A_891 : memref<1000000x64xf32, #tpu.memory_space<hbm>>) dst(%dma_wait3A_888 : memref<16x64xf32, #tpu.memory_space<vmem>>)
      %get3A_892 = arith.constant 0 : i32
      %get3A_893 = arith.index_cast %get3A_892 : i32 to index
      %get3A_894 = arith.constant 0 : index
      %get3A_895 = tpu.vector_load %arg5[%get3A_893, %get3A_894] {strides = array<i32>} : memref<200x128xi32, #tpu.memory_space<vmem>>, vector<16xi32>,
      %dma_wait3A_896 = arith.constant 48 : i32
      %dma_wait3A_897 = arith.constant 0 : i32
      %dma_wait3A_898 = tpu.memref_slice %arg7[%dma_wait3A_896, %dma_wait3A_897] : memref<256x64xf32, #tpu.memory_space<vmem>> -> memref<16x64xf32, #tpu.memory_space<vmem>>
      %dma_wait3A_899 = arith.constant 0 : i32
      %dma_wait3A_900 = arith.constant 0 : i32
      %dma_wait3A_901 = tpu.memref_slice %arg3[%dma_wait3A_899, %dma_wait3A_900] : memref<1000000x64xf32, #tpu.memory_space<hbm>> -> memref<1000000x64xf32, #tpu.memory_space<hbm>>
      tpu.wait_indirect_dma semaphore(%arg13 : memref<!tpu.dma_semaphore, #tpu.memory_space<semaphore_mem>>) src(%dma_wait3A_901 : memref<1000000x64xf32, #tpu.memory_space<hbm>>) dst(%dma_wait3A_898 : memref<16x64xf32, #tpu.memory_space<vmem>>)
      %get3A_902 = arith.constant 0 : i32
      %get3A_903 = arith.index_cast %get3A_902 : i32 to index
      %get3A_904 = arith.constant 0 : index
      %get3A_905 = tpu.vector_load %arg5[%get3A_903, %get3A_904] {strides = array<i32>} : memref<200x128xi32, #tpu.memory_space<vmem>>, vector<16xi32>,
      %dma_wait3A_906 = arith.constant 64 : i32
      %dma_wait3A_907 = arith.constant 0 : i32
      %dma_wait3A_908 = tpu.memref_slice %arg7[%dma_wait3A_906, %dma_wait3A_907] : memref<256x64xf32, #tpu.memory_space<vmem>> -> memref<16x64xf32, #tpu.memory_space<vmem>>
      %dma_wait3A_909 = arith.constant 0 : i32
      %dma_wait3A_910 = arith.constant 0 : i32
      %dma_wait3A_911 = tpu.memref_slice %arg3[%dma_wait3A_909, %dma_wait3A_910] : memref<1000000x64xf32, #tpu.memory_space<hbm>> -> memref<1000000x64xf32, #tpu.memory_space<hbm>>
      tpu.wait_indirect_dma semaphore(%arg13 : memref<!tpu.dma_semaphore, #tpu.memory_space<semaphore_mem>>) src(%dma_wait3A_911 : memref<1000000x64xf32, #tpu.memory_space<hbm>>) dst(%dma_wait3A_908 : memref<16x64xf32, #tpu.memory_space<vmem>>)
      %get3A_912 = arith.constant 0 : i32
      %get3A_913 = arith.index_cast %get3A_912 : i32 to index
      %get3A_914 = arith.constant 0 : index
      %get3A_915 = tpu.vector_load %arg5[%get3A_913, %get3A_914] {strides = array<i32>} : memref<200x128xi32, #tpu.memory_space<vmem>>, vector<16xi32>,
      %dma_wait3A_916 = arith.constant 80 : i32
      %dma_wait3A_917 = arith.constant 0 : i32
      %dma_wait3A_918 = tpu.memref_slice %arg7[%dma_wait3A_916, %dma_wait3A_917] : memref<256x64xf32, #tpu.memory_space<vmem>> -> memref<16x64xf32, #tpu.memory_space<vmem>>
      %dma_wait3A_919 = arith.constant 0 : i32
      %dma_wait3A_920 = arith.constant 0 : i32
      %dma_wait3A_921 = tpu.memref_slice %arg3[%dma_wait3A_919, %dma_wait3A_920] : memref<1000000x64xf32, #tpu.memory_space<hbm>> -> memref<1000000x64xf32, #tpu.memory_space<hbm>>
      tpu.wait_indirect_dma semaphore(%arg13 : memref<!tpu.dma_semaphore, #tpu.memory_space<semaphore_mem>>) src(%dma_wait3A_921 : memref<1000000x64xf32, #tpu.memory_space<hbm>>) dst(%dma_wait3A_918 : memref<16x64xf32, #tpu.memory_space<vmem>>)
      %get3A_922 = arith.constant 0 : i32
      %get3A_923 = arith.index_cast %get3A_922 : i32 to index
      %get3A_924 = arith.constant 0 : index
      %get3A_925 = tpu.vector_load %arg5[%get3A_923, %get3A_924] {strides = array<i32>} : memref<200x128xi32, #tpu.memory_space<vmem>>, vector<16xi32>,
      %dma_wait3A_926 = arith.constant 96 : i32
      %dma_wait3A_927 = arith.constant 0 : i32
      %dma_wait3A_928 = tpu.memref_slice %arg7[%dma_wait3A_926, %dma_wait3A_927] : memref<256x64xf32, #tpu.memory_space<vmem>> -> memref<16x64xf32, #tpu.memory_space<vmem>>
      %dma_wait3A_929 = arith.constant 0 : i32
      %dma_wait3A_930 = arith.constant 0 : i32
      %dma_wait3A_931 = tpu.memref_slice %arg3[%dma_wait3A_929, %dma_wait3A_930] : memref<1000000x64xf32, #tpu.memory_space<hbm>> -> memref<1000000x64xf32, #tpu.memory_space<hbm>>
      tpu.wait_indirect_dma semaphore(%arg13 : memref<!tpu.dma_semaphore, #tpu.memory_space<semaphore_mem>>) src(%dma_wait3A_931 : memref<1000000x64xf32, #tpu.memory_space<hbm>>) dst(%dma_wait3A_928 : memref<16x64xf32, #tpu.memory_space<vmem>>)
      %get3A_932 = arith.constant 0 : i32
      %get3A_933 = arith.index_cast %get3A_932 : i32 to index
      %get3A_934 = arith.constant 0 : index
      %get3A_935 = tpu.vector_load %arg5[%get3A_933, %get3A_934] {strides = array<i32>} : memref<200x128xi32, #tpu.memory_space<vmem>>, vector<16xi32>,
      %dma_wait3A_936 = arith.constant 112 : i32
      %dma_wait3A_937 = arith.constant 0 : i32
      %dma_wait3A_938 = tpu.memref_slice %arg7[%dma_wait3A_936, %dma_wait3A_937] : memref<256x64xf32, #tpu.memory_space<vmem>> -> memref<16x64xf32, #tpu.memory_space<vmem>>
      %dma_wait3A_939 = arith.constant 0 : i32
      %dma_wait3A_940 = arith.constant 0 : i32
      %dma_wait3A_941 = tpu.memref_slice %arg3[%dma_wait3A_939, %dma_wait3A_940] : memref<1000000x64xf32, #tpu.memory_space<hbm>> -> memref<1000000x64xf32, #tpu.memory_space<hbm>>
      tpu.wait_indirect_dma semaphore(%arg13 : memref<!tpu.dma_semaphore, #tpu.memory_space<semaphore_mem>>) src(%dma_wait3A_941 : memref<1000000x64xf32, #tpu.memory_space<hbm>>) dst(%dma_wait3A_938 : memref<16x64xf32, #tpu.memory_space<vmem>>)
      %get3A_942 = arith.constant 0 : i32
      %get3A_943 = arith.index_cast %get3A_942 : i32 to index
      %get3A_944 = arith.constant 0 : index
      %get3A_945 = tpu.vector_load %arg5[%get3A_943, %get3A_944] {strides = array<i32>} : memref<200x128xi32, #tpu.memory_space<vmem>>, vector<16xi32>,
      %dma_wait3A_946 = arith.constant 128 : i32
      %dma_wait3A_947 = arith.constant 0 : i32
      %dma_wait3A_948 = tpu.memref_slice %arg7[%dma_wait3A_946, %dma_wait3A_947] : memref<256x64xf32, #tpu.memory_space<vmem>> -> memref<16x64xf32, #tpu.memory_space<vmem>>
      %dma_wait3A_949 = arith.constant 0 : i32
      %dma_wait3A_950 = arith.constant 0 : i32
      %dma_wait3A_951 = tpu.memref_slice %arg3[%dma_wait3A_949, %dma_wait3A_950] : memref<1000000x64xf32, #tpu.memory_space<hbm>> -> memref<1000000x64xf32, #tpu.memory_space<hbm>>
      tpu.wait_indirect_dma semaphore(%arg13 : memref<!tpu.dma_semaphore, #tpu.memory_space<semaphore_mem>>) src(%dma_wait3A_951 : memref<1000000x64xf32, #tpu.memory_space<hbm>>) dst(%dma_wait3A_948 : memref<16x64xf32, #tpu.memory_space<vmem>>)
      %get3A_952 = arith.constant 0 : i32
      %get3A_953 = arith.index_cast %get3A_952 : i32 to index
      %get3A_954 = arith.constant 0 : index
      %get3A_955 = tpu.vector_load %arg5[%get3A_953, %get3A_954] {strides = array<i32>} : memref<200x128xi32, #tpu.memory_space<vmem>>, vector<16xi32>,
      %dma_wait3A_956 = arith.constant 144 : i32
      %dma_wait3A_957 = arith.constant 0 : i32
      %dma_wait3A_958 = tpu.memref_slice %arg7[%dma_wait3A_956, %dma_wait3A_957] : memref<256x64xf32, #tpu.memory_space<vmem>> -> memref<16x64xf32, #tpu.memory_space<vmem>>
      %dma_wait3A_959 = arith.constant 0 : i32
      %dma_wait3A_960 = arith.constant 0 : i32
      %dma_wait3A_961 = tpu.memref_slice %arg3[%dma_wait3A_959, %dma_wait3A_960] : memref<1000000x64xf32, #tpu.memory_space<hbm>> -> memref<1000000x64xf32, #tpu.memory_space<hbm>>
      tpu.wait_indirect_dma semaphore(%arg13 : memref<!tpu.dma_semaphore, #tpu.memory_space<semaphore_mem>>) src(%dma_wait3A_961 : memref<1000000x64xf32, #tpu.memory_space<hbm>>) dst(%dma_wait3A_958 : memref<16x64xf32, #tpu.memory_space<vmem>>)
      %get3A_962 = arith.constant 0 : i32
      %get3A_963 = arith.index_cast %get3A_962 : i32 to index
      %get3A_964 = arith.constant 0 : index
      %get3A_965 = tpu.vector_load %arg5[%get3A_963, %get3A_964] {strides = array<i32>} : memref<200x128xi32, #tpu.memory_space<vmem>>, vector<16xi32>,
      %dma_wait3A_966 = arith.constant 160 : i32
      %dma_wait3A_967 = arith.constant 0 : i32
      %dma_wait3A_968 = tpu.memref_slice %arg7[%dma_wait3A_966, %dma_wait3A_967] : memref<256x64xf32, #tpu.memory_space<vmem>> -> memref<16x64xf32, #tpu.memory_space<vmem>>
      %dma_wait3A_969 = arith.constant 0 : i32
      %dma_wait3A_970 = arith.constant 0 : i32
      %dma_wait3A_971 = tpu.memref_slice %arg3[%dma_wait3A_969, %dma_wait3A_970] : memref<1000000x64xf32, #tpu.memory_space<hbm>> -> memref<1000000x64xf32, #tpu.memory_space<hbm>>
      tpu.wait_indirect_dma semaphore(%arg13 : memref<!tpu.dma_semaphore, #tpu.memory_space<semaphore_mem>>) src(%dma_wait3A_971 : memref<1000000x64xf32, #tpu.memory_space<hbm>>) dst(%dma_wait3A_968 : memref<16x64xf32, #tpu.memory_space<vmem>>)
      %get3A_972 = arith.constant 0 : i32
      %get3A_973 = arith.index_cast %get3A_972 : i32 to index
      %get3A_974 = arith.constant 0 : index
      %get3A_975 = tpu.vector_load %arg5[%get3A_973, %get3A_974] {strides = array<i32>} : memref<200x128xi32, #tpu.memory_space<vmem>>, vector<16xi32>,
      %dma_wait3A_976 = arith.constant 176 : i32
      %dma_wait3A_977 = arith.constant 0 : i32
      %dma_wait3A_978 = tpu.memref_slice %arg7[%dma_wait3A_976, %dma_wait3A_977] : memref<256x64xf32, #tpu.memory_space<vmem>> -> memref<16x64xf32, #tpu.memory_space<vmem>>
      %dma_wait3A_979 = arith.constant 0 : i32
      %dma_wait3A_980 = arith.constant 0 : i32
      %dma_wait3A_981 = tpu.memref_slice %arg3[%dma_wait3A_979, %dma_wait3A_980] : memref<1000000x64xf32, #tpu.memory_space<hbm>> -> memref<1000000x64xf32, #tpu.memory_space<hbm>>
      tpu.wait_indirect_dma semaphore(%arg13 : memref<!tpu.dma_semaphore, #tpu.memory_space<semaphore_mem>>) src(%dma_wait3A_981 : memref<1000000x64xf32, #tpu.memory_space<hbm>>) dst(%dma_wait3A_978 : memref<16x64xf32, #tpu.memory_space<vmem>>)
      %get3A_982 = arith.constant 0 : i32
      %get3A_983 = arith.index_cast %get3A_982 : i32 to index
      %get3A_984 = arith.constant 0 : index
      %get3A_985 = tpu.vector_load %arg5[%get3A_983, %get3A_984] {strides = array<i32>} : memref<200x128xi32, #tpu.memory_space<vmem>>, vector<16xi32>,
      %dma_wait3A_986 = arith.constant 192 : i32
      %dma_wait3A_987 = arith.constant 0 : i32
      %dma_wait3A_988 = tpu.memref_slice %arg7[%dma_wait3A_986, %dma_wait3A_987] : memref<256x64xf32, #tpu.memory_space<vmem>> -> memref<16x64xf32, #tpu.memory_space<vmem>>
      %dma_wait3A_989 = arith.constant 0 : i32
      %dma_wait3A_990 = arith.constant 0 : i32
      %dma_wait3A_991 = tpu.memref_slice %arg3[%dma_wait3A_989, %dma_wait3A_990] : memref<1000000x64xf32, #tpu.memory_space<hbm>> -> memref<1000000x64xf32, #tpu.memory_space<hbm>>
      tpu.wait_indirect_dma semaphore(%arg13 : memref<!tpu.dma_semaphore, #tpu.memory_space<semaphore_mem>>) src(%dma_wait3A_991 : memref<1000000x64xf32, #tpu.memory_space<hbm>>) dst(%dma_wait3A_988 : memref<16x64xf32, #tpu.memory_space<vmem>>)
      %get3A_992 = arith.constant 0 : i32
      %get3A_993 = arith.index_cast %get3A_992 : i32 to index
      %get3A_994 = arith.constant 0 : index
      %get3A_995 = tpu.vector_load %arg5[%get3A_993, %get3A_994] {strides = array<i32>} : memref<200x128xi32, #tpu.memory_space<vmem>>, vector<16xi32>,
      %dma_wait3A_996 = arith.constant 208 : i32
      %dma_wait3A_997 = arith.constant 0 : i32
      %dma_wait3A_998 = tpu.memref_slice %arg7[%dma_wait3A_996, %dma_wait3A_997] : memref<256x64xf32, #tpu.memory_space<vmem>> -> memref<16x64xf32, #tpu.memory_space<vmem>>
      %dma_wait3A_999 = arith.constant 0 : i32
      %dma_wait3A_1000 = arith.constant 0 : i32
      %dma_wait3A_1001 = tpu.memref_slice %arg3[%dma_wait3A_999, %dma_wait3A_1000] : memref<1000000x64xf32, #tpu.memory_space<hbm>> -> memref<1000000x64xf32, #tpu.memory_space<hbm>>
      tpu.wait_indirect_dma semaphore(%arg13 : memref<!tpu.dma_semaphore, #tpu.memory_space<semaphore_mem>>) src(%dma_wait3A_1001 : memref<1000000x64xf32, #tpu.memory_space<hbm>>) dst(%dma_wait3A_998 : memref<16x64xf32, #tpu.memory_space<vmem>>)
      %get3A_1002 = arith.constant 0 : i32
      %get3A_1003 = arith.index_cast %get3A_1002 : i32 to index
      %get3A_1004 = arith.constant 0 : index
      %get3A_1005 = tpu.vector_load %arg5[%get3A_1003, %get3A_1004] {strides = array<i32>} : memref<200x128xi32, #tpu.memory_space<vmem>>, vector<16xi32>,
      %dma_wait3A_1006 = arith.constant 224 : i32
      %dma_wait3A_1007 = arith.constant 0 : i32
      %dma_wait3A_1008 = tpu.memref_slice %arg7[%dma_wait3A_1006, %dma_wait3A_1007] : memref<256x64xf32, #tpu.memory_space<vmem>> -> memref<16x64xf32, #tpu.memory_space<vmem>>
      %dma_wait3A_1009 = arith.constant 0 : i32
      %dma_wait3A_1010 = arith.constant 0 : i32
      %dma_wait3A_1011 = tpu.memref_slice %arg3[%dma_wait3A_1009, %dma_wait3A_1010] : memref<1000000x64xf32, #tpu.memory_space<hbm>> -> memref<1000000x64xf32, #tpu.memory_space<hbm>>
      tpu.wait_indirect_dma semaphore(%arg13 : memref<!tpu.dma_semaphore, #tpu.memory_space<semaphore_mem>>) src(%dma_wait3A_1011 : memref<1000000x64xf32, #tpu.memory_space<hbm>>) dst(%dma_wait3A_1008 : memref<16x64xf32, #tpu.memory_space<vmem>>)
      %get3A_1012 = arith.constant 0 : i32
      %get3A_1013 = arith.index_cast %get3A_1012 : i32 to index
      %get3A_1014 = arith.constant 0 : index
      %get3A_1015 = tpu.vector_load %arg5[%get3A_1013, %get3A_1014] {strides = array<i32>} : memref<200x128xi32, #tpu.memory_space<vmem>>, vector<16xi32>,
      %dma_wait3A_1016 = arith.constant 240 : i32
      %dma_wait3A_1017 = arith.constant 0 : i32
      %dma_wait3A_1018 = tpu.memref_slice %arg7[%dma_wait3A_1016, %dma_wait3A_1017] : memref<256x64xf32, #tpu.memory_space<vmem>> -> memref<16x64xf32, #tpu.memory_space<vmem>>
      %dma_wait3A_1019 = arith.constant 0 : i32
      %dma_wait3A_1020 = arith.constant 0 : i32
      %dma_wait3A_1021 = tpu.memref_slice %arg3[%dma_wait3A_1019, %dma_wait3A_1020] : memref<1000000x64xf32, #tpu.memory_space<hbm>> -> memref<1000000x64xf32, #tpu.memory_space<hbm>>
      tpu.wait_indirect_dma semaphore(%arg13 : memref<!tpu.dma_semaphore, #tpu.memory_space<semaphore_mem>>) src(%dma_wait3A_1021 : memref<1000000x64xf32, #tpu.memory_space<hbm>>) dst(%dma_wait3A_1018 : memref<16x64xf32, #tpu.memory_space<vmem>>)
      %add3A_1022 = arith.constant 4 : i32
      %add3A_1023 = arith.addi %add3A_861, %add3A_1022 : i32
      %sub3A_1024 = arith.constant 1 : i32
      %sub3A_1025 = arith.subi %add3A_1023, %sub3A_1024 : i32
      %lt3A_1026 = arith.constant 100 : i32
      %lt3A_1027 = arith.cmpi slt, %sub3A_1025, %lt3A_1026 : i32
      %convert_element_type3A_1028 = arith.extui %lt3A_1027 : i1 to i32
      %cond3A_1029 = arith.constant 0 : i32
      %cond3A_1030 = arith.cmpi ne, %convert_element_type3A_1028, %cond3A_1029 : i32
      scf.if %cond3A_1030 {
        %add3A_1629 = arith.constant 4 : i32
        %add3A_1630 = arith.addi %add3A_861, %add3A_1629 : i32
        %sub3A_1631 = arith.constant 1 : i32
        %sub3A_1632 = arith.subi %add3A_1630, %sub3A_1631 : i32
        %mul3A_1633 = arith.constant 2 : i32
        %mul3A_1634 = arith.muli %sub3A_1632, %mul3A_1633 : i32
        %add3A_1635 = arith.constant 0 : i32
        %add3A_1636 = arith.addi %mul3A_1634, %add3A_1635 : i32
        %get3A_1637 = arith.index_cast %add3A_1636 : i32 to index
        %get3A_1638 = arith.constant 0 : index
        %get3A_1639 = tpu.vector_load %arg5[%get3A_1637, %get3A_1638] {strides = array<i32>} : memref<200x128xi32, #tpu.memory_space<vmem>>, vector<16xi32>,
        %dma_start3A_1640 = arith.constant 0 : i32
        %dma_start3A_1641 = arith.constant 0 : i32
        %dma_start3A_1642 = tpu.memref_slice %arg6[%dma_start3A_1640, %dma_start3A_1641] : memref<256x64xf32, #tpu.memory_space<vmem>> -> memref<16x64xf32, #tpu.memory_space<vmem>>
        %dma_start3A_1643 = arith.constant 0 : i32
        %dma_start3A_1644 = arith.constant 0 : i32
        %dma_start3A_1645 = tpu.memref_slice %arg3[%dma_start3A_1643, %dma_start3A_1644] : memref<1000000x64xf32, #tpu.memory_space<hbm>> -> memref<1000000x64xf32, #tpu.memory_space<hbm>>
        tpu.enqueue_indirect_dma source(%dma_start3A_1645 : memref<1000000x64xf32, #tpu.memory_space<hbm>>) target(%dma_start3A_1642 : memref<16x64xf32, #tpu.memory_space<vmem>>) offsets(%get3A_1639 : vector<16xi32>) semaphore(%arg12 : memref<!tpu.dma_semaphore, #tpu.memory_space<semaphore_mem>>)
        %mul3A_1646 = arith.constant 2 : i32
        %mul3A_1647 = arith.muli %sub3A_1632, %mul3A_1646 : i32
        %add3A_1648 = arith.constant 0 : i32
        %add3A_1649 = arith.addi %mul3A_1647, %add3A_1648 : i32
        %get3A_1650 = arith.index_cast %add3A_1649 : i32 to index
        %get3A_1651 = arith.constant 16 : index
        %get3A_1652 = tpu.vector_load %arg5[%get3A_1650, %get3A_1651] {strides = array<i32>} : memref<200x128xi32, #tpu.memory_space<vmem>>, vector<16xi32>,
        %dma_start3A_1653 = arith.constant 16 : i32
        %dma_start3A_1654 = arith.constant 0 : i32
        %dma_start3A_1655 = tpu.memref_slice %arg6[%dma_start3A_1653, %dma_start3A_1654] : memref<256x64xf32, #tpu.memory_space<vmem>> -> memref<16x64xf32, #tpu.memory_space<vmem>>
        %dma_start3A_1656 = arith.constant 0 : i32
        %dma_start3A_1657 = arith.constant 0 : i32
        %dma_start3A_1658 = tpu.memref_slice %arg3[%dma_start3A_1656, %dma_start3A_1657] : memref<1000000x64xf32, #tpu.memory_space<hbm>> -> memref<1000000x64xf32, #tpu.memory_space<hbm>>
        tpu.enqueue_indirect_dma source(%dma_start3A_1658 : memref<1000000x64xf32, #tpu.memory_space<hbm>>) target(%dma_start3A_1655 : memref<16x64xf32, #tpu.memory_space<vmem>>) offsets(%get3A_1652 : vector<16xi32>) semaphore(%arg12 : memref<!tpu.dma_semaphore, #tpu.memory_space<semaphore_mem>>)
        %mul3A_1659 = arith.constant 2 : i32
        %mul3A_1660 = arith.muli %sub3A_1632, %mul3A_1659 : i32
        %add3A_1661 = arith.constant 0 : i32
        %add3A_1662 = arith.addi %mul3A_1660, %add3A_1661 : i32
        %get3A_1663 = arith.index_cast %add3A_1662 : i32 to index
        %get3A_1664 = arith.constant 32 : index
        %get3A_1665 = tpu.vector_load %arg5[%get3A_1663, %get3A_1664] {strides = array<i32>} : memref<200x128xi32, #tpu.memory_space<vmem>>, vector<16xi32>,
        %dma_start3A_1666 = arith.constant 32 : i32
        %dma_start3A_1667 = arith.constant 0 : i32
        %dma_start3A_1668 = tpu.memref_slice %arg6[%dma_start3A_1666, %dma_start3A_1667] : memref<256x64xf32, #tpu.memory_space<vmem>> -> memref<16x64xf32, #tpu.memory_space<vmem>>
        %dma_start3A_1669 = arith.constant 0 : i32
        %dma_start3A_1670 = arith.constant 0 : i32
        %dma_start3A_1671 = tpu.memref_slice %arg3[%dma_start3A_1669, %dma_start3A_1670] : memref<1000000x64xf32, #tpu.memory_space<hbm>> -> memref<1000000x64xf32, #tpu.memory_space<hbm>>
        tpu.enqueue_indirect_dma source(%dma_start3A_1671 : memref<1000000x64xf32, #tpu.memory_space<hbm>>) target(%dma_start3A_1668 : memref<16x64xf32, #tpu.memory_space<vmem>>) offsets(%get3A_1665 : vector<16xi32>) semaphore(%arg12 : memref<!tpu.dma_semaphore, #tpu.memory_space<semaphore_mem>>)
        %mul3A_1672 = arith.constant 2 : i32
        %mul3A_1673 = arith.muli %sub3A_1632, %mul3A_1672 : i32
        %add3A_1674 = arith.constant 0 : i32
        %add3A_1675 = arith.addi %mul3A_1673, %add3A_1674 : i32
        %get3A_1676 = arith.index_cast %add3A_1675 : i32 to index
        %get3A_1677 = arith.constant 48 : index
        %get3A_1678 = tpu.vector_load %arg5[%get3A_1676, %get3A_1677] {strides = array<i32>} : memref<200x128xi32, #tpu.memory_space<vmem>>, vector<16xi32>,
        %dma_start3A_1679 = arith.constant 48 : i32
        %dma_start3A_1680 = arith.constant 0 : i32
        %dma_start3A_1681 = tpu.memref_slice %arg6[%dma_start3A_1679, %dma_start3A_1680] : memref<256x64xf32, #tpu.memory_space<vmem>> -> memref<16x64xf32, #tpu.memory_space<vmem>>
        %dma_start3A_1682 = arith.constant 0 : i32
        %dma_start3A_1683 = arith.constant 0 : i32
        %dma_start3A_1684 = tpu.memref_slice %arg3[%dma_start3A_1682, %dma_start3A_1683] : memref<1000000x64xf32, #tpu.memory_space<hbm>> -> memref<1000000x64xf32, #tpu.memory_space<hbm>>
        tpu.enqueue_indirect_dma source(%dma_start3A_1684 : memref<1000000x64xf32, #tpu.memory_space<hbm>>) target(%dma_start3A_1681 : memref<16x64xf32, #tpu.memory_space<vmem>>) offsets(%get3A_1678 : vector<16xi32>) semaphore(%arg12 : memref<!tpu.dma_semaphore, #tpu.memory_space<semaphore_mem>>)
        %mul3A_1685 = arith.constant 2 : i32
        %mul3A_1686 = arith.muli %sub3A_1632, %mul3A_1685 : i32
        %add3A_1687 = arith.constant 0 : i32
        %add3A_1688 = arith.addi %mul3A_1686, %add3A_1687 : i32
        %get3A_1689 = arith.index_cast %add3A_1688 : i32 to index
        %get3A_1690 = arith.constant 64 : index
        %get3A_1691 = tpu.vector_load %arg5[%get3A_1689, %get3A_1690] {strides = array<i32>} : memref<200x128xi32, #tpu.memory_space<vmem>>, vector<16xi32>,
        %dma_start3A_1692 = arith.constant 64 : i32
        %dma_start3A_1693 = arith.constant 0 : i32
        %dma_start3A_1694 = tpu.memref_slice %arg6[%dma_start3A_1692, %dma_start3A_1693] : memref<256x64xf32, #tpu.memory_space<vmem>> -> memref<16x64xf32, #tpu.memory_space<vmem>>
        %dma_start3A_1695 = arith.constant 0 : i32
        %dma_start3A_1696 = arith.constant 0 : i32
        %dma_start3A_1697 = tpu.memref_slice %arg3[%dma_start3A_1695, %dma_start3A_1696] : memref<1000000x64xf32, #tpu.memory_space<hbm>> -> memref<1000000x64xf32, #tpu.memory_space<hbm>>
        tpu.enqueue_indirect_dma source(%dma_start3A_1697 : memref<1000000x64xf32, #tpu.memory_space<hbm>>) target(%dma_start3A_1694 : memref<16x64xf32, #tpu.memory_space<vmem>>) offsets(%get3A_1691 : vector<16xi32>) semaphore(%arg12 : memref<!tpu.dma_semaphore, #tpu.memory_space<semaphore_mem>>)
        %mul3A_1698 = arith.constant 2 : i32
        %mul3A_1699 = arith.muli %sub3A_1632, %mul3A_1698 : i32
        %add3A_1700 = arith.constant 0 : i32
        %add3A_1701 = arith.addi %mul3A_1699, %add3A_1700 : i32
        %get3A_1702 = arith.index_cast %add3A_1701 : i32 to index
        %get3A_1703 = arith.constant 80 : index
        %get3A_1704 = tpu.vector_load %arg5[%get3A_1702, %get3A_1703] {strides = array<i32>} : memref<200x128xi32, #tpu.memory_space<vmem>>, vector<16xi32>,
        %dma_start3A_1705 = arith.constant 80 : i32
        %dma_start3A_1706 = arith.constant 0 : i32
        %dma_start3A_1707 = tpu.memref_slice %arg6[%dma_start3A_1705, %dma_start3A_1706] : memref<256x64xf32, #tpu.memory_space<vmem>> -> memref<16x64xf32, #tpu.memory_space<vmem>>
        %dma_start3A_1708 = arith.constant 0 : i32
        %dma_start3A_1709 = arith.constant 0 : i32
        %dma_start3A_1710 = tpu.memref_slice %arg3[%dma_start3A_1708, %dma_start3A_1709] : memref<1000000x64xf32, #tpu.memory_space<hbm>> -> memref<1000000x64xf32, #tpu.memory_space<hbm>>
        tpu.enqueue_indirect_dma source(%dma_start3A_1710 : memref<1000000x64xf32, #tpu.memory_space<hbm>>) target(%dma_start3A_1707 : memref<16x64xf32, #tpu.memory_space<vmem>>) offsets(%get3A_1704 : vector<16xi32>) semaphore(%arg12 : memref<!tpu.dma_semaphore, #tpu.memory_space<semaphore_mem>>)
        %mul3A_1711 = arith.constant 2 : i32
        %mul3A_1712 = arith.muli %sub3A_1632, %mul3A_1711 : i32
        %add3A_1713 = arith.constant 0 : i32
        %add3A_1714 = arith.addi %mul3A_1712, %add3A_1713 : i32
        %get3A_1715 = arith.index_cast %add3A_1714 : i32 to index
        %get3A_1716 = arith.constant 96 : index
        %get3A_1717 = tpu.vector_load %arg5[%get3A_1715, %get3A_1716] {strides = array<i32>} : memref<200x128xi32, #tpu.memory_space<vmem>>, vector<16xi32>,
        %dma_start3A_1718 = arith.constant 96 : i32
        %dma_start3A_1719 = arith.constant 0 : i32
        %dma_start3A_1720 = tpu.memref_slice %arg6[%dma_start3A_1718, %dma_start3A_1719] : memref<256x64xf32, #tpu.memory_space<vmem>> -> memref<16x64xf32, #tpu.memory_space<vmem>>
        %dma_start3A_1721 = arith.constant 0 : i32
        %dma_start3A_1722 = arith.constant 0 : i32
        %dma_start3A_1723 = tpu.memref_slice %arg3[%dma_start3A_1721, %dma_start3A_1722] : memref<1000000x64xf32, #tpu.memory_space<hbm>> -> memref<1000000x64xf32, #tpu.memory_space<hbm>>
        tpu.enqueue_indirect_dma source(%dma_start3A_1723 : memref<1000000x64xf32, #tpu.memory_space<hbm>>) target(%dma_start3A_1720 : memref<16x64xf32, #tpu.memory_space<vmem>>) offsets(%get3A_1717 : vector<16xi32>) semaphore(%arg12 : memref<!tpu.dma_semaphore, #tpu.memory_space<semaphore_mem>>)
        %mul3A_1724 = arith.constant 2 : i32
        %mul3A_1725 = arith.muli %sub3A_1632, %mul3A_1724 : i32
        %add3A_1726 = arith.constant 0 : i32
        %add3A_1727 = arith.addi %mul3A_1725, %add3A_1726 : i32
        %get3A_1728 = arith.index_cast %add3A_1727 : i32 to index
        %get3A_1729 = arith.constant 112 : index
        %get3A_1730 = tpu.vector_load %arg5[%get3A_1728, %get3A_1729] {strides = array<i32>} : memref<200x128xi32, #tpu.memory_space<vmem>>, vector<16xi32>,
        %dma_start3A_1731 = arith.constant 112 : i32
        %dma_start3A_1732 = arith.constant 0 : i32
        %dma_start3A_1733 = tpu.memref_slice %arg6[%dma_start3A_1731, %dma_start3A_1732] : memref<256x64xf32, #tpu.memory_space<vmem>> -> memref<16x64xf32, #tpu.memory_space<vmem>>
        %dma_start3A_1734 = arith.constant 0 : i32
        %dma_start3A_1735 = arith.constant 0 : i32
        %dma_start3A_1736 = tpu.memref_slice %arg3[%dma_start3A_1734, %dma_start3A_1735] : memref<1000000x64xf32, #tpu.memory_space<hbm>> -> memref<1000000x64xf32, #tpu.memory_space<hbm>>
        tpu.enqueue_indirect_dma source(%dma_start3A_1736 : memref<1000000x64xf32, #tpu.memory_space<hbm>>) target(%dma_start3A_1733 : memref<16x64xf32, #tpu.memory_space<vmem>>) offsets(%get3A_1730 : vector<16xi32>) semaphore(%arg12 : memref<!tpu.dma_semaphore, #tpu.memory_space<semaphore_mem>>)
        %mul3A_1737 = arith.constant 2 : i32
        %mul3A_1738 = arith.muli %sub3A_1632, %mul3A_1737 : i32
        %add3A_1739 = arith.constant 1 : i32
        %add3A_1740 = arith.addi %mul3A_1738, %add3A_1739 : i32
        %get3A_1741 = arith.index_cast %add3A_1740 : i32 to index
        %get3A_1742 = arith.constant 0 : index
        %get3A_1743 = tpu.vector_load %arg5[%get3A_1741, %get3A_1742] {strides = array<i32>} : memref<200x128xi32, #tpu.memory_space<vmem>>, vector<16xi32>,
        %dma_start3A_1744 = arith.constant 128 : i32
        %dma_start3A_1745 = arith.constant 0 : i32
        %dma_start3A_1746 = tpu.memref_slice %arg6[%dma_start3A_1744, %dma_start3A_1745] : memref<256x64xf32, #tpu.memory_space<vmem>> -> memref<16x64xf32, #tpu.memory_space<vmem>>
        %dma_start3A_1747 = arith.constant 0 : i32
        %dma_start3A_1748 = arith.constant 0 : i32
        %dma_start3A_1749 = tpu.memref_slice %arg3[%dma_start3A_1747, %dma_start3A_1748] : memref<1000000x64xf32, #tpu.memory_space<hbm>> -> memref<1000000x64xf32, #tpu.memory_space<hbm>>
        tpu.enqueue_indirect_dma source(%dma_start3A_1749 : memref<1000000x64xf32, #tpu.memory_space<hbm>>) target(%dma_start3A_1746 : memref<16x64xf32, #tpu.memory_space<vmem>>) offsets(%get3A_1743 : vector<16xi32>) semaphore(%arg12 : memref<!tpu.dma_semaphore, #tpu.memory_space<semaphore_mem>>)
        %mul3A_1750 = arith.constant 2 : i32
        %mul3A_1751 = arith.muli %sub3A_1632, %mul3A_1750 : i32
        %add3A_1752 = arith.constant 1 : i32
        %add3A_1753 = arith.addi %mul3A_1751, %add3A_1752 : i32
        %get3A_1754 = arith.index_cast %add3A_1753 : i32 to index
        %get3A_1755 = arith.constant 16 : index
        %get3A_1756 = tpu.vector_load %arg5[%get3A_1754, %get3A_1755] {strides = array<i32>} : memref<200x128xi32, #tpu.memory_space<vmem>>, vector<16xi32>,
        %dma_start3A_1757 = arith.constant 144 : i32
        %dma_start3A_1758 = arith.constant 0 : i32
        %dma_start3A_1759 = tpu.memref_slice %arg6[%dma_start3A_1757, %dma_start3A_1758] : memref<256x64xf32, #tpu.memory_space<vmem>> -> memref<16x64xf32, #tpu.memory_space<vmem>>
        %dma_start3A_1760 = arith.constant 0 : i32
        %dma_start3A_1761 = arith.constant 0 : i32
        %dma_start3A_1762 = tpu.memref_slice %arg3[%dma_start3A_1760, %dma_start3A_1761] : memref<1000000x64xf32, #tpu.memory_space<hbm>> -> memref<1000000x64xf32, #tpu.memory_space<hbm>>
        tpu.enqueue_indirect_dma source(%dma_start3A_1762 : memref<1000000x64xf32, #tpu.memory_space<hbm>>) target(%dma_start3A_1759 : memref<16x64xf32, #tpu.memory_space<vmem>>) offsets(%get3A_1756 : vector<16xi32>) semaphore(%arg12 : memref<!tpu.dma_semaphore, #tpu.memory_space<semaphore_mem>>)
        %mul3A_1763 = arith.constant 2 : i32
        %mul3A_1764 = arith.muli %sub3A_1632, %mul3A_1763 : i32
        %add3A_1765 = arith.constant 1 : i32
        %add3A_1766 = arith.addi %mul3A_1764, %add3A_1765 : i32
        %get3A_1767 = arith.index_cast %add3A_1766 : i32 to index
        %get3A_1768 = arith.constant 32 : index
        %get3A_1769 = tpu.vector_load %arg5[%get3A_1767, %get3A_1768] {strides = array<i32>} : memref<200x128xi32, #tpu.memory_space<vmem>>, vector<16xi32>,
        %dma_start3A_1770 = arith.constant 160 : i32
        %dma_start3A_1771 = arith.constant 0 : i32
        %dma_start3A_1772 = tpu.memref_slice %arg6[%dma_start3A_1770, %dma_start3A_1771] : memref<256x64xf32, #tpu.memory_space<vmem>> -> memref<16x64xf32, #tpu.memory_space<vmem>>
        %dma_start3A_1773 = arith.constant 0 : i32
        %dma_start3A_1774 = arith.constant 0 : i32
        %dma_start3A_1775 = tpu.memref_slice %arg3[%dma_start3A_1773, %dma_start3A_1774] : memref<1000000x64xf32, #tpu.memory_space<hbm>> -> memref<1000000x64xf32, #tpu.memory_space<hbm>>
        tpu.enqueue_indirect_dma source(%dma_start3A_1775 : memref<1000000x64xf32, #tpu.memory_space<hbm>>) target(%dma_start3A_1772 : memref<16x64xf32, #tpu.memory_space<vmem>>) offsets(%get3A_1769 : vector<16xi32>) semaphore(%arg12 : memref<!tpu.dma_semaphore, #tpu.memory_space<semaphore_mem>>)
        %mul3A_1776 = arith.constant 2 : i32
        %mul3A_1777 = arith.muli %sub3A_1632, %mul3A_1776 : i32
        %add3A_1778 = arith.constant 1 : i32
        %add3A_1779 = arith.addi %mul3A_1777, %add3A_1778 : i32
        %get3A_1780 = arith.index_cast %add3A_1779 : i32 to index
        %get3A_1781 = arith.constant 48 : index
        %get3A_1782 = tpu.vector_load %arg5[%get3A_1780, %get3A_1781] {strides = array<i32>} : memref<200x128xi32, #tpu.memory_space<vmem>>, vector<16xi32>,
        %dma_start3A_1783 = arith.constant 176 : i32
        %dma_start3A_1784 = arith.constant 0 : i32
        %dma_start3A_1785 = tpu.memref_slice %arg6[%dma_start3A_1783, %dma_start3A_1784] : memref<256x64xf32, #tpu.memory_space<vmem>> -> memref<16x64xf32, #tpu.memory_space<vmem>>
        %dma_start3A_1786 = arith.constant 0 : i32
        %dma_start3A_1787 = arith.constant 0 : i32
        %dma_start3A_1788 = tpu.memref_slice %arg3[%dma_start3A_1786, %dma_start3A_1787] : memref<1000000x64xf32, #tpu.memory_space<hbm>> -> memref<1000000x64xf32, #tpu.memory_space<hbm>>
        tpu.enqueue_indirect_dma source(%dma_start3A_1788 : memref<1000000x64xf32, #tpu.memory_space<hbm>>) target(%dma_start3A_1785 : memref<16x64xf32, #tpu.memory_space<vmem>>) offsets(%get3A_1782 : vector<16xi32>) semaphore(%arg12 : memref<!tpu.dma_semaphore, #tpu.memory_space<semaphore_mem>>)
        %mul3A_1789 = arith.constant 2 : i32
        %mul3A_1790 = arith.muli %sub3A_1632, %mul3A_1789 : i32
        %add3A_1791 = arith.constant 1 : i32
        %add3A_1792 = arith.addi %mul3A_1790, %add3A_1791 : i32
        %get3A_1793 = arith.index_cast %add3A_1792 : i32 to index
        %get3A_1794 = arith.constant 64 : index
        %get3A_1795 = tpu.vector_load %arg5[%get3A_1793, %get3A_1794] {strides = array<i32>} : memref<200x128xi32, #tpu.memory_space<vmem>>, vector<16xi32>,
        %dma_start3A_1796 = arith.constant 192 : i32
        %dma_start3A_1797 = arith.constant 0 : i32
        %dma_start3A_1798 = tpu.memref_slice %arg6[%dma_start3A_1796, %dma_start3A_1797] : memref<256x64xf32, #tpu.memory_space<vmem>> -> memref<16x64xf32, #tpu.memory_space<vmem>>
        %dma_start3A_1799 = arith.constant 0 : i32
        %dma_start3A_1800 = arith.constant 0 : i32
        %dma_start3A_1801 = tpu.memref_slice %arg3[%dma_start3A_1799, %dma_start3A_1800] : memref<1000000x64xf32, #tpu.memory_space<hbm>> -> memref<1000000x64xf32, #tpu.memory_space<hbm>>
        tpu.enqueue_indirect_dma source(%dma_start3A_1801 : memref<1000000x64xf32, #tpu.memory_space<hbm>>) target(%dma_start3A_1798 : memref<16x64xf32, #tpu.memory_space<vmem>>) offsets(%get3A_1795 : vector<16xi32>) semaphore(%arg12 : memref<!tpu.dma_semaphore, #tpu.memory_space<semaphore_mem>>)
        %mul3A_1802 = arith.constant 2 : i32
        %mul3A_1803 = arith.muli %sub3A_1632, %mul3A_1802 : i32
        %add3A_1804 = arith.constant 1 : i32
        %add3A_1805 = arith.addi %mul3A_1803, %add3A_1804 : i32
        %get3A_1806 = arith.index_cast %add3A_1805 : i32 to index
        %get3A_1807 = arith.constant 80 : index
        %get3A_1808 = tpu.vector_load %arg5[%get3A_1806, %get3A_1807] {strides = array<i32>} : memref<200x128xi32, #tpu.memory_space<vmem>>, vector<16xi32>,
        %dma_start3A_1809 = arith.constant 208 : i32
        %dma_start3A_1810 = arith.constant 0 : i32
        %dma_start3A_1811 = tpu.memref_slice %arg6[%dma_start3A_1809, %dma_start3A_1810] : memref<256x64xf32, #tpu.memory_space<vmem>> -> memref<16x64xf32, #tpu.memory_space<vmem>>
        %dma_start3A_1812 = arith.constant 0 : i32
        %dma_start3A_1813 = arith.constant 0 : i32
        %dma_start3A_1814 = tpu.memref_slice %arg3[%dma_start3A_1812, %dma_start3A_1813] : memref<1000000x64xf32, #tpu.memory_space<hbm>> -> memref<1000000x64xf32, #tpu.memory_space<hbm>>
        tpu.enqueue_indirect_dma source(%dma_start3A_1814 : memref<1000000x64xf32, #tpu.memory_space<hbm>>) target(%dma_start3A_1811 : memref<16x64xf32, #tpu.memory_space<vmem>>) offsets(%get3A_1808 : vector<16xi32>) semaphore(%arg12 : memref<!tpu.dma_semaphore, #tpu.memory_space<semaphore_mem>>)
        %mul3A_1815 = arith.constant 2 : i32
        %mul3A_1816 = arith.muli %sub3A_1632, %mul3A_1815 : i32
        %add3A_1817 = arith.constant 1 : i32
        %add3A_1818 = arith.addi %mul3A_1816, %add3A_1817 : i32
        %get3A_1819 = arith.index_cast %add3A_1818 : i32 to index
        %get3A_1820 = arith.constant 96 : index
        %get3A_1821 = tpu.vector_load %arg5[%get3A_1819, %get3A_1820] {strides = array<i32>} : memref<200x128xi32, #tpu.memory_space<vmem>>, vector<16xi32>,
        %dma_start3A_1822 = arith.constant 224 : i32
        %dma_start3A_1823 = arith.constant 0 : i32
        %dma_start3A_1824 = tpu.memref_slice %arg6[%dma_start3A_1822, %dma_start3A_1823] : memref<256x64xf32, #tpu.memory_space<vmem>> -> memref<16x64xf32, #tpu.memory_space<vmem>>
        %dma_start3A_1825 = arith.constant 0 : i32
        %dma_start3A_1826 = arith.constant 0 : i32
        %dma_start3A_1827 = tpu.memref_slice %arg3[%dma_start3A_1825, %dma_start3A_1826] : memref<1000000x64xf32, #tpu.memory_space<hbm>> -> memref<1000000x64xf32, #tpu.memory_space<hbm>>
        tpu.enqueue_indirect_dma source(%dma_start3A_1827 : memref<1000000x64xf32, #tpu.memory_space<hbm>>) target(%dma_start3A_1824 : memref<16x64xf32, #tpu.memory_space<vmem>>) offsets(%get3A_1821 : vector<16xi32>) semaphore(%arg12 : memref<!tpu.dma_semaphore, #tpu.memory_space<semaphore_mem>>)
        %mul3A_1828 = arith.constant 2 : i32
        %mul3A_1829 = arith.muli %sub3A_1632, %mul3A_1828 : i32
        %add3A_1830 = arith.constant 1 : i32
        %add3A_1831 = arith.addi %mul3A_1829, %add3A_1830 : i32
        %get3A_1832 = arith.index_cast %add3A_1831 : i32 to index
        %get3A_1833 = arith.constant 112 : index
        %get3A_1834 = tpu.vector_load %arg5[%get3A_1832, %get3A_1833] {strides = array<i32>} : memref<200x128xi32, #tpu.memory_space<vmem>>, vector<16xi32>,
        %dma_start3A_1835 = arith.constant 240 : i32
        %dma_start3A_1836 = arith.constant 0 : i32
        %dma_start3A_1837 = tpu.memref_slice %arg6[%dma_start3A_1835, %dma_start3A_1836] : memref<256x64xf32, #tpu.memory_space<vmem>> -> memref<16x64xf32, #tpu.memory_space<vmem>>
        %dma_start3A_1838 = arith.constant 0 : i32
        %dma_start3A_1839 = arith.constant 0 : i32
        %dma_start3A_1840 = tpu.memref_slice %arg3[%dma_start3A_1838, %dma_start3A_1839] : memref<1000000x64xf32, #tpu.memory_space<hbm>> -> memref<1000000x64xf32, #tpu.memory_space<hbm>>
        tpu.enqueue_indirect_dma source(%dma_start3A_1840 : memref<1000000x64xf32, #tpu.memory_space<hbm>>) target(%dma_start3A_1837 : memref<16x64xf32, #tpu.memory_space<vmem>>) offsets(%get3A_1834 : vector<16xi32>) semaphore(%arg12 : memref<!tpu.dma_semaphore, #tpu.memory_space<semaphore_mem>>)
      } else {
      }
      %ge3A_1031 = arith.constant 2 : i32
      %ge3A_1032 = arith.cmpi sge, %add3A_861, %ge3A_1031 : i32
      %convert_element_type3A_1033 = arith.extui %ge3A_1032 : i1 to i32
      %cond3A_1034 = arith.constant 0 : i32
      %cond3A_1035 = arith.cmpi ne, %convert_element_type3A_1033, %cond3A_1034 : i32
      scf.if %cond3A_1035 {
        %add3A_1629 = arith.addi %mul3A_2, %add3A_861 : i32
        %jit3A_1630 = arith.constant 16 : i32
        %div3A_1631 = arith.divsi %add3A_1629, %jit3A_1630 : i32
        %sign3A_1632 = arith.constant 0 : i32
        %sign3A_1633 = arith.cmpi sgt, %add3A_1629, %sign3A_1632 : i32
        %sign3A_1634 = arith.extui %sign3A_1633 : i1 to i32
        %sign3A_1635 = arith.constant 0 : i32
        %sign3A_1636 = arith.cmpi slt, %add3A_1629, %sign3A_1635 : i32
        %sign3A_1637 = arith.extui %sign3A_1636 : i1 to i32
        %sign3A_1638 = arith.subi %sign3A_1634, %sign3A_1637 : i32
        %sign3A_1639 = arith.constant 0 : i32
        %sign3A_1640 = arith.cmpi sgt, %jit3A_1630, %sign3A_1639 : i32
        %sign3A_1641 = arith.extui %sign3A_1640 : i1 to i32
        %sign3A_1642 = arith.constant 0 : i32
        %sign3A_1643 = arith.cmpi slt, %jit3A_1630, %sign3A_1642 : i32
        %sign3A_1644 = arith.extui %sign3A_1643 : i1 to i32
        %sign3A_1645 = arith.subi %sign3A_1641, %sign3A_1644 : i32
        %ne3A_1646 = arith.cmpi ne, %sign3A_1638, %sign3A_1645 : i32
        %rem3A_1647 = arith.remsi %add3A_1629, %jit3A_1630 : i32
        %ne3A_1648 = arith.constant 0 : i32
        %ne3A_1649 = arith.cmpi ne, %rem3A_1647, %ne3A_1648 : i32
        %and3A_1650 = arith.andi %ne3A_1646, %ne3A_1649 : i1
        %sub3A_1651 = arith.constant 1 : i32
        %sub3A_1652 = arith.subi %div3A_1631, %sub3A_1651 : i32
        %select_n3A_1653 = arith.select %and3A_1650, %sub3A_1652, %div3A_1631 : i32
        %jit3A_1654 = arith.constant 16 : i32
        %eq3A_1655 = arith.constant 0 : i32
        %eq3A_1656 = arith.cmpi eq, %jit3A_1654, %eq3A_1655 : i32
        %jit3A_1657 = arith.constant 1 : i32
        %select_n3A_1658 = arith.select %eq3A_1656, %jit3A_1657, %jit3A_1654 : i32
        %rem3A_1659 = arith.remsi %add3A_1629, %select_n3A_1658 : i32
        %ne3A_1660 = arith.constant 0 : i32
        %ne3A_1661 = arith.cmpi ne, %rem3A_1659, %ne3A_1660 : i32
        %lt3A_1662 = arith.constant 0 : i32
        %lt3A_1663 = arith.cmpi slt, %rem3A_1659, %lt3A_1662 : i32
        %lt3A_1664 = arith.constant 0 : i32
        %lt3A_1665 = arith.cmpi slt, %select_n3A_1658, %lt3A_1664 : i32
        %ne3A_1666 = arith.xori %lt3A_1663, %lt3A_1665 : i1
        %and3A_1667 = arith.andi %ne3A_1666, %ne3A_1661 : i1
        %add3A_1668 = arith.addi %rem3A_1659, %select_n3A_1658 : i32
        %select_n3A_1669 = arith.select %and3A_1667, %add3A_1668, %rem3A_1659 : i32
        %mul3A_1670 = arith.constant 256 : i32
        %mul3A_1671 = arith.muli %select_n3A_1669, %mul3A_1670 : i32
        %dma_wait3A_1672 = arith.constant 0 : i32
        %dma_wait3A_1673 = arith.constant 0 : i32
        %dma_wait3A_1674 = tpu.memref_slice %arg11[%dma_wait3A_1672, %dma_wait3A_1673] : memref<64x257xf32, #tpu.memory_space<vmem>> -> memref<64x256xf32, #tpu.memory_space<vmem>>
        %dma_wait3A_1675 = arith.constant 0 : i32
        %dma_wait3A_1676 = tpu.memref_slice %arg4[%select_n3A_1653, %dma_wait3A_1675, %mul3A_1671] : memref<200x64x4096xf32, #tpu.memory_space<hbm>> -> memref<1x64x256xf32, #tpu.memory_space<hbm>>
        %dma_wait3A_1677 = tpu.memref_squeeze %dma_wait3A_1676 : memref<1x64x256xf32, #tpu.memory_space<hbm>> -> memref<64x256xf32, #tpu.memory_space<hbm>>
        %dma_wait3A_1678 = arith.constant 0 : i32
        %dma_wait3A_1679 = tpu.memref_slice %arg4[%select_n3A_1653, %dma_wait3A_1678, %mul3A_1671] : memref<200x64x4096xf32, #tpu.memory_space<hbm>> -> memref<1x64x256xf32, #tpu.memory_space<hbm>>
        %dma_wait3A_1680 = tpu.memref_squeeze %dma_wait3A_1679 : memref<1x64x256xf32, #tpu.memory_space<hbm>> -> memref<64x256xf32, #tpu.memory_space<hbm>>
        %dma_wait3A_1681 = arith.constant 0 : i32
        %dma_wait3A_1682 = arith.constant 0 : i32
        %dma_wait3A_1683 = tpu.memref_slice %arg11[%dma_wait3A_1681, %dma_wait3A_1682] : memref<64x257xf32, #tpu.memory_space<vmem>> -> memref<64x256xf32, #tpu.memory_space<vmem>>
        tpu.wait_dma2 semaphore(%arg17 : memref<!tpu.dma_semaphore, #tpu.memory_space<semaphore_mem>>) src(%dma_wait3A_1683 : memref<64x256xf32, #tpu.memory_space<vmem>>) dst(%dma_wait3A_1680 : memref<64x256xf32, #tpu.memory_space<hbm>>)
      } else {
      }
      %broadcast_in_dim3A_1036 = arith.constant 0 : i32
      %broadcast_in_dim3A_1037 = vector.broadcast %broadcast_in_dim3A_1036 : i32 to vector<16xi32>
      %get3A_1038 = arith.constant 0 : i32
      %get3A_1039 = arith.index_cast %get3A_1038 : i32 to index
      %get3A_1040 = arith.constant 0 : index
      %get3A_1041 = tpu.vector_load %arg7[%get3A_1039, %get3A_1040] {strides = array<i32>} : memref<256x64xf32, #tpu.memory_space<vmem>>, vector<16xf32>,
      %get3A_1042 = arith.constant 0 : i32
      %get3A_1043 = arith.index_cast %get3A_1042 : i32 to index
      %get3A_1044 = arith.constant 16 : index
      %get3A_1045 = tpu.vector_load %arg7[%get3A_1043, %get3A_1044] {strides = array<i32>} : memref<256x64xf32, #tpu.memory_space<vmem>>, vector<16xf32>,
      %get3A_1046 = arith.constant 0 : i32
      %get3A_1047 = arith.index_cast %get3A_1046 : i32 to index
      %get3A_1048 = arith.constant 32 : index
      %get3A_1049 = tpu.vector_load %arg7[%get3A_1047, %get3A_1048] {strides = array<i32>} : memref<256x64xf32, #tpu.memory_space<vmem>>, vector<16xf32>,
      %get3A_1050 = arith.constant 0 : i32
      %get3A_1051 = arith.index_cast %get3A_1050 : i32 to index
      %get3A_1052 = arith.constant 48 : index
      %get3A_1053 = tpu.vector_load %arg7[%get3A_1051, %get3A_1052] {strides = array<i32>} : memref<256x64xf32, #tpu.memory_space<vmem>>, vector<16xf32>,
      %scan3A_1054 = arith.constant 0 : i32
      %scan3A_1055 = arith.constant 256 : i32
      %scan3A_1056 = arith.addi %scan3A_1054, %scan3A_1055 : i32
      %scan3A_1057 = arith.constant 8 : i32
      %scan3A_1058:5 = scf.for %scan3A_1629 = %scan3A_1054 to %scan3A_1056 step %scan3A_1057 iter_args(%scan3A_1630 = %broadcast_in_dim3A_1037, %scan3A_1631 = %get3A_1041, %scan3A_1632 = %get3A_1045, %scan3A_1633 = %get3A_1049, %scan3A_1634 = %get3A_1053) -> (vector<16xi32>, vector<16xf32>, vector<16xf32>, vector<16xf32>, vector<16xf32>)  : i32 {
        %add3A_1635 = arith.constant 1 : i32
        %add3A_1636 = arith.addi %scan3A_1629, %add3A_1635 : i32
        %min3A = arith.constant 255 : i32
        %min3A_1637 = arith.minsi %add3A_1636, %min3A : i32
        %get3A_1638 = arith.index_cast %min3A_1637 : i32 to index
        %get3A_1639 = arith.constant 0 : index
        %get3A_1640 = tpu.vector_load %arg7[%get3A_1638, %get3A_1639] {strides = array<i32>} : memref<256x64xf32, #tpu.memory_space<vmem>>, vector<16xf32>,
        %get3A_1641 = arith.index_cast %min3A_1637 : i32 to index
        %get3A_1642 = arith.constant 16 : index
        %get3A_1643 = tpu.vector_load %arg7[%get3A_1641, %get3A_1642] {strides = array<i32>} : memref<256x64xf32, #tpu.memory_space<vmem>>, vector<16xf32>,
        %get3A_1644 = arith.index_cast %min3A_1637 : i32 to index
        %get3A_1645 = arith.constant 32 : index
        %get3A_1646 = tpu.vector_load %arg7[%get3A_1644, %get3A_1645] {strides = array<i32>} : memref<256x64xf32, #tpu.memory_space<vmem>>, vector<16xf32>,
        %get3A_1647 = arith.index_cast %min3A_1637 : i32 to index
        %get3A_1648 = arith.constant 48 : index
        %get3A_1649 = tpu.vector_load %arg7[%get3A_1647, %get3A_1648] {strides = array<i32>} : memref<256x64xf32, #tpu.memory_space<vmem>>, vector<16xf32>,
        %mul3A_1650 = arith.constant 8.000000e+00 : f32
        %mul3A_1651 = vector.broadcast %mul3A_1650 : f32 to vector<16xf32>
        %mul3A_1652 = arith.mulf %scan3A_1631, %mul3A_1651 : vector<16xf32>
        tpu.vector_store_idx %arg11[%add3A_5, %scan3A_1630], %mul3A_1652 : memref<64x257xf32, #tpu.memory_space<vmem>>[vector<16xi32>, vector<16xi32>], vector<16xf32>,
        %mul3A_1653 = arith.constant 8.000000e+00 : f32
        %mul3A_1654 = vector.broadcast %mul3A_1653 : f32 to vector<16xf32>
        %mul3A_1655 = arith.mulf %scan3A_1632, %mul3A_1654 : vector<16xf32>
        tpu.vector_store_idx %arg11[%add3A_9, %scan3A_1630], %mul3A_1655 : memref<64x257xf32, #tpu.memory_space<vmem>>[vector<16xi32>, vector<16xi32>], vector<16xf32>,
        %mul3A_1656 = arith.constant 8.000000e+00 : f32
        %mul3A_1657 = vector.broadcast %mul3A_1656 : f32 to vector<16xf32>
        %mul3A_1658 = arith.mulf %scan3A_1633, %mul3A_1657 : vector<16xf32>
        tpu.vector_store_idx %arg11[%add3A_13, %scan3A_1630], %mul3A_1658 : memref<64x257xf32, #tpu.memory_space<vmem>>[vector<16xi32>, vector<16xi32>], vector<16xf32>,
        %mul3A_1659 = arith.constant 8.000000e+00 : f32
        %mul3A_1660 = vector.broadcast %mul3A_1659 : f32 to vector<16xf32>
        %mul3A_1661 = arith.mulf %scan3A_1634, %mul3A_1660 : vector<16xf32>
        tpu.vector_store_idx %arg11[%add3A_17, %scan3A_1630], %mul3A_1661 : memref<64x257xf32, #tpu.memory_space<vmem>>[vector<16xi32>, vector<16xi32>], vector<16xf32>,
        %add3A_1662 = arith.constant 1 : i32
        %add3A_1663 = vector.broadcast %add3A_1662 : i32 to vector<16xi32>
        %add3A_1664 = arith.addi %scan3A_1630, %add3A_1663 : vector<16xi32>
        %scan3A_1665 = arith.constant 1 : i32
        %scan3A_1666 = arith.addi %scan3A_1629, %scan3A_1665 : i32
        %add3A_1667 = arith.constant 1 : i32
        %add3A_1668 = arith.addi %scan3A_1666, %add3A_1667 : i32
        %min3A_1669 = arith.constant 255 : i32
        %min3A_1670 = arith.minsi %add3A_1668, %min3A_1669 : i32
        %get3A_1671 = arith.index_cast %min3A_1670 : i32 to index
        %get3A_1672 = arith.constant 0 : index
        %get3A_1673 = tpu.vector_load %arg7[%get3A_1671, %get3A_1672] {strides = array<i32>} : memref<256x64xf32, #tpu.memory_space<vmem>>, vector<16xf32>,
        %get3A_1674 = arith.index_cast %min3A_1670 : i32 to index
        %get3A_1675 = arith.constant 16 : index
        %get3A_1676 = tpu.vector_load %arg7[%get3A_1674, %get3A_1675] {strides = array<i32>} : memref<256x64xf32, #tpu.memory_space<vmem>>, vector<16xf32>,
        %get3A_1677 = arith.index_cast %min3A_1670 : i32 to index
        %get3A_1678 = arith.constant 32 : index
        %get3A_1679 = tpu.vector_load %arg7[%get3A_1677, %get3A_1678] {strides = array<i32>} : memref<256x64xf32, #tpu.memory_space<vmem>>, vector<16xf32>,
        %get3A_1680 = arith.index_cast %min3A_1670 : i32 to index
        %get3A_1681 = arith.constant 48 : index
        %get3A_1682 = tpu.vector_load %arg7[%get3A_1680, %get3A_1681] {strides = array<i32>} : memref<256x64xf32, #tpu.memory_space<vmem>>, vector<16xf32>,
        %mul3A_1683 = arith.constant 8.000000e+00 : f32
        %mul3A_1684 = vector.broadcast %mul3A_1683 : f32 to vector<16xf32>
        %mul3A_1685 = arith.mulf %get3A_1640, %mul3A_1684 : vector<16xf32>
        tpu.vector_store_idx %arg11[%add3A_5, %add3A_1664], %mul3A_1685 : memref<64x257xf32, #tpu.memory_space<vmem>>[vector<16xi32>, vector<16xi32>], vector<16xf32>,
        %mul3A_1686 = arith.constant 8.000000e+00 : f32
        %mul3A_1687 = vector.broadcast %mul3A_1686 : f32 to vector<16xf32>
        %mul3A_1688 = arith.mulf %get3A_1643, %mul3A_1687 : vector<16xf32>
        tpu.vector_store_idx %arg11[%add3A_9, %add3A_1664], %mul3A_1688 : memref<64x257xf32, #tpu.memory_space<vmem>>[vector<16xi32>, vector<16xi32>], vector<16xf32>,
        %mul3A_1689 = arith.constant 8.000000e+00 : f32
        %mul3A_1690 = vector.broadcast %mul3A_1689 : f32 to vector<16xf32>
        %mul3A_1691 = arith.mulf %get3A_1646, %mul3A_1690 : vector<16xf32>
        tpu.vector_store_idx %arg11[%add3A_13, %add3A_1664], %mul3A_1691 : memref<64x257xf32, #tpu.memory_space<vmem>>[vector<16xi32>, vector<16xi32>], vector<16xf32>,
        %mul3A_1692 = arith.constant 8.000000e+00 : f32
        %mul3A_1693 = vector.broadcast %mul3A_1692 : f32 to vector<16xf32>
        %mul3A_1694 = arith.mulf %get3A_1649, %mul3A_1693 : vector<16xf32>
        tpu.vector_store_idx %arg11[%add3A_17, %add3A_1664], %mul3A_1694 : memref<64x257xf32, #tpu.memory_space<vmem>>[vector<16xi32>, vector<16xi32>], vector<16xf32>,
        %add3A_1695 = arith.constant 1 : i32
        %add3A_1696 = vector.broadcast %add3A_1695 : i32 to vector<16xi32>
        %add3A_1697 = arith.addi %add3A_1664, %add3A_1696 : vector<16xi32>
        %scan3A_1698 = arith.constant 2 : i32
        %scan3A_1699 = arith.addi %scan3A_1629, %scan3A_1698 : i32
        %add3A_1700 = arith.constant 1 : i32
        %add3A_1701 = arith.addi %scan3A_1699, %add3A_1700 : i32
        %min3A_1702 = arith.constant 255 : i32
        %min3A_1703 = arith.minsi %add3A_1701, %min3A_1702 : i32
        %get3A_1704 = arith.index_cast %min3A_1703 : i32 to index
        %get3A_1705 = arith.constant 0 : index
        %get3A_1706 = tpu.vector_load %arg7[%get3A_1704, %get3A_1705] {strides = array<i32>} : memref<256x64xf32, #tpu.memory_space<vmem>>, vector<16xf32>,
        %get3A_1707 = arith.index_cast %min3A_1703 : i32 to index
        %get3A_1708 = arith.constant 16 : index
        %get3A_1709 = tpu.vector_load %arg7[%get3A_1707, %get3A_1708] {strides = array<i32>} : memref<256x64xf32, #tpu.memory_space<vmem>>, vector<16xf32>,
        %get3A_1710 = arith.index_cast %min3A_1703 : i32 to index
        %get3A_1711 = arith.constant 32 : index
        %get3A_1712 = tpu.vector_load %arg7[%get3A_1710, %get3A_1711] {strides = array<i32>} : memref<256x64xf32, #tpu.memory_space<vmem>>, vector<16xf32>,
        %get3A_1713 = arith.index_cast %min3A_1703 : i32 to index
        %get3A_1714 = arith.constant 48 : index
        %get3A_1715 = tpu.vector_load %arg7[%get3A_1713, %get3A_1714] {strides = array<i32>} : memref<256x64xf32, #tpu.memory_space<vmem>>, vector<16xf32>,
        %mul3A_1716 = arith.constant 8.000000e+00 : f32
        %mul3A_1717 = vector.broadcast %mul3A_1716 : f32 to vector<16xf32>
        %mul3A_1718 = arith.mulf %get3A_1673, %mul3A_1717 : vector<16xf32>
        tpu.vector_store_idx %arg11[%add3A_5, %add3A_1697], %mul3A_1718 : memref<64x257xf32, #tpu.memory_space<vmem>>[vector<16xi32>, vector<16xi32>], vector<16xf32>,
        %mul3A_1719 = arith.constant 8.000000e+00 : f32
        %mul3A_1720 = vector.broadcast %mul3A_1719 : f32 to vector<16xf32>
        %mul3A_1721 = arith.mulf %get3A_1676, %mul3A_1720 : vector<16xf32>
        tpu.vector_store_idx %arg11[%add3A_9, %add3A_1697], %mul3A_1721 : memref<64x257xf32, #tpu.memory_space<vmem>>[vector<16xi32>, vector<16xi32>], vector<16xf32>,
        %mul3A_1722 = arith.constant 8.000000e+00 : f32
        %mul3A_1723 = vector.broadcast %mul3A_1722 : f32 to vector<16xf32>
        %mul3A_1724 = arith.mulf %get3A_1679, %mul3A_1723 : vector<16xf32>
        tpu.vector_store_idx %arg11[%add3A_13, %add3A_1697], %mul3A_1724 : memref<64x257xf32, #tpu.memory_space<vmem>>[vector<16xi32>, vector<16xi32>], vector<16xf32>,
        %mul3A_1725 = arith.constant 8.000000e+00 : f32
        %mul3A_1726 = vector.broadcast %mul3A_1725 : f32 to vector<16xf32>
        %mul3A_1727 = arith.mulf %get3A_1682, %mul3A_1726 : vector<16xf32>
        tpu.vector_store_idx %arg11[%add3A_17, %add3A_1697], %mul3A_1727 : memref<64x257xf32, #tpu.memory_space<vmem>>[vector<16xi32>, vector<16xi32>], vector<16xf32>,
        %add3A_1728 = arith.constant 1 : i32
        %add3A_1729 = vector.broadcast %add3A_1728 : i32 to vector<16xi32>
        %add3A_1730 = arith.addi %add3A_1697, %add3A_1729 : vector<16xi32>
        %scan3A_1731 = arith.constant 3 : i32
        %scan3A_1732 = arith.addi %scan3A_1629, %scan3A_1731 : i32
        %add3A_1733 = arith.constant 1 : i32
        %add3A_1734 = arith.addi %scan3A_1732, %add3A_1733 : i32
        %min3A_1735 = arith.constant 255 : i32
        %min3A_1736 = arith.minsi %add3A_1734, %min3A_1735 : i32
        %get3A_1737 = arith.index_cast %min3A_1736 : i32 to index
        %get3A_1738 = arith.constant 0 : index
        %get3A_1739 = tpu.vector_load %arg7[%get3A_1737, %get3A_1738] {strides = array<i32>} : memref<256x64xf32, #tpu.memory_space<vmem>>, vector<16xf32>,
        %get3A_1740 = arith.index_cast %min3A_1736 : i32 to index
        %get3A_1741 = arith.constant 16 : index
        %get3A_1742 = tpu.vector_load %arg7[%get3A_1740, %get3A_1741] {strides = array<i32>} : memref<256x64xf32, #tpu.memory_space<vmem>>, vector<16xf32>,
        %get3A_1743 = arith.index_cast %min3A_1736 : i32 to index
        %get3A_1744 = arith.constant 32 : index
        %get3A_1745 = tpu.vector_load %arg7[%get3A_1743, %get3A_1744] {strides = array<i32>} : memref<256x64xf32, #tpu.memory_space<vmem>>, vector<16xf32>,
        %get3A_1746 = arith.index_cast %min3A_1736 : i32 to index
        %get3A_1747 = arith.constant 48 : index
        %get3A_1748 = tpu.vector_load %arg7[%get3A_1746, %get3A_1747] {strides = array<i32>} : memref<256x64xf32, #tpu.memory_space<vmem>>, vector<16xf32>,
        %mul3A_1749 = arith.constant 8.000000e+00 : f32
        %mul3A_1750 = vector.broadcast %mul3A_1749 : f32 to vector<16xf32>
        %mul3A_1751 = arith.mulf %get3A_1706, %mul3A_1750 : vector<16xf32>
        tpu.vector_store_idx %arg11[%add3A_5, %add3A_1730], %mul3A_1751 : memref<64x257xf32, #tpu.memory_space<vmem>>[vector<16xi32>, vector<16xi32>], vector<16xf32>,
        %mul3A_1752 = arith.constant 8.000000e+00 : f32
        %mul3A_1753 = vector.broadcast %mul3A_1752 : f32 to vector<16xf32>
        %mul3A_1754 = arith.mulf %get3A_1709, %mul3A_1753 : vector<16xf32>
        tpu.vector_store_idx %arg11[%add3A_9, %add3A_1730], %mul3A_1754 : memref<64x257xf32, #tpu.memory_space<vmem>>[vector<16xi32>, vector<16xi32>], vector<16xf32>,
        %mul3A_1755 = arith.constant 8.000000e+00 : f32
        %mul3A_1756 = vector.broadcast %mul3A_1755 : f32 to vector<16xf32>
        %mul3A_1757 = arith.mulf %get3A_1712, %mul3A_1756 : vector<16xf32>
        tpu.vector_store_idx %arg11[%add3A_13, %add3A_1730], %mul3A_1757 : memref<64x257xf32, #tpu.memory_space<vmem>>[vector<16xi32>, vector<16xi32>], vector<16xf32>,
        %mul3A_1758 = arith.constant 8.000000e+00 : f32
        %mul3A_1759 = vector.broadcast %mul3A_1758 : f32 to vector<16xf32>
        %mul3A_1760 = arith.mulf %get3A_1715, %mul3A_1759 : vector<16xf32>
        tpu.vector_store_idx %arg11[%add3A_17, %add3A_1730], %mul3A_1760 : memref<64x257xf32, #tpu.memory_space<vmem>>[vector<16xi32>, vector<16xi32>], vector<16xf32>,
        %add3A_1761 = arith.constant 1 : i32
        %add3A_1762 = vector.broadcast %add3A_1761 : i32 to vector<16xi32>
        %add3A_1763 = arith.addi %add3A_1730, %add3A_1762 : vector<16xi32>
        %scan3A_1764 = arith.constant 4 : i32
        %scan3A_1765 = arith.addi %scan3A_1629, %scan3A_1764 : i32
        %add3A_1766 = arith.constant 1 : i32
        %add3A_1767 = arith.addi %scan3A_1765, %add3A_1766 : i32
        %min3A_1768 = arith.constant 255 : i32
        %min3A_1769 = arith.minsi %add3A_1767, %min3A_1768 : i32
        %get3A_1770 = arith.index_cast %min3A_1769 : i32 to index
        %get3A_1771 = arith.constant 0 : index
        %get3A_1772 = tpu.vector_load %arg7[%get3A_1770, %get3A_1771] {strides = array<i32>} : memref<256x64xf32, #tpu.memory_space<vmem>>, vector<16xf32>,
        %get3A_1773 = arith.index_cast %min3A_1769 : i32 to index
        %get3A_1774 = arith.constant 16 : index
        %get3A_1775 = tpu.vector_load %arg7[%get3A_1773, %get3A_1774] {strides = array<i32>} : memref<256x64xf32, #tpu.memory_space<vmem>>, vector<16xf32>,
        %get3A_1776 = arith.index_cast %min3A_1769 : i32 to index
        %get3A_1777 = arith.constant 32 : index
        %get3A_1778 = tpu.vector_load %arg7[%get3A_1776, %get3A_1777] {strides = array<i32>} : memref<256x64xf32, #tpu.memory_space<vmem>>, vector<16xf32>,
        %get3A_1779 = arith.index_cast %min3A_1769 : i32 to index
        %get3A_1780 = arith.constant 48 : index
        %get3A_1781 = tpu.vector_load %arg7[%get3A_1779, %get3A_1780] {strides = array<i32>} : memref<256x64xf32, #tpu.memory_space<vmem>>, vector<16xf32>,
        %mul3A_1782 = arith.constant 8.000000e+00 : f32
        %mul3A_1783 = vector.broadcast %mul3A_1782 : f32 to vector<16xf32>
        %mul3A_1784 = arith.mulf %get3A_1739, %mul3A_1783 : vector<16xf32>
        tpu.vector_store_idx %arg11[%add3A_5, %add3A_1763], %mul3A_1784 : memref<64x257xf32, #tpu.memory_space<vmem>>[vector<16xi32>, vector<16xi32>], vector<16xf32>,
        %mul3A_1785 = arith.constant 8.000000e+00 : f32
        %mul3A_1786 = vector.broadcast %mul3A_1785 : f32 to vector<16xf32>
        %mul3A_1787 = arith.mulf %get3A_1742, %mul3A_1786 : vector<16xf32>
        tpu.vector_store_idx %arg11[%add3A_9, %add3A_1763], %mul3A_1787 : memref<64x257xf32, #tpu.memory_space<vmem>>[vector<16xi32>, vector<16xi32>], vector<16xf32>,
        %mul3A_1788 = arith.constant 8.000000e+00 : f32
        %mul3A_1789 = vector.broadcast %mul3A_1788 : f32 to vector<16xf32>
        %mul3A_1790 = arith.mulf %get3A_1745, %mul3A_1789 : vector<16xf32>
        tpu.vector_store_idx %arg11[%add3A_13, %add3A_1763], %mul3A_1790 : memref<64x257xf32, #tpu.memory_space<vmem>>[vector<16xi32>, vector<16xi32>], vector<16xf32>,
        %mul3A_1791 = arith.constant 8.000000e+00 : f32
        %mul3A_1792 = vector.broadcast %mul3A_1791 : f32 to vector<16xf32>
        %mul3A_1793 = arith.mulf %get3A_1748, %mul3A_1792 : vector<16xf32>
        tpu.vector_store_idx %arg11[%add3A_17, %add3A_1763], %mul3A_1793 : memref<64x257xf32, #tpu.memory_space<vmem>>[vector<16xi32>, vector<16xi32>], vector<16xf32>,
        %add3A_1794 = arith.constant 1 : i32
        %add3A_1795 = vector.broadcast %add3A_1794 : i32 to vector<16xi32>
        %add3A_1796 = arith.addi %add3A_1763, %add3A_1795 : vector<16xi32>
        %scan3A_1797 = arith.constant 5 : i32
        %scan3A_1798 = arith.addi %scan3A_1629, %scan3A_1797 : i32
        %add3A_1799 = arith.constant 1 : i32
        %add3A_1800 = arith.addi %scan3A_1798, %add3A_1799 : i32
        %min3A_1801 = arith.constant 255 : i32
        %min3A_1802 = arith.minsi %add3A_1800, %min3A_1801 : i32
        %get3A_1803 = arith.index_cast %min3A_1802 : i32 to index
        %get3A_1804 = arith.constant 0 : index
        %get3A_1805 = tpu.vector_load %arg7[%get3A_1803, %get3A_1804] {strides = array<i32>} : memref<256x64xf32, #tpu.memory_space<vmem>>, vector<16xf32>,
        %get3A_1806 = arith.index_cast %min3A_1802 : i32 to index
        %get3A_1807 = arith.constant 16 : index
        %get3A_1808 = tpu.vector_load %arg7[%get3A_1806, %get3A_1807] {strides = array<i32>} : memref<256x64xf32, #tpu.memory_space<vmem>>, vector<16xf32>,
        %get3A_1809 = arith.index_cast %min3A_1802 : i32 to index
        %get3A_1810 = arith.constant 32 : index
        %get3A_1811 = tpu.vector_load %arg7[%get3A_1809, %get3A_1810] {strides = array<i32>} : memref<256x64xf32, #tpu.memory_space<vmem>>, vector<16xf32>,
        %get3A_1812 = arith.index_cast %min3A_1802 : i32 to index
        %get3A_1813 = arith.constant 48 : index
        %get3A_1814 = tpu.vector_load %arg7[%get3A_1812, %get3A_1813] {strides = array<i32>} : memref<256x64xf32, #tpu.memory_space<vmem>>, vector<16xf32>,
        %mul3A_1815 = arith.constant 8.000000e+00 : f32
        %mul3A_1816 = vector.broadcast %mul3A_1815 : f32 to vector<16xf32>
        %mul3A_1817 = arith.mulf %get3A_1772, %mul3A_1816 : vector<16xf32>
        tpu.vector_store_idx %arg11[%add3A_5, %add3A_1796], %mul3A_1817 : memref<64x257xf32, #tpu.memory_space<vmem>>[vector<16xi32>, vector<16xi32>], vector<16xf32>,
        %mul3A_1818 = arith.constant 8.000000e+00 : f32
        %mul3A_1819 = vector.broadcast %mul3A_1818 : f32 to vector<16xf32>
        %mul3A_1820 = arith.mulf %get3A_1775, %mul3A_1819 : vector<16xf32>
        tpu.vector_store_idx %arg11[%add3A_9, %add3A_1796], %mul3A_1820 : memref<64x257xf32, #tpu.memory_space<vmem>>[vector<16xi32>, vector<16xi32>], vector<16xf32>,
        %mul3A_1821 = arith.constant 8.000000e+00 : f32
        %mul3A_1822 = vector.broadcast %mul3A_1821 : f32 to vector<16xf32>
        %mul3A_1823 = arith.mulf %get3A_1778, %mul3A_1822 : vector<16xf32>
        tpu.vector_store_idx %arg11[%add3A_13, %add3A_1796], %mul3A_1823 : memref<64x257xf32, #tpu.memory_space<vmem>>[vector<16xi32>, vector<16xi32>], vector<16xf32>,
        %mul3A_1824 = arith.constant 8.000000e+00 : f32
        %mul3A_1825 = vector.broadcast %mul3A_1824 : f32 to vector<16xf32>
        %mul3A_1826 = arith.mulf %get3A_1781, %mul3A_1825 : vector<16xf32>
        tpu.vector_store_idx %arg11[%add3A_17, %add3A_1796], %mul3A_1826 : memref<64x257xf32, #tpu.memory_space<vmem>>[vector<16xi32>, vector<16xi32>], vector<16xf32>,
        %add3A_1827 = arith.constant 1 : i32
        %add3A_1828 = vector.broadcast %add3A_1827 : i32 to vector<16xi32>
        %add3A_1829 = arith.addi %add3A_1796, %add3A_1828 : vector<16xi32>
        %scan3A_1830 = arith.constant 6 : i32
        %scan3A_1831 = arith.addi %scan3A_1629, %scan3A_1830 : i32
        %add3A_1832 = arith.constant 1 : i32
        %add3A_1833 = arith.addi %scan3A_1831, %add3A_1832 : i32
        %min3A_1834 = arith.constant 255 : i32
        %min3A_1835 = arith.minsi %add3A_1833, %min3A_1834 : i32
        %get3A_1836 = arith.index_cast %min3A_1835 : i32 to index
        %get3A_1837 = arith.constant 0 : index
        %get3A_1838 = tpu.vector_load %arg7[%get3A_1836, %get3A_1837] {strides = array<i32>} : memref<256x64xf32, #tpu.memory_space<vmem>>, vector<16xf32>,
        %get3A_1839 = arith.index_cast %min3A_1835 : i32 to index
        %get3A_1840 = arith.constant 16 : index
        %get3A_1841 = tpu.vector_load %arg7[%get3A_1839, %get3A_1840] {strides = array<i32>} : memref<256x64xf32, #tpu.memory_space<vmem>>, vector<16xf32>,
        %get3A_1842 = arith.index_cast %min3A_1835 : i32 to index
        %get3A_1843 = arith.constant 32 : index
        %get3A_1844 = tpu.vector_load %arg7[%get3A_1842, %get3A_1843] {strides = array<i32>} : memref<256x64xf32, #tpu.memory_space<vmem>>, vector<16xf32>,
        %get3A_1845 = arith.index_cast %min3A_1835 : i32 to index
        %get3A_1846 = arith.constant 48 : index
        %get3A_1847 = tpu.vector_load %arg7[%get3A_1845, %get3A_1846] {strides = array<i32>} : memref<256x64xf32, #tpu.memory_space<vmem>>, vector<16xf32>,
        %mul3A_1848 = arith.constant 8.000000e+00 : f32
        %mul3A_1849 = vector.broadcast %mul3A_1848 : f32 to vector<16xf32>
        %mul3A_1850 = arith.mulf %get3A_1805, %mul3A_1849 : vector<16xf32>
        tpu.vector_store_idx %arg11[%add3A_5, %add3A_1829], %mul3A_1850 : memref<64x257xf32, #tpu.memory_space<vmem>>[vector<16xi32>, vector<16xi32>], vector<16xf32>,
        %mul3A_1851 = arith.constant 8.000000e+00 : f32
        %mul3A_1852 = vector.broadcast %mul3A_1851 : f32 to vector<16xf32>
        %mul3A_1853 = arith.mulf %get3A_1808, %mul3A_1852 : vector<16xf32>
        tpu.vector_store_idx %arg11[%add3A_9, %add3A_1829], %mul3A_1853 : memref<64x257xf32, #tpu.memory_space<vmem>>[vector<16xi32>, vector<16xi32>], vector<16xf32>,
        %mul3A_1854 = arith.constant 8.000000e+00 : f32
        %mul3A_1855 = vector.broadcast %mul3A_1854 : f32 to vector<16xf32>
        %mul3A_1856 = arith.mulf %get3A_1811, %mul3A_1855 : vector<16xf32>
        tpu.vector_store_idx %arg11[%add3A_13, %add3A_1829], %mul3A_1856 : memref<64x257xf32, #tpu.memory_space<vmem>>[vector<16xi32>, vector<16xi32>], vector<16xf32>,
        %mul3A_1857 = arith.constant 8.000000e+00 : f32
        %mul3A_1858 = vector.broadcast %mul3A_1857 : f32 to vector<16xf32>
        %mul3A_1859 = arith.mulf %get3A_1814, %mul3A_1858 : vector<16xf32>
        tpu.vector_store_idx %arg11[%add3A_17, %add3A_1829], %mul3A_1859 : memref<64x257xf32, #tpu.memory_space<vmem>>[vector<16xi32>, vector<16xi32>], vector<16xf32>,
        %add3A_1860 = arith.constant 1 : i32
        %add3A_1861 = vector.broadcast %add3A_1860 : i32 to vector<16xi32>
        %add3A_1862 = arith.addi %add3A_1829, %add3A_1861 : vector<16xi32>
        %scan3A_1863 = arith.constant 7 : i32
        %scan3A_1864 = arith.addi %scan3A_1629, %scan3A_1863 : i32
        %add3A_1865 = arith.constant 1 : i32
        %add3A_1866 = arith.addi %scan3A_1864, %add3A_1865 : i32
        %min3A_1867 = arith.constant 255 : i32
        %min3A_1868 = arith.minsi %add3A_1866, %min3A_1867 : i32
        %get3A_1869 = arith.index_cast %min3A_1868 : i32 to index
        %get3A_1870 = arith.constant 0 : index
        %get3A_1871 = tpu.vector_load %arg7[%get3A_1869, %get3A_1870] {strides = array<i32>} : memref<256x64xf32, #tpu.memory_space<vmem>>, vector<16xf32>,
        %get3A_1872 = arith.index_cast %min3A_1868 : i32 to index
        %get3A_1873 = arith.constant 16 : index
        %get3A_1874 = tpu.vector_load %arg7[%get3A_1872, %get3A_1873] {strides = array<i32>} : memref<256x64xf32, #tpu.memory_space<vmem>>, vector<16xf32>,
        %get3A_1875 = arith.index_cast %min3A_1868 : i32 to index
        %get3A_1876 = arith.constant 32 : index
        %get3A_1877 = tpu.vector_load %arg7[%get3A_1875, %get3A_1876] {strides = array<i32>} : memref<256x64xf32, #tpu.memory_space<vmem>>, vector<16xf32>,
        %get3A_1878 = arith.index_cast %min3A_1868 : i32 to index
        %get3A_1879 = arith.constant 48 : index
        %get3A_1880 = tpu.vector_load %arg7[%get3A_1878, %get3A_1879] {strides = array<i32>} : memref<256x64xf32, #tpu.memory_space<vmem>>, vector<16xf32>,
        %mul3A_1881 = arith.constant 8.000000e+00 : f32
        %mul3A_1882 = vector.broadcast %mul3A_1881 : f32 to vector<16xf32>
        %mul3A_1883 = arith.mulf %get3A_1838, %mul3A_1882 : vector<16xf32>
        tpu.vector_store_idx %arg11[%add3A_5, %add3A_1862], %mul3A_1883 : memref<64x257xf32, #tpu.memory_space<vmem>>[vector<16xi32>, vector<16xi32>], vector<16xf32>,
        %mul3A_1884 = arith.constant 8.000000e+00 : f32
        %mul3A_1885 = vector.broadcast %mul3A_1884 : f32 to vector<16xf32>
        %mul3A_1886 = arith.mulf %get3A_1841, %mul3A_1885 : vector<16xf32>
        tpu.vector_store_idx %arg11[%add3A_9, %add3A_1862], %mul3A_1886 : memref<64x257xf32, #tpu.memory_space<vmem>>[vector<16xi32>, vector<16xi32>], vector<16xf32>,
        %mul3A_1887 = arith.constant 8.000000e+00 : f32
        %mul3A_1888 = vector.broadcast %mul3A_1887 : f32 to vector<16xf32>
        %mul3A_1889 = arith.mulf %get3A_1844, %mul3A_1888 : vector<16xf32>
        tpu.vector_store_idx %arg11[%add3A_13, %add3A_1862], %mul3A_1889 : memref<64x257xf32, #tpu.memory_space<vmem>>[vector<16xi32>, vector<16xi32>], vector<16xf32>,
        %mul3A_1890 = arith.constant 8.000000e+00 : f32
        %mul3A_1891 = vector.broadcast %mul3A_1890 : f32 to vector<16xf32>
        %mul3A_1892 = arith.mulf %get3A_1847, %mul3A_1891 : vector<16xf32>
        tpu.vector_store_idx %arg11[%add3A_17, %add3A_1862], %mul3A_1892 : memref<64x257xf32, #tpu.memory_space<vmem>>[vector<16xi32>, vector<16xi32>], vector<16xf32>,
        %add3A_1893 = arith.constant 1 : i32
        %add3A_1894 = vector.broadcast %add3A_1893 : i32 to vector<16xi32>
        %add3A_1895 = arith.addi %add3A_1862, %add3A_1894 : vector<16xi32>
        scf.yield %add3A_1895, %get3A_1871, %get3A_1874, %get3A_1877, %get3A_1880 : vector<16xi32>, vector<16xf32>, vector<16xf32>, vector<16xf32>, vector<16xf32>
      }
      %scan3A_1059 = arith.constant 256 : i32
      %add3A_1060 = arith.addi %mul3A_2, %add3A_861 : i32
      %jit3A_1061 = arith.constant 16 : i32
      %div3A_1062 = arith.divsi %add3A_1060, %jit3A_1061 : i32
      %sign3A_1063 = arith.constant 0 : i32
      %sign3A_1064 = arith.cmpi sgt, %add3A_1060, %sign3A_1063 : i32
      %sign3A_1065 = arith.extui %sign3A_1064 : i1 to i32
      %sign3A_1066 = arith.constant 0 : i32
      %sign3A_1067 = arith.cmpi slt, %add3A_1060, %sign3A_1066 : i32
      %sign3A_1068 = arith.extui %sign3A_1067 : i1 to i32
      %sign3A_1069 = arith.subi %sign3A_1065, %sign3A_1068 : i32
      %sign3A_1070 = arith.constant 0 : i32
      %sign3A_1071 = arith.cmpi sgt, %jit3A_1061, %sign3A_1070 : i32
      %sign3A_1072 = arith.extui %sign3A_1071 : i1 to i32
      %sign3A_1073 = arith.constant 0 : i32
      %sign3A_1074 = arith.cmpi slt, %jit3A_1061, %sign3A_1073 : i32
      %sign3A_1075 = arith.extui %sign3A_1074 : i1 to i32
      %sign3A_1076 = arith.subi %sign3A_1072, %sign3A_1075 : i32
      %ne3A_1077 = arith.cmpi ne, %sign3A_1069, %sign3A_1076 : i32
      %rem3A_1078 = arith.remsi %add3A_1060, %jit3A_1061 : i32
      %ne3A_1079 = arith.constant 0 : i32
      %ne3A_1080 = arith.cmpi ne, %rem3A_1078, %ne3A_1079 : i32
      %and3A_1081 = arith.andi %ne3A_1077, %ne3A_1080 : i1
      %sub3A_1082 = arith.constant 1 : i32
      %sub3A_1083 = arith.subi %div3A_1062, %sub3A_1082 : i32
      %select_n3A_1084 = arith.select %and3A_1081, %sub3A_1083, %div3A_1062 : i32
      %jit3A_1085 = arith.constant 16 : i32
      %eq3A_1086 = arith.constant 0 : i32
      %eq3A_1087 = arith.cmpi eq, %jit3A_1085, %eq3A_1086 : i32
      %jit3A_1088 = arith.constant 1 : i32
      %select_n3A_1089 = arith.select %eq3A_1087, %jit3A_1088, %jit3A_1085 : i32
      %rem3A_1090 = arith.remsi %add3A_1060, %select_n3A_1089 : i32
      %ne3A_1091 = arith.constant 0 : i32
      %ne3A_1092 = arith.cmpi ne, %rem3A_1090, %ne3A_1091 : i32
      %lt3A_1093 = arith.constant 0 : i32
      %lt3A_1094 = arith.cmpi slt, %rem3A_1090, %lt3A_1093 : i32
      %lt3A_1095 = arith.constant 0 : i32
      %lt3A_1096 = arith.cmpi slt, %select_n3A_1089, %lt3A_1095 : i32
      %ne3A_1097 = arith.xori %lt3A_1094, %lt3A_1096 : i1
      %and3A_1098 = arith.andi %ne3A_1097, %ne3A_1092 : i1
      %add3A_1099 = arith.addi %rem3A_1090, %select_n3A_1089 : i32
      %select_n3A_1100 = arith.select %and3A_1098, %add3A_1099, %rem3A_1090 : i32
      %mul3A_1101 = arith.constant 256 : i32
      %mul3A_1102 = arith.muli %select_n3A_1100, %mul3A_1101 : i32
      %dma_start3A_1103 = arith.constant 0 : i32
      %dma_start3A_1104 = arith.constant 0 : i32
      %dma_start3A_1105 = tpu.memref_slice %arg11[%dma_start3A_1103, %dma_start3A_1104] : memref<64x257xf32, #tpu.memory_space<vmem>> -> memref<64x256xf32, #tpu.memory_space<vmem>>
      %dma_start3A_1106 = arith.constant 0 : i32
      %dma_start3A_1107 = tpu.memref_slice %arg4[%select_n3A_1084, %dma_start3A_1106, %mul3A_1102] : memref<200x64x4096xf32, #tpu.memory_space<hbm>> -> memref<1x64x256xf32, #tpu.memory_space<hbm>>
      %dma_start3A_1108 = tpu.memref_squeeze %dma_start3A_1107 : memref<1x64x256xf32, #tpu.memory_space<hbm>> -> memref<64x256xf32, #tpu.memory_space<hbm>>
      %dma_start3A_1109 = arith.constant 0 : i32
      %dma_start3A_1110 = tpu.memref_slice %arg4[%select_n3A_1084, %dma_start3A_1109, %mul3A_1102] : memref<200x64x4096xf32, #tpu.memory_space<hbm>> -> memref<1x64x256xf32, #tpu.memory_space<hbm>>
      %dma_start3A_1111 = tpu.memref_squeeze %dma_start3A_1110 : memref<1x64x256xf32, #tpu.memory_space<hbm>> -> memref<64x256xf32, #tpu.memory_space<hbm>>
      %dma_start3A_1112 = arith.constant 0 : i32
      %dma_start3A_1113 = arith.constant 0 : i32
      %dma_start3A_1114 = tpu.memref_slice %arg11[%dma_start3A_1112, %dma_start3A_1113] : memref<64x257xf32, #tpu.memory_space<vmem>> -> memref<64x256xf32, #tpu.memory_space<vmem>>
      tpu.enqueue_dma source(%dma_start3A_1114 : memref<64x256xf32, #tpu.memory_space<vmem>>) target(%dma_start3A_1111 : memref<64x256xf32, #tpu.memory_space<hbm>>) target_semaphore(%arg17 : memref<!tpu.dma_semaphore, #tpu.memory_space<semaphore_mem>>)
      %mul3A_1115 = arith.constant 4 : i32
      %mul3A_1116 = arith.muli %mul3A_1115, %scan3A_604 : i32
      %add3A_1117 = arith.constant 2 : i32
      %add3A_1118 = arith.addi %mul3A_1116, %add3A_1117 : i32
      %get3A_1119 = arith.constant 0 : i32
      %get3A_1120 = arith.index_cast %get3A_1119 : i32 to index
      %get3A_1121 = arith.constant 0 : index
      %get3A_1122 = tpu.vector_load %arg5[%get3A_1120, %get3A_1121] {strides = array<i32>} : memref<200x128xi32, #tpu.memory_space<vmem>>, vector<16xi32>,
      %dma_wait3A_1123 = arith.constant 0 : i32
      %dma_wait3A_1124 = arith.constant 0 : i32
      %dma_wait3A_1125 = tpu.memref_slice %arg8[%dma_wait3A_1123, %dma_wait3A_1124] : memref<256x64xf32, #tpu.memory_space<vmem>> -> memref<16x64xf32, #tpu.memory_space<vmem>>
      %dma_wait3A_1126 = arith.constant 0 : i32
      %dma_wait3A_1127 = arith.constant 0 : i32
      %dma_wait3A_1128 = tpu.memref_slice %arg3[%dma_wait3A_1126, %dma_wait3A_1127] : memref<1000000x64xf32, #tpu.memory_space<hbm>> -> memref<1000000x64xf32, #tpu.memory_space<hbm>>
      tpu.wait_indirect_dma semaphore(%arg14 : memref<!tpu.dma_semaphore, #tpu.memory_space<semaphore_mem>>) src(%dma_wait3A_1128 : memref<1000000x64xf32, #tpu.memory_space<hbm>>) dst(%dma_wait3A_1125 : memref<16x64xf32, #tpu.memory_space<vmem>>)
      %get3A_1129 = arith.constant 0 : i32
      %get3A_1130 = arith.index_cast %get3A_1129 : i32 to index
      %get3A_1131 = arith.constant 0 : index
      %get3A_1132 = tpu.vector_load %arg5[%get3A_1130, %get3A_1131] {strides = array<i32>} : memref<200x128xi32, #tpu.memory_space<vmem>>, vector<16xi32>,
      %dma_wait3A_1133 = arith.constant 16 : i32
      %dma_wait3A_1134 = arith.constant 0 : i32
      %dma_wait3A_1135 = tpu.memref_slice %arg8[%dma_wait3A_1133, %dma_wait3A_1134] : memref<256x64xf32, #tpu.memory_space<vmem>> -> memref<16x64xf32, #tpu.memory_space<vmem>>
      %dma_wait3A_1136 = arith.constant 0 : i32
      %dma_wait3A_1137 = arith.constant 0 : i32
      %dma_wait3A_1138 = tpu.memref_slice %arg3[%dma_wait3A_1136, %dma_wait3A_1137] : memref<1000000x64xf32, #tpu.memory_space<hbm>> -> memref<1000000x64xf32, #tpu.memory_space<hbm>>
      tpu.wait_indirect_dma semaphore(%arg14 : memref<!tpu.dma_semaphore, #tpu.memory_space<semaphore_mem>>) src(%dma_wait3A_1138 : memref<1000000x64xf32, #tpu.memory_space<hbm>>) dst(%dma_wait3A_1135 : memref<16x64xf32, #tpu.memory_space<vmem>>)
      %get3A_1139 = arith.constant 0 : i32
      %get3A_1140 = arith.index_cast %get3A_1139 : i32 to index
      %get3A_1141 = arith.constant 0 : index
      %get3A_1142 = tpu.vector_load %arg5[%get3A_1140, %get3A_1141] {strides = array<i32>} : memref<200x128xi32, #tpu.memory_space<vmem>>, vector<16xi32>,
      %dma_wait3A_1143 = arith.constant 32 : i32
      %dma_wait3A_1144 = arith.constant 0 : i32
      %dma_wait3A_1145 = tpu.memref_slice %arg8[%dma_wait3A_1143, %dma_wait3A_1144] : memref<256x64xf32, #tpu.memory_space<vmem>> -> memref<16x64xf32, #tpu.memory_space<vmem>>
      %dma_wait3A_1146 = arith.constant 0 : i32
      %dma_wait3A_1147 = arith.constant 0 : i32
      %dma_wait3A_1148 = tpu.memref_slice %arg3[%dma_wait3A_1146, %dma_wait3A_1147] : memref<1000000x64xf32, #tpu.memory_space<hbm>> -> memref<1000000x64xf32, #tpu.memory_space<hbm>>
      tpu.wait_indirect_dma semaphore(%arg14 : memref<!tpu.dma_semaphore, #tpu.memory_space<semaphore_mem>>) src(%dma_wait3A_1148 : memref<1000000x64xf32, #tpu.memory_space<hbm>>) dst(%dma_wait3A_1145 : memref<16x64xf32, #tpu.memory_space<vmem>>)
      %get3A_1149 = arith.constant 0 : i32
      %get3A_1150 = arith.index_cast %get3A_1149 : i32 to index
      %get3A_1151 = arith.constant 0 : index
      %get3A_1152 = tpu.vector_load %arg5[%get3A_1150, %get3A_1151] {strides = array<i32>} : memref<200x128xi32, #tpu.memory_space<vmem>>, vector<16xi32>,
      %dma_wait3A_1153 = arith.constant 48 : i32
      %dma_wait3A_1154 = arith.constant 0 : i32
      %dma_wait3A_1155 = tpu.memref_slice %arg8[%dma_wait3A_1153, %dma_wait3A_1154] : memref<256x64xf32, #tpu.memory_space<vmem>> -> memref<16x64xf32, #tpu.memory_space<vmem>>
      %dma_wait3A_1156 = arith.constant 0 : i32
      %dma_wait3A_1157 = arith.constant 0 : i32
      %dma_wait3A_1158 = tpu.memref_slice %arg3[%dma_wait3A_1156, %dma_wait3A_1157] : memref<1000000x64xf32, #tpu.memory_space<hbm>> -> memref<1000000x64xf32, #tpu.memory_space<hbm>>
      tpu.wait_indirect_dma semaphore(%arg14 : memref<!tpu.dma_semaphore, #tpu.memory_space<semaphore_mem>>) src(%dma_wait3A_1158 : memref<1000000x64xf32, #tpu.memory_space<hbm>>) dst(%dma_wait3A_1155 : memref<16x64xf32, #tpu.memory_space<vmem>>)
      %get3A_1159 = arith.constant 0 : i32
      %get3A_1160 = arith.index_cast %get3A_1159 : i32 to index
      %get3A_1161 = arith.constant 0 : index
      %get3A_1162 = tpu.vector_load %arg5[%get3A_1160, %get3A_1161] {strides = array<i32>} : memref<200x128xi32, #tpu.memory_space<vmem>>, vector<16xi32>,
      %dma_wait3A_1163 = arith.constant 64 : i32
      %dma_wait3A_1164 = arith.constant 0 : i32
      %dma_wait3A_1165 = tpu.memref_slice %arg8[%dma_wait3A_1163, %dma_wait3A_1164] : memref<256x64xf32, #tpu.memory_space<vmem>> -> memref<16x64xf32, #tpu.memory_space<vmem>>
      %dma_wait3A_1166 = arith.constant 0 : i32
      %dma_wait3A_1167 = arith.constant 0 : i32
      %dma_wait3A_1168 = tpu.memref_slice %arg3[%dma_wait3A_1166, %dma_wait3A_1167] : memref<1000000x64xf32, #tpu.memory_space<hbm>> -> memref<1000000x64xf32, #tpu.memory_space<hbm>>
      tpu.wait_indirect_dma semaphore(%arg14 : memref<!tpu.dma_semaphore, #tpu.memory_space<semaphore_mem>>) src(%dma_wait3A_1168 : memref<1000000x64xf32, #tpu.memory_space<hbm>>) dst(%dma_wait3A_1165 : memref<16x64xf32, #tpu.memory_space<vmem>>)
      %get3A_1169 = arith.constant 0 : i32
      %get3A_1170 = arith.index_cast %get3A_1169 : i32 to index
      %get3A_1171 = arith.constant 0 : index
      %get3A_1172 = tpu.vector_load %arg5[%get3A_1170, %get3A_1171] {strides = array<i32>} : memref<200x128xi32, #tpu.memory_space<vmem>>, vector<16xi32>,
      %dma_wait3A_1173 = arith.constant 80 : i32
      %dma_wait3A_1174 = arith.constant 0 : i32
      %dma_wait3A_1175 = tpu.memref_slice %arg8[%dma_wait3A_1173, %dma_wait3A_1174] : memref<256x64xf32, #tpu.memory_space<vmem>> -> memref<16x64xf32, #tpu.memory_space<vmem>>
      %dma_wait3A_1176 = arith.constant 0 : i32
      %dma_wait3A_1177 = arith.constant 0 : i32
      %dma_wait3A_1178 = tpu.memref_slice %arg3[%dma_wait3A_1176, %dma_wait3A_1177] : memref<1000000x64xf32, #tpu.memory_space<hbm>> -> memref<1000000x64xf32, #tpu.memory_space<hbm>>
      tpu.wait_indirect_dma semaphore(%arg14 : memref<!tpu.dma_semaphore, #tpu.memory_space<semaphore_mem>>) src(%dma_wait3A_1178 : memref<1000000x64xf32, #tpu.memory_space<hbm>>) dst(%dma_wait3A_1175 : memref<16x64xf32, #tpu.memory_space<vmem>>)
      %get3A_1179 = arith.constant 0 : i32
      %get3A_1180 = arith.index_cast %get3A_1179 : i32 to index
      %get3A_1181 = arith.constant 0 : index
      %get3A_1182 = tpu.vector_load %arg5[%get3A_1180, %get3A_1181] {strides = array<i32>} : memref<200x128xi32, #tpu.memory_space<vmem>>, vector<16xi32>,
      %dma_wait3A_1183 = arith.constant 96 : i32
      %dma_wait3A_1184 = arith.constant 0 : i32
      %dma_wait3A_1185 = tpu.memref_slice %arg8[%dma_wait3A_1183, %dma_wait3A_1184] : memref<256x64xf32, #tpu.memory_space<vmem>> -> memref<16x64xf32, #tpu.memory_space<vmem>>
      %dma_wait3A_1186 = arith.constant 0 : i32
      %dma_wait3A_1187 = arith.constant 0 : i32
      %dma_wait3A_1188 = tpu.memref_slice %arg3[%dma_wait3A_1186, %dma_wait3A_1187] : memref<1000000x64xf32, #tpu.memory_space<hbm>> -> memref<1000000x64xf32, #tpu.memory_space<hbm>>
      tpu.wait_indirect_dma semaphore(%arg14 : memref<!tpu.dma_semaphore, #tpu.memory_space<semaphore_mem>>) src(%dma_wait3A_1188 : memref<1000000x64xf32, #tpu.memory_space<hbm>>) dst(%dma_wait3A_1185 : memref<16x64xf32, #tpu.memory_space<vmem>>)
      %get3A_1189 = arith.constant 0 : i32
      %get3A_1190 = arith.index_cast %get3A_1189 : i32 to index
      %get3A_1191 = arith.constant 0 : index
      %get3A_1192 = tpu.vector_load %arg5[%get3A_1190, %get3A_1191] {strides = array<i32>} : memref<200x128xi32, #tpu.memory_space<vmem>>, vector<16xi32>,
      %dma_wait3A_1193 = arith.constant 112 : i32
      %dma_wait3A_1194 = arith.constant 0 : i32
      %dma_wait3A_1195 = tpu.memref_slice %arg8[%dma_wait3A_1193, %dma_wait3A_1194] : memref<256x64xf32, #tpu.memory_space<vmem>> -> memref<16x64xf32, #tpu.memory_space<vmem>>
      %dma_wait3A_1196 = arith.constant 0 : i32
      %dma_wait3A_1197 = arith.constant 0 : i32
      %dma_wait3A_1198 = tpu.memref_slice %arg3[%dma_wait3A_1196, %dma_wait3A_1197] : memref<1000000x64xf32, #tpu.memory_space<hbm>> -> memref<1000000x64xf32, #tpu.memory_space<hbm>>
      tpu.wait_indirect_dma semaphore(%arg14 : memref<!tpu.dma_semaphore, #tpu.memory_space<semaphore_mem>>) src(%dma_wait3A_1198 : memref<1000000x64xf32, #tpu.memory_space<hbm>>) dst(%dma_wait3A_1195 : memref<16x64xf32, #tpu.memory_space<vmem>>)
      %get3A_1199 = arith.constant 0 : i32
      %get3A_1200 = arith.index_cast %get3A_1199 : i32 to index
      %get3A_1201 = arith.constant 0 : index
      %get3A_1202 = tpu.vector_load %arg5[%get3A_1200, %get3A_1201] {strides = array<i32>} : memref<200x128xi32, #tpu.memory_space<vmem>>, vector<16xi32>,
      %dma_wait3A_1203 = arith.constant 128 : i32
      %dma_wait3A_1204 = arith.constant 0 : i32
      %dma_wait3A_1205 = tpu.memref_slice %arg8[%dma_wait3A_1203, %dma_wait3A_1204] : memref<256x64xf32, #tpu.memory_space<vmem>> -> memref<16x64xf32, #tpu.memory_space<vmem>>
      %dma_wait3A_1206 = arith.constant 0 : i32
      %dma_wait3A_1207 = arith.constant 0 : i32
      %dma_wait3A_1208 = tpu.memref_slice %arg3[%dma_wait3A_1206, %dma_wait3A_1207] : memref<1000000x64xf32, #tpu.memory_space<hbm>> -> memref<1000000x64xf32, #tpu.memory_space<hbm>>
      tpu.wait_indirect_dma semaphore(%arg14 : memref<!tpu.dma_semaphore, #tpu.memory_space<semaphore_mem>>) src(%dma_wait3A_1208 : memref<1000000x64xf32, #tpu.memory_space<hbm>>) dst(%dma_wait3A_1205 : memref<16x64xf32, #tpu.memory_space<vmem>>)
      %get3A_1209 = arith.constant 0 : i32
      %get3A_1210 = arith.index_cast %get3A_1209 : i32 to index
      %get3A_1211 = arith.constant 0 : index
      %get3A_1212 = tpu.vector_load %arg5[%get3A_1210, %get3A_1211] {strides = array<i32>} : memref<200x128xi32, #tpu.memory_space<vmem>>, vector<16xi32>,
      %dma_wait3A_1213 = arith.constant 144 : i32
      %dma_wait3A_1214 = arith.constant 0 : i32
      %dma_wait3A_1215 = tpu.memref_slice %arg8[%dma_wait3A_1213, %dma_wait3A_1214] : memref<256x64xf32, #tpu.memory_space<vmem>> -> memref<16x64xf32, #tpu.memory_space<vmem>>
      %dma_wait3A_1216 = arith.constant 0 : i32
      %dma_wait3A_1217 = arith.constant 0 : i32
      %dma_wait3A_1218 = tpu.memref_slice %arg3[%dma_wait3A_1216, %dma_wait3A_1217] : memref<1000000x64xf32, #tpu.memory_space<hbm>> -> memref<1000000x64xf32, #tpu.memory_space<hbm>>
      tpu.wait_indirect_dma semaphore(%arg14 : memref<!tpu.dma_semaphore, #tpu.memory_space<semaphore_mem>>) src(%dma_wait3A_1218 : memref<1000000x64xf32, #tpu.memory_space<hbm>>) dst(%dma_wait3A_1215 : memref<16x64xf32, #tpu.memory_space<vmem>>)
      %get3A_1219 = arith.constant 0 : i32
      %get3A_1220 = arith.index_cast %get3A_1219 : i32 to index
      %get3A_1221 = arith.constant 0 : index
      %get3A_1222 = tpu.vector_load %arg5[%get3A_1220, %get3A_1221] {strides = array<i32>} : memref<200x128xi32, #tpu.memory_space<vmem>>, vector<16xi32>,
      %dma_wait3A_1223 = arith.constant 160 : i32
      %dma_wait3A_1224 = arith.constant 0 : i32
      %dma_wait3A_1225 = tpu.memref_slice %arg8[%dma_wait3A_1223, %dma_wait3A_1224] : memref<256x64xf32, #tpu.memory_space<vmem>> -> memref<16x64xf32, #tpu.memory_space<vmem>>
      %dma_wait3A_1226 = arith.constant 0 : i32
      %dma_wait3A_1227 = arith.constant 0 : i32
      %dma_wait3A_1228 = tpu.memref_slice %arg3[%dma_wait3A_1226, %dma_wait3A_1227] : memref<1000000x64xf32, #tpu.memory_space<hbm>> -> memref<1000000x64xf32, #tpu.memory_space<hbm>>
      tpu.wait_indirect_dma semaphore(%arg14 : memref<!tpu.dma_semaphore, #tpu.memory_space<semaphore_mem>>) src(%dma_wait3A_1228 : memref<1000000x64xf32, #tpu.memory_space<hbm>>) dst(%dma_wait3A_1225 : memref<16x64xf32, #tpu.memory_space<vmem>>)
      %get3A_1229 = arith.constant 0 : i32
      %get3A_1230 = arith.index_cast %get3A_1229 : i32 to index
      %get3A_1231 = arith.constant 0 : index
      %get3A_1232 = tpu.vector_load %arg5[%get3A_1230, %get3A_1231] {strides = array<i32>} : memref<200x128xi32, #tpu.memory_space<vmem>>, vector<16xi32>,
      %dma_wait3A_1233 = arith.constant 176 : i32
      %dma_wait3A_1234 = arith.constant 0 : i32
      %dma_wait3A_1235 = tpu.memref_slice %arg8[%dma_wait3A_1233, %dma_wait3A_1234] : memref<256x64xf32, #tpu.memory_space<vmem>> -> memref<16x64xf32, #tpu.memory_space<vmem>>
      %dma_wait3A_1236 = arith.constant 0 : i32
      %dma_wait3A_1237 = arith.constant 0 : i32
      %dma_wait3A_1238 = tpu.memref_slice %arg3[%dma_wait3A_1236, %dma_wait3A_1237] : memref<1000000x64xf32, #tpu.memory_space<hbm>> -> memref<1000000x64xf32, #tpu.memory_space<hbm>>
      tpu.wait_indirect_dma semaphore(%arg14 : memref<!tpu.dma_semaphore, #tpu.memory_space<semaphore_mem>>) src(%dma_wait3A_1238 : memref<1000000x64xf32, #tpu.memory_space<hbm>>) dst(%dma_wait3A_1235 : memref<16x64xf32, #tpu.memory_space<vmem>>)
      %get3A_1239 = arith.constant 0 : i32
      %get3A_1240 = arith.index_cast %get3A_1239 : i32 to index
      %get3A_1241 = arith.constant 0 : index
      %get3A_1242 = tpu.vector_load %arg5[%get3A_1240, %get3A_1241] {strides = array<i32>} : memref<200x128xi32, #tpu.memory_space<vmem>>, vector<16xi32>,
      %dma_wait3A_1243 = arith.constant 192 : i32
      %dma_wait3A_1244 = arith.constant 0 : i32
      %dma_wait3A_1245 = tpu.memref_slice %arg8[%dma_wait3A_1243, %dma_wait3A_1244] : memref<256x64xf32, #tpu.memory_space<vmem>> -> memref<16x64xf32, #tpu.memory_space<vmem>>
      %dma_wait3A_1246 = arith.constant 0 : i32
      %dma_wait3A_1247 = arith.constant 0 : i32
      %dma_wait3A_1248 = tpu.memref_slice %arg3[%dma_wait3A_1246, %dma_wait3A_1247] : memref<1000000x64xf32, #tpu.memory_space<hbm>> -> memref<1000000x64xf32, #tpu.memory_space<hbm>>
      tpu.wait_indirect_dma semaphore(%arg14 : memref<!tpu.dma_semaphore, #tpu.memory_space<semaphore_mem>>) src(%dma_wait3A_1248 : memref<1000000x64xf32, #tpu.memory_space<hbm>>) dst(%dma_wait3A_1245 : memref<16x64xf32, #tpu.memory_space<vmem>>)
      %get3A_1249 = arith.constant 0 : i32
      %get3A_1250 = arith.index_cast %get3A_1249 : i32 to index
      %get3A_1251 = arith.constant 0 : index
      %get3A_1252 = tpu.vector_load %arg5[%get3A_1250, %get3A_1251] {strides = array<i32>} : memref<200x128xi32, #tpu.memory_space<vmem>>, vector<16xi32>,
      %dma_wait3A_1253 = arith.constant 208 : i32
      %dma_wait3A_1254 = arith.constant 0 : i32
      %dma_wait3A_1255 = tpu.memref_slice %arg8[%dma_wait3A_1253, %dma_wait3A_1254] : memref<256x64xf32, #tpu.memory_space<vmem>> -> memref<16x64xf32, #tpu.memory_space<vmem>>
      %dma_wait3A_1256 = arith.constant 0 : i32
      %dma_wait3A_1257 = arith.constant 0 : i32
      %dma_wait3A_1258 = tpu.memref_slice %arg3[%dma_wait3A_1256, %dma_wait3A_1257] : memref<1000000x64xf32, #tpu.memory_space<hbm>> -> memref<1000000x64xf32, #tpu.memory_space<hbm>>
      tpu.wait_indirect_dma semaphore(%arg14 : memref<!tpu.dma_semaphore, #tpu.memory_space<semaphore_mem>>) src(%dma_wait3A_1258 : memref<1000000x64xf32, #tpu.memory_space<hbm>>) dst(%dma_wait3A_1255 : memref<16x64xf32, #tpu.memory_space<vmem>>)
      %get3A_1259 = arith.constant 0 : i32
      %get3A_1260 = arith.index_cast %get3A_1259 : i32 to index
      %get3A_1261 = arith.constant 0 : index
      %get3A_1262 = tpu.vector_load %arg5[%get3A_1260, %get3A_1261] {strides = array<i32>} : memref<200x128xi32, #tpu.memory_space<vmem>>, vector<16xi32>,
      %dma_wait3A_1263 = arith.constant 224 : i32
      %dma_wait3A_1264 = arith.constant 0 : i32
      %dma_wait3A_1265 = tpu.memref_slice %arg8[%dma_wait3A_1263, %dma_wait3A_1264] : memref<256x64xf32, #tpu.memory_space<vmem>> -> memref<16x64xf32, #tpu.memory_space<vmem>>
      %dma_wait3A_1266 = arith.constant 0 : i32
      %dma_wait3A_1267 = arith.constant 0 : i32
      %dma_wait3A_1268 = tpu.memref_slice %arg3[%dma_wait3A_1266, %dma_wait3A_1267] : memref<1000000x64xf32, #tpu.memory_space<hbm>> -> memref<1000000x64xf32, #tpu.memory_space<hbm>>
      tpu.wait_indirect_dma semaphore(%arg14 : memref<!tpu.dma_semaphore, #tpu.memory_space<semaphore_mem>>) src(%dma_wait3A_1268 : memref<1000000x64xf32, #tpu.memory_space<hbm>>) dst(%dma_wait3A_1265 : memref<16x64xf32, #tpu.memory_space<vmem>>)
      %get3A_1269 = arith.constant 0 : i32
      %get3A_1270 = arith.index_cast %get3A_1269 : i32 to index
      %get3A_1271 = arith.constant 0 : index
      %get3A_1272 = tpu.vector_load %arg5[%get3A_1270, %get3A_1271] {strides = array<i32>} : memref<200x128xi32, #tpu.memory_space<vmem>>, vector<16xi32>,
      %dma_wait3A_1273 = arith.constant 240 : i32
      %dma_wait3A_1274 = arith.constant 0 : i32
      %dma_wait3A_1275 = tpu.memref_slice %arg8[%dma_wait3A_1273, %dma_wait3A_1274] : memref<256x64xf32, #tpu.memory_space<vmem>> -> memref<16x64xf32, #tpu.memory_space<vmem>>
      %dma_wait3A_1276 = arith.constant 0 : i32
      %dma_wait3A_1277 = arith.constant 0 : i32
      %dma_wait3A_1278 = tpu.memref_slice %arg3[%dma_wait3A_1276, %dma_wait3A_1277] : memref<1000000x64xf32, #tpu.memory_space<hbm>> -> memref<1000000x64xf32, #tpu.memory_space<hbm>>
      tpu.wait_indirect_dma semaphore(%arg14 : memref<!tpu.dma_semaphore, #tpu.memory_space<semaphore_mem>>) src(%dma_wait3A_1278 : memref<1000000x64xf32, #tpu.memory_space<hbm>>) dst(%dma_wait3A_1275 : memref<16x64xf32, #tpu.memory_space<vmem>>)
      %add3A_1279 = arith.constant 4 : i32
      %add3A_1280 = arith.addi %add3A_1118, %add3A_1279 : i32
      %sub3A_1281 = arith.constant 1 : i32
      %sub3A_1282 = arith.subi %add3A_1280, %sub3A_1281 : i32
      %lt3A_1283 = arith.constant 100 : i32
      %lt3A_1284 = arith.cmpi slt, %sub3A_1282, %lt3A_1283 : i32
      %convert_element_type3A_1285 = arith.extui %lt3A_1284 : i1 to i32
      %cond3A_1286 = arith.constant 0 : i32
      %cond3A_1287 = arith.cmpi ne, %convert_element_type3A_1285, %cond3A_1286 : i32
      scf.if %cond3A_1287 {
        %add3A_1629 = arith.constant 4 : i32
        %add3A_1630 = arith.addi %add3A_1118, %add3A_1629 : i32
        %sub3A_1631 = arith.constant 1 : i32
        %sub3A_1632 = arith.subi %add3A_1630, %sub3A_1631 : i32
        %mul3A_1633 = arith.constant 2 : i32
        %mul3A_1634 = arith.muli %sub3A_1632, %mul3A_1633 : i32
        %add3A_1635 = arith.constant 0 : i32
        %add3A_1636 = arith.addi %mul3A_1634, %add3A_1635 : i32
        %get3A_1637 = arith.index_cast %add3A_1636 : i32 to index
        %get3A_1638 = arith.constant 0 : index
        %get3A_1639 = tpu.vector_load %arg5[%get3A_1637, %get3A_1638] {strides = array<i32>} : memref<200x128xi32, #tpu.memory_space<vmem>>, vector<16xi32>,
        %dma_start3A_1640 = arith.constant 0 : i32
        %dma_start3A_1641 = arith.constant 0 : i32
        %dma_start3A_1642 = tpu.memref_slice %arg7[%dma_start3A_1640, %dma_start3A_1641] : memref<256x64xf32, #tpu.memory_space<vmem>> -> memref<16x64xf32, #tpu.memory_space<vmem>>
        %dma_start3A_1643 = arith.constant 0 : i32
        %dma_start3A_1644 = arith.constant 0 : i32
        %dma_start3A_1645 = tpu.memref_slice %arg3[%dma_start3A_1643, %dma_start3A_1644] : memref<1000000x64xf32, #tpu.memory_space<hbm>> -> memref<1000000x64xf32, #tpu.memory_space<hbm>>
        tpu.enqueue_indirect_dma source(%dma_start3A_1645 : memref<1000000x64xf32, #tpu.memory_space<hbm>>) target(%dma_start3A_1642 : memref<16x64xf32, #tpu.memory_space<vmem>>) offsets(%get3A_1639 : vector<16xi32>) semaphore(%arg13 : memref<!tpu.dma_semaphore, #tpu.memory_space<semaphore_mem>>)
        %mul3A_1646 = arith.constant 2 : i32
        %mul3A_1647 = arith.muli %sub3A_1632, %mul3A_1646 : i32
        %add3A_1648 = arith.constant 0 : i32
        %add3A_1649 = arith.addi %mul3A_1647, %add3A_1648 : i32
        %get3A_1650 = arith.index_cast %add3A_1649 : i32 to index
        %get3A_1651 = arith.constant 16 : index
        %get3A_1652 = tpu.vector_load %arg5[%get3A_1650, %get3A_1651] {strides = array<i32>} : memref<200x128xi32, #tpu.memory_space<vmem>>, vector<16xi32>,
        %dma_start3A_1653 = arith.constant 16 : i32
        %dma_start3A_1654 = arith.constant 0 : i32
        %dma_start3A_1655 = tpu.memref_slice %arg7[%dma_start3A_1653, %dma_start3A_1654] : memref<256x64xf32, #tpu.memory_space<vmem>> -> memref<16x64xf32, #tpu.memory_space<vmem>>
        %dma_start3A_1656 = arith.constant 0 : i32
        %dma_start3A_1657 = arith.constant 0 : i32
        %dma_start3A_1658 = tpu.memref_slice %arg3[%dma_start3A_1656, %dma_start3A_1657] : memref<1000000x64xf32, #tpu.memory_space<hbm>> -> memref<1000000x64xf32, #tpu.memory_space<hbm>>
        tpu.enqueue_indirect_dma source(%dma_start3A_1658 : memref<1000000x64xf32, #tpu.memory_space<hbm>>) target(%dma_start3A_1655 : memref<16x64xf32, #tpu.memory_space<vmem>>) offsets(%get3A_1652 : vector<16xi32>) semaphore(%arg13 : memref<!tpu.dma_semaphore, #tpu.memory_space<semaphore_mem>>)
        %mul3A_1659 = arith.constant 2 : i32
        %mul3A_1660 = arith.muli %sub3A_1632, %mul3A_1659 : i32
        %add3A_1661 = arith.constant 0 : i32
        %add3A_1662 = arith.addi %mul3A_1660, %add3A_1661 : i32
        %get3A_1663 = arith.index_cast %add3A_1662 : i32 to index
        %get3A_1664 = arith.constant 32 : index
        %get3A_1665 = tpu.vector_load %arg5[%get3A_1663, %get3A_1664] {strides = array<i32>} : memref<200x128xi32, #tpu.memory_space<vmem>>, vector<16xi32>,
        %dma_start3A_1666 = arith.constant 32 : i32
        %dma_start3A_1667 = arith.constant 0 : i32
        %dma_start3A_1668 = tpu.memref_slice %arg7[%dma_start3A_1666, %dma_start3A_1667] : memref<256x64xf32, #tpu.memory_space<vmem>> -> memref<16x64xf32, #tpu.memory_space<vmem>>
        %dma_start3A_1669 = arith.constant 0 : i32
        %dma_start3A_1670 = arith.constant 0 : i32
        %dma_start3A_1671 = tpu.memref_slice %arg3[%dma_start3A_1669, %dma_start3A_1670] : memref<1000000x64xf32, #tpu.memory_space<hbm>> -> memref<1000000x64xf32, #tpu.memory_space<hbm>>
        tpu.enqueue_indirect_dma source(%dma_start3A_1671 : memref<1000000x64xf32, #tpu.memory_space<hbm>>) target(%dma_start3A_1668 : memref<16x64xf32, #tpu.memory_space<vmem>>) offsets(%get3A_1665 : vector<16xi32>) semaphore(%arg13 : memref<!tpu.dma_semaphore, #tpu.memory_space<semaphore_mem>>)
        %mul3A_1672 = arith.constant 2 : i32
        %mul3A_1673 = arith.muli %sub3A_1632, %mul3A_1672 : i32
        %add3A_1674 = arith.constant 0 : i32
        %add3A_1675 = arith.addi %mul3A_1673, %add3A_1674 : i32
        %get3A_1676 = arith.index_cast %add3A_1675 : i32 to index
        %get3A_1677 = arith.constant 48 : index
        %get3A_1678 = tpu.vector_load %arg5[%get3A_1676, %get3A_1677] {strides = array<i32>} : memref<200x128xi32, #tpu.memory_space<vmem>>, vector<16xi32>,
        %dma_start3A_1679 = arith.constant 48 : i32
        %dma_start3A_1680 = arith.constant 0 : i32
        %dma_start3A_1681 = tpu.memref_slice %arg7[%dma_start3A_1679, %dma_start3A_1680] : memref<256x64xf32, #tpu.memory_space<vmem>> -> memref<16x64xf32, #tpu.memory_space<vmem>>
        %dma_start3A_1682 = arith.constant 0 : i32
        %dma_start3A_1683 = arith.constant 0 : i32
        %dma_start3A_1684 = tpu.memref_slice %arg3[%dma_start3A_1682, %dma_start3A_1683] : memref<1000000x64xf32, #tpu.memory_space<hbm>> -> memref<1000000x64xf32, #tpu.memory_space<hbm>>
        tpu.enqueue_indirect_dma source(%dma_start3A_1684 : memref<1000000x64xf32, #tpu.memory_space<hbm>>) target(%dma_start3A_1681 : memref<16x64xf32, #tpu.memory_space<vmem>>) offsets(%get3A_1678 : vector<16xi32>) semaphore(%arg13 : memref<!tpu.dma_semaphore, #tpu.memory_space<semaphore_mem>>)
        %mul3A_1685 = arith.constant 2 : i32
        %mul3A_1686 = arith.muli %sub3A_1632, %mul3A_1685 : i32
        %add3A_1687 = arith.constant 0 : i32
        %add3A_1688 = arith.addi %mul3A_1686, %add3A_1687 : i32
        %get3A_1689 = arith.index_cast %add3A_1688 : i32 to index
        %get3A_1690 = arith.constant 64 : index
        %get3A_1691 = tpu.vector_load %arg5[%get3A_1689, %get3A_1690] {strides = array<i32>} : memref<200x128xi32, #tpu.memory_space<vmem>>, vector<16xi32>,
        %dma_start3A_1692 = arith.constant 64 : i32
        %dma_start3A_1693 = arith.constant 0 : i32
        %dma_start3A_1694 = tpu.memref_slice %arg7[%dma_start3A_1692, %dma_start3A_1693] : memref<256x64xf32, #tpu.memory_space<vmem>> -> memref<16x64xf32, #tpu.memory_space<vmem>>
        %dma_start3A_1695 = arith.constant 0 : i32
        %dma_start3A_1696 = arith.constant 0 : i32
        %dma_start3A_1697 = tpu.memref_slice %arg3[%dma_start3A_1695, %dma_start3A_1696] : memref<1000000x64xf32, #tpu.memory_space<hbm>> -> memref<1000000x64xf32, #tpu.memory_space<hbm>>
        tpu.enqueue_indirect_dma source(%dma_start3A_1697 : memref<1000000x64xf32, #tpu.memory_space<hbm>>) target(%dma_start3A_1694 : memref<16x64xf32, #tpu.memory_space<vmem>>) offsets(%get3A_1691 : vector<16xi32>) semaphore(%arg13 : memref<!tpu.dma_semaphore, #tpu.memory_space<semaphore_mem>>)
        %mul3A_1698 = arith.constant 2 : i32
        %mul3A_1699 = arith.muli %sub3A_1632, %mul3A_1698 : i32
        %add3A_1700 = arith.constant 0 : i32
        %add3A_1701 = arith.addi %mul3A_1699, %add3A_1700 : i32
        %get3A_1702 = arith.index_cast %add3A_1701 : i32 to index
        %get3A_1703 = arith.constant 80 : index
        %get3A_1704 = tpu.vector_load %arg5[%get3A_1702, %get3A_1703] {strides = array<i32>} : memref<200x128xi32, #tpu.memory_space<vmem>>, vector<16xi32>,
        %dma_start3A_1705 = arith.constant 80 : i32
        %dma_start3A_1706 = arith.constant 0 : i32
        %dma_start3A_1707 = tpu.memref_slice %arg7[%dma_start3A_1705, %dma_start3A_1706] : memref<256x64xf32, #tpu.memory_space<vmem>> -> memref<16x64xf32, #tpu.memory_space<vmem>>
        %dma_start3A_1708 = arith.constant 0 : i32
        %dma_start3A_1709 = arith.constant 0 : i32
        %dma_start3A_1710 = tpu.memref_slice %arg3[%dma_start3A_1708, %dma_start3A_1709] : memref<1000000x64xf32, #tpu.memory_space<hbm>> -> memref<1000000x64xf32, #tpu.memory_space<hbm>>
        tpu.enqueue_indirect_dma source(%dma_start3A_1710 : memref<1000000x64xf32, #tpu.memory_space<hbm>>) target(%dma_start3A_1707 : memref<16x64xf32, #tpu.memory_space<vmem>>) offsets(%get3A_1704 : vector<16xi32>) semaphore(%arg13 : memref<!tpu.dma_semaphore, #tpu.memory_space<semaphore_mem>>)
        %mul3A_1711 = arith.constant 2 : i32
        %mul3A_1712 = arith.muli %sub3A_1632, %mul3A_1711 : i32
        %add3A_1713 = arith.constant 0 : i32
        %add3A_1714 = arith.addi %mul3A_1712, %add3A_1713 : i32
        %get3A_1715 = arith.index_cast %add3A_1714 : i32 to index
        %get3A_1716 = arith.constant 96 : index
        %get3A_1717 = tpu.vector_load %arg5[%get3A_1715, %get3A_1716] {strides = array<i32>} : memref<200x128xi32, #tpu.memory_space<vmem>>, vector<16xi32>,
        %dma_start3A_1718 = arith.constant 96 : i32
        %dma_start3A_1719 = arith.constant 0 : i32
        %dma_start3A_1720 = tpu.memref_slice %arg7[%dma_start3A_1718, %dma_start3A_1719] : memref<256x64xf32, #tpu.memory_space<vmem>> -> memref<16x64xf32, #tpu.memory_space<vmem>>
        %dma_start3A_1721 = arith.constant 0 : i32
        %dma_start3A_1722 = arith.constant 0 : i32
        %dma_start3A_1723 = tpu.memref_slice %arg3[%dma_start3A_1721, %dma_start3A_1722] : memref<1000000x64xf32, #tpu.memory_space<hbm>> -> memref<1000000x64xf32, #tpu.memory_space<hbm>>
        tpu.enqueue_indirect_dma source(%dma_start3A_1723 : memref<1000000x64xf32, #tpu.memory_space<hbm>>) target(%dma_start3A_1720 : memref<16x64xf32, #tpu.memory_space<vmem>>) offsets(%get3A_1717 : vector<16xi32>) semaphore(%arg13 : memref<!tpu.dma_semaphore, #tpu.memory_space<semaphore_mem>>)
        %mul3A_1724 = arith.constant 2 : i32
        %mul3A_1725 = arith.muli %sub3A_1632, %mul3A_1724 : i32
        %add3A_1726 = arith.constant 0 : i32
        %add3A_1727 = arith.addi %mul3A_1725, %add3A_1726 : i32
        %get3A_1728 = arith.index_cast %add3A_1727 : i32 to index
        %get3A_1729 = arith.constant 112 : index
        %get3A_1730 = tpu.vector_load %arg5[%get3A_1728, %get3A_1729] {strides = array<i32>} : memref<200x128xi32, #tpu.memory_space<vmem>>, vector<16xi32>,
        %dma_start3A_1731 = arith.constant 112 : i32
        %dma_start3A_1732 = arith.constant 0 : i32
        %dma_start3A_1733 = tpu.memref_slice %arg7[%dma_start3A_1731, %dma_start3A_1732] : memref<256x64xf32, #tpu.memory_space<vmem>> -> memref<16x64xf32, #tpu.memory_space<vmem>>
        %dma_start3A_1734 = arith.constant 0 : i32
        %dma_start3A_1735 = arith.constant 0 : i32
        %dma_start3A_1736 = tpu.memref_slice %arg3[%dma_start3A_1734, %dma_start3A_1735] : memref<1000000x64xf32, #tpu.memory_space<hbm>> -> memref<1000000x64xf32, #tpu.memory_space<hbm>>
        tpu.enqueue_indirect_dma source(%dma_start3A_1736 : memref<1000000x64xf32, #tpu.memory_space<hbm>>) target(%dma_start3A_1733 : memref<16x64xf32, #tpu.memory_space<vmem>>) offsets(%get3A_1730 : vector<16xi32>) semaphore(%arg13 : memref<!tpu.dma_semaphore, #tpu.memory_space<semaphore_mem>>)
        %mul3A_1737 = arith.constant 2 : i32
        %mul3A_1738 = arith.muli %sub3A_1632, %mul3A_1737 : i32
        %add3A_1739 = arith.constant 1 : i32
        %add3A_1740 = arith.addi %mul3A_1738, %add3A_1739 : i32
        %get3A_1741 = arith.index_cast %add3A_1740 : i32 to index
        %get3A_1742 = arith.constant 0 : index
        %get3A_1743 = tpu.vector_load %arg5[%get3A_1741, %get3A_1742] {strides = array<i32>} : memref<200x128xi32, #tpu.memory_space<vmem>>, vector<16xi32>,
        %dma_start3A_1744 = arith.constant 128 : i32
        %dma_start3A_1745 = arith.constant 0 : i32
        %dma_start3A_1746 = tpu.memref_slice %arg7[%dma_start3A_1744, %dma_start3A_1745] : memref<256x64xf32, #tpu.memory_space<vmem>> -> memref<16x64xf32, #tpu.memory_space<vmem>>
        %dma_start3A_1747 = arith.constant 0 : i32
        %dma_start3A_1748 = arith.constant 0 : i32
        %dma_start3A_1749 = tpu.memref_slice %arg3[%dma_start3A_1747, %dma_start3A_1748] : memref<1000000x64xf32, #tpu.memory_space<hbm>> -> memref<1000000x64xf32, #tpu.memory_space<hbm>>
        tpu.enqueue_indirect_dma source(%dma_start3A_1749 : memref<1000000x64xf32, #tpu.memory_space<hbm>>) target(%dma_start3A_1746 : memref<16x64xf32, #tpu.memory_space<vmem>>) offsets(%get3A_1743 : vector<16xi32>) semaphore(%arg13 : memref<!tpu.dma_semaphore, #tpu.memory_space<semaphore_mem>>)
        %mul3A_1750 = arith.constant 2 : i32
        %mul3A_1751 = arith.muli %sub3A_1632, %mul3A_1750 : i32
        %add3A_1752 = arith.constant 1 : i32
        %add3A_1753 = arith.addi %mul3A_1751, %add3A_1752 : i32
        %get3A_1754 = arith.index_cast %add3A_1753 : i32 to index
        %get3A_1755 = arith.constant 16 : index
        %get3A_1756 = tpu.vector_load %arg5[%get3A_1754, %get3A_1755] {strides = array<i32>} : memref<200x128xi32, #tpu.memory_space<vmem>>, vector<16xi32>,
        %dma_start3A_1757 = arith.constant 144 : i32
        %dma_start3A_1758 = arith.constant 0 : i32
        %dma_start3A_1759 = tpu.memref_slice %arg7[%dma_start3A_1757, %dma_start3A_1758] : memref<256x64xf32, #tpu.memory_space<vmem>> -> memref<16x64xf32, #tpu.memory_space<vmem>>
        %dma_start3A_1760 = arith.constant 0 : i32
        %dma_start3A_1761 = arith.constant 0 : i32
        %dma_start3A_1762 = tpu.memref_slice %arg3[%dma_start3A_1760, %dma_start3A_1761] : memref<1000000x64xf32, #tpu.memory_space<hbm>> -> memref<1000000x64xf32, #tpu.memory_space<hbm>>
        tpu.enqueue_indirect_dma source(%dma_start3A_1762 : memref<1000000x64xf32, #tpu.memory_space<hbm>>) target(%dma_start3A_1759 : memref<16x64xf32, #tpu.memory_space<vmem>>) offsets(%get3A_1756 : vector<16xi32>) semaphore(%arg13 : memref<!tpu.dma_semaphore, #tpu.memory_space<semaphore_mem>>)
        %mul3A_1763 = arith.constant 2 : i32
        %mul3A_1764 = arith.muli %sub3A_1632, %mul3A_1763 : i32
        %add3A_1765 = arith.constant 1 : i32
        %add3A_1766 = arith.addi %mul3A_1764, %add3A_1765 : i32
        %get3A_1767 = arith.index_cast %add3A_1766 : i32 to index
        %get3A_1768 = arith.constant 32 : index
        %get3A_1769 = tpu.vector_load %arg5[%get3A_1767, %get3A_1768] {strides = array<i32>} : memref<200x128xi32, #tpu.memory_space<vmem>>, vector<16xi32>,
        %dma_start3A_1770 = arith.constant 160 : i32
        %dma_start3A_1771 = arith.constant 0 : i32
        %dma_start3A_1772 = tpu.memref_slice %arg7[%dma_start3A_1770, %dma_start3A_1771] : memref<256x64xf32, #tpu.memory_space<vmem>> -> memref<16x64xf32, #tpu.memory_space<vmem>>
        %dma_start3A_1773 = arith.constant 0 : i32
        %dma_start3A_1774 = arith.constant 0 : i32
        %dma_start3A_1775 = tpu.memref_slice %arg3[%dma_start3A_1773, %dma_start3A_1774] : memref<1000000x64xf32, #tpu.memory_space<hbm>> -> memref<1000000x64xf32, #tpu.memory_space<hbm>>
        tpu.enqueue_indirect_dma source(%dma_start3A_1775 : memref<1000000x64xf32, #tpu.memory_space<hbm>>) target(%dma_start3A_1772 : memref<16x64xf32, #tpu.memory_space<vmem>>) offsets(%get3A_1769 : vector<16xi32>) semaphore(%arg13 : memref<!tpu.dma_semaphore, #tpu.memory_space<semaphore_mem>>)
        %mul3A_1776 = arith.constant 2 : i32
        %mul3A_1777 = arith.muli %sub3A_1632, %mul3A_1776 : i32
        %add3A_1778 = arith.constant 1 : i32
        %add3A_1779 = arith.addi %mul3A_1777, %add3A_1778 : i32
        %get3A_1780 = arith.index_cast %add3A_1779 : i32 to index
        %get3A_1781 = arith.constant 48 : index
        %get3A_1782 = tpu.vector_load %arg5[%get3A_1780, %get3A_1781] {strides = array<i32>} : memref<200x128xi32, #tpu.memory_space<vmem>>, vector<16xi32>,
        %dma_start3A_1783 = arith.constant 176 : i32
        %dma_start3A_1784 = arith.constant 0 : i32
        %dma_start3A_1785 = tpu.memref_slice %arg7[%dma_start3A_1783, %dma_start3A_1784] : memref<256x64xf32, #tpu.memory_space<vmem>> -> memref<16x64xf32, #tpu.memory_space<vmem>>
        %dma_start3A_1786 = arith.constant 0 : i32
        %dma_start3A_1787 = arith.constant 0 : i32
        %dma_start3A_1788 = tpu.memref_slice %arg3[%dma_start3A_1786, %dma_start3A_1787] : memref<1000000x64xf32, #tpu.memory_space<hbm>> -> memref<1000000x64xf32, #tpu.memory_space<hbm>>
        tpu.enqueue_indirect_dma source(%dma_start3A_1788 : memref<1000000x64xf32, #tpu.memory_space<hbm>>) target(%dma_start3A_1785 : memref<16x64xf32, #tpu.memory_space<vmem>>) offsets(%get3A_1782 : vector<16xi32>) semaphore(%arg13 : memref<!tpu.dma_semaphore, #tpu.memory_space<semaphore_mem>>)
        %mul3A_1789 = arith.constant 2 : i32
        %mul3A_1790 = arith.muli %sub3A_1632, %mul3A_1789 : i32
        %add3A_1791 = arith.constant 1 : i32
        %add3A_1792 = arith.addi %mul3A_1790, %add3A_1791 : i32
        %get3A_1793 = arith.index_cast %add3A_1792 : i32 to index
        %get3A_1794 = arith.constant 64 : index
        %get3A_1795 = tpu.vector_load %arg5[%get3A_1793, %get3A_1794] {strides = array<i32>} : memref<200x128xi32, #tpu.memory_space<vmem>>, vector<16xi32>,
        %dma_start3A_1796 = arith.constant 192 : i32
        %dma_start3A_1797 = arith.constant 0 : i32
        %dma_start3A_1798 = tpu.memref_slice %arg7[%dma_start3A_1796, %dma_start3A_1797] : memref<256x64xf32, #tpu.memory_space<vmem>> -> memref<16x64xf32, #tpu.memory_space<vmem>>
        %dma_start3A_1799 = arith.constant 0 : i32
        %dma_start3A_1800 = arith.constant 0 : i32
        %dma_start3A_1801 = tpu.memref_slice %arg3[%dma_start3A_1799, %dma_start3A_1800] : memref<1000000x64xf32, #tpu.memory_space<hbm>> -> memref<1000000x64xf32, #tpu.memory_space<hbm>>
        tpu.enqueue_indirect_dma source(%dma_start3A_1801 : memref<1000000x64xf32, #tpu.memory_space<hbm>>) target(%dma_start3A_1798 : memref<16x64xf32, #tpu.memory_space<vmem>>) offsets(%get3A_1795 : vector<16xi32>) semaphore(%arg13 : memref<!tpu.dma_semaphore, #tpu.memory_space<semaphore_mem>>)
        %mul3A_1802 = arith.constant 2 : i32
        %mul3A_1803 = arith.muli %sub3A_1632, %mul3A_1802 : i32
        %add3A_1804 = arith.constant 1 : i32
        %add3A_1805 = arith.addi %mul3A_1803, %add3A_1804 : i32
        %get3A_1806 = arith.index_cast %add3A_1805 : i32 to index
        %get3A_1807 = arith.constant 80 : index
        %get3A_1808 = tpu.vector_load %arg5[%get3A_1806, %get3A_1807] {strides = array<i32>} : memref<200x128xi32, #tpu.memory_space<vmem>>, vector<16xi32>,
        %dma_start3A_1809 = arith.constant 208 : i32
        %dma_start3A_1810 = arith.constant 0 : i32
        %dma_start3A_1811 = tpu.memref_slice %arg7[%dma_start3A_1809, %dma_start3A_1810] : memref<256x64xf32, #tpu.memory_space<vmem>> -> memref<16x64xf32, #tpu.memory_space<vmem>>
        %dma_start3A_1812 = arith.constant 0 : i32
        %dma_start3A_1813 = arith.constant 0 : i32
        %dma_start3A_1814 = tpu.memref_slice %arg3[%dma_start3A_1812, %dma_start3A_1813] : memref<1000000x64xf32, #tpu.memory_space<hbm>> -> memref<1000000x64xf32, #tpu.memory_space<hbm>>
        tpu.enqueue_indirect_dma source(%dma_start3A_1814 : memref<1000000x64xf32, #tpu.memory_space<hbm>>) target(%dma_start3A_1811 : memref<16x64xf32, #tpu.memory_space<vmem>>) offsets(%get3A_1808 : vector<16xi32>) semaphore(%arg13 : memref<!tpu.dma_semaphore, #tpu.memory_space<semaphore_mem>>)
        %mul3A_1815 = arith.constant 2 : i32
        %mul3A_1816 = arith.muli %sub3A_1632, %mul3A_1815 : i32
        %add3A_1817 = arith.constant 1 : i32
        %add3A_1818 = arith.addi %mul3A_1816, %add3A_1817 : i32
        %get3A_1819 = arith.index_cast %add3A_1818 : i32 to index
        %get3A_1820 = arith.constant 96 : index
        %get3A_1821 = tpu.vector_load %arg5[%get3A_1819, %get3A_1820] {strides = array<i32>} : memref<200x128xi32, #tpu.memory_space<vmem>>, vector<16xi32>,
        %dma_start3A_1822 = arith.constant 224 : i32
        %dma_start3A_1823 = arith.constant 0 : i32
        %dma_start3A_1824 = tpu.memref_slice %arg7[%dma_start3A_1822, %dma_start3A_1823] : memref<256x64xf32, #tpu.memory_space<vmem>> -> memref<16x64xf32, #tpu.memory_space<vmem>>
        %dma_start3A_1825 = arith.constant 0 : i32
        %dma_start3A_1826 = arith.constant 0 : i32
        %dma_start3A_1827 = tpu.memref_slice %arg3[%dma_start3A_1825, %dma_start3A_1826] : memref<1000000x64xf32, #tpu.memory_space<hbm>> -> memref<1000000x64xf32, #tpu.memory_space<hbm>>
        tpu.enqueue_indirect_dma source(%dma_start3A_1827 : memref<1000000x64xf32, #tpu.memory_space<hbm>>) target(%dma_start3A_1824 : memref<16x64xf32, #tpu.memory_space<vmem>>) offsets(%get3A_1821 : vector<16xi32>) semaphore(%arg13 : memref<!tpu.dma_semaphore, #tpu.memory_space<semaphore_mem>>)
        %mul3A_1828 = arith.constant 2 : i32
        %mul3A_1829 = arith.muli %sub3A_1632, %mul3A_1828 : i32
        %add3A_1830 = arith.constant 1 : i32
        %add3A_1831 = arith.addi %mul3A_1829, %add3A_1830 : i32
        %get3A_1832 = arith.index_cast %add3A_1831 : i32 to index
        %get3A_1833 = arith.constant 112 : index
        %get3A_1834 = tpu.vector_load %arg5[%get3A_1832, %get3A_1833] {strides = array<i32>} : memref<200x128xi32, #tpu.memory_space<vmem>>, vector<16xi32>,
        %dma_start3A_1835 = arith.constant 240 : i32
        %dma_start3A_1836 = arith.constant 0 : i32
        %dma_start3A_1837 = tpu.memref_slice %arg7[%dma_start3A_1835, %dma_start3A_1836] : memref<256x64xf32, #tpu.memory_space<vmem>> -> memref<16x64xf32, #tpu.memory_space<vmem>>
        %dma_start3A_1838 = arith.constant 0 : i32
        %dma_start3A_1839 = arith.constant 0 : i32
        %dma_start3A_1840 = tpu.memref_slice %arg3[%dma_start3A_1838, %dma_start3A_1839] : memref<1000000x64xf32, #tpu.memory_space<hbm>> -> memref<1000000x64xf32, #tpu.memory_space<hbm>>
        tpu.enqueue_indirect_dma source(%dma_start3A_1840 : memref<1000000x64xf32, #tpu.memory_space<hbm>>) target(%dma_start3A_1837 : memref<16x64xf32, #tpu.memory_space<vmem>>) offsets(%get3A_1834 : vector<16xi32>) semaphore(%arg13 : memref<!tpu.dma_semaphore, #tpu.memory_space<semaphore_mem>>)
      } else {
      }
      %ge3A_1288 = arith.constant 2 : i32
      %ge3A_1289 = arith.cmpi sge, %add3A_1118, %ge3A_1288 : i32
      %convert_element_type3A_1290 = arith.extui %ge3A_1289 : i1 to i32
      %cond3A_1291 = arith.constant 0 : i32
      %cond3A_1292 = arith.cmpi ne, %convert_element_type3A_1290, %cond3A_1291 : i32
      scf.if %cond3A_1292 {
        %add3A_1629 = arith.addi %mul3A_2, %add3A_1118 : i32
        %jit3A_1630 = arith.constant 16 : i32
        %div3A_1631 = arith.divsi %add3A_1629, %jit3A_1630 : i32
        %sign3A_1632 = arith.constant 0 : i32
        %sign3A_1633 = arith.cmpi sgt, %add3A_1629, %sign3A_1632 : i32
        %sign3A_1634 = arith.extui %sign3A_1633 : i1 to i32
        %sign3A_1635 = arith.constant 0 : i32
        %sign3A_1636 = arith.cmpi slt, %add3A_1629, %sign3A_1635 : i32
        %sign3A_1637 = arith.extui %sign3A_1636 : i1 to i32
        %sign3A_1638 = arith.subi %sign3A_1634, %sign3A_1637 : i32
        %sign3A_1639 = arith.constant 0 : i32
        %sign3A_1640 = arith.cmpi sgt, %jit3A_1630, %sign3A_1639 : i32
        %sign3A_1641 = arith.extui %sign3A_1640 : i1 to i32
        %sign3A_1642 = arith.constant 0 : i32
        %sign3A_1643 = arith.cmpi slt, %jit3A_1630, %sign3A_1642 : i32
        %sign3A_1644 = arith.extui %sign3A_1643 : i1 to i32
        %sign3A_1645 = arith.subi %sign3A_1641, %sign3A_1644 : i32
        %ne3A_1646 = arith.cmpi ne, %sign3A_1638, %sign3A_1645 : i32
        %rem3A_1647 = arith.remsi %add3A_1629, %jit3A_1630 : i32
        %ne3A_1648 = arith.constant 0 : i32
        %ne3A_1649 = arith.cmpi ne, %rem3A_1647, %ne3A_1648 : i32
        %and3A_1650 = arith.andi %ne3A_1646, %ne3A_1649 : i1
        %sub3A_1651 = arith.constant 1 : i32
        %sub3A_1652 = arith.subi %div3A_1631, %sub3A_1651 : i32
        %select_n3A_1653 = arith.select %and3A_1650, %sub3A_1652, %div3A_1631 : i32
        %jit3A_1654 = arith.constant 16 : i32
        %eq3A_1655 = arith.constant 0 : i32
        %eq3A_1656 = arith.cmpi eq, %jit3A_1654, %eq3A_1655 : i32
        %jit3A_1657 = arith.constant 1 : i32
        %select_n3A_1658 = arith.select %eq3A_1656, %jit3A_1657, %jit3A_1654 : i32
        %rem3A_1659 = arith.remsi %add3A_1629, %select_n3A_1658 : i32
        %ne3A_1660 = arith.constant 0 : i32
        %ne3A_1661 = arith.cmpi ne, %rem3A_1659, %ne3A_1660 : i32
        %lt3A_1662 = arith.constant 0 : i32
        %lt3A_1663 = arith.cmpi slt, %rem3A_1659, %lt3A_1662 : i32
        %lt3A_1664 = arith.constant 0 : i32
        %lt3A_1665 = arith.cmpi slt, %select_n3A_1658, %lt3A_1664 : i32
        %ne3A_1666 = arith.xori %lt3A_1663, %lt3A_1665 : i1
        %and3A_1667 = arith.andi %ne3A_1666, %ne3A_1661 : i1
        %add3A_1668 = arith.addi %rem3A_1659, %select_n3A_1658 : i32
        %select_n3A_1669 = arith.select %and3A_1667, %add3A_1668, %rem3A_1659 : i32
        %mul3A_1670 = arith.constant 256 : i32
        %mul3A_1671 = arith.muli %select_n3A_1669, %mul3A_1670 : i32
        %dma_wait3A_1672 = arith.constant 0 : i32
        %dma_wait3A_1673 = arith.constant 0 : i32
        %dma_wait3A_1674 = tpu.memref_slice %arg10[%dma_wait3A_1672, %dma_wait3A_1673] : memref<64x257xf32, #tpu.memory_space<vmem>> -> memref<64x256xf32, #tpu.memory_space<vmem>>
        %dma_wait3A_1675 = arith.constant 0 : i32
        %dma_wait3A_1676 = tpu.memref_slice %arg4[%select_n3A_1653, %dma_wait3A_1675, %mul3A_1671] : memref<200x64x4096xf32, #tpu.memory_space<hbm>> -> memref<1x64x256xf32, #tpu.memory_space<hbm>>
        %dma_wait3A_1677 = tpu.memref_squeeze %dma_wait3A_1676 : memref<1x64x256xf32, #tpu.memory_space<hbm>> -> memref<64x256xf32, #tpu.memory_space<hbm>>
        %dma_wait3A_1678 = arith.constant 0 : i32
        %dma_wait3A_1679 = tpu.memref_slice %arg4[%select_n3A_1653, %dma_wait3A_1678, %mul3A_1671] : memref<200x64x4096xf32, #tpu.memory_space<hbm>> -> memref<1x64x256xf32, #tpu.memory_space<hbm>>
        %dma_wait3A_1680 = tpu.memref_squeeze %dma_wait3A_1679 : memref<1x64x256xf32, #tpu.memory_space<hbm>> -> memref<64x256xf32, #tpu.memory_space<hbm>>
        %dma_wait3A_1681 = arith.constant 0 : i32
        %dma_wait3A_1682 = arith.constant 0 : i32
        %dma_wait3A_1683 = tpu.memref_slice %arg10[%dma_wait3A_1681, %dma_wait3A_1682] : memref<64x257xf32, #tpu.memory_space<vmem>> -> memref<64x256xf32, #tpu.memory_space<vmem>>
        tpu.wait_dma2 semaphore(%arg16 : memref<!tpu.dma_semaphore, #tpu.memory_space<semaphore_mem>>) src(%dma_wait3A_1683 : memref<64x256xf32, #tpu.memory_space<vmem>>) dst(%dma_wait3A_1680 : memref<64x256xf32, #tpu.memory_space<hbm>>)
      } else {
      }
      %broadcast_in_dim3A_1293 = arith.constant 0 : i32
      %broadcast_in_dim3A_1294 = vector.broadcast %broadcast_in_dim3A_1293 : i32 to vector<16xi32>
      %get3A_1295 = arith.constant 0 : i32
      %get3A_1296 = arith.index_cast %get3A_1295 : i32 to index
      %get3A_1297 = arith.constant 0 : index
      %get3A_1298 = tpu.vector_load %arg8[%get3A_1296, %get3A_1297] {strides = array<i32>} : memref<256x64xf32, #tpu.memory_space<vmem>>, vector<16xf32>,
      %get3A_1299 = arith.constant 0 : i32
      %get3A_1300 = arith.index_cast %get3A_1299 : i32 to index
      %get3A_1301 = arith.constant 16 : index
      %get3A_1302 = tpu.vector_load %arg8[%get3A_1300, %get3A_1301] {strides = array<i32>} : memref<256x64xf32, #tpu.memory_space<vmem>>, vector<16xf32>,
      %get3A_1303 = arith.constant 0 : i32
      %get3A_1304 = arith.index_cast %get3A_1303 : i32 to index
      %get3A_1305 = arith.constant 32 : index
      %get3A_1306 = tpu.vector_load %arg8[%get3A_1304, %get3A_1305] {strides = array<i32>} : memref<256x64xf32, #tpu.memory_space<vmem>>, vector<16xf32>,
      %get3A_1307 = arith.constant 0 : i32
      %get3A_1308 = arith.index_cast %get3A_1307 : i32 to index
      %get3A_1309 = arith.constant 48 : index
      %get3A_1310 = tpu.vector_load %arg8[%get3A_1308, %get3A_1309] {strides = array<i32>} : memref<256x64xf32, #tpu.memory_space<vmem>>, vector<16xf32>,
      %scan3A_1311 = arith.constant 0 : i32
      %scan3A_1312 = arith.constant 256 : i32
      %scan3A_1313 = arith.addi %scan3A_1311, %scan3A_1312 : i32
      %scan3A_1314 = arith.constant 8 : i32
      %scan3A_1315:5 = scf.for %scan3A_1629 = %scan3A_1311 to %scan3A_1313 step %scan3A_1314 iter_args(%scan3A_1630 = %broadcast_in_dim3A_1294, %scan3A_1631 = %get3A_1298, %scan3A_1632 = %get3A_1302, %scan3A_1633 = %get3A_1306, %scan3A_1634 = %get3A_1310) -> (vector<16xi32>, vector<16xf32>, vector<16xf32>, vector<16xf32>, vector<16xf32>)  : i32 {
        %add3A_1635 = arith.constant 1 : i32
        %add3A_1636 = arith.addi %scan3A_1629, %add3A_1635 : i32
        %min3A = arith.constant 255 : i32
        %min3A_1637 = arith.minsi %add3A_1636, %min3A : i32
        %get3A_1638 = arith.index_cast %min3A_1637 : i32 to index
        %get3A_1639 = arith.constant 0 : index
        %get3A_1640 = tpu.vector_load %arg8[%get3A_1638, %get3A_1639] {strides = array<i32>} : memref<256x64xf32, #tpu.memory_space<vmem>>, vector<16xf32>,
        %get3A_1641 = arith.index_cast %min3A_1637 : i32 to index
        %get3A_1642 = arith.constant 16 : index
        %get3A_1643 = tpu.vector_load %arg8[%get3A_1641, %get3A_1642] {strides = array<i32>} : memref<256x64xf32, #tpu.memory_space<vmem>>, vector<16xf32>,
        %get3A_1644 = arith.index_cast %min3A_1637 : i32 to index
        %get3A_1645 = arith.constant 32 : index
        %get3A_1646 = tpu.vector_load %arg8[%get3A_1644, %get3A_1645] {strides = array<i32>} : memref<256x64xf32, #tpu.memory_space<vmem>>, vector<16xf32>,
        %get3A_1647 = arith.index_cast %min3A_1637 : i32 to index
        %get3A_1648 = arith.constant 48 : index
        %get3A_1649 = tpu.vector_load %arg8[%get3A_1647, %get3A_1648] {strides = array<i32>} : memref<256x64xf32, #tpu.memory_space<vmem>>, vector<16xf32>,
        %mul3A_1650 = arith.constant 8.000000e+00 : f32
        %mul3A_1651 = vector.broadcast %mul3A_1650 : f32 to vector<16xf32>
        %mul3A_1652 = arith.mulf %scan3A_1631, %mul3A_1651 : vector<16xf32>
        tpu.vector_store_idx %arg10[%add3A_5, %scan3A_1630], %mul3A_1652 : memref<64x257xf32, #tpu.memory_space<vmem>>[vector<16xi32>, vector<16xi32>], vector<16xf32>,
        %mul3A_1653 = arith.constant 8.000000e+00 : f32
        %mul3A_1654 = vector.broadcast %mul3A_1653 : f32 to vector<16xf32>
        %mul3A_1655 = arith.mulf %scan3A_1632, %mul3A_1654 : vector<16xf32>
        tpu.vector_store_idx %arg10[%add3A_9, %scan3A_1630], %mul3A_1655 : memref<64x257xf32, #tpu.memory_space<vmem>>[vector<16xi32>, vector<16xi32>], vector<16xf32>,
        %mul3A_1656 = arith.constant 8.000000e+00 : f32
        %mul3A_1657 = vector.broadcast %mul3A_1656 : f32 to vector<16xf32>
        %mul3A_1658 = arith.mulf %scan3A_1633, %mul3A_1657 : vector<16xf32>
        tpu.vector_store_idx %arg10[%add3A_13, %scan3A_1630], %mul3A_1658 : memref<64x257xf32, #tpu.memory_space<vmem>>[vector<16xi32>, vector<16xi32>], vector<16xf32>,
        %mul3A_1659 = arith.constant 8.000000e+00 : f32
        %mul3A_1660 = vector.broadcast %mul3A_1659 : f32 to vector<16xf32>
        %mul3A_1661 = arith.mulf %scan3A_1634, %mul3A_1660 : vector<16xf32>
        tpu.vector_store_idx %arg10[%add3A_17, %scan3A_1630], %mul3A_1661 : memref<64x257xf32, #tpu.memory_space<vmem>>[vector<16xi32>, vector<16xi32>], vector<16xf32>,
        %add3A_1662 = arith.constant 1 : i32
        %add3A_1663 = vector.broadcast %add3A_1662 : i32 to vector<16xi32>
        %add3A_1664 = arith.addi %scan3A_1630, %add3A_1663 : vector<16xi32>
        %scan3A_1665 = arith.constant 1 : i32
        %scan3A_1666 = arith.addi %scan3A_1629, %scan3A_1665 : i32
        %add3A_1667 = arith.constant 1 : i32
        %add3A_1668 = arith.addi %scan3A_1666, %add3A_1667 : i32
        %min3A_1669 = arith.constant 255 : i32
        %min3A_1670 = arith.minsi %add3A_1668, %min3A_1669 : i32
        %get3A_1671 = arith.index_cast %min3A_1670 : i32 to index
        %get3A_1672 = arith.constant 0 : index
        %get3A_1673 = tpu.vector_load %arg8[%get3A_1671, %get3A_1672] {strides = array<i32>} : memref<256x64xf32, #tpu.memory_space<vmem>>, vector<16xf32>,
        %get3A_1674 = arith.index_cast %min3A_1670 : i32 to index
        %get3A_1675 = arith.constant 16 : index
        %get3A_1676 = tpu.vector_load %arg8[%get3A_1674, %get3A_1675] {strides = array<i32>} : memref<256x64xf32, #tpu.memory_space<vmem>>, vector<16xf32>,
        %get3A_1677 = arith.index_cast %min3A_1670 : i32 to index
        %get3A_1678 = arith.constant 32 : index
        %get3A_1679 = tpu.vector_load %arg8[%get3A_1677, %get3A_1678] {strides = array<i32>} : memref<256x64xf32, #tpu.memory_space<vmem>>, vector<16xf32>,
        %get3A_1680 = arith.index_cast %min3A_1670 : i32 to index
        %get3A_1681 = arith.constant 48 : index
        %get3A_1682 = tpu.vector_load %arg8[%get3A_1680, %get3A_1681] {strides = array<i32>} : memref<256x64xf32, #tpu.memory_space<vmem>>, vector<16xf32>,
        %mul3A_1683 = arith.constant 8.000000e+00 : f32
        %mul3A_1684 = vector.broadcast %mul3A_1683 : f32 to vector<16xf32>
        %mul3A_1685 = arith.mulf %get3A_1640, %mul3A_1684 : vector<16xf32>
        tpu.vector_store_idx %arg10[%add3A_5, %add3A_1664], %mul3A_1685 : memref<64x257xf32, #tpu.memory_space<vmem>>[vector<16xi32>, vector<16xi32>], vector<16xf32>,
        %mul3A_1686 = arith.constant 8.000000e+00 : f32
        %mul3A_1687 = vector.broadcast %mul3A_1686 : f32 to vector<16xf32>
        %mul3A_1688 = arith.mulf %get3A_1643, %mul3A_1687 : vector<16xf32>
        tpu.vector_store_idx %arg10[%add3A_9, %add3A_1664], %mul3A_1688 : memref<64x257xf32, #tpu.memory_space<vmem>>[vector<16xi32>, vector<16xi32>], vector<16xf32>,
        %mul3A_1689 = arith.constant 8.000000e+00 : f32
        %mul3A_1690 = vector.broadcast %mul3A_1689 : f32 to vector<16xf32>
        %mul3A_1691 = arith.mulf %get3A_1646, %mul3A_1690 : vector<16xf32>
        tpu.vector_store_idx %arg10[%add3A_13, %add3A_1664], %mul3A_1691 : memref<64x257xf32, #tpu.memory_space<vmem>>[vector<16xi32>, vector<16xi32>], vector<16xf32>,
        %mul3A_1692 = arith.constant 8.000000e+00 : f32
        %mul3A_1693 = vector.broadcast %mul3A_1692 : f32 to vector<16xf32>
        %mul3A_1694 = arith.mulf %get3A_1649, %mul3A_1693 : vector<16xf32>
        tpu.vector_store_idx %arg10[%add3A_17, %add3A_1664], %mul3A_1694 : memref<64x257xf32, #tpu.memory_space<vmem>>[vector<16xi32>, vector<16xi32>], vector<16xf32>,
        %add3A_1695 = arith.constant 1 : i32
        %add3A_1696 = vector.broadcast %add3A_1695 : i32 to vector<16xi32>
        %add3A_1697 = arith.addi %add3A_1664, %add3A_1696 : vector<16xi32>
        %scan3A_1698 = arith.constant 2 : i32
        %scan3A_1699 = arith.addi %scan3A_1629, %scan3A_1698 : i32
        %add3A_1700 = arith.constant 1 : i32
        %add3A_1701 = arith.addi %scan3A_1699, %add3A_1700 : i32
        %min3A_1702 = arith.constant 255 : i32
        %min3A_1703 = arith.minsi %add3A_1701, %min3A_1702 : i32
        %get3A_1704 = arith.index_cast %min3A_1703 : i32 to index
        %get3A_1705 = arith.constant 0 : index
        %get3A_1706 = tpu.vector_load %arg8[%get3A_1704, %get3A_1705] {strides = array<i32>} : memref<256x64xf32, #tpu.memory_space<vmem>>, vector<16xf32>,
        %get3A_1707 = arith.index_cast %min3A_1703 : i32 to index
        %get3A_1708 = arith.constant 16 : index
        %get3A_1709 = tpu.vector_load %arg8[%get3A_1707, %get3A_1708] {strides = array<i32>} : memref<256x64xf32, #tpu.memory_space<vmem>>, vector<16xf32>,
        %get3A_1710 = arith.index_cast %min3A_1703 : i32 to index
        %get3A_1711 = arith.constant 32 : index
        %get3A_1712 = tpu.vector_load %arg8[%get3A_1710, %get3A_1711] {strides = array<i32>} : memref<256x64xf32, #tpu.memory_space<vmem>>, vector<16xf32>,
        %get3A_1713 = arith.index_cast %min3A_1703 : i32 to index
        %get3A_1714 = arith.constant 48 : index
        %get3A_1715 = tpu.vector_load %arg8[%get3A_1713, %get3A_1714] {strides = array<i32>} : memref<256x64xf32, #tpu.memory_space<vmem>>, vector<16xf32>,
        %mul3A_1716 = arith.constant 8.000000e+00 : f32
        %mul3A_1717 = vector.broadcast %mul3A_1716 : f32 to vector<16xf32>
        %mul3A_1718 = arith.mulf %get3A_1673, %mul3A_1717 : vector<16xf32>
        tpu.vector_store_idx %arg10[%add3A_5, %add3A_1697], %mul3A_1718 : memref<64x257xf32, #tpu.memory_space<vmem>>[vector<16xi32>, vector<16xi32>], vector<16xf32>,
        %mul3A_1719 = arith.constant 8.000000e+00 : f32
        %mul3A_1720 = vector.broadcast %mul3A_1719 : f32 to vector<16xf32>
        %mul3A_1721 = arith.mulf %get3A_1676, %mul3A_1720 : vector<16xf32>
        tpu.vector_store_idx %arg10[%add3A_9, %add3A_1697], %mul3A_1721 : memref<64x257xf32, #tpu.memory_space<vmem>>[vector<16xi32>, vector<16xi32>], vector<16xf32>,
        %mul3A_1722 = arith.constant 8.000000e+00 : f32
        %mul3A_1723 = vector.broadcast %mul3A_1722 : f32 to vector<16xf32>
        %mul3A_1724 = arith.mulf %get3A_1679, %mul3A_1723 : vector<16xf32>
        tpu.vector_store_idx %arg10[%add3A_13, %add3A_1697], %mul3A_1724 : memref<64x257xf32, #tpu.memory_space<vmem>>[vector<16xi32>, vector<16xi32>], vector<16xf32>,
        %mul3A_1725 = arith.constant 8.000000e+00 : f32
        %mul3A_1726 = vector.broadcast %mul3A_1725 : f32 to vector<16xf32>
        %mul3A_1727 = arith.mulf %get3A_1682, %mul3A_1726 : vector<16xf32>
        tpu.vector_store_idx %arg10[%add3A_17, %add3A_1697], %mul3A_1727 : memref<64x257xf32, #tpu.memory_space<vmem>>[vector<16xi32>, vector<16xi32>], vector<16xf32>,
        %add3A_1728 = arith.constant 1 : i32
        %add3A_1729 = vector.broadcast %add3A_1728 : i32 to vector<16xi32>
        %add3A_1730 = arith.addi %add3A_1697, %add3A_1729 : vector<16xi32>
        %scan3A_1731 = arith.constant 3 : i32
        %scan3A_1732 = arith.addi %scan3A_1629, %scan3A_1731 : i32
        %add3A_1733 = arith.constant 1 : i32
        %add3A_1734 = arith.addi %scan3A_1732, %add3A_1733 : i32
        %min3A_1735 = arith.constant 255 : i32
        %min3A_1736 = arith.minsi %add3A_1734, %min3A_1735 : i32
        %get3A_1737 = arith.index_cast %min3A_1736 : i32 to index
        %get3A_1738 = arith.constant 0 : index
        %get3A_1739 = tpu.vector_load %arg8[%get3A_1737, %get3A_1738] {strides = array<i32>} : memref<256x64xf32, #tpu.memory_space<vmem>>, vector<16xf32>,
        %get3A_1740 = arith.index_cast %min3A_1736 : i32 to index
        %get3A_1741 = arith.constant 16 : index
        %get3A_1742 = tpu.vector_load %arg8[%get3A_1740, %get3A_1741] {strides = array<i32>} : memref<256x64xf32, #tpu.memory_space<vmem>>, vector<16xf32>,
        %get3A_1743 = arith.index_cast %min3A_1736 : i32 to index
        %get3A_1744 = arith.constant 32 : index
        %get3A_1745 = tpu.vector_load %arg8[%get3A_1743, %get3A_1744] {strides = array<i32>} : memref<256x64xf32, #tpu.memory_space<vmem>>, vector<16xf32>,
        %get3A_1746 = arith.index_cast %min3A_1736 : i32 to index
        %get3A_1747 = arith.constant 48 : index
        %get3A_1748 = tpu.vector_load %arg8[%get3A_1746, %get3A_1747] {strides = array<i32>} : memref<256x64xf32, #tpu.memory_space<vmem>>, vector<16xf32>,
        %mul3A_1749 = arith.constant 8.000000e+00 : f32
        %mul3A_1750 = vector.broadcast %mul3A_1749 : f32 to vector<16xf32>
        %mul3A_1751 = arith.mulf %get3A_1706, %mul3A_1750 : vector<16xf32>
        tpu.vector_store_idx %arg10[%add3A_5, %add3A_1730], %mul3A_1751 : memref<64x257xf32, #tpu.memory_space<vmem>>[vector<16xi32>, vector<16xi32>], vector<16xf32>,
        %mul3A_1752 = arith.constant 8.000000e+00 : f32
        %mul3A_1753 = vector.broadcast %mul3A_1752 : f32 to vector<16xf32>
        %mul3A_1754 = arith.mulf %get3A_1709, %mul3A_1753 : vector<16xf32>
        tpu.vector_store_idx %arg10[%add3A_9, %add3A_1730], %mul3A_1754 : memref<64x257xf32, #tpu.memory_space<vmem>>[vector<16xi32>, vector<16xi32>], vector<16xf32>,
        %mul3A_1755 = arith.constant 8.000000e+00 : f32
        %mul3A_1756 = vector.broadcast %mul3A_1755 : f32 to vector<16xf32>
        %mul3A_1757 = arith.mulf %get3A_1712, %mul3A_1756 : vector<16xf32>
        tpu.vector_store_idx %arg10[%add3A_13, %add3A_1730], %mul3A_1757 : memref<64x257xf32, #tpu.memory_space<vmem>>[vector<16xi32>, vector<16xi32>], vector<16xf32>,
        %mul3A_1758 = arith.constant 8.000000e+00 : f32
        %mul3A_1759 = vector.broadcast %mul3A_1758 : f32 to vector<16xf32>
        %mul3A_1760 = arith.mulf %get3A_1715, %mul3A_1759 : vector<16xf32>
        tpu.vector_store_idx %arg10[%add3A_17, %add3A_1730], %mul3A_1760 : memref<64x257xf32, #tpu.memory_space<vmem>>[vector<16xi32>, vector<16xi32>], vector<16xf32>,
        %add3A_1761 = arith.constant 1 : i32
        %add3A_1762 = vector.broadcast %add3A_1761 : i32 to vector<16xi32>
        %add3A_1763 = arith.addi %add3A_1730, %add3A_1762 : vector<16xi32>
        %scan3A_1764 = arith.constant 4 : i32
        %scan3A_1765 = arith.addi %scan3A_1629, %scan3A_1764 : i32
        %add3A_1766 = arith.constant 1 : i32
        %add3A_1767 = arith.addi %scan3A_1765, %add3A_1766 : i32
        %min3A_1768 = arith.constant 255 : i32
        %min3A_1769 = arith.minsi %add3A_1767, %min3A_1768 : i32
        %get3A_1770 = arith.index_cast %min3A_1769 : i32 to index
        %get3A_1771 = arith.constant 0 : index
        %get3A_1772 = tpu.vector_load %arg8[%get3A_1770, %get3A_1771] {strides = array<i32>} : memref<256x64xf32, #tpu.memory_space<vmem>>, vector<16xf32>,
        %get3A_1773 = arith.index_cast %min3A_1769 : i32 to index
        %get3A_1774 = arith.constant 16 : index
        %get3A_1775 = tpu.vector_load %arg8[%get3A_1773, %get3A_1774] {strides = array<i32>} : memref<256x64xf32, #tpu.memory_space<vmem>>, vector<16xf32>,
        %get3A_1776 = arith.index_cast %min3A_1769 : i32 to index
        %get3A_1777 = arith.constant 32 : index
        %get3A_1778 = tpu.vector_load %arg8[%get3A_1776, %get3A_1777] {strides = array<i32>} : memref<256x64xf32, #tpu.memory_space<vmem>>, vector<16xf32>,
        %get3A_1779 = arith.index_cast %min3A_1769 : i32 to index
        %get3A_1780 = arith.constant 48 : index
        %get3A_1781 = tpu.vector_load %arg8[%get3A_1779, %get3A_1780] {strides = array<i32>} : memref<256x64xf32, #tpu.memory_space<vmem>>, vector<16xf32>,
        %mul3A_1782 = arith.constant 8.000000e+00 : f32
        %mul3A_1783 = vector.broadcast %mul3A_1782 : f32 to vector<16xf32>
        %mul3A_1784 = arith.mulf %get3A_1739, %mul3A_1783 : vector<16xf32>
        tpu.vector_store_idx %arg10[%add3A_5, %add3A_1763], %mul3A_1784 : memref<64x257xf32, #tpu.memory_space<vmem>>[vector<16xi32>, vector<16xi32>], vector<16xf32>,
        %mul3A_1785 = arith.constant 8.000000e+00 : f32
        %mul3A_1786 = vector.broadcast %mul3A_1785 : f32 to vector<16xf32>
        %mul3A_1787 = arith.mulf %get3A_1742, %mul3A_1786 : vector<16xf32>
        tpu.vector_store_idx %arg10[%add3A_9, %add3A_1763], %mul3A_1787 : memref<64x257xf32, #tpu.memory_space<vmem>>[vector<16xi32>, vector<16xi32>], vector<16xf32>,
        %mul3A_1788 = arith.constant 8.000000e+00 : f32
        %mul3A_1789 = vector.broadcast %mul3A_1788 : f32 to vector<16xf32>
        %mul3A_1790 = arith.mulf %get3A_1745, %mul3A_1789 : vector<16xf32>
        tpu.vector_store_idx %arg10[%add3A_13, %add3A_1763], %mul3A_1790 : memref<64x257xf32, #tpu.memory_space<vmem>>[vector<16xi32>, vector<16xi32>], vector<16xf32>,
        %mul3A_1791 = arith.constant 8.000000e+00 : f32
        %mul3A_1792 = vector.broadcast %mul3A_1791 : f32 to vector<16xf32>
        %mul3A_1793 = arith.mulf %get3A_1748, %mul3A_1792 : vector<16xf32>
        tpu.vector_store_idx %arg10[%add3A_17, %add3A_1763], %mul3A_1793 : memref<64x257xf32, #tpu.memory_space<vmem>>[vector<16xi32>, vector<16xi32>], vector<16xf32>,
        %add3A_1794 = arith.constant 1 : i32
        %add3A_1795 = vector.broadcast %add3A_1794 : i32 to vector<16xi32>
        %add3A_1796 = arith.addi %add3A_1763, %add3A_1795 : vector<16xi32>
        %scan3A_1797 = arith.constant 5 : i32
        %scan3A_1798 = arith.addi %scan3A_1629, %scan3A_1797 : i32
        %add3A_1799 = arith.constant 1 : i32
        %add3A_1800 = arith.addi %scan3A_1798, %add3A_1799 : i32
        %min3A_1801 = arith.constant 255 : i32
        %min3A_1802 = arith.minsi %add3A_1800, %min3A_1801 : i32
        %get3A_1803 = arith.index_cast %min3A_1802 : i32 to index
        %get3A_1804 = arith.constant 0 : index
        %get3A_1805 = tpu.vector_load %arg8[%get3A_1803, %get3A_1804] {strides = array<i32>} : memref<256x64xf32, #tpu.memory_space<vmem>>, vector<16xf32>,
        %get3A_1806 = arith.index_cast %min3A_1802 : i32 to index
        %get3A_1807 = arith.constant 16 : index
        %get3A_1808 = tpu.vector_load %arg8[%get3A_1806, %get3A_1807] {strides = array<i32>} : memref<256x64xf32, #tpu.memory_space<vmem>>, vector<16xf32>,
        %get3A_1809 = arith.index_cast %min3A_1802 : i32 to index
        %get3A_1810 = arith.constant 32 : index
        %get3A_1811 = tpu.vector_load %arg8[%get3A_1809, %get3A_1810] {strides = array<i32>} : memref<256x64xf32, #tpu.memory_space<vmem>>, vector<16xf32>,
        %get3A_1812 = arith.index_cast %min3A_1802 : i32 to index
        %get3A_1813 = arith.constant 48 : index
        %get3A_1814 = tpu.vector_load %arg8[%get3A_1812, %get3A_1813] {strides = array<i32>} : memref<256x64xf32, #tpu.memory_space<vmem>>, vector<16xf32>,
        %mul3A_1815 = arith.constant 8.000000e+00 : f32
        %mul3A_1816 = vector.broadcast %mul3A_1815 : f32 to vector<16xf32>
        %mul3A_1817 = arith.mulf %get3A_1772, %mul3A_1816 : vector<16xf32>
        tpu.vector_store_idx %arg10[%add3A_5, %add3A_1796], %mul3A_1817 : memref<64x257xf32, #tpu.memory_space<vmem>>[vector<16xi32>, vector<16xi32>], vector<16xf32>,
        %mul3A_1818 = arith.constant 8.000000e+00 : f32
        %mul3A_1819 = vector.broadcast %mul3A_1818 : f32 to vector<16xf32>
        %mul3A_1820 = arith.mulf %get3A_1775, %mul3A_1819 : vector<16xf32>
        tpu.vector_store_idx %arg10[%add3A_9, %add3A_1796], %mul3A_1820 : memref<64x257xf32, #tpu.memory_space<vmem>>[vector<16xi32>, vector<16xi32>], vector<16xf32>,
        %mul3A_1821 = arith.constant 8.000000e+00 : f32
        %mul3A_1822 = vector.broadcast %mul3A_1821 : f32 to vector<16xf32>
        %mul3A_1823 = arith.mulf %get3A_1778, %mul3A_1822 : vector<16xf32>
        tpu.vector_store_idx %arg10[%add3A_13, %add3A_1796], %mul3A_1823 : memref<64x257xf32, #tpu.memory_space<vmem>>[vector<16xi32>, vector<16xi32>], vector<16xf32>,
        %mul3A_1824 = arith.constant 8.000000e+00 : f32
        %mul3A_1825 = vector.broadcast %mul3A_1824 : f32 to vector<16xf32>
        %mul3A_1826 = arith.mulf %get3A_1781, %mul3A_1825 : vector<16xf32>
        tpu.vector_store_idx %arg10[%add3A_17, %add3A_1796], %mul3A_1826 : memref<64x257xf32, #tpu.memory_space<vmem>>[vector<16xi32>, vector<16xi32>], vector<16xf32>,
        %add3A_1827 = arith.constant 1 : i32
        %add3A_1828 = vector.broadcast %add3A_1827 : i32 to vector<16xi32>
        %add3A_1829 = arith.addi %add3A_1796, %add3A_1828 : vector<16xi32>
        %scan3A_1830 = arith.constant 6 : i32
        %scan3A_1831 = arith.addi %scan3A_1629, %scan3A_1830 : i32
        %add3A_1832 = arith.constant 1 : i32
        %add3A_1833 = arith.addi %scan3A_1831, %add3A_1832 : i32
        %min3A_1834 = arith.constant 255 : i32
        %min3A_1835 = arith.minsi %add3A_1833, %min3A_1834 : i32
        %get3A_1836 = arith.index_cast %min3A_1835 : i32 to index
        %get3A_1837 = arith.constant 0 : index
        %get3A_1838 = tpu.vector_load %arg8[%get3A_1836, %get3A_1837] {strides = array<i32>} : memref<256x64xf32, #tpu.memory_space<vmem>>, vector<16xf32>,
        %get3A_1839 = arith.index_cast %min3A_1835 : i32 to index
        %get3A_1840 = arith.constant 16 : index
        %get3A_1841 = tpu.vector_load %arg8[%get3A_1839, %get3A_1840] {strides = array<i32>} : memref<256x64xf32, #tpu.memory_space<vmem>>, vector<16xf32>,
        %get3A_1842 = arith.index_cast %min3A_1835 : i32 to index
        %get3A_1843 = arith.constant 32 : index
        %get3A_1844 = tpu.vector_load %arg8[%get3A_1842, %get3A_1843] {strides = array<i32>} : memref<256x64xf32, #tpu.memory_space<vmem>>, vector<16xf32>,
        %get3A_1845 = arith.index_cast %min3A_1835 : i32 to index
        %get3A_1846 = arith.constant 48 : index
        %get3A_1847 = tpu.vector_load %arg8[%get3A_1845, %get3A_1846] {strides = array<i32>} : memref<256x64xf32, #tpu.memory_space<vmem>>, vector<16xf32>,
        %mul3A_1848 = arith.constant 8.000000e+00 : f32
        %mul3A_1849 = vector.broadcast %mul3A_1848 : f32 to vector<16xf32>
        %mul3A_1850 = arith.mulf %get3A_1805, %mul3A_1849 : vector<16xf32>
        tpu.vector_store_idx %arg10[%add3A_5, %add3A_1829], %mul3A_1850 : memref<64x257xf32, #tpu.memory_space<vmem>>[vector<16xi32>, vector<16xi32>], vector<16xf32>,
        %mul3A_1851 = arith.constant 8.000000e+00 : f32
        %mul3A_1852 = vector.broadcast %mul3A_1851 : f32 to vector<16xf32>
        %mul3A_1853 = arith.mulf %get3A_1808, %mul3A_1852 : vector<16xf32>
        tpu.vector_store_idx %arg10[%add3A_9, %add3A_1829], %mul3A_1853 : memref<64x257xf32, #tpu.memory_space<vmem>>[vector<16xi32>, vector<16xi32>], vector<16xf32>,
        %mul3A_1854 = arith.constant 8.000000e+00 : f32
        %mul3A_1855 = vector.broadcast %mul3A_1854 : f32 to vector<16xf32>
        %mul3A_1856 = arith.mulf %get3A_1811, %mul3A_1855 : vector<16xf32>
        tpu.vector_store_idx %arg10[%add3A_13, %add3A_1829], %mul3A_1856 : memref<64x257xf32, #tpu.memory_space<vmem>>[vector<16xi32>, vector<16xi32>], vector<16xf32>,
        %mul3A_1857 = arith.constant 8.000000e+00 : f32
        %mul3A_1858 = vector.broadcast %mul3A_1857 : f32 to vector<16xf32>
        %mul3A_1859 = arith.mulf %get3A_1814, %mul3A_1858 : vector<16xf32>
        tpu.vector_store_idx %arg10[%add3A_17, %add3A_1829], %mul3A_1859 : memref<64x257xf32, #tpu.memory_space<vmem>>[vector<16xi32>, vector<16xi32>], vector<16xf32>,
        %add3A_1860 = arith.constant 1 : i32
        %add3A_1861 = vector.broadcast %add3A_1860 : i32 to vector<16xi32>
        %add3A_1862 = arith.addi %add3A_1829, %add3A_1861 : vector<16xi32>
        %scan3A_1863 = arith.constant 7 : i32
        %scan3A_1864 = arith.addi %scan3A_1629, %scan3A_1863 : i32
        %add3A_1865 = arith.constant 1 : i32
        %add3A_1866 = arith.addi %scan3A_1864, %add3A_1865 : i32
        %min3A_1867 = arith.constant 255 : i32
        %min3A_1868 = arith.minsi %add3A_1866, %min3A_1867 : i32
        %get3A_1869 = arith.index_cast %min3A_1868 : i32 to index
        %get3A_1870 = arith.constant 0 : index
        %get3A_1871 = tpu.vector_load %arg8[%get3A_1869, %get3A_1870] {strides = array<i32>} : memref<256x64xf32, #tpu.memory_space<vmem>>, vector<16xf32>,
        %get3A_1872 = arith.index_cast %min3A_1868 : i32 to index
        %get3A_1873 = arith.constant 16 : index
        %get3A_1874 = tpu.vector_load %arg8[%get3A_1872, %get3A_1873] {strides = array<i32>} : memref<256x64xf32, #tpu.memory_space<vmem>>, vector<16xf32>,
        %get3A_1875 = arith.index_cast %min3A_1868 : i32 to index
        %get3A_1876 = arith.constant 32 : index
        %get3A_1877 = tpu.vector_load %arg8[%get3A_1875, %get3A_1876] {strides = array<i32>} : memref<256x64xf32, #tpu.memory_space<vmem>>, vector<16xf32>,
        %get3A_1878 = arith.index_cast %min3A_1868 : i32 to index
        %get3A_1879 = arith.constant 48 : index
        %get3A_1880 = tpu.vector_load %arg8[%get3A_1878, %get3A_1879] {strides = array<i32>} : memref<256x64xf32, #tpu.memory_space<vmem>>, vector<16xf32>,
        %mul3A_1881 = arith.constant 8.000000e+00 : f32
        %mul3A_1882 = vector.broadcast %mul3A_1881 : f32 to vector<16xf32>
        %mul3A_1883 = arith.mulf %get3A_1838, %mul3A_1882 : vector<16xf32>
        tpu.vector_store_idx %arg10[%add3A_5, %add3A_1862], %mul3A_1883 : memref<64x257xf32, #tpu.memory_space<vmem>>[vector<16xi32>, vector<16xi32>], vector<16xf32>,
        %mul3A_1884 = arith.constant 8.000000e+00 : f32
        %mul3A_1885 = vector.broadcast %mul3A_1884 : f32 to vector<16xf32>
        %mul3A_1886 = arith.mulf %get3A_1841, %mul3A_1885 : vector<16xf32>
        tpu.vector_store_idx %arg10[%add3A_9, %add3A_1862], %mul3A_1886 : memref<64x257xf32, #tpu.memory_space<vmem>>[vector<16xi32>, vector<16xi32>], vector<16xf32>,
        %mul3A_1887 = arith.constant 8.000000e+00 : f32
        %mul3A_1888 = vector.broadcast %mul3A_1887 : f32 to vector<16xf32>
        %mul3A_1889 = arith.mulf %get3A_1844, %mul3A_1888 : vector<16xf32>
        tpu.vector_store_idx %arg10[%add3A_13, %add3A_1862], %mul3A_1889 : memref<64x257xf32, #tpu.memory_space<vmem>>[vector<16xi32>, vector<16xi32>], vector<16xf32>,
        %mul3A_1890 = arith.constant 8.000000e+00 : f32
        %mul3A_1891 = vector.broadcast %mul3A_1890 : f32 to vector<16xf32>
        %mul3A_1892 = arith.mulf %get3A_1847, %mul3A_1891 : vector<16xf32>
        tpu.vector_store_idx %arg10[%add3A_17, %add3A_1862], %mul3A_1892 : memref<64x257xf32, #tpu.memory_space<vmem>>[vector<16xi32>, vector<16xi32>], vector<16xf32>,
        %add3A_1893 = arith.constant 1 : i32
        %add3A_1894 = vector.broadcast %add3A_1893 : i32 to vector<16xi32>
        %add3A_1895 = arith.addi %add3A_1862, %add3A_1894 : vector<16xi32>
        scf.yield %add3A_1895, %get3A_1871, %get3A_1874, %get3A_1877, %get3A_1880 : vector<16xi32>, vector<16xf32>, vector<16xf32>, vector<16xf32>, vector<16xf32>
      }
      %scan3A_1316 = arith.constant 256 : i32
      %add3A_1317 = arith.addi %mul3A_2, %add3A_1118 : i32
      %jit3A_1318 = arith.constant 16 : i32
      %div3A_1319 = arith.divsi %add3A_1317, %jit3A_1318 : i32
      %sign3A_1320 = arith.constant 0 : i32
      %sign3A_1321 = arith.cmpi sgt, %add3A_1317, %sign3A_1320 : i32
      %sign3A_1322 = arith.extui %sign3A_1321 : i1 to i32
      %sign3A_1323 = arith.constant 0 : i32
      %sign3A_1324 = arith.cmpi slt, %add3A_1317, %sign3A_1323 : i32
      %sign3A_1325 = arith.extui %sign3A_1324 : i1 to i32
      %sign3A_1326 = arith.subi %sign3A_1322, %sign3A_1325 : i32
      %sign3A_1327 = arith.constant 0 : i32
      %sign3A_1328 = arith.cmpi sgt, %jit3A_1318, %sign3A_1327 : i32
      %sign3A_1329 = arith.extui %sign3A_1328 : i1 to i32
      %sign3A_1330 = arith.constant 0 : i32
      %sign3A_1331 = arith.cmpi slt, %jit3A_1318, %sign3A_1330 : i32
      %sign3A_1332 = arith.extui %sign3A_1331 : i1 to i32
      %sign3A_1333 = arith.subi %sign3A_1329, %sign3A_1332 : i32
      %ne3A_1334 = arith.cmpi ne, %sign3A_1326, %sign3A_1333 : i32
      %rem3A_1335 = arith.remsi %add3A_1317, %jit3A_1318 : i32
      %ne3A_1336 = arith.constant 0 : i32
      %ne3A_1337 = arith.cmpi ne, %rem3A_1335, %ne3A_1336 : i32
      %and3A_1338 = arith.andi %ne3A_1334, %ne3A_1337 : i1
      %sub3A_1339 = arith.constant 1 : i32
      %sub3A_1340 = arith.subi %div3A_1319, %sub3A_1339 : i32
      %select_n3A_1341 = arith.select %and3A_1338, %sub3A_1340, %div3A_1319 : i32
      %jit3A_1342 = arith.constant 16 : i32
      %eq3A_1343 = arith.constant 0 : i32
      %eq3A_1344 = arith.cmpi eq, %jit3A_1342, %eq3A_1343 : i32
      %jit3A_1345 = arith.constant 1 : i32
      %select_n3A_1346 = arith.select %eq3A_1344, %jit3A_1345, %jit3A_1342 : i32
      %rem3A_1347 = arith.remsi %add3A_1317, %select_n3A_1346 : i32
      %ne3A_1348 = arith.constant 0 : i32
      %ne3A_1349 = arith.cmpi ne, %rem3A_1347, %ne3A_1348 : i32
      %lt3A_1350 = arith.constant 0 : i32
      %lt3A_1351 = arith.cmpi slt, %rem3A_1347, %lt3A_1350 : i32
      %lt3A_1352 = arith.constant 0 : i32
      %lt3A_1353 = arith.cmpi slt, %select_n3A_1346, %lt3A_1352 : i32
      %ne3A_1354 = arith.xori %lt3A_1351, %lt3A_1353 : i1
      %and3A_1355 = arith.andi %ne3A_1354, %ne3A_1349 : i1
      %add3A_1356 = arith.addi %rem3A_1347, %select_n3A_1346 : i32
      %select_n3A_1357 = arith.select %and3A_1355, %add3A_1356, %rem3A_1347 : i32
      %mul3A_1358 = arith.constant 256 : i32
      %mul3A_1359 = arith.muli %select_n3A_1357, %mul3A_1358 : i32
      %dma_start3A_1360 = arith.constant 0 : i32
      %dma_start3A_1361 = arith.constant 0 : i32
      %dma_start3A_1362 = tpu.memref_slice %arg10[%dma_start3A_1360, %dma_start3A_1361] : memref<64x257xf32, #tpu.memory_space<vmem>> -> memref<64x256xf32, #tpu.memory_space<vmem>>
      %dma_start3A_1363 = arith.constant 0 : i32
      %dma_start3A_1364 = tpu.memref_slice %arg4[%select_n3A_1341, %dma_start3A_1363, %mul3A_1359] : memref<200x64x4096xf32, #tpu.memory_space<hbm>> -> memref<1x64x256xf32, #tpu.memory_space<hbm>>
      %dma_start3A_1365 = tpu.memref_squeeze %dma_start3A_1364 : memref<1x64x256xf32, #tpu.memory_space<hbm>> -> memref<64x256xf32, #tpu.memory_space<hbm>>
      %dma_start3A_1366 = arith.constant 0 : i32
      %dma_start3A_1367 = tpu.memref_slice %arg4[%select_n3A_1341, %dma_start3A_1366, %mul3A_1359] : memref<200x64x4096xf32, #tpu.memory_space<hbm>> -> memref<1x64x256xf32, #tpu.memory_space<hbm>>
      %dma_start3A_1368 = tpu.memref_squeeze %dma_start3A_1367 : memref<1x64x256xf32, #tpu.memory_space<hbm>> -> memref<64x256xf32, #tpu.memory_space<hbm>>
      %dma_start3A_1369 = arith.constant 0 : i32
      %dma_start3A_1370 = arith.constant 0 : i32
      %dma_start3A_1371 = tpu.memref_slice %arg10[%dma_start3A_1369, %dma_start3A_1370] : memref<64x257xf32, #tpu.memory_space<vmem>> -> memref<64x256xf32, #tpu.memory_space<vmem>>
      tpu.enqueue_dma source(%dma_start3A_1371 : memref<64x256xf32, #tpu.memory_space<vmem>>) target(%dma_start3A_1368 : memref<64x256xf32, #tpu.memory_space<hbm>>) target_semaphore(%arg16 : memref<!tpu.dma_semaphore, #tpu.memory_space<semaphore_mem>>)
      %mul3A_1372 = arith.constant 4 : i32
      %mul3A_1373 = arith.muli %mul3A_1372, %scan3A_604 : i32
      %add3A_1374 = arith.constant 3 : i32
      %add3A_1375 = arith.addi %mul3A_1373, %add3A_1374 : i32
      %get3A_1376 = arith.constant 0 : i32
      %get3A_1377 = arith.index_cast %get3A_1376 : i32 to index
      %get3A_1378 = arith.constant 0 : index
      %get3A_1379 = tpu.vector_load %arg5[%get3A_1377, %get3A_1378] {strides = array<i32>} : memref<200x128xi32, #tpu.memory_space<vmem>>, vector<16xi32>,
      %dma_wait3A_1380 = arith.constant 0 : i32
      %dma_wait3A_1381 = arith.constant 0 : i32
      %dma_wait3A_1382 = tpu.memref_slice %arg9[%dma_wait3A_1380, %dma_wait3A_1381] : memref<256x64xf32, #tpu.memory_space<vmem>> -> memref<16x64xf32, #tpu.memory_space<vmem>>
      %dma_wait3A_1383 = arith.constant 0 : i32
      %dma_wait3A_1384 = arith.constant 0 : i32
      %dma_wait3A_1385 = tpu.memref_slice %arg3[%dma_wait3A_1383, %dma_wait3A_1384] : memref<1000000x64xf32, #tpu.memory_space<hbm>> -> memref<1000000x64xf32, #tpu.memory_space<hbm>>
      tpu.wait_indirect_dma semaphore(%arg15 : memref<!tpu.dma_semaphore, #tpu.memory_space<semaphore_mem>>) src(%dma_wait3A_1385 : memref<1000000x64xf32, #tpu.memory_space<hbm>>) dst(%dma_wait3A_1382 : memref<16x64xf32, #tpu.memory_space<vmem>>)
      %get3A_1386 = arith.constant 0 : i32
      %get3A_1387 = arith.index_cast %get3A_1386 : i32 to index
      %get3A_1388 = arith.constant 0 : index
      %get3A_1389 = tpu.vector_load %arg5[%get3A_1387, %get3A_1388] {strides = array<i32>} : memref<200x128xi32, #tpu.memory_space<vmem>>, vector<16xi32>,
      %dma_wait3A_1390 = arith.constant 16 : i32
      %dma_wait3A_1391 = arith.constant 0 : i32
      %dma_wait3A_1392 = tpu.memref_slice %arg9[%dma_wait3A_1390, %dma_wait3A_1391] : memref<256x64xf32, #tpu.memory_space<vmem>> -> memref<16x64xf32, #tpu.memory_space<vmem>>
      %dma_wait3A_1393 = arith.constant 0 : i32
      %dma_wait3A_1394 = arith.constant 0 : i32
      %dma_wait3A_1395 = tpu.memref_slice %arg3[%dma_wait3A_1393, %dma_wait3A_1394] : memref<1000000x64xf32, #tpu.memory_space<hbm>> -> memref<1000000x64xf32, #tpu.memory_space<hbm>>
      tpu.wait_indirect_dma semaphore(%arg15 : memref<!tpu.dma_semaphore, #tpu.memory_space<semaphore_mem>>) src(%dma_wait3A_1395 : memref<1000000x64xf32, #tpu.memory_space<hbm>>) dst(%dma_wait3A_1392 : memref<16x64xf32, #tpu.memory_space<vmem>>)
      %get3A_1396 = arith.constant 0 : i32
      %get3A_1397 = arith.index_cast %get3A_1396 : i32 to index
      %get3A_1398 = arith.constant 0 : index
      %get3A_1399 = tpu.vector_load %arg5[%get3A_1397, %get3A_1398] {strides = array<i32>} : memref<200x128xi32, #tpu.memory_space<vmem>>, vector<16xi32>,
      %dma_wait3A_1400 = arith.constant 32 : i32
      %dma_wait3A_1401 = arith.constant 0 : i32
      %dma_wait3A_1402 = tpu.memref_slice %arg9[%dma_wait3A_1400, %dma_wait3A_1401] : memref<256x64xf32, #tpu.memory_space<vmem>> -> memref<16x64xf32, #tpu.memory_space<vmem>>
      %dma_wait3A_1403 = arith.constant 0 : i32
      %dma_wait3A_1404 = arith.constant 0 : i32
      %dma_wait3A_1405 = tpu.memref_slice %arg3[%dma_wait3A_1403, %dma_wait3A_1404] : memref<1000000x64xf32, #tpu.memory_space<hbm>> -> memref<1000000x64xf32, #tpu.memory_space<hbm>>
      tpu.wait_indirect_dma semaphore(%arg15 : memref<!tpu.dma_semaphore, #tpu.memory_space<semaphore_mem>>) src(%dma_wait3A_1405 : memref<1000000x64xf32, #tpu.memory_space<hbm>>) dst(%dma_wait3A_1402 : memref<16x64xf32, #tpu.memory_space<vmem>>)
      %get3A_1406 = arith.constant 0 : i32
      %get3A_1407 = arith.index_cast %get3A_1406 : i32 to index
      %get3A_1408 = arith.constant 0 : index
      %get3A_1409 = tpu.vector_load %arg5[%get3A_1407, %get3A_1408] {strides = array<i32>} : memref<200x128xi32, #tpu.memory_space<vmem>>, vector<16xi32>,
      %dma_wait3A_1410 = arith.constant 48 : i32
      %dma_wait3A_1411 = arith.constant 0 : i32
      %dma_wait3A_1412 = tpu.memref_slice %arg9[%dma_wait3A_1410, %dma_wait3A_1411] : memref<256x64xf32, #tpu.memory_space<vmem>> -> memref<16x64xf32, #tpu.memory_space<vmem>>
      %dma_wait3A_1413 = arith.constant 0 : i32
      %dma_wait3A_1414 = arith.constant 0 : i32
      %dma_wait3A_1415 = tpu.memref_slice %arg3[%dma_wait3A_1413, %dma_wait3A_1414] : memref<1000000x64xf32, #tpu.memory_space<hbm>> -> memref<1000000x64xf32, #tpu.memory_space<hbm>>
      tpu.wait_indirect_dma semaphore(%arg15 : memref<!tpu.dma_semaphore, #tpu.memory_space<semaphore_mem>>) src(%dma_wait3A_1415 : memref<1000000x64xf32, #tpu.memory_space<hbm>>) dst(%dma_wait3A_1412 : memref<16x64xf32, #tpu.memory_space<vmem>>)
      %get3A_1416 = arith.constant 0 : i32
      %get3A_1417 = arith.index_cast %get3A_1416 : i32 to index
      %get3A_1418 = arith.constant 0 : index
      %get3A_1419 = tpu.vector_load %arg5[%get3A_1417, %get3A_1418] {strides = array<i32>} : memref<200x128xi32, #tpu.memory_space<vmem>>, vector<16xi32>,
      %dma_wait3A_1420 = arith.constant 64 : i32
      %dma_wait3A_1421 = arith.constant 0 : i32
      %dma_wait3A_1422 = tpu.memref_slice %arg9[%dma_wait3A_1420, %dma_wait3A_1421] : memref<256x64xf32, #tpu.memory_space<vmem>> -> memref<16x64xf32, #tpu.memory_space<vmem>>
      %dma_wait3A_1423 = arith.constant 0 : i32
      %dma_wait3A_1424 = arith.constant 0 : i32
      %dma_wait3A_1425 = tpu.memref_slice %arg3[%dma_wait3A_1423, %dma_wait3A_1424] : memref<1000000x64xf32, #tpu.memory_space<hbm>> -> memref<1000000x64xf32, #tpu.memory_space<hbm>>
      tpu.wait_indirect_dma semaphore(%arg15 : memref<!tpu.dma_semaphore, #tpu.memory_space<semaphore_mem>>) src(%dma_wait3A_1425 : memref<1000000x64xf32, #tpu.memory_space<hbm>>) dst(%dma_wait3A_1422 : memref<16x64xf32, #tpu.memory_space<vmem>>)
      %get3A_1426 = arith.constant 0 : i32
      %get3A_1427 = arith.index_cast %get3A_1426 : i32 to index
      %get3A_1428 = arith.constant 0 : index
      %get3A_1429 = tpu.vector_load %arg5[%get3A_1427, %get3A_1428] {strides = array<i32>} : memref<200x128xi32, #tpu.memory_space<vmem>>, vector<16xi32>,
      %dma_wait3A_1430 = arith.constant 80 : i32
      %dma_wait3A_1431 = arith.constant 0 : i32
      %dma_wait3A_1432 = tpu.memref_slice %arg9[%dma_wait3A_1430, %dma_wait3A_1431] : memref<256x64xf32, #tpu.memory_space<vmem>> -> memref<16x64xf32, #tpu.memory_space<vmem>>
      %dma_wait3A_1433 = arith.constant 0 : i32
      %dma_wait3A_1434 = arith.constant 0 : i32
      %dma_wait3A_1435 = tpu.memref_slice %arg3[%dma_wait3A_1433, %dma_wait3A_1434] : memref<1000000x64xf32, #tpu.memory_space<hbm>> -> memref<1000000x64xf32, #tpu.memory_space<hbm>>
      tpu.wait_indirect_dma semaphore(%arg15 : memref<!tpu.dma_semaphore, #tpu.memory_space<semaphore_mem>>) src(%dma_wait3A_1435 : memref<1000000x64xf32, #tpu.memory_space<hbm>>) dst(%dma_wait3A_1432 : memref<16x64xf32, #tpu.memory_space<vmem>>)
      %get3A_1436 = arith.constant 0 : i32
      %get3A_1437 = arith.index_cast %get3A_1436 : i32 to index
      %get3A_1438 = arith.constant 0 : index
      %get3A_1439 = tpu.vector_load %arg5[%get3A_1437, %get3A_1438] {strides = array<i32>} : memref<200x128xi32, #tpu.memory_space<vmem>>, vector<16xi32>,
      %dma_wait3A_1440 = arith.constant 96 : i32
      %dma_wait3A_1441 = arith.constant 0 : i32
      %dma_wait3A_1442 = tpu.memref_slice %arg9[%dma_wait3A_1440, %dma_wait3A_1441] : memref<256x64xf32, #tpu.memory_space<vmem>> -> memref<16x64xf32, #tpu.memory_space<vmem>>
      %dma_wait3A_1443 = arith.constant 0 : i32
      %dma_wait3A_1444 = arith.constant 0 : i32
      %dma_wait3A_1445 = tpu.memref_slice %arg3[%dma_wait3A_1443, %dma_wait3A_1444] : memref<1000000x64xf32, #tpu.memory_space<hbm>> -> memref<1000000x64xf32, #tpu.memory_space<hbm>>
      tpu.wait_indirect_dma semaphore(%arg15 : memref<!tpu.dma_semaphore, #tpu.memory_space<semaphore_mem>>) src(%dma_wait3A_1445 : memref<1000000x64xf32, #tpu.memory_space<hbm>>) dst(%dma_wait3A_1442 : memref<16x64xf32, #tpu.memory_space<vmem>>)
      %get3A_1446 = arith.constant 0 : i32
      %get3A_1447 = arith.index_cast %get3A_1446 : i32 to index
      %get3A_1448 = arith.constant 0 : index
      %get3A_1449 = tpu.vector_load %arg5[%get3A_1447, %get3A_1448] {strides = array<i32>} : memref<200x128xi32, #tpu.memory_space<vmem>>, vector<16xi32>,
      %dma_wait3A_1450 = arith.constant 112 : i32
      %dma_wait3A_1451 = arith.constant 0 : i32
      %dma_wait3A_1452 = tpu.memref_slice %arg9[%dma_wait3A_1450, %dma_wait3A_1451] : memref<256x64xf32, #tpu.memory_space<vmem>> -> memref<16x64xf32, #tpu.memory_space<vmem>>
      %dma_wait3A_1453 = arith.constant 0 : i32
      %dma_wait3A_1454 = arith.constant 0 : i32
      %dma_wait3A_1455 = tpu.memref_slice %arg3[%dma_wait3A_1453, %dma_wait3A_1454] : memref<1000000x64xf32, #tpu.memory_space<hbm>> -> memref<1000000x64xf32, #tpu.memory_space<hbm>>
      tpu.wait_indirect_dma semaphore(%arg15 : memref<!tpu.dma_semaphore, #tpu.memory_space<semaphore_mem>>) src(%dma_wait3A_1455 : memref<1000000x64xf32, #tpu.memory_space<hbm>>) dst(%dma_wait3A_1452 : memref<16x64xf32, #tpu.memory_space<vmem>>)
      %get3A_1456 = arith.constant 0 : i32
      %get3A_1457 = arith.index_cast %get3A_1456 : i32 to index
      %get3A_1458 = arith.constant 0 : index
      %get3A_1459 = tpu.vector_load %arg5[%get3A_1457, %get3A_1458] {strides = array<i32>} : memref<200x128xi32, #tpu.memory_space<vmem>>, vector<16xi32>,
      %dma_wait3A_1460 = arith.constant 128 : i32
      %dma_wait3A_1461 = arith.constant 0 : i32
      %dma_wait3A_1462 = tpu.memref_slice %arg9[%dma_wait3A_1460, %dma_wait3A_1461] : memref<256x64xf32, #tpu.memory_space<vmem>> -> memref<16x64xf32, #tpu.memory_space<vmem>>
      %dma_wait3A_1463 = arith.constant 0 : i32
      %dma_wait3A_1464 = arith.constant 0 : i32
      %dma_wait3A_1465 = tpu.memref_slice %arg3[%dma_wait3A_1463, %dma_wait3A_1464] : memref<1000000x64xf32, #tpu.memory_space<hbm>> -> memref<1000000x64xf32, #tpu.memory_space<hbm>>
      tpu.wait_indirect_dma semaphore(%arg15 : memref<!tpu.dma_semaphore, #tpu.memory_space<semaphore_mem>>) src(%dma_wait3A_1465 : memref<1000000x64xf32, #tpu.memory_space<hbm>>) dst(%dma_wait3A_1462 : memref<16x64xf32, #tpu.memory_space<vmem>>)
      %get3A_1466 = arith.constant 0 : i32
      %get3A_1467 = arith.index_cast %get3A_1466 : i32 to index
      %get3A_1468 = arith.constant 0 : index
      %get3A_1469 = tpu.vector_load %arg5[%get3A_1467, %get3A_1468] {strides = array<i32>} : memref<200x128xi32, #tpu.memory_space<vmem>>, vector<16xi32>,
      %dma_wait3A_1470 = arith.constant 144 : i32
      %dma_wait3A_1471 = arith.constant 0 : i32
      %dma_wait3A_1472 = tpu.memref_slice %arg9[%dma_wait3A_1470, %dma_wait3A_1471] : memref<256x64xf32, #tpu.memory_space<vmem>> -> memref<16x64xf32, #tpu.memory_space<vmem>>
      %dma_wait3A_1473 = arith.constant 0 : i32
      %dma_wait3A_1474 = arith.constant 0 : i32
      %dma_wait3A_1475 = tpu.memref_slice %arg3[%dma_wait3A_1473, %dma_wait3A_1474] : memref<1000000x64xf32, #tpu.memory_space<hbm>> -> memref<1000000x64xf32, #tpu.memory_space<hbm>>
      tpu.wait_indirect_dma semaphore(%arg15 : memref<!tpu.dma_semaphore, #tpu.memory_space<semaphore_mem>>) src(%dma_wait3A_1475 : memref<1000000x64xf32, #tpu.memory_space<hbm>>) dst(%dma_wait3A_1472 : memref<16x64xf32, #tpu.memory_space<vmem>>)
      %get3A_1476 = arith.constant 0 : i32
      %get3A_1477 = arith.index_cast %get3A_1476 : i32 to index
      %get3A_1478 = arith.constant 0 : index
      %get3A_1479 = tpu.vector_load %arg5[%get3A_1477, %get3A_1478] {strides = array<i32>} : memref<200x128xi32, #tpu.memory_space<vmem>>, vector<16xi32>,
      %dma_wait3A_1480 = arith.constant 160 : i32
      %dma_wait3A_1481 = arith.constant 0 : i32
      %dma_wait3A_1482 = tpu.memref_slice %arg9[%dma_wait3A_1480, %dma_wait3A_1481] : memref<256x64xf32, #tpu.memory_space<vmem>> -> memref<16x64xf32, #tpu.memory_space<vmem>>
      %dma_wait3A_1483 = arith.constant 0 : i32
      %dma_wait3A_1484 = arith.constant 0 : i32
      %dma_wait3A_1485 = tpu.memref_slice %arg3[%dma_wait3A_1483, %dma_wait3A_1484] : memref<1000000x64xf32, #tpu.memory_space<hbm>> -> memref<1000000x64xf32, #tpu.memory_space<hbm>>
      tpu.wait_indirect_dma semaphore(%arg15 : memref<!tpu.dma_semaphore, #tpu.memory_space<semaphore_mem>>) src(%dma_wait3A_1485 : memref<1000000x64xf32, #tpu.memory_space<hbm>>) dst(%dma_wait3A_1482 : memref<16x64xf32, #tpu.memory_space<vmem>>)
      %get3A_1486 = arith.constant 0 : i32
      %get3A_1487 = arith.index_cast %get3A_1486 : i32 to index
      %get3A_1488 = arith.constant 0 : index
      %get3A_1489 = tpu.vector_load %arg5[%get3A_1487, %get3A_1488] {strides = array<i32>} : memref<200x128xi32, #tpu.memory_space<vmem>>, vector<16xi32>,
      %dma_wait3A_1490 = arith.constant 176 : i32
      %dma_wait3A_1491 = arith.constant 0 : i32
      %dma_wait3A_1492 = tpu.memref_slice %arg9[%dma_wait3A_1490, %dma_wait3A_1491] : memref<256x64xf32, #tpu.memory_space<vmem>> -> memref<16x64xf32, #tpu.memory_space<vmem>>
      %dma_wait3A_1493 = arith.constant 0 : i32
      %dma_wait3A_1494 = arith.constant 0 : i32
      %dma_wait3A_1495 = tpu.memref_slice %arg3[%dma_wait3A_1493, %dma_wait3A_1494] : memref<1000000x64xf32, #tpu.memory_space<hbm>> -> memref<1000000x64xf32, #tpu.memory_space<hbm>>
      tpu.wait_indirect_dma semaphore(%arg15 : memref<!tpu.dma_semaphore, #tpu.memory_space<semaphore_mem>>) src(%dma_wait3A_1495 : memref<1000000x64xf32, #tpu.memory_space<hbm>>) dst(%dma_wait3A_1492 : memref<16x64xf32, #tpu.memory_space<vmem>>)
      %get3A_1496 = arith.constant 0 : i32
      %get3A_1497 = arith.index_cast %get3A_1496 : i32 to index
      %get3A_1498 = arith.constant 0 : index
      %get3A_1499 = tpu.vector_load %arg5[%get3A_1497, %get3A_1498] {strides = array<i32>} : memref<200x128xi32, #tpu.memory_space<vmem>>, vector<16xi32>,
      %dma_wait3A_1500 = arith.constant 192 : i32
      %dma_wait3A_1501 = arith.constant 0 : i32
      %dma_wait3A_1502 = tpu.memref_slice %arg9[%dma_wait3A_1500, %dma_wait3A_1501] : memref<256x64xf32, #tpu.memory_space<vmem>> -> memref<16x64xf32, #tpu.memory_space<vmem>>
      %dma_wait3A_1503 = arith.constant 0 : i32
      %dma_wait3A_1504 = arith.constant 0 : i32
      %dma_wait3A_1505 = tpu.memref_slice %arg3[%dma_wait3A_1503, %dma_wait3A_1504] : memref<1000000x64xf32, #tpu.memory_space<hbm>> -> memref<1000000x64xf32, #tpu.memory_space<hbm>>
      tpu.wait_indirect_dma semaphore(%arg15 : memref<!tpu.dma_semaphore, #tpu.memory_space<semaphore_mem>>) src(%dma_wait3A_1505 : memref<1000000x64xf32, #tpu.memory_space<hbm>>) dst(%dma_wait3A_1502 : memref<16x64xf32, #tpu.memory_space<vmem>>)
      %get3A_1506 = arith.constant 0 : i32
      %get3A_1507 = arith.index_cast %get3A_1506 : i32 to index
      %get3A_1508 = arith.constant 0 : index
      %get3A_1509 = tpu.vector_load %arg5[%get3A_1507, %get3A_1508] {strides = array<i32>} : memref<200x128xi32, #tpu.memory_space<vmem>>, vector<16xi32>,
      %dma_wait3A_1510 = arith.constant 208 : i32
      %dma_wait3A_1511 = arith.constant 0 : i32
      %dma_wait3A_1512 = tpu.memref_slice %arg9[%dma_wait3A_1510, %dma_wait3A_1511] : memref<256x64xf32, #tpu.memory_space<vmem>> -> memref<16x64xf32, #tpu.memory_space<vmem>>
      %dma_wait3A_1513 = arith.constant 0 : i32
      %dma_wait3A_1514 = arith.constant 0 : i32
      %dma_wait3A_1515 = tpu.memref_slice %arg3[%dma_wait3A_1513, %dma_wait3A_1514] : memref<1000000x64xf32, #tpu.memory_space<hbm>> -> memref<1000000x64xf32, #tpu.memory_space<hbm>>
      tpu.wait_indirect_dma semaphore(%arg15 : memref<!tpu.dma_semaphore, #tpu.memory_space<semaphore_mem>>) src(%dma_wait3A_1515 : memref<1000000x64xf32, #tpu.memory_space<hbm>>) dst(%dma_wait3A_1512 : memref<16x64xf32, #tpu.memory_space<vmem>>)
      %get3A_1516 = arith.constant 0 : i32
      %get3A_1517 = arith.index_cast %get3A_1516 : i32 to index
      %get3A_1518 = arith.constant 0 : index
      %get3A_1519 = tpu.vector_load %arg5[%get3A_1517, %get3A_1518] {strides = array<i32>} : memref<200x128xi32, #tpu.memory_space<vmem>>, vector<16xi32>,
      %dma_wait3A_1520 = arith.constant 224 : i32
      %dma_wait3A_1521 = arith.constant 0 : i32
      %dma_wait3A_1522 = tpu.memref_slice %arg9[%dma_wait3A_1520, %dma_wait3A_1521] : memref<256x64xf32, #tpu.memory_space<vmem>> -> memref<16x64xf32, #tpu.memory_space<vmem>>
      %dma_wait3A_1523 = arith.constant 0 : i32
      %dma_wait3A_1524 = arith.constant 0 : i32
      %dma_wait3A_1525 = tpu.memref_slice %arg3[%dma_wait3A_1523, %dma_wait3A_1524] : memref<1000000x64xf32, #tpu.memory_space<hbm>> -> memref<1000000x64xf32, #tpu.memory_space<hbm>>
      tpu.wait_indirect_dma semaphore(%arg15 : memref<!tpu.dma_semaphore, #tpu.memory_space<semaphore_mem>>) src(%dma_wait3A_1525 : memref<1000000x64xf32, #tpu.memory_space<hbm>>) dst(%dma_wait3A_1522 : memref<16x64xf32, #tpu.memory_space<vmem>>)
      %get3A_1526 = arith.constant 0 : i32
      %get3A_1527 = arith.index_cast %get3A_1526 : i32 to index
      %get3A_1528 = arith.constant 0 : index
      %get3A_1529 = tpu.vector_load %arg5[%get3A_1527, %get3A_1528] {strides = array<i32>} : memref<200x128xi32, #tpu.memory_space<vmem>>, vector<16xi32>,
      %dma_wait3A_1530 = arith.constant 240 : i32
      %dma_wait3A_1531 = arith.constant 0 : i32
      %dma_wait3A_1532 = tpu.memref_slice %arg9[%dma_wait3A_1530, %dma_wait3A_1531] : memref<256x64xf32, #tpu.memory_space<vmem>> -> memref<16x64xf32, #tpu.memory_space<vmem>>
      %dma_wait3A_1533 = arith.constant 0 : i32
      %dma_wait3A_1534 = arith.constant 0 : i32
      %dma_wait3A_1535 = tpu.memref_slice %arg3[%dma_wait3A_1533, %dma_wait3A_1534] : memref<1000000x64xf32, #tpu.memory_space<hbm>> -> memref<1000000x64xf32, #tpu.memory_space<hbm>>
      tpu.wait_indirect_dma semaphore(%arg15 : memref<!tpu.dma_semaphore, #tpu.memory_space<semaphore_mem>>) src(%dma_wait3A_1535 : memref<1000000x64xf32, #tpu.memory_space<hbm>>) dst(%dma_wait3A_1532 : memref<16x64xf32, #tpu.memory_space<vmem>>)
      %add3A_1536 = arith.constant 4 : i32
      %add3A_1537 = arith.addi %add3A_1375, %add3A_1536 : i32
      %sub3A_1538 = arith.constant 1 : i32
      %sub3A_1539 = arith.subi %add3A_1537, %sub3A_1538 : i32
      %lt3A_1540 = arith.constant 100 : i32
      %lt3A_1541 = arith.cmpi slt, %sub3A_1539, %lt3A_1540 : i32
      %convert_element_type3A_1542 = arith.extui %lt3A_1541 : i1 to i32
      %cond3A_1543 = arith.constant 0 : i32
      %cond3A_1544 = arith.cmpi ne, %convert_element_type3A_1542, %cond3A_1543 : i32
      scf.if %cond3A_1544 {
        %add3A_1629 = arith.constant 4 : i32
        %add3A_1630 = arith.addi %add3A_1375, %add3A_1629 : i32
        %sub3A_1631 = arith.constant 1 : i32
        %sub3A_1632 = arith.subi %add3A_1630, %sub3A_1631 : i32
        %mul3A_1633 = arith.constant 2 : i32
        %mul3A_1634 = arith.muli %sub3A_1632, %mul3A_1633 : i32
        %add3A_1635 = arith.constant 0 : i32
        %add3A_1636 = arith.addi %mul3A_1634, %add3A_1635 : i32
        %get3A_1637 = arith.index_cast %add3A_1636 : i32 to index
        %get3A_1638 = arith.constant 0 : index
        %get3A_1639 = tpu.vector_load %arg5[%get3A_1637, %get3A_1638] {strides = array<i32>} : memref<200x128xi32, #tpu.memory_space<vmem>>, vector<16xi32>,
        %dma_start3A_1640 = arith.constant 0 : i32
        %dma_start3A_1641 = arith.constant 0 : i32
        %dma_start3A_1642 = tpu.memref_slice %arg8[%dma_start3A_1640, %dma_start3A_1641] : memref<256x64xf32, #tpu.memory_space<vmem>> -> memref<16x64xf32, #tpu.memory_space<vmem>>
        %dma_start3A_1643 = arith.constant 0 : i32
        %dma_start3A_1644 = arith.constant 0 : i32
        %dma_start3A_1645 = tpu.memref_slice %arg3[%dma_start3A_1643, %dma_start3A_1644] : memref<1000000x64xf32, #tpu.memory_space<hbm>> -> memref<1000000x64xf32, #tpu.memory_space<hbm>>
        tpu.enqueue_indirect_dma source(%dma_start3A_1645 : memref<1000000x64xf32, #tpu.memory_space<hbm>>) target(%dma_start3A_1642 : memref<16x64xf32, #tpu.memory_space<vmem>>) offsets(%get3A_1639 : vector<16xi32>) semaphore(%arg14 : memref<!tpu.dma_semaphore, #tpu.memory_space<semaphore_mem>>)
        %mul3A_1646 = arith.constant 2 : i32
        %mul3A_1647 = arith.muli %sub3A_1632, %mul3A_1646 : i32
        %add3A_1648 = arith.constant 0 : i32
        %add3A_1649 = arith.addi %mul3A_1647, %add3A_1648 : i32
        %get3A_1650 = arith.index_cast %add3A_1649 : i32 to index
        %get3A_1651 = arith.constant 16 : index
        %get3A_1652 = tpu.vector_load %arg5[%get3A_1650, %get3A_1651] {strides = array<i32>} : memref<200x128xi32, #tpu.memory_space<vmem>>, vector<16xi32>,
        %dma_start3A_1653 = arith.constant 16 : i32
        %dma_start3A_1654 = arith.constant 0 : i32
        %dma_start3A_1655 = tpu.memref_slice %arg8[%dma_start3A_1653, %dma_start3A_1654] : memref<256x64xf32, #tpu.memory_space<vmem>> -> memref<16x64xf32, #tpu.memory_space<vmem>>
        %dma_start3A_1656 = arith.constant 0 : i32
        %dma_start3A_1657 = arith.constant 0 : i32
        %dma_start3A_1658 = tpu.memref_slice %arg3[%dma_start3A_1656, %dma_start3A_1657] : memref<1000000x64xf32, #tpu.memory_space<hbm>> -> memref<1000000x64xf32, #tpu.memory_space<hbm>>
        tpu.enqueue_indirect_dma source(%dma_start3A_1658 : memref<1000000x64xf32, #tpu.memory_space<hbm>>) target(%dma_start3A_1655 : memref<16x64xf32, #tpu.memory_space<vmem>>) offsets(%get3A_1652 : vector<16xi32>) semaphore(%arg14 : memref<!tpu.dma_semaphore, #tpu.memory_space<semaphore_mem>>)
        %mul3A_1659 = arith.constant 2 : i32
        %mul3A_1660 = arith.muli %sub3A_1632, %mul3A_1659 : i32
        %add3A_1661 = arith.constant 0 : i32
        %add3A_1662 = arith.addi %mul3A_1660, %add3A_1661 : i32
        %get3A_1663 = arith.index_cast %add3A_1662 : i32 to index
        %get3A_1664 = arith.constant 32 : index
        %get3A_1665 = tpu.vector_load %arg5[%get3A_1663, %get3A_1664] {strides = array<i32>} : memref<200x128xi32, #tpu.memory_space<vmem>>, vector<16xi32>,
        %dma_start3A_1666 = arith.constant 32 : i32
        %dma_start3A_1667 = arith.constant 0 : i32
        %dma_start3A_1668 = tpu.memref_slice %arg8[%dma_start3A_1666, %dma_start3A_1667] : memref<256x64xf32, #tpu.memory_space<vmem>> -> memref<16x64xf32, #tpu.memory_space<vmem>>
        %dma_start3A_1669 = arith.constant 0 : i32
        %dma_start3A_1670 = arith.constant 0 : i32
        %dma_start3A_1671 = tpu.memref_slice %arg3[%dma_start3A_1669, %dma_start3A_1670] : memref<1000000x64xf32, #tpu.memory_space<hbm>> -> memref<1000000x64xf32, #tpu.memory_space<hbm>>
        tpu.enqueue_indirect_dma source(%dma_start3A_1671 : memref<1000000x64xf32, #tpu.memory_space<hbm>>) target(%dma_start3A_1668 : memref<16x64xf32, #tpu.memory_space<vmem>>) offsets(%get3A_1665 : vector<16xi32>) semaphore(%arg14 : memref<!tpu.dma_semaphore, #tpu.memory_space<semaphore_mem>>)
        %mul3A_1672 = arith.constant 2 : i32
        %mul3A_1673 = arith.muli %sub3A_1632, %mul3A_1672 : i32
        %add3A_1674 = arith.constant 0 : i32
        %add3A_1675 = arith.addi %mul3A_1673, %add3A_1674 : i32
        %get3A_1676 = arith.index_cast %add3A_1675 : i32 to index
        %get3A_1677 = arith.constant 48 : index
        %get3A_1678 = tpu.vector_load %arg5[%get3A_1676, %get3A_1677] {strides = array<i32>} : memref<200x128xi32, #tpu.memory_space<vmem>>, vector<16xi32>,
        %dma_start3A_1679 = arith.constant 48 : i32
        %dma_start3A_1680 = arith.constant 0 : i32
        %dma_start3A_1681 = tpu.memref_slice %arg8[%dma_start3A_1679, %dma_start3A_1680] : memref<256x64xf32, #tpu.memory_space<vmem>> -> memref<16x64xf32, #tpu.memory_space<vmem>>
        %dma_start3A_1682 = arith.constant 0 : i32
        %dma_start3A_1683 = arith.constant 0 : i32
        %dma_start3A_1684 = tpu.memref_slice %arg3[%dma_start3A_1682, %dma_start3A_1683] : memref<1000000x64xf32, #tpu.memory_space<hbm>> -> memref<1000000x64xf32, #tpu.memory_space<hbm>>
        tpu.enqueue_indirect_dma source(%dma_start3A_1684 : memref<1000000x64xf32, #tpu.memory_space<hbm>>) target(%dma_start3A_1681 : memref<16x64xf32, #tpu.memory_space<vmem>>) offsets(%get3A_1678 : vector<16xi32>) semaphore(%arg14 : memref<!tpu.dma_semaphore, #tpu.memory_space<semaphore_mem>>)
        %mul3A_1685 = arith.constant 2 : i32
        %mul3A_1686 = arith.muli %sub3A_1632, %mul3A_1685 : i32
        %add3A_1687 = arith.constant 0 : i32
        %add3A_1688 = arith.addi %mul3A_1686, %add3A_1687 : i32
        %get3A_1689 = arith.index_cast %add3A_1688 : i32 to index
        %get3A_1690 = arith.constant 64 : index
        %get3A_1691 = tpu.vector_load %arg5[%get3A_1689, %get3A_1690] {strides = array<i32>} : memref<200x128xi32, #tpu.memory_space<vmem>>, vector<16xi32>,
        %dma_start3A_1692 = arith.constant 64 : i32
        %dma_start3A_1693 = arith.constant 0 : i32
        %dma_start3A_1694 = tpu.memref_slice %arg8[%dma_start3A_1692, %dma_start3A_1693] : memref<256x64xf32, #tpu.memory_space<vmem>> -> memref<16x64xf32, #tpu.memory_space<vmem>>
        %dma_start3A_1695 = arith.constant 0 : i32
        %dma_start3A_1696 = arith.constant 0 : i32
        %dma_start3A_1697 = tpu.memref_slice %arg3[%dma_start3A_1695, %dma_start3A_1696] : memref<1000000x64xf32, #tpu.memory_space<hbm>> -> memref<1000000x64xf32, #tpu.memory_space<hbm>>
        tpu.enqueue_indirect_dma source(%dma_start3A_1697 : memref<1000000x64xf32, #tpu.memory_space<hbm>>) target(%dma_start3A_1694 : memref<16x64xf32, #tpu.memory_space<vmem>>) offsets(%get3A_1691 : vector<16xi32>) semaphore(%arg14 : memref<!tpu.dma_semaphore, #tpu.memory_space<semaphore_mem>>)
        %mul3A_1698 = arith.constant 2 : i32
        %mul3A_1699 = arith.muli %sub3A_1632, %mul3A_1698 : i32
        %add3A_1700 = arith.constant 0 : i32
        %add3A_1701 = arith.addi %mul3A_1699, %add3A_1700 : i32
        %get3A_1702 = arith.index_cast %add3A_1701 : i32 to index
        %get3A_1703 = arith.constant 80 : index
        %get3A_1704 = tpu.vector_load %arg5[%get3A_1702, %get3A_1703] {strides = array<i32>} : memref<200x128xi32, #tpu.memory_space<vmem>>, vector<16xi32>,
        %dma_start3A_1705 = arith.constant 80 : i32
        %dma_start3A_1706 = arith.constant 0 : i32
        %dma_start3A_1707 = tpu.memref_slice %arg8[%dma_start3A_1705, %dma_start3A_1706] : memref<256x64xf32, #tpu.memory_space<vmem>> -> memref<16x64xf32, #tpu.memory_space<vmem>>
        %dma_start3A_1708 = arith.constant 0 : i32
        %dma_start3A_1709 = arith.constant 0 : i32
        %dma_start3A_1710 = tpu.memref_slice %arg3[%dma_start3A_1708, %dma_start3A_1709] : memref<1000000x64xf32, #tpu.memory_space<hbm>> -> memref<1000000x64xf32, #tpu.memory_space<hbm>>
        tpu.enqueue_indirect_dma source(%dma_start3A_1710 : memref<1000000x64xf32, #tpu.memory_space<hbm>>) target(%dma_start3A_1707 : memref<16x64xf32, #tpu.memory_space<vmem>>) offsets(%get3A_1704 : vector<16xi32>) semaphore(%arg14 : memref<!tpu.dma_semaphore, #tpu.memory_space<semaphore_mem>>)
        %mul3A_1711 = arith.constant 2 : i32
        %mul3A_1712 = arith.muli %sub3A_1632, %mul3A_1711 : i32
        %add3A_1713 = arith.constant 0 : i32
        %add3A_1714 = arith.addi %mul3A_1712, %add3A_1713 : i32
        %get3A_1715 = arith.index_cast %add3A_1714 : i32 to index
        %get3A_1716 = arith.constant 96 : index
        %get3A_1717 = tpu.vector_load %arg5[%get3A_1715, %get3A_1716] {strides = array<i32>} : memref<200x128xi32, #tpu.memory_space<vmem>>, vector<16xi32>,
        %dma_start3A_1718 = arith.constant 96 : i32
        %dma_start3A_1719 = arith.constant 0 : i32
        %dma_start3A_1720 = tpu.memref_slice %arg8[%dma_start3A_1718, %dma_start3A_1719] : memref<256x64xf32, #tpu.memory_space<vmem>> -> memref<16x64xf32, #tpu.memory_space<vmem>>
        %dma_start3A_1721 = arith.constant 0 : i32
        %dma_start3A_1722 = arith.constant 0 : i32
        %dma_start3A_1723 = tpu.memref_slice %arg3[%dma_start3A_1721, %dma_start3A_1722] : memref<1000000x64xf32, #tpu.memory_space<hbm>> -> memref<1000000x64xf32, #tpu.memory_space<hbm>>
        tpu.enqueue_indirect_dma source(%dma_start3A_1723 : memref<1000000x64xf32, #tpu.memory_space<hbm>>) target(%dma_start3A_1720 : memref<16x64xf32, #tpu.memory_space<vmem>>) offsets(%get3A_1717 : vector<16xi32>) semaphore(%arg14 : memref<!tpu.dma_semaphore, #tpu.memory_space<semaphore_mem>>)
        %mul3A_1724 = arith.constant 2 : i32
        %mul3A_1725 = arith.muli %sub3A_1632, %mul3A_1724 : i32
        %add3A_1726 = arith.constant 0 : i32
        %add3A_1727 = arith.addi %mul3A_1725, %add3A_1726 : i32
        %get3A_1728 = arith.index_cast %add3A_1727 : i32 to index
        %get3A_1729 = arith.constant 112 : index
        %get3A_1730 = tpu.vector_load %arg5[%get3A_1728, %get3A_1729] {strides = array<i32>} : memref<200x128xi32, #tpu.memory_space<vmem>>, vector<16xi32>,
        %dma_start3A_1731 = arith.constant 112 : i32
        %dma_start3A_1732 = arith.constant 0 : i32
        %dma_start3A_1733 = tpu.memref_slice %arg8[%dma_start3A_1731, %dma_start3A_1732] : memref<256x64xf32, #tpu.memory_space<vmem>> -> memref<16x64xf32, #tpu.memory_space<vmem>>
        %dma_start3A_1734 = arith.constant 0 : i32
        %dma_start3A_1735 = arith.constant 0 : i32
        %dma_start3A_1736 = tpu.memref_slice %arg3[%dma_start3A_1734, %dma_start3A_1735] : memref<1000000x64xf32, #tpu.memory_space<hbm>> -> memref<1000000x64xf32, #tpu.memory_space<hbm>>
        tpu.enqueue_indirect_dma source(%dma_start3A_1736 : memref<1000000x64xf32, #tpu.memory_space<hbm>>) target(%dma_start3A_1733 : memref<16x64xf32, #tpu.memory_space<vmem>>) offsets(%get3A_1730 : vector<16xi32>) semaphore(%arg14 : memref<!tpu.dma_semaphore, #tpu.memory_space<semaphore_mem>>)
        %mul3A_1737 = arith.constant 2 : i32
        %mul3A_1738 = arith.muli %sub3A_1632, %mul3A_1737 : i32
        %add3A_1739 = arith.constant 1 : i32
        %add3A_1740 = arith.addi %mul3A_1738, %add3A_1739 : i32
        %get3A_1741 = arith.index_cast %add3A_1740 : i32 to index
        %get3A_1742 = arith.constant 0 : index
        %get3A_1743 = tpu.vector_load %arg5[%get3A_1741, %get3A_1742] {strides = array<i32>} : memref<200x128xi32, #tpu.memory_space<vmem>>, vector<16xi32>,
        %dma_start3A_1744 = arith.constant 128 : i32
        %dma_start3A_1745 = arith.constant 0 : i32
        %dma_start3A_1746 = tpu.memref_slice %arg8[%dma_start3A_1744, %dma_start3A_1745] : memref<256x64xf32, #tpu.memory_space<vmem>> -> memref<16x64xf32, #tpu.memory_space<vmem>>
        %dma_start3A_1747 = arith.constant 0 : i32
        %dma_start3A_1748 = arith.constant 0 : i32
        %dma_start3A_1749 = tpu.memref_slice %arg3[%dma_start3A_1747, %dma_start3A_1748] : memref<1000000x64xf32, #tpu.memory_space<hbm>> -> memref<1000000x64xf32, #tpu.memory_space<hbm>>
        tpu.enqueue_indirect_dma source(%dma_start3A_1749 : memref<1000000x64xf32, #tpu.memory_space<hbm>>) target(%dma_start3A_1746 : memref<16x64xf32, #tpu.memory_space<vmem>>) offsets(%get3A_1743 : vector<16xi32>) semaphore(%arg14 : memref<!tpu.dma_semaphore, #tpu.memory_space<semaphore_mem>>)
        %mul3A_1750 = arith.constant 2 : i32
        %mul3A_1751 = arith.muli %sub3A_1632, %mul3A_1750 : i32
        %add3A_1752 = arith.constant 1 : i32
        %add3A_1753 = arith.addi %mul3A_1751, %add3A_1752 : i32
        %get3A_1754 = arith.index_cast %add3A_1753 : i32 to index
        %get3A_1755 = arith.constant 16 : index
        %get3A_1756 = tpu.vector_load %arg5[%get3A_1754, %get3A_1755] {strides = array<i32>} : memref<200x128xi32, #tpu.memory_space<vmem>>, vector<16xi32>,
        %dma_start3A_1757 = arith.constant 144 : i32
        %dma_start3A_1758 = arith.constant 0 : i32
        %dma_start3A_1759 = tpu.memref_slice %arg8[%dma_start3A_1757, %dma_start3A_1758] : memref<256x64xf32, #tpu.memory_space<vmem>> -> memref<16x64xf32, #tpu.memory_space<vmem>>
        %dma_start3A_1760 = arith.constant 0 : i32
        %dma_start3A_1761 = arith.constant 0 : i32
        %dma_start3A_1762 = tpu.memref_slice %arg3[%dma_start3A_1760, %dma_start3A_1761] : memref<1000000x64xf32, #tpu.memory_space<hbm>> -> memref<1000000x64xf32, #tpu.memory_space<hbm>>
        tpu.enqueue_indirect_dma source(%dma_start3A_1762 : memref<1000000x64xf32, #tpu.memory_space<hbm>>) target(%dma_start3A_1759 : memref<16x64xf32, #tpu.memory_space<vmem>>) offsets(%get3A_1756 : vector<16xi32>) semaphore(%arg14 : memref<!tpu.dma_semaphore, #tpu.memory_space<semaphore_mem>>)
        %mul3A_1763 = arith.constant 2 : i32
        %mul3A_1764 = arith.muli %sub3A_1632, %mul3A_1763 : i32
        %add3A_1765 = arith.constant 1 : i32
        %add3A_1766 = arith.addi %mul3A_1764, %add3A_1765 : i32
        %get3A_1767 = arith.index_cast %add3A_1766 : i32 to index
        %get3A_1768 = arith.constant 32 : index
        %get3A_1769 = tpu.vector_load %arg5[%get3A_1767, %get3A_1768] {strides = array<i32>} : memref<200x128xi32, #tpu.memory_space<vmem>>, vector<16xi32>,
        %dma_start3A_1770 = arith.constant 160 : i32
        %dma_start3A_1771 = arith.constant 0 : i32
        %dma_start3A_1772 = tpu.memref_slice %arg8[%dma_start3A_1770, %dma_start3A_1771] : memref<256x64xf32, #tpu.memory_space<vmem>> -> memref<16x64xf32, #tpu.memory_space<vmem>>
        %dma_start3A_1773 = arith.constant 0 : i32
        %dma_start3A_1774 = arith.constant 0 : i32
        %dma_start3A_1775 = tpu.memref_slice %arg3[%dma_start3A_1773, %dma_start3A_1774] : memref<1000000x64xf32, #tpu.memory_space<hbm>> -> memref<1000000x64xf32, #tpu.memory_space<hbm>>
        tpu.enqueue_indirect_dma source(%dma_start3A_1775 : memref<1000000x64xf32, #tpu.memory_space<hbm>>) target(%dma_start3A_1772 : memref<16x64xf32, #tpu.memory_space<vmem>>) offsets(%get3A_1769 : vector<16xi32>) semaphore(%arg14 : memref<!tpu.dma_semaphore, #tpu.memory_space<semaphore_mem>>)
        %mul3A_1776 = arith.constant 2 : i32
        %mul3A_1777 = arith.muli %sub3A_1632, %mul3A_1776 : i32
        %add3A_1778 = arith.constant 1 : i32
        %add3A_1779 = arith.addi %mul3A_1777, %add3A_1778 : i32
        %get3A_1780 = arith.index_cast %add3A_1779 : i32 to index
        %get3A_1781 = arith.constant 48 : index
        %get3A_1782 = tpu.vector_load %arg5[%get3A_1780, %get3A_1781] {strides = array<i32>} : memref<200x128xi32, #tpu.memory_space<vmem>>, vector<16xi32>,
        %dma_start3A_1783 = arith.constant 176 : i32
        %dma_start3A_1784 = arith.constant 0 : i32
        %dma_start3A_1785 = tpu.memref_slice %arg8[%dma_start3A_1783, %dma_start3A_1784] : memref<256x64xf32, #tpu.memory_space<vmem>> -> memref<16x64xf32, #tpu.memory_space<vmem>>
        %dma_start3A_1786 = arith.constant 0 : i32
        %dma_start3A_1787 = arith.constant 0 : i32
        %dma_start3A_1788 = tpu.memref_slice %arg3[%dma_start3A_1786, %dma_start3A_1787] : memref<1000000x64xf32, #tpu.memory_space<hbm>> -> memref<1000000x64xf32, #tpu.memory_space<hbm>>
        tpu.enqueue_indirect_dma source(%dma_start3A_1788 : memref<1000000x64xf32, #tpu.memory_space<hbm>>) target(%dma_start3A_1785 : memref<16x64xf32, #tpu.memory_space<vmem>>) offsets(%get3A_1782 : vector<16xi32>) semaphore(%arg14 : memref<!tpu.dma_semaphore, #tpu.memory_space<semaphore_mem>>)
        %mul3A_1789 = arith.constant 2 : i32
        %mul3A_1790 = arith.muli %sub3A_1632, %mul3A_1789 : i32
        %add3A_1791 = arith.constant 1 : i32
        %add3A_1792 = arith.addi %mul3A_1790, %add3A_1791 : i32
        %get3A_1793 = arith.index_cast %add3A_1792 : i32 to index
        %get3A_1794 = arith.constant 64 : index
        %get3A_1795 = tpu.vector_load %arg5[%get3A_1793, %get3A_1794] {strides = array<i32>} : memref<200x128xi32, #tpu.memory_space<vmem>>, vector<16xi32>,
        %dma_start3A_1796 = arith.constant 192 : i32
        %dma_start3A_1797 = arith.constant 0 : i32
        %dma_start3A_1798 = tpu.memref_slice %arg8[%dma_start3A_1796, %dma_start3A_1797] : memref<256x64xf32, #tpu.memory_space<vmem>> -> memref<16x64xf32, #tpu.memory_space<vmem>>
        %dma_start3A_1799 = arith.constant 0 : i32
        %dma_start3A_1800 = arith.constant 0 : i32
        %dma_start3A_1801 = tpu.memref_slice %arg3[%dma_start3A_1799, %dma_start3A_1800] : memref<1000000x64xf32, #tpu.memory_space<hbm>> -> memref<1000000x64xf32, #tpu.memory_space<hbm>>
        tpu.enqueue_indirect_dma source(%dma_start3A_1801 : memref<1000000x64xf32, #tpu.memory_space<hbm>>) target(%dma_start3A_1798 : memref<16x64xf32, #tpu.memory_space<vmem>>) offsets(%get3A_1795 : vector<16xi32>) semaphore(%arg14 : memref<!tpu.dma_semaphore, #tpu.memory_space<semaphore_mem>>)
        %mul3A_1802 = arith.constant 2 : i32
        %mul3A_1803 = arith.muli %sub3A_1632, %mul3A_1802 : i32
        %add3A_1804 = arith.constant 1 : i32
        %add3A_1805 = arith.addi %mul3A_1803, %add3A_1804 : i32
        %get3A_1806 = arith.index_cast %add3A_1805 : i32 to index
        %get3A_1807 = arith.constant 80 : index
        %get3A_1808 = tpu.vector_load %arg5[%get3A_1806, %get3A_1807] {strides = array<i32>} : memref<200x128xi32, #tpu.memory_space<vmem>>, vector<16xi32>,
        %dma_start3A_1809 = arith.constant 208 : i32
        %dma_start3A_1810 = arith.constant 0 : i32
        %dma_start3A_1811 = tpu.memref_slice %arg8[%dma_start3A_1809, %dma_start3A_1810] : memref<256x64xf32, #tpu.memory_space<vmem>> -> memref<16x64xf32, #tpu.memory_space<vmem>>
        %dma_start3A_1812 = arith.constant 0 : i32
        %dma_start3A_1813 = arith.constant 0 : i32
        %dma_start3A_1814 = tpu.memref_slice %arg3[%dma_start3A_1812, %dma_start3A_1813] : memref<1000000x64xf32, #tpu.memory_space<hbm>> -> memref<1000000x64xf32, #tpu.memory_space<hbm>>
        tpu.enqueue_indirect_dma source(%dma_start3A_1814 : memref<1000000x64xf32, #tpu.memory_space<hbm>>) target(%dma_start3A_1811 : memref<16x64xf32, #tpu.memory_space<vmem>>) offsets(%get3A_1808 : vector<16xi32>) semaphore(%arg14 : memref<!tpu.dma_semaphore, #tpu.memory_space<semaphore_mem>>)
        %mul3A_1815 = arith.constant 2 : i32
        %mul3A_1816 = arith.muli %sub3A_1632, %mul3A_1815 : i32
        %add3A_1817 = arith.constant 1 : i32
        %add3A_1818 = arith.addi %mul3A_1816, %add3A_1817 : i32
        %get3A_1819 = arith.index_cast %add3A_1818 : i32 to index
        %get3A_1820 = arith.constant 96 : index
        %get3A_1821 = tpu.vector_load %arg5[%get3A_1819, %get3A_1820] {strides = array<i32>} : memref<200x128xi32, #tpu.memory_space<vmem>>, vector<16xi32>,
        %dma_start3A_1822 = arith.constant 224 : i32
        %dma_start3A_1823 = arith.constant 0 : i32
        %dma_start3A_1824 = tpu.memref_slice %arg8[%dma_start3A_1822, %dma_start3A_1823] : memref<256x64xf32, #tpu.memory_space<vmem>> -> memref<16x64xf32, #tpu.memory_space<vmem>>
        %dma_start3A_1825 = arith.constant 0 : i32
        %dma_start3A_1826 = arith.constant 0 : i32
        %dma_start3A_1827 = tpu.memref_slice %arg3[%dma_start3A_1825, %dma_start3A_1826] : memref<1000000x64xf32, #tpu.memory_space<hbm>> -> memref<1000000x64xf32, #tpu.memory_space<hbm>>
        tpu.enqueue_indirect_dma source(%dma_start3A_1827 : memref<1000000x64xf32, #tpu.memory_space<hbm>>) target(%dma_start3A_1824 : memref<16x64xf32, #tpu.memory_space<vmem>>) offsets(%get3A_1821 : vector<16xi32>) semaphore(%arg14 : memref<!tpu.dma_semaphore, #tpu.memory_space<semaphore_mem>>)
        %mul3A_1828 = arith.constant 2 : i32
        %mul3A_1829 = arith.muli %sub3A_1632, %mul3A_1828 : i32
        %add3A_1830 = arith.constant 1 : i32
        %add3A_1831 = arith.addi %mul3A_1829, %add3A_1830 : i32
        %get3A_1832 = arith.index_cast %add3A_1831 : i32 to index
        %get3A_1833 = arith.constant 112 : index
        %get3A_1834 = tpu.vector_load %arg5[%get3A_1832, %get3A_1833] {strides = array<i32>} : memref<200x128xi32, #tpu.memory_space<vmem>>, vector<16xi32>,
        %dma_start3A_1835 = arith.constant 240 : i32
        %dma_start3A_1836 = arith.constant 0 : i32
        %dma_start3A_1837 = tpu.memref_slice %arg8[%dma_start3A_1835, %dma_start3A_1836] : memref<256x64xf32, #tpu.memory_space<vmem>> -> memref<16x64xf32, #tpu.memory_space<vmem>>
        %dma_start3A_1838 = arith.constant 0 : i32
        %dma_start3A_1839 = arith.constant 0 : i32
        %dma_start3A_1840 = tpu.memref_slice %arg3[%dma_start3A_1838, %dma_start3A_1839] : memref<1000000x64xf32, #tpu.memory_space<hbm>> -> memref<1000000x64xf32, #tpu.memory_space<hbm>>
        tpu.enqueue_indirect_dma source(%dma_start3A_1840 : memref<1000000x64xf32, #tpu.memory_space<hbm>>) target(%dma_start3A_1837 : memref<16x64xf32, #tpu.memory_space<vmem>>) offsets(%get3A_1834 : vector<16xi32>) semaphore(%arg14 : memref<!tpu.dma_semaphore, #tpu.memory_space<semaphore_mem>>)
      } else {
      }
      %ge3A_1545 = arith.constant 2 : i32
      %ge3A_1546 = arith.cmpi sge, %add3A_1375, %ge3A_1545 : i32
      %convert_element_type3A_1547 = arith.extui %ge3A_1546 : i1 to i32
      %cond3A_1548 = arith.constant 0 : i32
      %cond3A_1549 = arith.cmpi ne, %convert_element_type3A_1547, %cond3A_1548 : i32
      scf.if %cond3A_1549 {
        %add3A_1629 = arith.addi %mul3A_2, %add3A_1375 : i32
        %jit3A_1630 = arith.constant 16 : i32
        %div3A_1631 = arith.divsi %add3A_1629, %jit3A_1630 : i32
        %sign3A_1632 = arith.constant 0 : i32
        %sign3A_1633 = arith.cmpi sgt, %add3A_1629, %sign3A_1632 : i32
        %sign3A_1634 = arith.extui %sign3A_1633 : i1 to i32
        %sign3A_1635 = arith.constant 0 : i32
        %sign3A_1636 = arith.cmpi slt, %add3A_1629, %sign3A_1635 : i32
        %sign3A_1637 = arith.extui %sign3A_1636 : i1 to i32
        %sign3A_1638 = arith.subi %sign3A_1634, %sign3A_1637 : i32
        %sign3A_1639 = arith.constant 0 : i32
        %sign3A_1640 = arith.cmpi sgt, %jit3A_1630, %sign3A_1639 : i32
        %sign3A_1641 = arith.extui %sign3A_1640 : i1 to i32
        %sign3A_1642 = arith.constant 0 : i32
        %sign3A_1643 = arith.cmpi slt, %jit3A_1630, %sign3A_1642 : i32
        %sign3A_1644 = arith.extui %sign3A_1643 : i1 to i32
        %sign3A_1645 = arith.subi %sign3A_1641, %sign3A_1644 : i32
        %ne3A_1646 = arith.cmpi ne, %sign3A_1638, %sign3A_1645 : i32
        %rem3A_1647 = arith.remsi %add3A_1629, %jit3A_1630 : i32
        %ne3A_1648 = arith.constant 0 : i32
        %ne3A_1649 = arith.cmpi ne, %rem3A_1647, %ne3A_1648 : i32
        %and3A_1650 = arith.andi %ne3A_1646, %ne3A_1649 : i1
        %sub3A_1651 = arith.constant 1 : i32
        %sub3A_1652 = arith.subi %div3A_1631, %sub3A_1651 : i32
        %select_n3A_1653 = arith.select %and3A_1650, %sub3A_1652, %div3A_1631 : i32
        %jit3A_1654 = arith.constant 16 : i32
        %eq3A_1655 = arith.constant 0 : i32
        %eq3A_1656 = arith.cmpi eq, %jit3A_1654, %eq3A_1655 : i32
        %jit3A_1657 = arith.constant 1 : i32
        %select_n3A_1658 = arith.select %eq3A_1656, %jit3A_1657, %jit3A_1654 : i32
        %rem3A_1659 = arith.remsi %add3A_1629, %select_n3A_1658 : i32
        %ne3A_1660 = arith.constant 0 : i32
        %ne3A_1661 = arith.cmpi ne, %rem3A_1659, %ne3A_1660 : i32
        %lt3A_1662 = arith.constant 0 : i32
        %lt3A_1663 = arith.cmpi slt, %rem3A_1659, %lt3A_1662 : i32
        %lt3A_1664 = arith.constant 0 : i32
        %lt3A_1665 = arith.cmpi slt, %select_n3A_1658, %lt3A_1664 : i32
        %ne3A_1666 = arith.xori %lt3A_1663, %lt3A_1665 : i1
        %and3A_1667 = arith.andi %ne3A_1666, %ne3A_1661 : i1
        %add3A_1668 = arith.addi %rem3A_1659, %select_n3A_1658 : i32
        %select_n3A_1669 = arith.select %and3A_1667, %add3A_1668, %rem3A_1659 : i32
        %mul3A_1670 = arith.constant 256 : i32
        %mul3A_1671 = arith.muli %select_n3A_1669, %mul3A_1670 : i32
        %dma_wait3A_1672 = arith.constant 0 : i32
        %dma_wait3A_1673 = arith.constant 0 : i32
        %dma_wait3A_1674 = tpu.memref_slice %arg11[%dma_wait3A_1672, %dma_wait3A_1673] : memref<64x257xf32, #tpu.memory_space<vmem>> -> memref<64x256xf32, #tpu.memory_space<vmem>>
        %dma_wait3A_1675 = arith.constant 0 : i32
        %dma_wait3A_1676 = tpu.memref_slice %arg4[%select_n3A_1653, %dma_wait3A_1675, %mul3A_1671] : memref<200x64x4096xf32, #tpu.memory_space<hbm>> -> memref<1x64x256xf32, #tpu.memory_space<hbm>>
        %dma_wait3A_1677 = tpu.memref_squeeze %dma_wait3A_1676 : memref<1x64x256xf32, #tpu.memory_space<hbm>> -> memref<64x256xf32, #tpu.memory_space<hbm>>
        %dma_wait3A_1678 = arith.constant 0 : i32
        %dma_wait3A_1679 = tpu.memref_slice %arg4[%select_n3A_1653, %dma_wait3A_1678, %mul3A_1671] : memref<200x64x4096xf32, #tpu.memory_space<hbm>> -> memref<1x64x256xf32, #tpu.memory_space<hbm>>
        %dma_wait3A_1680 = tpu.memref_squeeze %dma_wait3A_1679 : memref<1x64x256xf32, #tpu.memory_space<hbm>> -> memref<64x256xf32, #tpu.memory_space<hbm>>
        %dma_wait3A_1681 = arith.constant 0 : i32
        %dma_wait3A_1682 = arith.constant 0 : i32
        %dma_wait3A_1683 = tpu.memref_slice %arg11[%dma_wait3A_1681, %dma_wait3A_1682] : memref<64x257xf32, #tpu.memory_space<vmem>> -> memref<64x256xf32, #tpu.memory_space<vmem>>
        tpu.wait_dma2 semaphore(%arg17 : memref<!tpu.dma_semaphore, #tpu.memory_space<semaphore_mem>>) src(%dma_wait3A_1683 : memref<64x256xf32, #tpu.memory_space<vmem>>) dst(%dma_wait3A_1680 : memref<64x256xf32, #tpu.memory_space<hbm>>)
      } else {
      }
      %broadcast_in_dim3A_1550 = arith.constant 0 : i32
      %broadcast_in_dim3A_1551 = vector.broadcast %broadcast_in_dim3A_1550 : i32 to vector<16xi32>
      %get3A_1552 = arith.constant 0 : i32
      %get3A_1553 = arith.index_cast %get3A_1552 : i32 to index
      %get3A_1554 = arith.constant 0 : index
      %get3A_1555 = tpu.vector_load %arg9[%get3A_1553, %get3A_1554] {strides = array<i32>} : memref<256x64xf32, #tpu.memory_space<vmem>>, vector<16xf32>,
      %get3A_1556 = arith.constant 0 : i32
      %get3A_1557 = arith.index_cast %get3A_1556 : i32 to index
      %get3A_1558 = arith.constant 16 : index
      %get3A_1559 = tpu.vector_load %arg9[%get3A_1557, %get3A_1558] {strides = array<i32>} : memref<256x64xf32, #tpu.memory_space<vmem>>, vector<16xf32>,
      %get3A_1560 = arith.constant 0 : i32
      %get3A_1561 = arith.index_cast %get3A_1560 : i32 to index
      %get3A_1562 = arith.constant 32 : index
      %get3A_1563 = tpu.vector_load %arg9[%get3A_1561, %get3A_1562] {strides = array<i32>} : memref<256x64xf32, #tpu.memory_space<vmem>>, vector<16xf32>,
      %get3A_1564 = arith.constant 0 : i32
      %get3A_1565 = arith.index_cast %get3A_1564 : i32 to index
      %get3A_1566 = arith.constant 48 : index
      %get3A_1567 = tpu.vector_load %arg9[%get3A_1565, %get3A_1566] {strides = array<i32>} : memref<256x64xf32, #tpu.memory_space<vmem>>, vector<16xf32>,
      %scan3A_1568 = arith.constant 0 : i32
      %scan3A_1569 = arith.constant 256 : i32
      %scan3A_1570 = arith.addi %scan3A_1568, %scan3A_1569 : i32
      %scan3A_1571 = arith.constant 8 : i32
      %scan3A_1572:5 = scf.for %scan3A_1629 = %scan3A_1568 to %scan3A_1570 step %scan3A_1571 iter_args(%scan3A_1630 = %broadcast_in_dim3A_1551, %scan3A_1631 = %get3A_1555, %scan3A_1632 = %get3A_1559, %scan3A_1633 = %get3A_1563, %scan3A_1634 = %get3A_1567) -> (vector<16xi32>, vector<16xf32>, vector<16xf32>, vector<16xf32>, vector<16xf32>)  : i32 {
        %add3A_1635 = arith.constant 1 : i32
        %add3A_1636 = arith.addi %scan3A_1629, %add3A_1635 : i32
        %min3A = arith.constant 255 : i32
        %min3A_1637 = arith.minsi %add3A_1636, %min3A : i32
        %get3A_1638 = arith.index_cast %min3A_1637 : i32 to index
        %get3A_1639 = arith.constant 0 : index
        %get3A_1640 = tpu.vector_load %arg9[%get3A_1638, %get3A_1639] {strides = array<i32>} : memref<256x64xf32, #tpu.memory_space<vmem>>, vector<16xf32>,
        %get3A_1641 = arith.index_cast %min3A_1637 : i32 to index
        %get3A_1642 = arith.constant 16 : index
        %get3A_1643 = tpu.vector_load %arg9[%get3A_1641, %get3A_1642] {strides = array<i32>} : memref<256x64xf32, #tpu.memory_space<vmem>>, vector<16xf32>,
        %get3A_1644 = arith.index_cast %min3A_1637 : i32 to index
        %get3A_1645 = arith.constant 32 : index
        %get3A_1646 = tpu.vector_load %arg9[%get3A_1644, %get3A_1645] {strides = array<i32>} : memref<256x64xf32, #tpu.memory_space<vmem>>, vector<16xf32>,
        %get3A_1647 = arith.index_cast %min3A_1637 : i32 to index
        %get3A_1648 = arith.constant 48 : index
        %get3A_1649 = tpu.vector_load %arg9[%get3A_1647, %get3A_1648] {strides = array<i32>} : memref<256x64xf32, #tpu.memory_space<vmem>>, vector<16xf32>,
        %mul3A_1650 = arith.constant 8.000000e+00 : f32
        %mul3A_1651 = vector.broadcast %mul3A_1650 : f32 to vector<16xf32>
        %mul3A_1652 = arith.mulf %scan3A_1631, %mul3A_1651 : vector<16xf32>
        tpu.vector_store_idx %arg11[%add3A_5, %scan3A_1630], %mul3A_1652 : memref<64x257xf32, #tpu.memory_space<vmem>>[vector<16xi32>, vector<16xi32>], vector<16xf32>,
        %mul3A_1653 = arith.constant 8.000000e+00 : f32
        %mul3A_1654 = vector.broadcast %mul3A_1653 : f32 to vector<16xf32>
        %mul3A_1655 = arith.mulf %scan3A_1632, %mul3A_1654 : vector<16xf32>
        tpu.vector_store_idx %arg11[%add3A_9, %scan3A_1630], %mul3A_1655 : memref<64x257xf32, #tpu.memory_space<vmem>>[vector<16xi32>, vector<16xi32>], vector<16xf32>,
        %mul3A_1656 = arith.constant 8.000000e+00 : f32
        %mul3A_1657 = vector.broadcast %mul3A_1656 : f32 to vector<16xf32>
        %mul3A_1658 = arith.mulf %scan3A_1633, %mul3A_1657 : vector<16xf32>
        tpu.vector_store_idx %arg11[%add3A_13, %scan3A_1630], %mul3A_1658 : memref<64x257xf32, #tpu.memory_space<vmem>>[vector<16xi32>, vector<16xi32>], vector<16xf32>,
        %mul3A_1659 = arith.constant 8.000000e+00 : f32
        %mul3A_1660 = vector.broadcast %mul3A_1659 : f32 to vector<16xf32>
        %mul3A_1661 = arith.mulf %scan3A_1634, %mul3A_1660 : vector<16xf32>
        tpu.vector_store_idx %arg11[%add3A_17, %scan3A_1630], %mul3A_1661 : memref<64x257xf32, #tpu.memory_space<vmem>>[vector<16xi32>, vector<16xi32>], vector<16xf32>,
        %add3A_1662 = arith.constant 1 : i32
        %add3A_1663 = vector.broadcast %add3A_1662 : i32 to vector<16xi32>
        %add3A_1664 = arith.addi %scan3A_1630, %add3A_1663 : vector<16xi32>
        %scan3A_1665 = arith.constant 1 : i32
        %scan3A_1666 = arith.addi %scan3A_1629, %scan3A_1665 : i32
        %add3A_1667 = arith.constant 1 : i32
        %add3A_1668 = arith.addi %scan3A_1666, %add3A_1667 : i32
        %min3A_1669 = arith.constant 255 : i32
        %min3A_1670 = arith.minsi %add3A_1668, %min3A_1669 : i32
        %get3A_1671 = arith.index_cast %min3A_1670 : i32 to index
        %get3A_1672 = arith.constant 0 : index
        %get3A_1673 = tpu.vector_load %arg9[%get3A_1671, %get3A_1672] {strides = array<i32>} : memref<256x64xf32, #tpu.memory_space<vmem>>, vector<16xf32>,
        %get3A_1674 = arith.index_cast %min3A_1670 : i32 to index
        %get3A_1675 = arith.constant 16 : index
        %get3A_1676 = tpu.vector_load %arg9[%get3A_1674, %get3A_1675] {strides = array<i32>} : memref<256x64xf32, #tpu.memory_space<vmem>>, vector<16xf32>,
        %get3A_1677 = arith.index_cast %min3A_1670 : i32 to index
        %get3A_1678 = arith.constant 32 : index
        %get3A_1679 = tpu.vector_load %arg9[%get3A_1677, %get3A_1678] {strides = array<i32>} : memref<256x64xf32, #tpu.memory_space<vmem>>, vector<16xf32>,
        %get3A_1680 = arith.index_cast %min3A_1670 : i32 to index
        %get3A_1681 = arith.constant 48 : index
        %get3A_1682 = tpu.vector_load %arg9[%get3A_1680, %get3A_1681] {strides = array<i32>} : memref<256x64xf32, #tpu.memory_space<vmem>>, vector<16xf32>,
        %mul3A_1683 = arith.constant 8.000000e+00 : f32
        %mul3A_1684 = vector.broadcast %mul3A_1683 : f32 to vector<16xf32>
        %mul3A_1685 = arith.mulf %get3A_1640, %mul3A_1684 : vector<16xf32>
        tpu.vector_store_idx %arg11[%add3A_5, %add3A_1664], %mul3A_1685 : memref<64x257xf32, #tpu.memory_space<vmem>>[vector<16xi32>, vector<16xi32>], vector<16xf32>,
        %mul3A_1686 = arith.constant 8.000000e+00 : f32
        %mul3A_1687 = vector.broadcast %mul3A_1686 : f32 to vector<16xf32>
        %mul3A_1688 = arith.mulf %get3A_1643, %mul3A_1687 : vector<16xf32>
        tpu.vector_store_idx %arg11[%add3A_9, %add3A_1664], %mul3A_1688 : memref<64x257xf32, #tpu.memory_space<vmem>>[vector<16xi32>, vector<16xi32>], vector<16xf32>,
        %mul3A_1689 = arith.constant 8.000000e+00 : f32
        %mul3A_1690 = vector.broadcast %mul3A_1689 : f32 to vector<16xf32>
        %mul3A_1691 = arith.mulf %get3A_1646, %mul3A_1690 : vector<16xf32>
        tpu.vector_store_idx %arg11[%add3A_13, %add3A_1664], %mul3A_1691 : memref<64x257xf32, #tpu.memory_space<vmem>>[vector<16xi32>, vector<16xi32>], vector<16xf32>,
        %mul3A_1692 = arith.constant 8.000000e+00 : f32
        %mul3A_1693 = vector.broadcast %mul3A_1692 : f32 to vector<16xf32>
        %mul3A_1694 = arith.mulf %get3A_1649, %mul3A_1693 : vector<16xf32>
        tpu.vector_store_idx %arg11[%add3A_17, %add3A_1664], %mul3A_1694 : memref<64x257xf32, #tpu.memory_space<vmem>>[vector<16xi32>, vector<16xi32>], vector<16xf32>,
        %add3A_1695 = arith.constant 1 : i32
        %add3A_1696 = vector.broadcast %add3A_1695 : i32 to vector<16xi32>
        %add3A_1697 = arith.addi %add3A_1664, %add3A_1696 : vector<16xi32>
        %scan3A_1698 = arith.constant 2 : i32
        %scan3A_1699 = arith.addi %scan3A_1629, %scan3A_1698 : i32
        %add3A_1700 = arith.constant 1 : i32
        %add3A_1701 = arith.addi %scan3A_1699, %add3A_1700 : i32
        %min3A_1702 = arith.constant 255 : i32
        %min3A_1703 = arith.minsi %add3A_1701, %min3A_1702 : i32
        %get3A_1704 = arith.index_cast %min3A_1703 : i32 to index
        %get3A_1705 = arith.constant 0 : index
        %get3A_1706 = tpu.vector_load %arg9[%get3A_1704, %get3A_1705] {strides = array<i32>} : memref<256x64xf32, #tpu.memory_space<vmem>>, vector<16xf32>,
        %get3A_1707 = arith.index_cast %min3A_1703 : i32 to index
        %get3A_1708 = arith.constant 16 : index
        %get3A_1709 = tpu.vector_load %arg9[%get3A_1707, %get3A_1708] {strides = array<i32>} : memref<256x64xf32, #tpu.memory_space<vmem>>, vector<16xf32>,
        %get3A_1710 = arith.index_cast %min3A_1703 : i32 to index
        %get3A_1711 = arith.constant 32 : index
        %get3A_1712 = tpu.vector_load %arg9[%get3A_1710, %get3A_1711] {strides = array<i32>} : memref<256x64xf32, #tpu.memory_space<vmem>>, vector<16xf32>,
        %get3A_1713 = arith.index_cast %min3A_1703 : i32 to index
        %get3A_1714 = arith.constant 48 : index
        %get3A_1715 = tpu.vector_load %arg9[%get3A_1713, %get3A_1714] {strides = array<i32>} : memref<256x64xf32, #tpu.memory_space<vmem>>, vector<16xf32>,
        %mul3A_1716 = arith.constant 8.000000e+00 : f32
        %mul3A_1717 = vector.broadcast %mul3A_1716 : f32 to vector<16xf32>
        %mul3A_1718 = arith.mulf %get3A_1673, %mul3A_1717 : vector<16xf32>
        tpu.vector_store_idx %arg11[%add3A_5, %add3A_1697], %mul3A_1718 : memref<64x257xf32, #tpu.memory_space<vmem>>[vector<16xi32>, vector<16xi32>], vector<16xf32>,
        %mul3A_1719 = arith.constant 8.000000e+00 : f32
        %mul3A_1720 = vector.broadcast %mul3A_1719 : f32 to vector<16xf32>
        %mul3A_1721 = arith.mulf %get3A_1676, %mul3A_1720 : vector<16xf32>
        tpu.vector_store_idx %arg11[%add3A_9, %add3A_1697], %mul3A_1721 : memref<64x257xf32, #tpu.memory_space<vmem>>[vector<16xi32>, vector<16xi32>], vector<16xf32>,
        %mul3A_1722 = arith.constant 8.000000e+00 : f32
        %mul3A_1723 = vector.broadcast %mul3A_1722 : f32 to vector<16xf32>
        %mul3A_1724 = arith.mulf %get3A_1679, %mul3A_1723 : vector<16xf32>
        tpu.vector_store_idx %arg11[%add3A_13, %add3A_1697], %mul3A_1724 : memref<64x257xf32, #tpu.memory_space<vmem>>[vector<16xi32>, vector<16xi32>], vector<16xf32>,
        %mul3A_1725 = arith.constant 8.000000e+00 : f32
        %mul3A_1726 = vector.broadcast %mul3A_1725 : f32 to vector<16xf32>
        %mul3A_1727 = arith.mulf %get3A_1682, %mul3A_1726 : vector<16xf32>
        tpu.vector_store_idx %arg11[%add3A_17, %add3A_1697], %mul3A_1727 : memref<64x257xf32, #tpu.memory_space<vmem>>[vector<16xi32>, vector<16xi32>], vector<16xf32>,
        %add3A_1728 = arith.constant 1 : i32
        %add3A_1729 = vector.broadcast %add3A_1728 : i32 to vector<16xi32>
        %add3A_1730 = arith.addi %add3A_1697, %add3A_1729 : vector<16xi32>
        %scan3A_1731 = arith.constant 3 : i32
        %scan3A_1732 = arith.addi %scan3A_1629, %scan3A_1731 : i32
        %add3A_1733 = arith.constant 1 : i32
        %add3A_1734 = arith.addi %scan3A_1732, %add3A_1733 : i32
        %min3A_1735 = arith.constant 255 : i32
        %min3A_1736 = arith.minsi %add3A_1734, %min3A_1735 : i32
        %get3A_1737 = arith.index_cast %min3A_1736 : i32 to index
        %get3A_1738 = arith.constant 0 : index
        %get3A_1739 = tpu.vector_load %arg9[%get3A_1737, %get3A_1738] {strides = array<i32>} : memref<256x64xf32, #tpu.memory_space<vmem>>, vector<16xf32>,
        %get3A_1740 = arith.index_cast %min3A_1736 : i32 to index
        %get3A_1741 = arith.constant 16 : index
        %get3A_1742 = tpu.vector_load %arg9[%get3A_1740, %get3A_1741] {strides = array<i32>} : memref<256x64xf32, #tpu.memory_space<vmem>>, vector<16xf32>,
        %get3A_1743 = arith.index_cast %min3A_1736 : i32 to index
        %get3A_1744 = arith.constant 32 : index
        %get3A_1745 = tpu.vector_load %arg9[%get3A_1743, %get3A_1744] {strides = array<i32>} : memref<256x64xf32, #tpu.memory_space<vmem>>, vector<16xf32>,
        %get3A_1746 = arith.index_cast %min3A_1736 : i32 to index
        %get3A_1747 = arith.constant 48 : index
        %get3A_1748 = tpu.vector_load %arg9[%get3A_1746, %get3A_1747] {strides = array<i32>} : memref<256x64xf32, #tpu.memory_space<vmem>>, vector<16xf32>,
        %mul3A_1749 = arith.constant 8.000000e+00 : f32
        %mul3A_1750 = vector.broadcast %mul3A_1749 : f32 to vector<16xf32>
        %mul3A_1751 = arith.mulf %get3A_1706, %mul3A_1750 : vector<16xf32>
        tpu.vector_store_idx %arg11[%add3A_5, %add3A_1730], %mul3A_1751 : memref<64x257xf32, #tpu.memory_space<vmem>>[vector<16xi32>, vector<16xi32>], vector<16xf32>,
        %mul3A_1752 = arith.constant 8.000000e+00 : f32
        %mul3A_1753 = vector.broadcast %mul3A_1752 : f32 to vector<16xf32>
        %mul3A_1754 = arith.mulf %get3A_1709, %mul3A_1753 : vector<16xf32>
        tpu.vector_store_idx %arg11[%add3A_9, %add3A_1730], %mul3A_1754 : memref<64x257xf32, #tpu.memory_space<vmem>>[vector<16xi32>, vector<16xi32>], vector<16xf32>,
        %mul3A_1755 = arith.constant 8.000000e+00 : f32
        %mul3A_1756 = vector.broadcast %mul3A_1755 : f32 to vector<16xf32>
        %mul3A_1757 = arith.mulf %get3A_1712, %mul3A_1756 : vector<16xf32>
        tpu.vector_store_idx %arg11[%add3A_13, %add3A_1730], %mul3A_1757 : memref<64x257xf32, #tpu.memory_space<vmem>>[vector<16xi32>, vector<16xi32>], vector<16xf32>,
        %mul3A_1758 = arith.constant 8.000000e+00 : f32
        %mul3A_1759 = vector.broadcast %mul3A_1758 : f32 to vector<16xf32>
        %mul3A_1760 = arith.mulf %get3A_1715, %mul3A_1759 : vector<16xf32>
        tpu.vector_store_idx %arg11[%add3A_17, %add3A_1730], %mul3A_1760 : memref<64x257xf32, #tpu.memory_space<vmem>>[vector<16xi32>, vector<16xi32>], vector<16xf32>,
        %add3A_1761 = arith.constant 1 : i32
        %add3A_1762 = vector.broadcast %add3A_1761 : i32 to vector<16xi32>
        %add3A_1763 = arith.addi %add3A_1730, %add3A_1762 : vector<16xi32>
        %scan3A_1764 = arith.constant 4 : i32
        %scan3A_1765 = arith.addi %scan3A_1629, %scan3A_1764 : i32
        %add3A_1766 = arith.constant 1 : i32
        %add3A_1767 = arith.addi %scan3A_1765, %add3A_1766 : i32
        %min3A_1768 = arith.constant 255 : i32
        %min3A_1769 = arith.minsi %add3A_1767, %min3A_1768 : i32
        %get3A_1770 = arith.index_cast %min3A_1769 : i32 to index
        %get3A_1771 = arith.constant 0 : index
        %get3A_1772 = tpu.vector_load %arg9[%get3A_1770, %get3A_1771] {strides = array<i32>} : memref<256x64xf32, #tpu.memory_space<vmem>>, vector<16xf32>,
        %get3A_1773 = arith.index_cast %min3A_1769 : i32 to index
        %get3A_1774 = arith.constant 16 : index
        %get3A_1775 = tpu.vector_load %arg9[%get3A_1773, %get3A_1774] {strides = array<i32>} : memref<256x64xf32, #tpu.memory_space<vmem>>, vector<16xf32>,
        %get3A_1776 = arith.index_cast %min3A_1769 : i32 to index
        %get3A_1777 = arith.constant 32 : index
        %get3A_1778 = tpu.vector_load %arg9[%get3A_1776, %get3A_1777] {strides = array<i32>} : memref<256x64xf32, #tpu.memory_space<vmem>>, vector<16xf32>,
        %get3A_1779 = arith.index_cast %min3A_1769 : i32 to index
        %get3A_1780 = arith.constant 48 : index
        %get3A_1781 = tpu.vector_load %arg9[%get3A_1779, %get3A_1780] {strides = array<i32>} : memref<256x64xf32, #tpu.memory_space<vmem>>, vector<16xf32>,
        %mul3A_1782 = arith.constant 8.000000e+00 : f32
        %mul3A_1783 = vector.broadcast %mul3A_1782 : f32 to vector<16xf32>
        %mul3A_1784 = arith.mulf %get3A_1739, %mul3A_1783 : vector<16xf32>
        tpu.vector_store_idx %arg11[%add3A_5, %add3A_1763], %mul3A_1784 : memref<64x257xf32, #tpu.memory_space<vmem>>[vector<16xi32>, vector<16xi32>], vector<16xf32>,
        %mul3A_1785 = arith.constant 8.000000e+00 : f32
        %mul3A_1786 = vector.broadcast %mul3A_1785 : f32 to vector<16xf32>
        %mul3A_1787 = arith.mulf %get3A_1742, %mul3A_1786 : vector<16xf32>
        tpu.vector_store_idx %arg11[%add3A_9, %add3A_1763], %mul3A_1787 : memref<64x257xf32, #tpu.memory_space<vmem>>[vector<16xi32>, vector<16xi32>], vector<16xf32>,
        %mul3A_1788 = arith.constant 8.000000e+00 : f32
        %mul3A_1789 = vector.broadcast %mul3A_1788 : f32 to vector<16xf32>
        %mul3A_1790 = arith.mulf %get3A_1745, %mul3A_1789 : vector<16xf32>
        tpu.vector_store_idx %arg11[%add3A_13, %add3A_1763], %mul3A_1790 : memref<64x257xf32, #tpu.memory_space<vmem>>[vector<16xi32>, vector<16xi32>], vector<16xf32>,
        %mul3A_1791 = arith.constant 8.000000e+00 : f32
        %mul3A_1792 = vector.broadcast %mul3A_1791 : f32 to vector<16xf32>
        %mul3A_1793 = arith.mulf %get3A_1748, %mul3A_1792 : vector<16xf32>
        tpu.vector_store_idx %arg11[%add3A_17, %add3A_1763], %mul3A_1793 : memref<64x257xf32, #tpu.memory_space<vmem>>[vector<16xi32>, vector<16xi32>], vector<16xf32>,
        %add3A_1794 = arith.constant 1 : i32
        %add3A_1795 = vector.broadcast %add3A_1794 : i32 to vector<16xi32>
        %add3A_1796 = arith.addi %add3A_1763, %add3A_1795 : vector<16xi32>
        %scan3A_1797 = arith.constant 5 : i32
        %scan3A_1798 = arith.addi %scan3A_1629, %scan3A_1797 : i32
        %add3A_1799 = arith.constant 1 : i32
        %add3A_1800 = arith.addi %scan3A_1798, %add3A_1799 : i32
        %min3A_1801 = arith.constant 255 : i32
        %min3A_1802 = arith.minsi %add3A_1800, %min3A_1801 : i32
        %get3A_1803 = arith.index_cast %min3A_1802 : i32 to index
        %get3A_1804 = arith.constant 0 : index
        %get3A_1805 = tpu.vector_load %arg9[%get3A_1803, %get3A_1804] {strides = array<i32>} : memref<256x64xf32, #tpu.memory_space<vmem>>, vector<16xf32>,
        %get3A_1806 = arith.index_cast %min3A_1802 : i32 to index
        %get3A_1807 = arith.constant 16 : index
        %get3A_1808 = tpu.vector_load %arg9[%get3A_1806, %get3A_1807] {strides = array<i32>} : memref<256x64xf32, #tpu.memory_space<vmem>>, vector<16xf32>,
        %get3A_1809 = arith.index_cast %min3A_1802 : i32 to index
        %get3A_1810 = arith.constant 32 : index
        %get3A_1811 = tpu.vector_load %arg9[%get3A_1809, %get3A_1810] {strides = array<i32>} : memref<256x64xf32, #tpu.memory_space<vmem>>, vector<16xf32>,
        %get3A_1812 = arith.index_cast %min3A_1802 : i32 to index
        %get3A_1813 = arith.constant 48 : index
        %get3A_1814 = tpu.vector_load %arg9[%get3A_1812, %get3A_1813] {strides = array<i32>} : memref<256x64xf32, #tpu.memory_space<vmem>>, vector<16xf32>,
        %mul3A_1815 = arith.constant 8.000000e+00 : f32
        %mul3A_1816 = vector.broadcast %mul3A_1815 : f32 to vector<16xf32>
        %mul3A_1817 = arith.mulf %get3A_1772, %mul3A_1816 : vector<16xf32>
        tpu.vector_store_idx %arg11[%add3A_5, %add3A_1796], %mul3A_1817 : memref<64x257xf32, #tpu.memory_space<vmem>>[vector<16xi32>, vector<16xi32>], vector<16xf32>,
        %mul3A_1818 = arith.constant 8.000000e+00 : f32
        %mul3A_1819 = vector.broadcast %mul3A_1818 : f32 to vector<16xf32>
        %mul3A_1820 = arith.mulf %get3A_1775, %mul3A_1819 : vector<16xf32>
        tpu.vector_store_idx %arg11[%add3A_9, %add3A_1796], %mul3A_1820 : memref<64x257xf32, #tpu.memory_space<vmem>>[vector<16xi32>, vector<16xi32>], vector<16xf32>,
        %mul3A_1821 = arith.constant 8.000000e+00 : f32
        %mul3A_1822 = vector.broadcast %mul3A_1821 : f32 to vector<16xf32>
        %mul3A_1823 = arith.mulf %get3A_1778, %mul3A_1822 : vector<16xf32>
        tpu.vector_store_idx %arg11[%add3A_13, %add3A_1796], %mul3A_1823 : memref<64x257xf32, #tpu.memory_space<vmem>>[vector<16xi32>, vector<16xi32>], vector<16xf32>,
        %mul3A_1824 = arith.constant 8.000000e+00 : f32
        %mul3A_1825 = vector.broadcast %mul3A_1824 : f32 to vector<16xf32>
        %mul3A_1826 = arith.mulf %get3A_1781, %mul3A_1825 : vector<16xf32>
        tpu.vector_store_idx %arg11[%add3A_17, %add3A_1796], %mul3A_1826 : memref<64x257xf32, #tpu.memory_space<vmem>>[vector<16xi32>, vector<16xi32>], vector<16xf32>,
        %add3A_1827 = arith.constant 1 : i32
        %add3A_1828 = vector.broadcast %add3A_1827 : i32 to vector<16xi32>
        %add3A_1829 = arith.addi %add3A_1796, %add3A_1828 : vector<16xi32>
        %scan3A_1830 = arith.constant 6 : i32
        %scan3A_1831 = arith.addi %scan3A_1629, %scan3A_1830 : i32
        %add3A_1832 = arith.constant 1 : i32
        %add3A_1833 = arith.addi %scan3A_1831, %add3A_1832 : i32
        %min3A_1834 = arith.constant 255 : i32
        %min3A_1835 = arith.minsi %add3A_1833, %min3A_1834 : i32
        %get3A_1836 = arith.index_cast %min3A_1835 : i32 to index
        %get3A_1837 = arith.constant 0 : index
        %get3A_1838 = tpu.vector_load %arg9[%get3A_1836, %get3A_1837] {strides = array<i32>} : memref<256x64xf32, #tpu.memory_space<vmem>>, vector<16xf32>,
        %get3A_1839 = arith.index_cast %min3A_1835 : i32 to index
        %get3A_1840 = arith.constant 16 : index
        %get3A_1841 = tpu.vector_load %arg9[%get3A_1839, %get3A_1840] {strides = array<i32>} : memref<256x64xf32, #tpu.memory_space<vmem>>, vector<16xf32>,
        %get3A_1842 = arith.index_cast %min3A_1835 : i32 to index
        %get3A_1843 = arith.constant 32 : index
        %get3A_1844 = tpu.vector_load %arg9[%get3A_1842, %get3A_1843] {strides = array<i32>} : memref<256x64xf32, #tpu.memory_space<vmem>>, vector<16xf32>,
        %get3A_1845 = arith.index_cast %min3A_1835 : i32 to index
        %get3A_1846 = arith.constant 48 : index
        %get3A_1847 = tpu.vector_load %arg9[%get3A_1845, %get3A_1846] {strides = array<i32>} : memref<256x64xf32, #tpu.memory_space<vmem>>, vector<16xf32>,
        %mul3A_1848 = arith.constant 8.000000e+00 : f32
        %mul3A_1849 = vector.broadcast %mul3A_1848 : f32 to vector<16xf32>
        %mul3A_1850 = arith.mulf %get3A_1805, %mul3A_1849 : vector<16xf32>
        tpu.vector_store_idx %arg11[%add3A_5, %add3A_1829], %mul3A_1850 : memref<64x257xf32, #tpu.memory_space<vmem>>[vector<16xi32>, vector<16xi32>], vector<16xf32>,
        %mul3A_1851 = arith.constant 8.000000e+00 : f32
        %mul3A_1852 = vector.broadcast %mul3A_1851 : f32 to vector<16xf32>
        %mul3A_1853 = arith.mulf %get3A_1808, %mul3A_1852 : vector<16xf32>
        tpu.vector_store_idx %arg11[%add3A_9, %add3A_1829], %mul3A_1853 : memref<64x257xf32, #tpu.memory_space<vmem>>[vector<16xi32>, vector<16xi32>], vector<16xf32>,
        %mul3A_1854 = arith.constant 8.000000e+00 : f32
        %mul3A_1855 = vector.broadcast %mul3A_1854 : f32 to vector<16xf32>
        %mul3A_1856 = arith.mulf %get3A_1811, %mul3A_1855 : vector<16xf32>
        tpu.vector_store_idx %arg11[%add3A_13, %add3A_1829], %mul3A_1856 : memref<64x257xf32, #tpu.memory_space<vmem>>[vector<16xi32>, vector<16xi32>], vector<16xf32>,
        %mul3A_1857 = arith.constant 8.000000e+00 : f32
        %mul3A_1858 = vector.broadcast %mul3A_1857 : f32 to vector<16xf32>
        %mul3A_1859 = arith.mulf %get3A_1814, %mul3A_1858 : vector<16xf32>
        tpu.vector_store_idx %arg11[%add3A_17, %add3A_1829], %mul3A_1859 : memref<64x257xf32, #tpu.memory_space<vmem>>[vector<16xi32>, vector<16xi32>], vector<16xf32>,
        %add3A_1860 = arith.constant 1 : i32
        %add3A_1861 = vector.broadcast %add3A_1860 : i32 to vector<16xi32>
        %add3A_1862 = arith.addi %add3A_1829, %add3A_1861 : vector<16xi32>
        %scan3A_1863 = arith.constant 7 : i32
        %scan3A_1864 = arith.addi %scan3A_1629, %scan3A_1863 : i32
        %add3A_1865 = arith.constant 1 : i32
        %add3A_1866 = arith.addi %scan3A_1864, %add3A_1865 : i32
        %min3A_1867 = arith.constant 255 : i32
        %min3A_1868 = arith.minsi %add3A_1866, %min3A_1867 : i32
        %get3A_1869 = arith.index_cast %min3A_1868 : i32 to index
        %get3A_1870 = arith.constant 0 : index
        %get3A_1871 = tpu.vector_load %arg9[%get3A_1869, %get3A_1870] {strides = array<i32>} : memref<256x64xf32, #tpu.memory_space<vmem>>, vector<16xf32>,
        %get3A_1872 = arith.index_cast %min3A_1868 : i32 to index
        %get3A_1873 = arith.constant 16 : index
        %get3A_1874 = tpu.vector_load %arg9[%get3A_1872, %get3A_1873] {strides = array<i32>} : memref<256x64xf32, #tpu.memory_space<vmem>>, vector<16xf32>,
        %get3A_1875 = arith.index_cast %min3A_1868 : i32 to index
        %get3A_1876 = arith.constant 32 : index
        %get3A_1877 = tpu.vector_load %arg9[%get3A_1875, %get3A_1876] {strides = array<i32>} : memref<256x64xf32, #tpu.memory_space<vmem>>, vector<16xf32>,
        %get3A_1878 = arith.index_cast %min3A_1868 : i32 to index
        %get3A_1879 = arith.constant 48 : index
        %get3A_1880 = tpu.vector_load %arg9[%get3A_1878, %get3A_1879] {strides = array<i32>} : memref<256x64xf32, #tpu.memory_space<vmem>>, vector<16xf32>,
        %mul3A_1881 = arith.constant 8.000000e+00 : f32
        %mul3A_1882 = vector.broadcast %mul3A_1881 : f32 to vector<16xf32>
        %mul3A_1883 = arith.mulf %get3A_1838, %mul3A_1882 : vector<16xf32>
        tpu.vector_store_idx %arg11[%add3A_5, %add3A_1862], %mul3A_1883 : memref<64x257xf32, #tpu.memory_space<vmem>>[vector<16xi32>, vector<16xi32>], vector<16xf32>,
        %mul3A_1884 = arith.constant 8.000000e+00 : f32
        %mul3A_1885 = vector.broadcast %mul3A_1884 : f32 to vector<16xf32>
        %mul3A_1886 = arith.mulf %get3A_1841, %mul3A_1885 : vector<16xf32>
        tpu.vector_store_idx %arg11[%add3A_9, %add3A_1862], %mul3A_1886 : memref<64x257xf32, #tpu.memory_space<vmem>>[vector<16xi32>, vector<16xi32>], vector<16xf32>,
        %mul3A_1887 = arith.constant 8.000000e+00 : f32
        %mul3A_1888 = vector.broadcast %mul3A_1887 : f32 to vector<16xf32>
        %mul3A_1889 = arith.mulf %get3A_1844, %mul3A_1888 : vector<16xf32>
        tpu.vector_store_idx %arg11[%add3A_13, %add3A_1862], %mul3A_1889 : memref<64x257xf32, #tpu.memory_space<vmem>>[vector<16xi32>, vector<16xi32>], vector<16xf32>,
        %mul3A_1890 = arith.constant 8.000000e+00 : f32
        %mul3A_1891 = vector.broadcast %mul3A_1890 : f32 to vector<16xf32>
        %mul3A_1892 = arith.mulf %get3A_1847, %mul3A_1891 : vector<16xf32>
        tpu.vector_store_idx %arg11[%add3A_17, %add3A_1862], %mul3A_1892 : memref<64x257xf32, #tpu.memory_space<vmem>>[vector<16xi32>, vector<16xi32>], vector<16xf32>,
        %add3A_1893 = arith.constant 1 : i32
        %add3A_1894 = vector.broadcast %add3A_1893 : i32 to vector<16xi32>
        %add3A_1895 = arith.addi %add3A_1862, %add3A_1894 : vector<16xi32>
        scf.yield %add3A_1895, %get3A_1871, %get3A_1874, %get3A_1877, %get3A_1880 : vector<16xi32>, vector<16xf32>, vector<16xf32>, vector<16xf32>, vector<16xf32>
      }
      %scan3A_1573 = arith.constant 256 : i32
      %add3A_1574 = arith.addi %mul3A_2, %add3A_1375 : i32
      %jit3A_1575 = arith.constant 16 : i32
      %div3A_1576 = arith.divsi %add3A_1574, %jit3A_1575 : i32
      %sign3A_1577 = arith.constant 0 : i32
      %sign3A_1578 = arith.cmpi sgt, %add3A_1574, %sign3A_1577 : i32
      %sign3A_1579 = arith.extui %sign3A_1578 : i1 to i32
      %sign3A_1580 = arith.constant 0 : i32
      %sign3A_1581 = arith.cmpi slt, %add3A_1574, %sign3A_1580 : i32
      %sign3A_1582 = arith.extui %sign3A_1581 : i1 to i32
      %sign3A_1583 = arith.subi %sign3A_1579, %sign3A_1582 : i32
      %sign3A_1584 = arith.constant 0 : i32
      %sign3A_1585 = arith.cmpi sgt, %jit3A_1575, %sign3A_1584 : i32
      %sign3A_1586 = arith.extui %sign3A_1585 : i1 to i32
      %sign3A_1587 = arith.constant 0 : i32
      %sign3A_1588 = arith.cmpi slt, %jit3A_1575, %sign3A_1587 : i32
      %sign3A_1589 = arith.extui %sign3A_1588 : i1 to i32
      %sign3A_1590 = arith.subi %sign3A_1586, %sign3A_1589 : i32
      %ne3A_1591 = arith.cmpi ne, %sign3A_1583, %sign3A_1590 : i32
      %rem3A_1592 = arith.remsi %add3A_1574, %jit3A_1575 : i32
      %ne3A_1593 = arith.constant 0 : i32
      %ne3A_1594 = arith.cmpi ne, %rem3A_1592, %ne3A_1593 : i32
      %and3A_1595 = arith.andi %ne3A_1591, %ne3A_1594 : i1
      %sub3A_1596 = arith.constant 1 : i32
      %sub3A_1597 = arith.subi %div3A_1576, %sub3A_1596 : i32
      %select_n3A_1598 = arith.select %and3A_1595, %sub3A_1597, %div3A_1576 : i32
      %jit3A_1599 = arith.constant 16 : i32
      %eq3A_1600 = arith.constant 0 : i32
      %eq3A_1601 = arith.cmpi eq, %jit3A_1599, %eq3A_1600 : i32
      %jit3A_1602 = arith.constant 1 : i32
      %select_n3A_1603 = arith.select %eq3A_1601, %jit3A_1602, %jit3A_1599 : i32
      %rem3A_1604 = arith.remsi %add3A_1574, %select_n3A_1603 : i32
      %ne3A_1605 = arith.constant 0 : i32
      %ne3A_1606 = arith.cmpi ne, %rem3A_1604, %ne3A_1605 : i32
      %lt3A_1607 = arith.constant 0 : i32
      %lt3A_1608 = arith.cmpi slt, %rem3A_1604, %lt3A_1607 : i32
      %lt3A_1609 = arith.constant 0 : i32
      %lt3A_1610 = arith.cmpi slt, %select_n3A_1603, %lt3A_1609 : i32
      %ne3A_1611 = arith.xori %lt3A_1608, %lt3A_1610 : i1
      %and3A_1612 = arith.andi %ne3A_1611, %ne3A_1606 : i1
      %add3A_1613 = arith.addi %rem3A_1604, %select_n3A_1603 : i32
      %select_n3A_1614 = arith.select %and3A_1612, %add3A_1613, %rem3A_1604 : i32
      %mul3A_1615 = arith.constant 256 : i32
      %mul3A_1616 = arith.muli %select_n3A_1614, %mul3A_1615 : i32
      %dma_start3A_1617 = arith.constant 0 : i32
      %dma_start3A_1618 = arith.constant 0 : i32
      %dma_start3A_1619 = tpu.memref_slice %arg11[%dma_start3A_1617, %dma_start3A_1618] : memref<64x257xf32, #tpu.memory_space<vmem>> -> memref<64x256xf32, #tpu.memory_space<vmem>>
      %dma_start3A_1620 = arith.constant 0 : i32
      %dma_start3A_1621 = tpu.memref_slice %arg4[%select_n3A_1598, %dma_start3A_1620, %mul3A_1616] : memref<200x64x4096xf32, #tpu.memory_space<hbm>> -> memref<1x64x256xf32, #tpu.memory_space<hbm>>
      %dma_start3A_1622 = tpu.memref_squeeze %dma_start3A_1621 : memref<1x64x256xf32, #tpu.memory_space<hbm>> -> memref<64x256xf32, #tpu.memory_space<hbm>>
      %dma_start3A_1623 = arith.constant 0 : i32
      %dma_start3A_1624 = tpu.memref_slice %arg4[%select_n3A_1598, %dma_start3A_1623, %mul3A_1616] : memref<200x64x4096xf32, #tpu.memory_space<hbm>> -> memref<1x64x256xf32, #tpu.memory_space<hbm>>
      %dma_start3A_1625 = tpu.memref_squeeze %dma_start3A_1624 : memref<1x64x256xf32, #tpu.memory_space<hbm>> -> memref<64x256xf32, #tpu.memory_space<hbm>>
      %dma_start3A_1626 = arith.constant 0 : i32
      %dma_start3A_1627 = arith.constant 0 : i32
      %dma_start3A_1628 = tpu.memref_slice %arg11[%dma_start3A_1626, %dma_start3A_1627] : memref<64x257xf32, #tpu.memory_space<vmem>> -> memref<64x256xf32, #tpu.memory_space<vmem>>
      tpu.enqueue_dma source(%dma_start3A_1628 : memref<64x256xf32, #tpu.memory_space<vmem>>) target(%dma_start3A_1625 : memref<64x256xf32, #tpu.memory_space<hbm>>) target_semaphore(%arg17 : memref<!tpu.dma_semaphore, #tpu.memory_space<semaphore_mem>>)
    }
    %scan3A_502 = arith.constant 25 : i32
    %add3A_503 = arith.constant 98 : i32
    %add3A_504 = arith.addi %mul3A_2, %add3A_503 : i32
    %jit3A = arith.constant 16 : i32
    %div3A = arith.divsi %add3A_504, %jit3A : i32
    %sign3A = arith.constant 0 : i32
    %sign3A_505 = arith.cmpi sgt, %add3A_504, %sign3A : i32
    %sign3A_506 = arith.extui %sign3A_505 : i1 to i32
    %sign3A_507 = arith.constant 0 : i32
    %sign3A_508 = arith.cmpi slt, %add3A_504, %sign3A_507 : i32
    %sign3A_509 = arith.extui %sign3A_508 : i1 to i32
    %sign3A_510 = arith.subi %sign3A_506, %sign3A_509 : i32
    %sign3A_511 = arith.constant 0 : i32
    %sign3A_512 = arith.cmpi sgt, %jit3A, %sign3A_511 : i32
    %sign3A_513 = arith.extui %sign3A_512 : i1 to i32
    %sign3A_514 = arith.constant 0 : i32
    %sign3A_515 = arith.cmpi slt, %jit3A, %sign3A_514 : i32
    %sign3A_516 = arith.extui %sign3A_515 : i1 to i32
    %sign3A_517 = arith.subi %sign3A_513, %sign3A_516 : i32
    %ne3A = arith.cmpi ne, %sign3A_510, %sign3A_517 : i32
    %rem3A = arith.remsi %add3A_504, %jit3A : i32
    %ne3A_518 = arith.constant 0 : i32
    %ne3A_519 = arith.cmpi ne, %rem3A, %ne3A_518 : i32
    %and3A = arith.andi %ne3A, %ne3A_519 : i1
    %sub3A = arith.constant 1 : i32
    %sub3A_520 = arith.subi %div3A, %sub3A : i32
    %select_n3A = arith.select %and3A, %sub3A_520, %div3A : i32
    %jit3A_521 = arith.constant 16 : i32
    %eq3A = arith.constant 0 : i32
    %eq3A_522 = arith.cmpi eq, %jit3A_521, %eq3A : i32
    %jit3A_523 = arith.constant 1 : i32
    %select_n3A_524 = arith.select %eq3A_522, %jit3A_523, %jit3A_521 : i32
    %rem3A_525 = arith.remsi %add3A_504, %select_n3A_524 : i32
    %ne3A_526 = arith.constant 0 : i32
    %ne3A_527 = arith.cmpi ne, %rem3A_525, %ne3A_526 : i32
    %lt3A = arith.constant 0 : i32
    %lt3A_528 = arith.cmpi slt, %rem3A_525, %lt3A : i32
    %lt3A_529 = arith.constant 0 : i32
    %lt3A_530 = arith.cmpi slt, %select_n3A_524, %lt3A_529 : i32
    %ne3A_531 = arith.xori %lt3A_528, %lt3A_530 : i1
    %and3A_532 = arith.andi %ne3A_531, %ne3A_527 : i1
    %add3A_533 = arith.addi %rem3A_525, %select_n3A_524 : i32
    %select_n3A_534 = arith.select %and3A_532, %add3A_533, %rem3A_525 : i32
    %mul3A_535 = arith.constant 256 : i32
    %mul3A_536 = arith.muli %select_n3A_534, %mul3A_535 : i32
    %dma_wait3A = arith.constant 0 : i32
    %dma_wait3A_537 = arith.constant 0 : i32
    %dma_wait3A_538 = tpu.memref_slice %arg10[%dma_wait3A, %dma_wait3A_537] : memref<64x257xf32, #tpu.memory_space<vmem>> -> memref<64x256xf32, #tpu.memory_space<vmem>>
    %dma_wait3A_539 = arith.constant 0 : i32
    %dma_wait3A_540 = tpu.memref_slice %arg4[%select_n3A, %dma_wait3A_539, %mul3A_536] : memref<200x64x4096xf32, #tpu.memory_space<hbm>> -> memref<1x64x256xf32, #tpu.memory_space<hbm>>
    %dma_wait3A_541 = tpu.memref_squeeze %dma_wait3A_540 : memref<1x64x256xf32, #tpu.memory_space<hbm>> -> memref<64x256xf32, #tpu.memory_space<hbm>>
    %dma_wait3A_542 = arith.constant 0 : i32
    %dma_wait3A_543 = tpu.memref_slice %arg4[%select_n3A, %dma_wait3A_542, %mul3A_536] : memref<200x64x4096xf32, #tpu.memory_space<hbm>> -> memref<1x64x256xf32, #tpu.memory_space<hbm>>
    %dma_wait3A_544 = tpu.memref_squeeze %dma_wait3A_543 : memref<1x64x256xf32, #tpu.memory_space<hbm>> -> memref<64x256xf32, #tpu.memory_space<hbm>>
    %dma_wait3A_545 = arith.constant 0 : i32
    %dma_wait3A_546 = arith.constant 0 : i32
    %dma_wait3A_547 = tpu.memref_slice %arg10[%dma_wait3A_545, %dma_wait3A_546] : memref<64x257xf32, #tpu.memory_space<vmem>> -> memref<64x256xf32, #tpu.memory_space<vmem>>
    tpu.wait_dma2 semaphore(%arg16 : memref<!tpu.dma_semaphore, #tpu.memory_space<semaphore_mem>>) src(%dma_wait3A_547 : memref<64x256xf32, #tpu.memory_space<vmem>>) dst(%dma_wait3A_544 : memref<64x256xf32, #tpu.memory_space<hbm>>)
    %add3A_548 = arith.constant 99 : i32
    %add3A_549 = arith.addi %mul3A_2, %add3A_548 : i32
    %jit3A_550 = arith.constant 16 : i32
    %div3A_551 = arith.divsi %add3A_549, %jit3A_550 : i32
    %sign3A_552 = arith.constant 0 : i32
    %sign3A_553 = arith.cmpi sgt, %add3A_549, %sign3A_552 : i32
    %sign3A_554 = arith.extui %sign3A_553 : i1 to i32
    %sign3A_555 = arith.constant 0 : i32
    %sign3A_556 = arith.cmpi slt, %add3A_549, %sign3A_555 : i32
    %sign3A_557 = arith.extui %sign3A_556 : i1 to i32
    %sign3A_558 = arith.subi %sign3A_554, %sign3A_557 : i32
    %sign3A_559 = arith.constant 0 : i32
    %sign3A_560 = arith.cmpi sgt, %jit3A_550, %sign3A_559 : i32
    %sign3A_561 = arith.extui %sign3A_560 : i1 to i32
    %sign3A_562 = arith.constant 0 : i32
    %sign3A_563 = arith.cmpi slt, %jit3A_550, %sign3A_562 : i32
    %sign3A_564 = arith.extui %sign3A_563 : i1 to i32
    %sign3A_565 = arith.subi %sign3A_561, %sign3A_564 : i32
    %ne3A_566 = arith.cmpi ne, %sign3A_558, %sign3A_565 : i32
    %rem3A_567 = arith.remsi %add3A_549, %jit3A_550 : i32
    %ne3A_568 = arith.constant 0 : i32
    %ne3A_569 = arith.cmpi ne, %rem3A_567, %ne3A_568 : i32
    %and3A_570 = arith.andi %ne3A_566, %ne3A_569 : i1
    %sub3A_571 = arith.constant 1 : i32
    %sub3A_572 = arith.subi %div3A_551, %sub3A_571 : i32
    %select_n3A_573 = arith.select %and3A_570, %sub3A_572, %div3A_551 : i32
    %jit3A_574 = arith.constant 16 : i32
    %eq3A_575 = arith.constant 0 : i32
    %eq3A_576 = arith.cmpi eq, %jit3A_574, %eq3A_575 : i32
    %jit3A_577 = arith.constant 1 : i32
    %select_n3A_578 = arith.select %eq3A_576, %jit3A_577, %jit3A_574 : i32
    %rem3A_579 = arith.remsi %add3A_549, %select_n3A_578 : i32
    %ne3A_580 = arith.constant 0 : i32
    %ne3A_581 = arith.cmpi ne, %rem3A_579, %ne3A_580 : i32
    %lt3A_582 = arith.constant 0 : i32
    %lt3A_583 = arith.cmpi slt, %rem3A_579, %lt3A_582 : i32
    %lt3A_584 = arith.constant 0 : i32
    %lt3A_585 = arith.cmpi slt, %select_n3A_578, %lt3A_584 : i32
    %ne3A_586 = arith.xori %lt3A_583, %lt3A_585 : i1
    %and3A_587 = arith.andi %ne3A_586, %ne3A_581 : i1
    %add3A_588 = arith.addi %rem3A_579, %select_n3A_578 : i32
    %select_n3A_589 = arith.select %and3A_587, %add3A_588, %rem3A_579 : i32
    %mul3A_590 = arith.constant 256 : i32
    %mul3A_591 = arith.muli %select_n3A_589, %mul3A_590 : i32
    %dma_wait3A_592 = arith.constant 0 : i32
    %dma_wait3A_593 = arith.constant 0 : i32
    %dma_wait3A_594 = tpu.memref_slice %arg11[%dma_wait3A_592, %dma_wait3A_593] : memref<64x257xf32, #tpu.memory_space<vmem>> -> memref<64x256xf32, #tpu.memory_space<vmem>>
    %dma_wait3A_595 = arith.constant 0 : i32
    %dma_wait3A_596 = tpu.memref_slice %arg4[%select_n3A_573, %dma_wait3A_595, %mul3A_591] : memref<200x64x4096xf32, #tpu.memory_space<hbm>> -> memref<1x64x256xf32, #tpu.memory_space<hbm>>
    %dma_wait3A_597 = tpu.memref_squeeze %dma_wait3A_596 : memref<1x64x256xf32, #tpu.memory_space<hbm>> -> memref<64x256xf32, #tpu.memory_space<hbm>>
    %dma_wait3A_598 = arith.constant 0 : i32
    %dma_wait3A_599 = tpu.memref_slice %arg4[%select_n3A_573, %dma_wait3A_598, %mul3A_591] : memref<200x64x4096xf32, #tpu.memory_space<hbm>> -> memref<1x64x256xf32, #tpu.memory_space<hbm>>
    %dma_wait3A_600 = tpu.memref_squeeze %dma_wait3A_599 : memref<1x64x256xf32, #tpu.memory_space<hbm>> -> memref<64x256xf32, #tpu.memory_space<hbm>>
    %dma_wait3A_601 = arith.constant 0 : i32
    %dma_wait3A_602 = arith.constant 0 : i32
    %dma_wait3A_603 = tpu.memref_slice %arg11[%dma_wait3A_601, %dma_wait3A_602] : memref<64x257xf32, #tpu.memory_space<vmem>> -> memref<64x256xf32, #tpu.memory_space<vmem>>
    tpu.wait_dma2 semaphore(%arg17 : memref<!tpu.dma_semaphore, #tpu.memory_space<semaphore_mem>>) src(%dma_wait3A_603 : memref<64x256xf32, #tpu.memory_space<vmem>>) dst(%dma_wait3A_600 : memref<64x256xf32, #tpu.memory_space<hbm>>)
    return
  }
}

</mosaic_0001>

<sc_bundles>
// kernel: kernel.3.cloned.1.call-start
scs
__scs_entry_jumppad:
0x0: {  	(pc) =	sbr.rel $0x88, $3  }
0x1: {  	(tag) =	ssettag $0x0;
	lr =	simm.s32 $0x1  }
0x2: {  	[smem:$0x3F9F] =	sst lr;
	_ =	strace $0xD0000000  }
0x3: {  	_ = 	snop  }
0x4: {  	_ = 	snop  }
0x5: {  	_ = 	snop  }
0x6: {  	_ = 	snop  }
0x7: {  	_ = 	snop  }
__scs_overlays_trampoline_lowered:
0x8: {  	[smem:$0x3FAE] =	sst s0  }
0x9: {  	[smem:$0x3FAF] =	sst s1  }
0xa: {  	[smem:$0x3FB0] =	sst s2  }
0xb: {  	[smem:$0x3FB1] =	sst s3  }
0xc: {  	[smem:$0x3FB2] =	sst s4  }
0xd: {  	[smem:$0x3FB3] =	sst s5  }
0xe: {  	[smem:$0x3FB4] =	sst s6  }
0xf: {  	[smem:$0x3FB5] =	sst s7  }
0x10: {  	[smem:$0x3FB6] =	sst s8  }
0x11: {  	[smem:$0x3FB7] =	sst s9;
	s0 =	simm.s32 @!p0 $0x0  }
0x12: {  	s1 =	sld [smem:$0x3F9D];
	s0 =	simm.s32 @p0 $0x1  }
0x13: {  	[smem:$0x3FB8] =	sst s0;
	s0 =	simm.s32 @!p1 $0x0  }
0x14: {  	s2 =	sld [smem:$0x3F9C];
	s0 =	simm.s32 @p1 $0x1  }
0x15: {  	[smem:$0x3FB9] =	sst s0;
	s0 =	simm.s32 @!p2 $0x0  }
0x16: {  	s3 =	sld [smem:$0x3FDB];
	s0 =	simm.s32 @p2 $0x1  }
0x17: {  	s4 =	simm.s32 $0x1BF5;
	[smem:$0x3FBB] =	sst s0  }
0x18: {  	s0 =	sld [smem:$0x3F9E];
	_ =	swait.ge [sflag:s4], $0x0  }
0x19: {  	s7 =	sld [smem:$0x3F9F]  }
0x1a: {  	s8 =	sadd.s32 $0xFFFFE003, lr  }
0x1b: {  	s9 =	sadd.s32 $0xFFFFFEF7, lr;
	s5 =	simm.s32 $0xFFFFFFFF;
	p2 =	slt.u32 s8, $0xFFFFF086  }
0x1c: {  	p1 =	slt.u32 s9, $0xF7A;
	s5 =	simm.s32 @!p2 $0x0  }
0x1d: {  	s5 =	simm.s32 @p1 $0x1;
	p0 =	seq.s32 s7, s2  }
0x1e: {  	s7 =	smul.u32 @!p0 $0xF7A, s2;
	p2 =	seq.s32 @!p0 s5, $0x0  }
0x1f: {  	s9 =	smul.u32 $0xF7A, s1;
	s8 =	simm.s32 @!p0 $0x1BF5;
	p2 =	por !p2, p0  }
0x20: {  	[sflag:s8] =	ssyncset.s32 @!p0 $0xFFFFF086;
	s6 =	sadd.s32 @!p0 s3, s7;
	s7 =	simm.s32 @!p0 $0x108  }
0x21: {  	s3 =	sadd.s32 s3, s9;
	s6 =	sadd.s32 @!p0 $0x88, s6;
	s7 =	simm.s32 @p2 $0x1082  }
0x22: {  	[simem:s7], [sflag:s8] =	dma.local @!p0 [hbm:s6], $0xF7A  }
0x23: {  	s9 =	sor.u32 $0xD0000000, s2;
	s6 =	simm.s32 $0x108;
	_ =	swait.ge @!p0 [sflag:s8], $0x0  }
0x24: {  	s3 =	sadd.s32 $0x88, s3;
	s6 =	simm.s32 @!p1 $0x1082;
	[sflag:s4] =	ssyncset.s32 $0xFFFFF086  }
0x25: {  	[simem:s6], [sflag:s4] =	dma.local [hbm:s3], $0xF7A  }
0x26: {  	[smem:$0x3F9F] =	sst s1;
	(tag) =	ssettag s2;
	_ =	strace s9  }
0x27: {  	s1 =	sld [smem:$0x3FAF]  }
0x28: {  	s2 =	sld [smem:$0x3FB0]  }
0x29: {  	s4 =	sld [smem:$0x3FB2]  }
0x2a: {  	p0 =	seq.s32 s5, $0x0;
	s5 =	sld [smem:$0x3FB3]  }
0x2b: {  	s6 =	sld [smem:$0x3FB4]  }
0x2c: {  	s7 =	sld [smem:$0x3FB5]  }
0x2d: {  	s3 =	simm.s32 $0x108;
	s8 =	sld [smem:$0x3FB6]  }
0x2e: {  	s3 =	simm.s32 @!p0 $0x1082;
	s9 =	sld [smem:$0x3FB7]  }
0x2f: {  	lr =	sadd.s32 s0, s3;
	s0 =	sld [smem:$0x3FAE]  }
0x30: {  	s3 =	sld [smem:$0x3FB1]  }
0x31: {  	[smem:$0x3FBA] =	sst s10  }
0x32: {  	s10 =	sld [smem:$0x3FB8];
	_ =	sdelay $0x3  }
0x33: {  	p0 =	seq.s32 s10, $0x1;
	s10 =	sld [smem:$0x3FBA];
	_ =	sdelay $0x3  }
0x34: {  	[smem:$0x3FBA] =	sst s10  }
0x35: {  	s10 =	sld [smem:$0x3FB9];
	_ =	sdelay $0x3  }
0x36: {  	p1 =	seq.s32 s10, $0x1;
	s10 =	sld [smem:$0x3FBA];
	_ =	sdelay $0x3  }
0x37: {  	[smem:$0x3FBA] =	sst s10  }
0x38: {  	s10 =	sld [smem:$0x3FBB]  }
0x39: {  	_ = 	snop;
	(pc) =	sbr.ind lr, $3  }
0x3a: {  	_ = 	snop  }
0x3b: {  	_ = 	snop  }
0x3c: {  	p2 =	seq.s32 s10, $0x1;
	s10 =	sld [smem:$0x3FBA]  }
0x3d: {  	_ =	shalt  }
0x3e: {  	_ =	shalt  }
0x3f: {  	_ =	shalt  }
0x40: {  	_ =	shalt  }
0x41: {  	_ =	shalt  }
0x42: {  	_ =	shalt  }
0x43: {  	_ =	shalt  }
0x44: {  	_ =	shalt  }
0x45: {  	_ =	shalt  }
0x46: {  	_ =	shalt  }
0x47: {  	_ =	shalt  }
0x48: {  	_ =	shalt  }
0x49: {  	_ =	shalt  }
0x4a: {  	_ =	shalt  }
0x4b: {  	_ =	shalt  }
0x4c: {  	_ =	shalt  }
0x4d: {  	_ =	shalt  }
0x4e: {  	_ =	shalt  }
0x4f: {  	_ =	shalt  }
0x50: {  	_ =	shalt  }
0x51: {  	_ =	shalt  }
0x52: {  	_ =	shalt  }
0x53: {  	_ =	shalt  }
0x54: {  	_ =	shalt  }
0x55: {  	_ =	shalt  }
0x56: {  	_ =	shalt  }
0x57: {  	_ =	shalt  }
0x58: {  	_ =	shalt  }
0x59: {  	_ =	shalt  }
0x5a: {  	_ =	shalt  }
0x5b: {  	_ =	shalt  }
0x5c: {  	_ =	shalt  }
0x5d: {  	_ =	shalt  }
0x5e: {  	_ =	shalt  }
0x5f: {  	_ =	shalt  }
0x60: {  	_ =	shalt  }
0x61: {  	_ =	shalt  }
0x62: {  	_ =	shalt  }
0x63: {  	_ =	shalt  }
0x64: {  	_ =	shalt  }
0x65: {  	_ =	shalt  }
0x66: {  	_ =	shalt  }
0x67: {  	_ =	shalt  }
0x68: {  	_ =	shalt  }
0x69: {  	_ =	shalt  }
0x6a: {  	_ =	shalt  }
0x6b: {  	_ =	shalt  }
0x6c: {  	_ =	shalt  }
0x6d: {  	_ =	shalt  }
0x6e: {  	_ =	shalt  }
0x6f: {  	_ =	shalt  }
0x70: {  	_ =	shalt  }
0x71: {  	_ =	shalt  }
0x72: {  	_ =	shalt  }
0x73: {  	_ =	shalt  }
0x74: {  	_ =	shalt  }
0x75: {  	_ =	shalt  }
0x76: {  	_ =	shalt  }
0x77: {  	_ =	shalt  }
0x78: {  	_ =	shalt  }
0x79: {  	_ =	shalt  }
0x7a: {  	_ =	shalt  }
0x7b: {  	_ =	shalt  }
0x7c: {  	_ =	shalt  }
0x7d: {  	_ =	shalt  }
0x7e: {  	_ =	shalt  }
0x7f: {  	_ =	shalt  }
0x80: {  	_ =	shalt  }
0x81: {  	_ =	shalt  }
0x82: {  	_ =	shalt  }
0x83: {  	_ =	shalt  }
0x84: {  	_ =	shalt  }
0x85: {  	_ =	shalt  }
0x86: {  	_ =	shalt  }
0x87: {  	_ =	shalt  }
.Lfunc_end0:
.L_simem_size_0:
called_computation_lowered:
.L_overlay_start_0:
0x88: {  	s2 =	sld [smem:$0x3FD9]  }
0x89: {  	s3 =	sld [smem:$0x3FFE];
	_ =	sdelay $0x1  }
0x8a: {  	s1 =	srdreg.scid  }
0x8b: {  	s0 =	sand.u32 $0x1, s1  }
0x8c: {  	s17 =	sshll.u32 s0, $0xA;
	s2 =	sadd.s32 s3, s2  }
0x8d: {  	s2 =	sadd.s32 s2, s17  }
0x8e: {  	[smem:$0x3FC6] =	sst s2  }
0x8f: {  	_ = 	snop  }
0x90: {  	s2 =	sld [smem:$0x3FD0];
	(tm) =	ssettm $0x1  }
0x91: {  	s18 =	sld [smem:$0x3FFB];
	_ =	sdelay $0x3  }
0x92: {  	_ =	strace s18  }
0x93: {  	s3 =	sld [smem:$0x3FFC];
	_ =	sdelay $0x3  }
0x94: {  	_ =	strace s3  }
0x95: {  	s3 =	sld [smem:$0x3FFD];
	_ =	sdelay $0x3  }
0x96: {  	_ =	strace s3  }
0x97: {  	_ =	strace $0x8FFFFFFF  }
0x98: {  	s19 =	sld [smem:$0x3FDB];
	_ =	sdelay $0x1  }
0x99: {  	s4 =	simm.s32 $_scs_section_size  }
0x9a: {  	s5 =	simm.s32 $_size__tile_overlayer_lowered;
	s6 =	simm.s32 $_tile_overlayer_lowered  }
0x9b: {  	s22 =	simm.s32 $0x1BFF;
	s21 =	sshll.u32 s6, $0x1;
	s3 =	sadd.s32 s4, s19  }
0x9c: {  	s7 =	simm.s32 $0x0;
	s20 =	sshll.u32 s5, $0x1;
	s5 =	sadd.s32 s21, s3  }
0x9d: {  	[timem:s7], [sflag:s22] =	dma.local [hbm:s5], s20  }
0x9e: {  	_ =	swait.ge [sflag:s22], s20  }
0x9f: {  	s4 =	ssub.s32 $0x0, s20;
	[sflag:s22] =	ssyncset.done $0x0  }
0xa0: {  	[sflag:s22] =	ssyncadd.s32 s4;
	_ =	sdelay $0x1  }
0xa1: {  	s23 =	simm.s32 $0x1B8B  }
0xa2: {  	_ =	swait.ge [sflag:s23], $0x1  }
0xa3: {  	[sflag:s23] =	ssyncset.done $0x0  }
0xa4: {  	s25 =	simm.s32 $0x1B8E;
	s24 =	sld [smem:$0x3FFE];
	[sflag:s23] =	ssyncadd.s32 $0xFFFFFFFF  }
0xa5: {  	s26 =	simm.s32 $execute0_lowered;
	[smem:$0x3FD2] =	sst s25  }
0xa6: {  	s5 =	sshll.u32 s26, $0x1;
	_ =	strace $0x80000046;
	[dreg:$0x1] =	wrdreg $0xFFFFFFFF  }
0xa7: {  	s28 =	simm.s32 $_size_execute0_lowered;
	s3 =	sadd.s32 s3, s5;
	[dreg:$0x0] =	wrdreg $0x0  }
0xa8: {  	s5 =	sshll.u32 s28, $0x1;
	[dreg:$0x2] =	wrdreg s3  }
0xa9: {  	[dreg:$0x3] =	wrdreg s5  }
0xaa: {  	[dreg:$0x4] =	wrdreg $0xC0  }
0xab: {  	_ =	task [dreg:s7], $0x5FFFF  }
0xac: {  	[dreg:$0x1] =	wrdreg $0xFFFFFFFF  }
0xad: {  	[dreg:$0x0] =	wrdreg $0x60  }
0xae: {  	[dreg:$0x2] =	wrdreg s2  }
0xaf: {  	[dreg:$0x3] =	wrdreg s24  }
0xb0: {  	[dreg:$0x4] =	wrdreg $0x9  }
0xb1: {  	_ =	task.clear_ibuf [dreg:s7], $0x5FFFF;
	_ =	strace $0x90000046  }
0xb2: {  	s29 =	simm.s32 $0x9;
	_ =	strace $0x80000048  }
0xb3: {  	_ =	swait.ge [sflag:s29], $0x1  }
0xb4: {  	[sflag:s29] =	ssyncadd.s32 $0xFFFFFFFF  }
0xb5: {  	_ =	strace $0x90000048  }
0xb6: {  	_ =	sfence  }
0xb7: {  	s30 =	sld [smem:$0x0];
	_ =	sdelay $0x2  }
0xb8: {  	s31 =	sshll.u32 s1, $0xD;
	s1 =	sshrl.u32 s1, $0x2  }
0xb9: {  	s3 =	sand.u32 $0x4000, s31;
	s1 =	sadd.s32 s1, s30  }
0xba: {  	s0 =	sor.u32 s3, s0;
	s1 =	sshll.u32 s1, $0x11  }
0xbb: {  	s0 =	sor.u32 s1, s0  }
0xbc: {  	s0 =	sadd.s32 $0x8F2B, s0  }
0xbd: {  	[sflag:s0] =	ssyncadd.remote.s32 $0x1  }
0xbe: {  	_ =	sfence.sel $0xFFFF  }
0xbf: {  	[dreg:$0x0] =	wrdreg $0xFFFFFFFF;
	(pc) =	sbr.abs _section_cstart, $3  }
0xc0: {  	[dreg:$0x1] =	wrdreg $0xFFFFFFFF  }
0xc1: {  	_ =	task.clear_ibuf [dreg:s7], $0x2FFFF;
	_ =	strace $0x9FFFFFFF  }
0xc2: {  	(tm) =	ssettm $0x7FFFFFFF  }
0xc3: {  	_ =	shalt  }
tec
execute0_lowered:
.L_overlay_start_1:
0x0: {  	(tag) =	ssettag $0x1  }
0x1: {  	s0 =	rddreg [dreg:$0x0]  }
0x2: {  	s1 =	rddreg [dreg:$0x1];
	v0 =	vlaneseq.u32  }
0x3: {  	s3 =	srdreg.scid;
	s4 =	stileid.u32;
	v0 =	vmul.u32 $0x108, v0  }
0x4: {  	s2 =	simm.s32 $0x0;
	s9 =	simm.s32 $0x1;
	s16 =	simm.s32 $0x13C00  }
0x5: {  	vm0 =	vmmov $0xffff;
	s17 =	simm.s32 $0x14000;
	s18 =	simm.s32 $0x14400;
	s19 =	simm.s32 $0x14800;
	v1 =	vadd.s32 $0x1080, v0  }
0x6: {  	s20 =	simm.s32 $0x14C00;
	s21 =	simm.s32 $0x15000;
	s22 =	simm.s32 $0x15400;
	v2 =	vadd.s32 $0x2100, v0;
	v3 =	vadd.s32 $0x3180, v0;
	v4 =	vor.u32 $0x1, v0  }
0x7: {  	s23 =	simm.s32 $0x15800;
	s24 =	simm.s32 $0x15C00;
	s28 =	simm.s32 $0x2;
	v5 =	vadd.s32 $0x1081, v0;
	v6 =	vadd.s32 $0x2101, v0;
	v7 =	vadd.s32 $0x3181, v0  }
0x8: {  	s29 =	simm.s32 $0x1A600;
	s30 =	simm.s32 $0x3;
	s31 =	simm.s32 $0x5;
	v8 =	vor.u32 $0x2, v0;
	v9 =	vadd.s32 $0x1082, v0;
	v10 =	vadd.s32 $0x2102, v0  }
0x9: {  	s3 =	sand.u32 $0x1, s3;
	s4 =	sshll.u32 s4, $0x1;
	[smem:$0x7FF] =	sst s2;
	v11 =	vadd.s32 $0x3182, v0;
	v12 =	vor.u32 $0x3, v0;
	v13 =	vadd.s32 $0x1083, v0  }
0xa: {  	s5 =	sor.u32 s3, s4;
	_ =	strace $0x80000047;
	s6 =	ssub.s32 $0x2, s3;
	v14 =	vadd.s32 $0x2103, v0;
	v15 =	vadd.s32 $0x3183, v0;
	v16 =	vor.u32 $0x4, v0  }
0xb: {  	s3 =	sadd.s32 $0xF42A00, s1;
	s7 =	smul.u32 $0xC80, s5;
	s25 =	sshrl.u32 s6, $0x1;
	v17 =	vadd.s32 $0x1084, v0;
	v18 =	vadd.s32 $0x2104, v0;
	v19 =	vadd.s32 $0x3184, v0  }
0xc: {  	s4 =	sadd.s32 $0x600, s1;
	s5 =	smul.u32 $0x64, s5;
	v20 =	vor.u32 $0x5, v0;
	v21 =	vadd.s32 $0x1085, v0;
	v22 =	vadd.s32 $0x2105, v0;
	s1 =	ssub.s32 s6, s25  }
0xd: {  	v23 =	vadd.s32 $0x3185, v0;
	v24 =	vor.u32 $0x6, v0;
	v25 =	vadd.s32 $0x1086, v0;
	s25 =	simm.s32 $0x16000;
	s0 =	sadd.s32 s0, s7;
	s26 =	smax.u32 s1, $0x1  }
0xe: {  	v26 =	vadd.s32 $0x2106, v0;
	v27 =	vadd.s32 $0x3186, v0;
	v28 =	vor.u32 $0x7, v0;
	s1 =	simm.s32 $0x6;
	s7 =	simm.s32 $0x0;
	[dreg:$0x3] =	wrdreg s0  }
0xf: {  	v29 =	vadd.s32 $0x1087, v0;
	v30 =	vadd.s32 $0x2107, v0;
	v31 =	vadd.s32 $0x3187, v0;
	[dreg:$0x4] =	wrdreg s26;
	s26 =	simm.s32 $0x16400;
	s0 =	simm.s32 $0x4  }
.LBB2_1:
0x10: {  	[dreg:$0x5] =	wrdreg s7  }
0x11: {  	s6 =	rddreg [dreg:$0x3];
	s15 =	simm.s32 $0x7  }
0x12: {  	[tilespmem:s2], [sflag:$0x7] =	stream.linear.gather [hbm4b:s6+s2], $0x6400, $0x38;
	[tilespmem:$0x1E800] =	vst v63  }
0x13: {  	_ =	swait.ge [sflag:s15], $0x6400  }
0x14: {  	[sflag:s15] =	ssyncset.done $0x0  }
0x15: {  	[sflag:s15] =	ssyncadd.s32 $0xFFFF9C00  }
0x16: {  	v32 =	vld [tilespmem:$0x0];
	_ =	sdelay $0x6  }
0x17: {  	s7 =	simm.s32 $0x6400  }
0x18: {  	[tilespmem:s7], [sflag:$0x1] =	stream.indirect_vreg.gather [hbm4b:s3+s2], $0x40, v32, vm0, $0xb8;
	[tilespmem:$0x1E800] =	vst v63  }
0x19: {  	v32 =	vld [tilespmem:$0x10];
	_ =	sdelay $0x6  }
0x1a: {  	s8 =	simm.s32 $0x6800  }
0x1b: {  	[tilespmem:s8], [sflag:$0x1] =	stream.indirect_vreg.gather [hbm4b:s3+s2], $0x40, v32, vm0, $0xb8;
	[tilespmem:$0x1E800] =	vst v63  }
0x1c: {  	v32 =	vld [tilespmem:$0x20];
	_ =	sdelay $0x6  }
0x1d: {  	s10 =	simm.s32 $0x6C00  }
0x1e: {  	[tilespmem:s10], [sflag:$0x1] =	stream.indirect_vreg.gather [hbm4b:s3+s2], $0x40, v32, vm0, $0xb8;
	[tilespmem:$0x1E800] =	vst v63  }
0x1f: {  	v32 =	vld [tilespmem:$0x30];
	_ =	sdelay $0x6  }
0x20: {  	s11 =	simm.s32 $0x7000  }
0x21: {  	[tilespmem:s11], [sflag:$0x1] =	stream.indirect_vreg.gather [hbm4b:s3+s2], $0x40, v32, vm0, $0xb8;
	[tilespmem:$0x1E800] =	vst v63  }
0x22: {  	v32 =	vld [tilespmem:$0x40];
	_ =	sdelay $0x6  }
0x23: {  	s12 =	simm.s32 $0x7400  }
0x24: {  	[tilespmem:s12], [sflag:$0x1] =	stream.indirect_vreg.gather [hbm4b:s3+s2], $0x40, v32, vm0, $0xb8;
	[tilespmem:$0x1E800] =	vst v63  }
0x25: {  	v32 =	vld [tilespmem:$0x50];
	_ =	sdelay $0x6  }
0x26: {  	s13 =	simm.s32 $0x7800  }
0x27: {  	[tilespmem:s13], [sflag:$0x1] =	stream.indirect_vreg.gather [hbm4b:s3+s2], $0x40, v32, vm0, $0xb8;
	[tilespmem:$0x1E800] =	vst v63  }
0x28: {  	v32 =	vld [tilespmem:$0x60];
	_ =	sdelay $0x6  }
0x29: {  	s14 =	simm.s32 $0x7C00  }
0x2a: {  	[tilespmem:s14], [sflag:$0x1] =	stream.indirect_vreg.gather [hbm4b:s3+s2], $0x40, v32, vm0, $0xb8;
	[tilespmem:$0x1E800] =	vst v63  }
0x2b: {  	v32 =	vld [tilespmem:$0x70];
	_ =	sdelay $0x6  }
0x2c: {  	s15 =	simm.s32 $0x8000  }
0x2d: {  	[tilespmem:s15], [sflag:$0x1] =	stream.indirect_vreg.gather [hbm4b:s3+s2], $0x40, v32, vm0, $0xb8;
	[tilespmem:$0x1E800] =	vst v63  }
0x2e: {  	v32 =	vld [tilespmem:$0x80];
	_ =	sdelay $0x6  }
0x2f: {  	s7 =	simm.s32 $0x8400  }
0x30: {  	[tilespmem:s7], [sflag:$0x1] =	stream.indirect_vreg.gather [hbm4b:s3+s2], $0x40, v32, vm0, $0xb8;
	[tilespmem:$0x1E800] =	vst v63  }
0x31: {  	v32 =	vld [tilespmem:$0x90];
	_ =	sdelay $0x6  }
0x32: {  	s8 =	simm.s32 $0x8800  }
0x33: {  	[tilespmem:s8], [sflag:$0x1] =	stream.indirect_vreg.gather [hbm4b:s3+s2], $0x40, v32, vm0, $0xb8;
	[tilespmem:$0x1E800] =	vst v63  }
0x34: {  	v32 =	vld [tilespmem:$0xA0];
	_ =	sdelay $0x6  }
0x35: {  	s10 =	simm.s32 $0x8C00  }
0x36: {  	[tilespmem:s10], [sflag:$0x1] =	stream.indirect_vreg.gather [hbm4b:s3+s2], $0x40, v32, vm0, $0xb8;
	[tilespmem:$0x1E800] =	vst v63  }
0x37: {  	v32 =	vld [tilespmem:$0xB0];
	_ =	sdelay $0x6  }
0x38: {  	s11 =	simm.s32 $0x9000  }
0x39: {  	[tilespmem:s11], [sflag:$0x1] =	stream.indirect_vreg.gather [hbm4b:s3+s2], $0x40, v32, vm0, $0xb8;
	[tilespmem:$0x1E800] =	vst v63  }
0x3a: {  	v32 =	vld [tilespmem:$0xC0];
	_ =	sdelay $0x6  }
0x3b: {  	s12 =	simm.s32 $0x9400  }
0x3c: {  	[tilespmem:s12], [sflag:$0x1] =	stream.indirect_vreg.gather [hbm4b:s3+s2], $0x40, v32, vm0, $0xb8;
	[tilespmem:$0x1E800] =	vst v63  }
0x3d: {  	v32 =	vld [tilespmem:$0xD0];
	_ =	sdelay $0x6  }
0x3e: {  	s13 =	simm.s32 $0x9800  }
0x3f: {  	[tilespmem:s13], [sflag:$0x1] =	stream.indirect_vreg.gather [hbm4b:s3+s2], $0x40, v32, vm0, $0xb8;
	[tilespmem:$0x1E800] =	vst v63  }
0x40: {  	v32 =	vld [tilespmem:$0xE0];
	_ =	sdelay $0x6  }
0x41: {  	s14 =	simm.s32 $0x9C00  }
0x42: {  	[tilespmem:s14], [sflag:$0x1] =	stream.indirect_vreg.gather [hbm4b:s3+s2], $0x40, v32, vm0, $0xb8;
	[tilespmem:$0x1E800] =	vst v63  }
0x43: {  	v32 =	vld [tilespmem:$0xF0];
	_ =	sdelay $0x6  }
0x44: {  	s15 =	simm.s32 $0xA000  }
0x45: {  	[tilespmem:s15], [sflag:$0x1] =	stream.indirect_vreg.gather [hbm4b:s3+s2], $0x40, v32, vm0, $0xb8;
	[tilespmem:$0x1E800] =	vst v63  }
0x46: {  	v32 =	vld [tilespmem:$0x100];
	_ =	sdelay $0x6  }
0x47: {  	s7 =	simm.s32 $0xA400  }
0x48: {  	[tilespmem:s7], [sflag:$0x2] =	stream.indirect_vreg.gather [hbm4b:s3+s2], $0x40, v32, vm0, $0xb8;
	[tilespmem:$0x1E800] =	vst v63  }
0x49: {  	v32 =	vld [tilespmem:$0x110];
	_ =	sdelay $0x6  }
0x4a: {  	s8 =	simm.s32 $0xA800  }
0x4b: {  	[tilespmem:s8], [sflag:$0x2] =	stream.indirect_vreg.gather [hbm4b:s3+s2], $0x40, v32, vm0, $0xb8;
	[tilespmem:$0x1E800] =	vst v63  }
0x4c: {  	v32 =	vld [tilespmem:$0x120];
	_ =	sdelay $0x6  }
0x4d: {  	s10 =	simm.s32 $0xAC00  }
0x4e: {  	[tilespmem:s10], [sflag:$0x2] =	stream.indirect_vreg.gather [hbm4b:s3+s2], $0x40, v32, vm0, $0xb8;
	[tilespmem:$0x1E800] =	vst v63  }
0x4f: {  	v32 =	vld [tilespmem:$0x130];
	_ =	sdelay $0x6  }
0x50: {  	s11 =	simm.s32 $0xB000  }
0x51: {  	[tilespmem:s11], [sflag:$0x2] =	stream.indirect_vreg.gather [hbm4b:s3+s2], $0x40, v32, vm0, $0xb8;
	[tilespmem:$0x1E800] =	vst v63  }
0x52: {  	v32 =	vld [tilespmem:$0x140];
	_ =	sdelay $0x6  }
0x53: {  	s12 =	simm.s32 $0xB400  }
0x54: {  	[tilespmem:s12], [sflag:$0x2] =	stream.indirect_vreg.gather [hbm4b:s3+s2], $0x40, v32, vm0, $0xb8;
	[tilespmem:$0x1E800] =	vst v63  }
0x55: {  	v32 =	vld [tilespmem:$0x150];
	_ =	sdelay $0x6  }
0x56: {  	s13 =	simm.s32 $0xB800  }
0x57: {  	[tilespmem:s13], [sflag:$0x2] =	stream.indirect_vreg.gather [hbm4b:s3+s2], $0x40, v32, vm0, $0xb8;
	[tilespmem:$0x1E800] =	vst v63  }
0x58: {  	v32 =	vld [tilespmem:$0x160];
	_ =	sdelay $0x6  }
0x59: {  	s14 =	simm.s32 $0xBC00  }
0x5a: {  	[tilespmem:s14], [sflag:$0x2] =	stream.indirect_vreg.gather [hbm4b:s3+s2], $0x40, v32, vm0, $0xb8;
	[tilespmem:$0x1E800] =	vst v63  }
0x5b: {  	v32 =	vld [tilespmem:$0x170];
	_ =	sdelay $0x6  }
0x5c: {  	s15 =	simm.s32 $0xC000  }
0x5d: {  	[tilespmem:s15], [sflag:$0x2] =	stream.indirect_vreg.gather [hbm4b:s3+s2], $0x40, v32, vm0, $0xb8;
	[tilespmem:$0x1E800] =	vst v63  }
0x5e: {  	v32 =	vld [tilespmem:$0x180];
	_ =	sdelay $0x6  }
0x5f: {  	s7 =	simm.s32 $0xC400  }
0x60: {  	[tilespmem:s7], [sflag:$0x2] =	stream.indirect_vreg.gather [hbm4b:s3+s2], $0x40, v32, vm0, $0xb8;
	[tilespmem:$0x1E800] =	vst v63  }
0x61: {  	v32 =	vld [tilespmem:$0x190];
	_ =	sdelay $0x6  }
0x62: {  	s8 =	simm.s32 $0xC800  }
0x63: {  	[tilespmem:s8], [sflag:$0x2] =	stream.indirect_vreg.gather [hbm4b:s3+s2], $0x40, v32, vm0, $0xb8;
	[tilespmem:$0x1E800] =	vst v63  }
0x64: {  	v32 =	vld [tilespmem:$0x1A0];
	_ =	sdelay $0x6  }
0x65: {  	s10 =	simm.s32 $0xCC00  }
0x66: {  	[tilespmem:s10], [sflag:$0x2] =	stream.indirect_vreg.gather [hbm4b:s3+s2], $0x40, v32, vm0, $0xb8;
	[tilespmem:$0x1E800] =	vst v63  }
0x67: {  	v32 =	vld [tilespmem:$0x1B0];
	_ =	sdelay $0x6  }
0x68: {  	s11 =	simm.s32 $0xD000  }
0x69: {  	[tilespmem:s11], [sflag:$0x2] =	stream.indirect_vreg.gather [hbm4b:s3+s2], $0x40, v32, vm0, $0xb8;
	[tilespmem:$0x1E800] =	vst v63  }
0x6a: {  	v32 =	vld [tilespmem:$0x1C0];
	_ =	sdelay $0x6  }
0x6b: {  	s12 =	simm.s32 $0xD400  }
0x6c: {  	[tilespmem:s12], [sflag:$0x2] =	stream.indirect_vreg.gather [hbm4b:s3+s2], $0x40, v32, vm0, $0xb8;
	[tilespmem:$0x1E800] =	vst v63  }
0x6d: {  	v32 =	vld [tilespmem:$0x1D0];
	_ =	sdelay $0x6  }
0x6e: {  	s13 =	simm.s32 $0xD800  }
0x6f: {  	[tilespmem:s13], [sflag:$0x2] =	stream.indirect_vreg.gather [hbm4b:s3+s2], $0x40, v32, vm0, $0xb8;
	[tilespmem:$0x1E800] =	vst v63  }
0x70: {  	v32 =	vld [tilespmem:$0x1E0];
	_ =	sdelay $0x6  }
0x71: {  	s14 =	simm.s32 $0xDC00  }
0x72: {  	[tilespmem:s14], [sflag:$0x2] =	stream.indirect_vreg.gather [hbm4b:s3+s2], $0x40, v32, vm0, $0xb8;
	[tilespmem:$0x1E800] =	vst v63  }
0x73: {  	v32 =	vld [tilespmem:$0x1F0];
	_ =	sdelay $0x6  }
0x74: {  	s15 =	simm.s32 $0xE000  }
0x75: {  	[tilespmem:s15], [sflag:$0x2] =	stream.indirect_vreg.gather [hbm4b:s3+s2], $0x40, v32, vm0, $0xb8;
	[tilespmem:$0x1E800] =	vst v63  }
0x76: {  	v32 =	vld [tilespmem:$0x200];
	_ =	sdelay $0x6  }
0x77: {  	s7 =	simm.s32 $0xE400  }
0x78: {  	[tilespmem:s7], [sflag:$0x3] =	stream.indirect_vreg.gather [hbm4b:s3+s2], $0x40, v32, vm0, $0xb8;
	[tilespmem:$0x1E800] =	vst v63  }
0x79: {  	v32 =	vld [tilespmem:$0x210];
	_ =	sdelay $0x6  }
0x7a: {  	s8 =	simm.s32 $0xE800  }
0x7b: {  	[tilespmem:s8], [sflag:$0x3] =	stream.indirect_vreg.gather [hbm4b:s3+s2], $0x40, v32, vm0, $0xb8;
	[tilespmem:$0x1E800] =	vst v63  }
0x7c: {  	v32 =	vld [tilespmem:$0x220];
	_ =	sdelay $0x6  }
0x7d: {  	s10 =	simm.s32 $0xEC00  }
0x7e: {  	[tilespmem:s10], [sflag:$0x3] =	stream.indirect_vreg.gather [hbm4b:s3+s2], $0x40, v32, vm0, $0xb8;
	[tilespmem:$0x1E800] =	vst v63  }
0x7f: {  	v32 =	vld [tilespmem:$0x230];
	_ =	sdelay $0x6  }
0x80: {  	s11 =	simm.s32 $0xF000  }
0x81: {  	[tilespmem:s11], [sflag:$0x3] =	stream.indirect_vreg.gather [hbm4b:s3+s2], $0x40, v32, vm0, $0xb8;
	[tilespmem:$0x1E800] =	vst v63  }
0x82: {  	v32 =	vld [tilespmem:$0x240];
	_ =	sdelay $0x6  }
0x83: {  	s12 =	simm.s32 $0xF400  }
0x84: {  	[tilespmem:s12], [sflag:$0x3] =	stream.indirect_vreg.gather [hbm4b:s3+s2], $0x40, v32, vm0, $0xb8;
	[tilespmem:$0x1E800] =	vst v63  }
0x85: {  	v32 =	vld [tilespmem:$0x250];
	_ =	sdelay $0x6  }
0x86: {  	s13 =	simm.s32 $0xF800  }
0x87: {  	[tilespmem:s13], [sflag:$0x3] =	stream.indirect_vreg.gather [hbm4b:s3+s2], $0x40, v32, vm0, $0xb8;
	[tilespmem:$0x1E800] =	vst v63  }
0x88: {  	v32 =	vld [tilespmem:$0x260];
	_ =	sdelay $0x6  }
0x89: {  	s14 =	simm.s32 $0xFC00  }
0x8a: {  	[tilespmem:s14], [sflag:$0x3] =	stream.indirect_vreg.gather [hbm4b:s3+s2], $0x40, v32, vm0, $0xb8;
	[tilespmem:$0x1E800] =	vst v63  }
0x8b: {  	v32 =	vld [tilespmem:$0x270];
	_ =	sdelay $0x6  }
0x8c: {  	s15 =	simm.s32 $0x10000  }
0x8d: {  	[tilespmem:s15], [sflag:$0x3] =	stream.indirect_vreg.gather [hbm4b:s3+s2], $0x40, v32, vm0, $0xb8;
	[tilespmem:$0x1E800] =	vst v63  }
0x8e: {  	v32 =	vld [tilespmem:$0x280];
	_ =	sdelay $0x6  }
0x8f: {  	s7 =	simm.s32 $0x10400  }
0x90: {  	[tilespmem:s7], [sflag:$0x3] =	stream.indirect_vreg.gather [hbm4b:s3+s2], $0x40, v32, vm0, $0xb8;
	[tilespmem:$0x1E800] =	vst v63  }
0x91: {  	v32 =	vld [tilespmem:$0x290];
	_ =	sdelay $0x6  }
0x92: {  	s8 =	simm.s32 $0x10800  }
0x93: {  	[tilespmem:s8], [sflag:$0x3] =	stream.indirect_vreg.gather [hbm4b:s3+s2], $0x40, v32, vm0, $0xb8;
	[tilespmem:$0x1E800] =	vst v63  }
0x94: {  	v32 =	vld [tilespmem:$0x2A0];
	_ =	sdelay $0x6  }
0x95: {  	s10 =	simm.s32 $0x10C00  }
0x96: {  	[tilespmem:s10], [sflag:$0x3] =	stream.indirect_vreg.gather [hbm4b:s3+s2], $0x40, v32, vm0, $0xb8;
	[tilespmem:$0x1E800] =	vst v63  }
0x97: {  	v32 =	vld [tilespmem:$0x2B0];
	_ =	sdelay $0x6  }
0x98: {  	s11 =	simm.s32 $0x11000  }
0x99: {  	[tilespmem:s11], [sflag:$0x3] =	stream.indirect_vreg.gather [hbm4b:s3+s2], $0x40, v32, vm0, $0xb8;
	[tilespmem:$0x1E800] =	vst v63  }
0x9a: {  	v32 =	vld [tilespmem:$0x2C0];
	_ =	sdelay $0x6  }
0x9b: {  	s12 =	simm.s32 $0x11400  }
0x9c: {  	[tilespmem:s12], [sflag:$0x3] =	stream.indirect_vreg.gather [hbm4b:s3+s2], $0x40, v32, vm0, $0xb8;
	[tilespmem:$0x1E800] =	vst v63  }
0x9d: {  	v32 =	vld [tilespmem:$0x2D0];
	_ =	sdelay $0x6  }
0x9e: {  	s13 =	simm.s32 $0x11800  }
0x9f: {  	[tilespmem:s13], [sflag:$0x3] =	stream.indirect_vreg.gather [hbm4b:s3+s2], $0x40, v32, vm0, $0xb8;
	[tilespmem:$0x1E800] =	vst v63  }
0xa0: {  	v32 =	vld [tilespmem:$0x2E0];
	_ =	sdelay $0x6  }
0xa1: {  	s14 =	simm.s32 $0x11C00  }
0xa2: {  	[tilespmem:s14], [sflag:$0x3] =	stream.indirect_vreg.gather [hbm4b:s3+s2], $0x40, v32, vm0, $0xb8;
	[tilespmem:$0x1E800] =	vst v63  }
0xa3: {  	v32 =	vld [tilespmem:$0x2F0];
	_ =	sdelay $0x6  }
0xa4: {  	s15 =	simm.s32 $0x12000;
	s7 =	simm.s32 $0x0  }
0xa5: {  	[tilespmem:s15], [sflag:$0x3] =	stream.indirect_vreg.gather [hbm4b:s3+s2], $0x40, v32, vm0, $0xb8;
	[tilespmem:$0x1E800] =	vst v63  }
.LBB2_2:
0xa6: {  	_ =	swait.ge [sflag:s9], $0x400  }
0xa7: {  	[sflag:s9] =	ssyncset.done $0x0  }
0xa8: {  	[sflag:s9] =	ssyncadd.s32 $0xFFFFFC00  }
0xa9: {  	_ =	swait.ge [sflag:s9], $0x400  }
0xaa: {  	[sflag:s9] =	ssyncset.done $0x0  }
0xab: {  	[sflag:s9] =	ssyncadd.s32 $0xFFFFFC00  }
0xac: {  	_ =	swait.ge [sflag:s9], $0x400  }
0xad: {  	[sflag:s9] =	ssyncset.done $0x0  }
0xae: {  	[sflag:s9] =	ssyncadd.s32 $0xFFFFFC00  }
0xaf: {  	_ =	swait.ge [sflag:s9], $0x400  }
0xb0: {  	[sflag:s9] =	ssyncset.done $0x0  }
0xb1: {  	[sflag:s9] =	ssyncadd.s32 $0xFFFFFC00  }
0xb2: {  	_ =	swait.ge [sflag:s9], $0x400  }
0xb3: {  	[sflag:s9] =	ssyncset.done $0x0  }
0xb4: {  	[sflag:s9] =	ssyncadd.s32 $0xFFFFFC00  }
0xb5: {  	_ =	swait.ge [sflag:s9], $0x400  }
0xb6: {  	[sflag:s9] =	ssyncset.done $0x0  }
0xb7: {  	[sflag:s9] =	ssyncadd.s32 $0xFFFFFC00  }
0xb8: {  	_ =	swait.ge [sflag:s9], $0x400  }
0xb9: {  	[sflag:s9] =	ssyncset.done $0x0  }
0xba: {  	[sflag:s9] =	ssyncadd.s32 $0xFFFFFC00  }
0xbb: {  	_ =	swait.ge [sflag:s9], $0x400  }
0xbc: {  	[sflag:s9] =	ssyncset.done $0x0  }
0xbd: {  	[sflag:s9] =	ssyncadd.s32 $0xFFFFFC00  }
0xbe: {  	_ =	swait.ge [sflag:s9], $0x400  }
0xbf: {  	[sflag:s9] =	ssyncset.done $0x0  }
0xc0: {  	[sflag:s9] =	ssyncadd.s32 $0xFFFFFC00  }
0xc1: {  	_ =	swait.ge [sflag:s9], $0x400  }
0xc2: {  	[sflag:s9] =	ssyncset.done $0x0  }
0xc3: {  	[sflag:s9] =	ssyncadd.s32 $0xFFFFFC00  }
0xc4: {  	_ =	swait.ge [sflag:s9], $0x400  }
0xc5: {  	[sflag:s9] =	ssyncset.done $0x0  }
0xc6: {  	[sflag:s9] =	ssyncadd.s32 $0xFFFFFC00  }
0xc7: {  	_ =	swait.ge [sflag:s9], $0x400  }
0xc8: {  	[sflag:s9] =	ssyncset.done $0x0  }
0xc9: {  	[sflag:s9] =	ssyncadd.s32 $0xFFFFFC00  }
0xca: {  	_ =	swait.ge [sflag:s9], $0x400  }
0xcb: {  	[sflag:s9] =	ssyncset.done $0x0  }
0xcc: {  	[sflag:s9] =	ssyncadd.s32 $0xFFFFFC00  }
0xcd: {  	_ =	swait.ge [sflag:s9], $0x400  }
0xce: {  	[sflag:s9] =	ssyncset.done $0x0  }
0xcf: {  	[sflag:s9] =	ssyncadd.s32 $0xFFFFFC00  }
0xd0: {  	_ =	swait.ge [sflag:s9], $0x400  }
0xd1: {  	[sflag:s9] =	ssyncset.done $0x0  }
0xd2: {  	[sflag:s9] =	ssyncadd.s32 $0xFFFFFC00  }
0xd3: {  	s8 =	sshllo.u32 s7, $0x2;
	_ =	swait.ge [sflag:s9], $0x400  }
0xd4: {  	s6 =	sshll.u32 s8, $0x8;
	[sflag:s9] =	ssyncset.done $0x0  }
0xd5: {  	s6 =	sand.u32 $0x3FFFFF00, s6;
	[sflag:s9] =	ssyncadd.s32 $0xFFFFFC00  }
0xd6: {  	v32 =	vld [tilespmem:s6+$0x0];
	_ =	sdelay $0x6  }
0xd7: {  	s10 =	simm.s32 $0x12400  }
0xd8: {  	[tilespmem:s10], [sflag:$0x4] =	stream.indirect_vreg.gather [hbm4b:s3+s2], $0x40, v32, vm0, $0xb8;
	[tilespmem:$0x1E800] =	vst v63  }
0xd9: {  	v32 =	vld [tilespmem:s6+$0x10];
	_ =	sdelay $0x6  }
0xda: {  	s11 =	simm.s32 $0x12800  }
0xdb: {  	[tilespmem:s11], [sflag:$0x4] =	stream.indirect_vreg.gather [hbm4b:s3+s2], $0x40, v32, vm0, $0xb8;
	[tilespmem:$0x1E800] =	vst v63  }
0xdc: {  	v32 =	vld [tilespmem:s6+$0x20];
	_ =	sdelay $0x6  }
0xdd: {  	s12 =	simm.s32 $0x12C00  }
0xde: {  	[tilespmem:s12], [sflag:$0x4] =	stream.indirect_vreg.gather [hbm4b:s3+s2], $0x40, v32, vm0, $0xb8;
	[tilespmem:$0x1E800] =	vst v63  }
0xdf: {  	v32 =	vld [tilespmem:s6+$0x30];
	_ =	sdelay $0x6  }
0xe0: {  	s13 =	simm.s32 $0x13000  }
0xe1: {  	[tilespmem:s13], [sflag:$0x4] =	stream.indirect_vreg.gather [hbm4b:s3+s2], $0x40, v32, vm0, $0xb8;
	[tilespmem:$0x1E800] =	vst v63  }
0xe2: {  	v32 =	vld [tilespmem:s6+$0x40];
	_ =	sdelay $0x6  }
0xe3: {  	s14 =	simm.s32 $0x13400  }
0xe4: {  	[tilespmem:s14], [sflag:$0x4] =	stream.indirect_vreg.gather [hbm4b:s3+s2], $0x40, v32, vm0, $0xb8;
	[tilespmem:$0x1E800] =	vst v63  }
0xe5: {  	v32 =	vld [tilespmem:s6+$0x50];
	_ =	sdelay $0x6  }
0xe6: {  	s15 =	simm.s32 $0x13800  }
0xe7: {  	[tilespmem:s15], [sflag:$0x4] =	stream.indirect_vreg.gather [hbm4b:s3+s2], $0x40, v32, vm0, $0xb8;
	[tilespmem:$0x1E800] =	vst v63  }
0xe8: {  	v32 =	vld [tilespmem:s6+$0x60];
	_ =	sdelay $0x7  }
0xe9: {  	[tilespmem:s16], [sflag:$0x4] =	stream.indirect_vreg.gather [hbm4b:s3+s2], $0x40, v32, vm0, $0xb8;
	[tilespmem:$0x1E800] =	vst v63  }
0xea: {  	v32 =	vld [tilespmem:s6+$0x70];
	_ =	sdelay $0x7  }
0xeb: {  	[tilespmem:s17], [sflag:$0x4] =	stream.indirect_vreg.gather [hbm4b:s3+s2], $0x40, v32, vm0, $0xb8;
	[tilespmem:$0x1E800] =	vst v63  }
0xec: {  	v32 =	vld [tilespmem:s6+$0x80];
	_ =	sdelay $0x7  }
0xed: {  	[tilespmem:s18], [sflag:$0x4] =	stream.indirect_vreg.gather [hbm4b:s3+s2], $0x40, v32, vm0, $0xb8;
	[tilespmem:$0x1E800] =	vst v63  }
0xee: {  	v32 =	vld [tilespmem:s6+$0x90];
	_ =	sdelay $0x7  }
0xef: {  	[tilespmem:s19], [sflag:$0x4] =	stream.indirect_vreg.gather [hbm4b:s3+s2], $0x40, v32, vm0, $0xb8;
	[tilespmem:$0x1E800] =	vst v63  }
0xf0: {  	v32 =	vld [tilespmem:s6+$0xA0];
	_ =	sdelay $0x7  }
0xf1: {  	[tilespmem:s20], [sflag:$0x4] =	stream.indirect_vreg.gather [hbm4b:s3+s2], $0x40, v32, vm0, $0xb8;
	[tilespmem:$0x1E800] =	vst v63  }
0xf2: {  	v32 =	vld [tilespmem:s6+$0xB0];
	_ =	sdelay $0x7  }
0xf3: {  	[tilespmem:s21], [sflag:$0x4] =	stream.indirect_vreg.gather [hbm4b:s3+s2], $0x40, v32, vm0, $0xb8;
	[tilespmem:$0x1E800] =	vst v63  }
0xf4: {  	v32 =	vld [tilespmem:s6+$0xC0];
	_ =	sdelay $0x7  }
0xf5: {  	[tilespmem:s22], [sflag:$0x4] =	stream.indirect_vreg.gather [hbm4b:s3+s2], $0x40, v32, vm0, $0xb8;
	[tilespmem:$0x1E800] =	vst v63  }
0xf6: {  	v32 =	vld [tilespmem:s6+$0xD0];
	_ =	sdelay $0x7  }
0xf7: {  	[tilespmem:s23], [sflag:$0x4] =	stream.indirect_vreg.gather [hbm4b:s3+s2], $0x40, v32, vm0, $0xb8;
	[tilespmem:$0x1E800] =	vst v63  }
0xf8: {  	v32 =	vld [tilespmem:s6+$0xE0];
	_ =	sdelay $0x7  }
0xf9: {  	[tilespmem:s24], [sflag:$0x4] =	stream.indirect_vreg.gather [hbm4b:s3+s2], $0x40, v32, vm0, $0xb8;
	[tilespmem:$0x1E800] =	vst v63  }
0xfa: {  	v32 =	vld [tilespmem:s6+$0xF0];
	_ =	sdelay $0x5  }
0xfb: {  	p0 =	seq.s32 s7, $0x0  }
0xfc: {  	s6 =	simm.s32 @!p0 $0x5  }
0xfd: {  	[tilespmem:s25], [sflag:$0x4] =	stream.indirect_vreg.gather [hbm4b:s3+s2], $0x40, v32, vm0, $0xb8;
	[tilespmem:$0x1E800] =	vst v63  }
0xfe: {  	_ =	swait.ge @!p0 [sflag:s6], $0x4000  }
0xff: {  	[sflag:s6] =	ssyncset.done @!p0 $0x0  }
0x100: {  	[sflag:s6] =	ssyncadd.s32 @!p0 $0xFFFFC000  }
0x101: {  	v34 =	vld [tilespmem:$0x6400]  }
0x102: {  	v33 =	vld [tilespmem:$0x6410]  }
0x103: {  	v35 =	vld [tilespmem:$0x6420]  }
0x104: {  	s10 =	sshll.u32 s7, $0x2;
	s11 =	simm.s32 $0x8;
	v32 =	vimm.s32 $0x0;
	s6 =	simm.s32 $0x6500;
	v36 =	vld [tilespmem:$0x6430]  }
.LBB2_3:
0x105: {  	v37 =	vadd.s32 v0, v32  }
0x106: {  	v39 =	vadd.s32 v1, v32  }
0x107: {  	v38 =	vld [tilespmem:s6+$0xFFFFFF40];
	v41 =	vadd.s32 v2, v32  }
0x108: {  	v40 =	vld [tilespmem:s6+$0xFFFFFF50];
	v43 =	vadd.s32 v3, v32;
	v34 =	vmul.f32 $8.000000000e+00, v34  }
0x109: {  	v42 =	vld [tilespmem:s6+$0xFFFFFF60];
	v33 =	vmul.f32 $8.000000000e+00, v33  }
0x10a: {  	v44 =	vld [tilespmem:s6+$0xFFFFFF70];
	v59 =	vmul.f32 $8.000000000e+00, v35;
	[tilespmem:v37+s26+$0x0] =	vst.idx.msk $0xffff, v34  }
0x10b: {  	v60 =	vmul.f32 $8.000000000e+00, v36;
	[tilespmem:v39+s26+$0x0] =	vst.idx.msk $0xffff, v33  }
0x10c: {  	v61 =	vadd.s32 v4, v32;
	[tilespmem:v41+s26+$0x0] =	vst.idx.msk $0xffff, v59  }
0x10d: {  	v62 =	vadd.s32 v5, v32;
	[tilespmem:v43+s26+$0x0] =	vst.idx.msk $0xffff, v60  }
0x10e: {  	v48 =	vadd.s32 v6, v32;
	v34 =	vld [tilespmem:s6+$0xFFFFFF80]  }
0x10f: {  	v49 =	vadd.s32 v7, v32;
	v38 =	vmul.f32 $8.000000000e+00, v38;
	v63 =	vld [tilespmem:s6+$0xFFFFFF90]  }
0x110: {  	v40 =	vmul.f32 $8.000000000e+00, v40;
	v39 =	vld [tilespmem:s6+$0xFFFFFFA0]  }
0x111: {  	v50 =	vmul.f32 $8.000000000e+00, v42;
	v43 =	vld [tilespmem:s6+$0xFFFFFFB0];
	[tilespmem:v61+s26+$0x0] =	vst.idx.msk $0xffff, v38  }
0x112: {  	v51 =	vmul.f32 $8.000000000e+00, v44;
	[tilespmem:v62+s26+$0x0] =	vst.idx.msk $0xffff, v40  }
0x113: {  	v52 =	vadd.s32 v8, v32;
	[tilespmem:v48+s26+$0x0] =	vst.idx.msk $0xffff, v50  }
0x114: {  	v53 =	vadd.s32 v9, v32;
	[tilespmem:v49+s26+$0x0] =	vst.idx.msk $0xffff, v51  }
0x115: {  	v54 =	vadd.s32 v10, v32;
	v35 =	vld [tilespmem:s6+$0xFFFFFFC0]  }
0x116: {  	v55 =	vadd.s32 v11, v32;
	v38 =	vld [tilespmem:s6+$0xFFFFFFD0];
	v34 =	vmul.f32 $8.000000000e+00, v34  }
0x117: {  	v41 =	vld [tilespmem:s6+$0xFFFFFFE0];
	v36 =	vmul.f32 $8.000000000e+00, v63  }
0x118: {  	v56 =	vld [tilespmem:s6+$0xFFFFFFF0];
	v57 =	vmul.f32 $8.000000000e+00, v39;
	[tilespmem:v52+s26+$0x0] =	vst.idx.msk $0xffff, v34  }
0x119: {  	v58 =	vmul.f32 $8.000000000e+00, v43;
	[tilespmem:v53+s26+$0x0] =	vst.idx.msk $0xffff, v36  }
0x11a: {  	v59 =	vadd.s32 v12, v32;
	[tilespmem:v54+s26+$0x0] =	vst.idx.msk $0xffff, v57  }
0x11b: {  	v60 =	vadd.s32 v13, v32;
	[tilespmem:v55+s26+$0x0] =	vst.idx.msk $0xffff, v58  }
0x11c: {  	v61 =	vadd.s32 v14, v32;
	v34 =	vld [tilespmem:s6+$0x0]  }
0x11d: {  	v62 =	vadd.s32 v15, v32;
	v35 =	vmul.f32 $8.000000000e+00, v35;
	v37 =	vld [tilespmem:s6+$0x10]  }
0x11e: {  	v38 =	vmul.f32 $8.000000000e+00, v38;
	v40 =	vld [tilespmem:s6+$0x20]  }
0x11f: {  	v48 =	vmul.f32 $8.000000000e+00, v41;
	v63 =	vld [tilespmem:s6+$0x30];
	[tilespmem:v59+s26+$0x0] =	vst.idx.msk $0xffff, v35  }
0x120: {  	v49 =	vmul.f32 $8.000000000e+00, v56;
	[tilespmem:v60+s26+$0x0] =	vst.idx.msk $0xffff, v38  }
0x121: {  	v50 =	vadd.s32 v16, v32;
	[tilespmem:v61+s26+$0x0] =	vst.idx.msk $0xffff, v48  }
0x122: {  	v51 =	vadd.s32 v17, v32;
	[tilespmem:v62+s26+$0x0] =	vst.idx.msk $0xffff, v49  }
0x123: {  	v52 =	vadd.s32 v18, v32;
	v35 =	vld [tilespmem:s6+$0x40]  }
0x124: {  	v54 =	vadd.s32 v19, v32;
	v38 =	vld [tilespmem:s6+$0x50];
	v34 =	vmul.f32 $8.000000000e+00, v34  }
0x125: {  	v53 =	vld [tilespmem:s6+$0x60];
	v37 =	vmul.f32 $8.000000000e+00, v37  }
0x126: {  	v55 =	vld [tilespmem:s6+$0x70];
	v56 =	vmul.f32 $8.000000000e+00, v40;
	[tilespmem:v50+s26+$0x0] =	vst.idx.msk $0xffff, v34  }
0x127: {  	v57 =	vmul.f32 $8.000000000e+00, v63;
	[tilespmem:v51+s26+$0x0] =	vst.idx.msk $0xffff, v37  }
0x128: {  	v58 =	vadd.s32 v20, v32;
	[tilespmem:v52+s26+$0x0] =	vst.idx.msk $0xffff, v56  }
0x129: {  	v59 =	vadd.s32 v21, v32;
	[tilespmem:v54+s26+$0x0] =	vst.idx.msk $0xffff, v57  }
0x12a: {  	v60 =	vadd.s32 v22, v32;
	v34 =	vld [tilespmem:s6+$0x80]  }
0x12b: {  	v62 =	vadd.s32 v23, v32;
	v35 =	vmul.f32 $8.000000000e+00, v35;
	v37 =	vld [tilespmem:s6+$0x90]  }
0x12c: {  	v38 =	vmul.f32 $8.000000000e+00, v38;
	v61 =	vld [tilespmem:s6+$0xA0]  }
0x12d: {  	v47 =	vmul.f32 $8.000000000e+00, v53;
	v63 =	vld [tilespmem:s6+$0xB0];
	[tilespmem:v58+s26+$0x0] =	vst.idx.msk $0xffff, v35  }
0x12e: {  	v48 =	vmul.f32 $8.000000000e+00, v55;
	[tilespmem:v59+s26+$0x0] =	vst.idx.msk $0xffff, v38  }
0x12f: {  	v49 =	vadd.s32 v24, v32;
	[tilespmem:v60+s26+$0x0] =	vst.idx.msk $0xffff, v47  }
0x130: {  	v50 =	vadd.s32 v25, v32;
	[tilespmem:v62+s26+$0x0] =	vst.idx.msk $0xffff, v48  }
0x131: {  	v51 =	vadd.s32 v26, v32;
	v36 =	vld [tilespmem:s6+$0xC0]  }
0x132: {  	v53 =	vadd.s32 v27, v32;
	v38 =	vld [tilespmem:s6+$0xD0];
	v34 =	vmul.f32 $8.000000000e+00, v34  }
0x133: {  	v52 =	vld [tilespmem:s6+$0xE0];
	v37 =	vmul.f32 $8.000000000e+00, v37  }
0x134: {  	v54 =	vld [tilespmem:s6+$0xF0];
	v55 =	vmul.f32 $8.000000000e+00, v61;
	[tilespmem:v49+s26+$0x0] =	vst.idx.msk $0xffff, v34  }
0x135: {  	v56 =	vmul.f32 $8.000000000e+00, v63;
	[tilespmem:v50+s26+$0x0] =	vst.idx.msk $0xffff, v37  }
0x136: {  	s12 =	smin.u32 s11, $0xFF;
	v57 =	vadd.s32 v28, v32;
	[tilespmem:v51+s26+$0x0] =	vst.idx.msk $0xffff, v55  }
0x137: {  	s12 =	sshll.u32 s12, $0x6;
	v58 =	vadd.s32 v29, v32;
	[tilespmem:v53+s26+$0x0] =	vst.idx.msk $0xffff, v56  }
0x138: {  	s15 =	sadd.s32 $0xFFFFFFF8, s11;
	v59 =	vadd.s32 v30, v32;
	v34 =	vld [tilespmem:s12+$0x6400]  }
0x139: {  	p0 =	slt.u32 s15, $0xF8;
	v61 =	vadd.s32 v31, v32;
	v60 =	vmul.f32 $8.000000000e+00, v36;
	v33 =	vld [tilespmem:s12+$0x6410]  }
.Ltmp0:
0x13a: {  	v38 =	vmul.f32 $8.000000000e+00, v38;
	v35 =	vld [tilespmem:s12+$0x6420];
	(pc) =	sbr.rel @p0 .LBB2_3-.Ltmp0, $4  }
0x13b: {  	v62 =	vmul.f32 $8.000000000e+00, v52;
	v36 =	vld [tilespmem:s12+$0x6430];
	[tilespmem:v57+s26+$0x0] =	vst.idx.msk $0xffff, v60  }
0x13c: {  	v63 =	vmul.f32 $8.000000000e+00, v54;
	[tilespmem:v58+s26+$0x0] =	vst.idx.msk $0xffff, v38  }
0x13d: {  	[tilespmem:v59+s26+$0x0] =	vst.idx.msk $0xffff, v62  }
0x13e: {  	s11 =	sadd.s32 $0x8, s11;
	s6 =	sadd.s32 $0x200, s6;
	v32 =	vadd.s32 $0x8, v32;
	[tilespmem:v61+s26+$0x0] =	vst.idx.msk $0xffff, v63  }
0x13f: {  	s6 =	sadd.s32 s5, s10  }
0x140: {  	s11 =	sshll.u32 s6, $0x5  }
0x141: {  	s6 =	sshll.u32 s6, $0xB;
	s11 =	sand.u32 $0x180, s11  }
0x142: {  	s6 =	sand.u32 $0xFFF8000, s6;
	s11 =	sadd.s32 s4, s11  }
0x143: {  	s12 =	simm.s32 $0x200;
	s6 =	sadd.s32 s6, s11  }
0x144: {  	s13 =	simm.s32 $0x16508;
	s11 =	simm.s32 $0x16400;
	s14 =	sadd.s32 $0x0, s6  }
.LBB2_5:
0x145: {  	[hbm4b:s14+s2] =	stream.linear.scatter [tilespmem:s11], [sflag:$0x5], $0x100, $0x38;
	[tilespmem:$0x1E800] =	vst v63  }
0x146: {  	s14 =	smov.u32 s12;
	s11 =	smov.u32 s13;
	p0 =	sne.s32 s12, $0x7E00  }
.Ltmp1:
0x147: {  	s12 =	sadd.s32 $0x200, s12;
	(pc) =	sbr.rel @p0 .LBB2_5-.Ltmp1, $2  }
0x148: {  	_ =	sdelay $0x2  }
0x149: {  	s13 =	sadd.s32 $0x108, s13;
	s14 =	sadd.s32 s14, s6  }
0x14a: {  	[hbm4b:s14+s2] =	stream.linear.scatter [tilespmem:s11], [sflag:$0x5], $0x100, $0x38;
	[tilespmem:$0x1E800] =	vst v63  }
0x14b: {  	_ =	swait.ge [sflag:s28], $0x400  }
0x14c: {  	[sflag:s28] =	ssyncset.done $0x0  }
0x14d: {  	[sflag:s28] =	ssyncadd.s32 $0xFFFFFC00  }
0x14e: {  	_ =	swait.ge [sflag:s28], $0x400  }
0x14f: {  	[sflag:s28] =	ssyncset.done $0x0  }
0x150: {  	[sflag:s28] =	ssyncadd.s32 $0xFFFFFC00  }
0x151: {  	_ =	swait.ge [sflag:s28], $0x400  }
0x152: {  	[sflag:s28] =	ssyncset.done $0x0  }
0x153: {  	[sflag:s28] =	ssyncadd.s32 $0xFFFFFC00  }
0x154: {  	_ =	swait.ge [sflag:s28], $0x400  }
0x155: {  	[sflag:s28] =	ssyncset.done $0x0  }
0x156: {  	[sflag:s28] =	ssyncadd.s32 $0xFFFFFC00  }
0x157: {  	_ =	swait.ge [sflag:s28], $0x400  }
0x158: {  	[sflag:s28] =	ssyncset.done $0x0  }
0x159: {  	[sflag:s28] =	ssyncadd.s32 $0xFFFFFC00  }
0x15a: {  	_ =	swait.ge [sflag:s28], $0x400  }
0x15b: {  	[sflag:s28] =	ssyncset.done $0x0  }
0x15c: {  	[sflag:s28] =	ssyncadd.s32 $0xFFFFFC00  }
0x15d: {  	_ =	swait.ge [sflag:s28], $0x400  }
0x15e: {  	[sflag:s28] =	ssyncset.done $0x0  }
0x15f: {  	[sflag:s28] =	ssyncadd.s32 $0xFFFFFC00  }
0x160: {  	_ =	swait.ge [sflag:s28], $0x400  }
0x161: {  	[sflag:s28] =	ssyncset.done $0x0  }
0x162: {  	[sflag:s28] =	ssyncadd.s32 $0xFFFFFC00  }
0x163: {  	_ =	swait.ge [sflag:s28], $0x400  }
0x164: {  	[sflag:s28] =	ssyncset.done $0x0  }
0x165: {  	[sflag:s28] =	ssyncadd.s32 $0xFFFFFC00  }
0x166: {  	_ =	swait.ge [sflag:s28], $0x400  }
0x167: {  	[sflag:s28] =	ssyncset.done $0x0  }
0x168: {  	[sflag:s28] =	ssyncadd.s32 $0xFFFFFC00  }
0x169: {  	_ =	swait.ge [sflag:s28], $0x400  }
0x16a: {  	[sflag:s28] =	ssyncset.done $0x0  }
0x16b: {  	[sflag:s28] =	ssyncadd.s32 $0xFFFFFC00  }
0x16c: {  	_ =	swait.ge [sflag:s28], $0x400  }
0x16d: {  	[sflag:s28] =	ssyncset.done $0x0  }
0x16e: {  	[sflag:s28] =	ssyncadd.s32 $0xFFFFFC00  }
0x16f: {  	_ =	swait.ge [sflag:s28], $0x400  }
0x170: {  	[sflag:s28] =	ssyncset.done $0x0  }
0x171: {  	[sflag:s28] =	ssyncadd.s32 $0xFFFFFC00  }
0x172: {  	_ =	swait.ge [sflag:s28], $0x400  }
0x173: {  	[sflag:s28] =	ssyncset.done $0x0  }
0x174: {  	[sflag:s28] =	ssyncadd.s32 $0xFFFFFC00  }
0x175: {  	_ =	swait.ge [sflag:s28], $0x400  }
0x176: {  	[sflag:s28] =	ssyncset.done $0x0  }
0x177: {  	[sflag:s28] =	ssyncadd.s32 $0xFFFFFC00  }
0x178: {  	p0 =	seq.s32 s7, $0x18;
	_ =	swait.ge [sflag:s28], $0x400  }
0x179: {  	s6 =	sshll.u32 @!p0 s7, $0xA;
	[sflag:s28] =	ssyncset.done $0x0  }
0x17a: {  	s6 =	sand.u32 @!p0 $0x3FFFFC00, s6;
	[sflag:s28] =	ssyncadd.s32 $0xFFFFFC00  }
0x17b: {  	v32 =	vld @!p0 [tilespmem:s6+$0x400];
	_ =	sdelay $0x6  }
0x17c: {  	vm1 =	vmmov @!p0 $0xffff;
	s11 =	simm.s32 @!p0 $0x0;
	s12 =	simm.s32 @!p0 $0x6400  }
0x17d: {  	[tilespmem:s12], [sflag:$0x1] =	stream.indirect_vreg.gather @!p0 [hbm4b:s3+s11], $0x40, v32, vm1, $0xb8;
	[tilespmem:$0x1E800] =	vst v63  }
0x17e: {  	v32 =	vld @!p0 [tilespmem:s6+$0x410];
	_ =	sdelay $0x6  }
0x17f: {  	s12 =	simm.s32 @!p0 $0x6800  }
0x180: {  	[tilespmem:s12], [sflag:$0x1] =	stream.indirect_vreg.gather @!p0 [hbm4b:s3+s11], $0x40, v32, vm1, $0xb8;
	[tilespmem:$0x1E800] =	vst v63  }
0x181: {  	v32 =	vld @!p0 [tilespmem:s6+$0x420];
	_ =	sdelay $0x6  }
0x182: {  	s12 =	simm.s32 @!p0 $0x6C00  }
0x183: {  	[tilespmem:s12], [sflag:$0x1] =	stream.indirect_vreg.gather @!p0 [hbm4b:s3+s11], $0x40, v32, vm1, $0xb8;
	[tilespmem:$0x1E800] =	vst v63  }
0x184: {  	v32 =	vld @!p0 [tilespmem:s6+$0x430];
	_ =	sdelay $0x6  }
0x185: {  	s12 =	simm.s32 @!p0 $0x7000  }
0x186: {  	[tilespmem:s12], [sflag:$0x1] =	stream.indirect_vreg.gather @!p0 [hbm4b:s3+s11], $0x40, v32, vm1, $0xb8;
	[tilespmem:$0x1E800] =	vst v63  }
0x187: {  	v32 =	vld @!p0 [tilespmem:s6+$0x440];
	_ =	sdelay $0x6  }
0x188: {  	s12 =	simm.s32 @!p0 $0x7400  }
0x189: {  	[tilespmem:s12], [sflag:$0x1] =	stream.indirect_vreg.gather @!p0 [hbm4b:s3+s11], $0x40, v32, vm1, $0xb8;
	[tilespmem:$0x1E800] =	vst v63  }
0x18a: {  	v32 =	vld @!p0 [tilespmem:s6+$0x450];
	_ =	sdelay $0x6  }
0x18b: {  	s12 =	simm.s32 @!p0 $0x7800  }
0x18c: {  	[tilespmem:s12], [sflag:$0x1] =	stream.indirect_vreg.gather @!p0 [hbm4b:s3+s11], $0x40, v32, vm1, $0xb8;
	[tilespmem:$0x1E800] =	vst v63  }
0x18d: {  	v32 =	vld @!p0 [tilespmem:s6+$0x460];
	_ =	sdelay $0x6  }
0x18e: {  	s12 =	simm.s32 @!p0 $0x7C00  }
0x18f: {  	[tilespmem:s12], [sflag:$0x1] =	stream.indirect_vreg.gather @!p0 [hbm4b:s3+s11], $0x40, v32, vm1, $0xb8;
	[tilespmem:$0x1E800] =	vst v63  }
0x190: {  	v32 =	vld @!p0 [tilespmem:s6+$0x470];
	_ =	sdelay $0x6  }
0x191: {  	s12 =	simm.s32 @!p0 $0x8000  }
0x192: {  	[tilespmem:s12], [sflag:$0x1] =	stream.indirect_vreg.gather @!p0 [hbm4b:s3+s11], $0x40, v32, vm1, $0xb8;
	[tilespmem:$0x1E800] =	vst v63  }
0x193: {  	v32 =	vld @!p0 [tilespmem:s6+$0x480];
	_ =	sdelay $0x6  }
0x194: {  	s12 =	simm.s32 @!p0 $0x8400  }
0x195: {  	[tilespmem:s12], [sflag:$0x1] =	stream.indirect_vreg.gather @!p0 [hbm4b:s3+s11], $0x40, v32, vm1, $0xb8;
	[tilespmem:$0x1E800] =	vst v63  }
0x196: {  	v32 =	vld @!p0 [tilespmem:s6+$0x490];
	_ =	sdelay $0x6  }
0x197: {  	s12 =	simm.s32 @!p0 $0x8800  }
0x198: {  	[tilespmem:s12], [sflag:$0x1] =	stream.indirect_vreg.gather @!p0 [hbm4b:s3+s11], $0x40, v32, vm1, $0xb8;
	[tilespmem:$0x1E800] =	vst v63  }
0x199: {  	v32 =	vld @!p0 [tilespmem:s6+$0x4A0];
	_ =	sdelay $0x6  }
0x19a: {  	s12 =	simm.s32 @!p0 $0x8C00  }
0x19b: {  	[tilespmem:s12], [sflag:$0x1] =	stream.indirect_vreg.gather @!p0 [hbm4b:s3+s11], $0x40, v32, vm1, $0xb8;
	[tilespmem:$0x1E800] =	vst v63  }
0x19c: {  	v32 =	vld @!p0 [tilespmem:s6+$0x4B0];
	_ =	sdelay $0x6  }
0x19d: {  	s12 =	simm.s32 @!p0 $0x9000  }
0x19e: {  	[tilespmem:s12], [sflag:$0x1] =	stream.indirect_vreg.gather @!p0 [hbm4b:s3+s11], $0x40, v32, vm1, $0xb8;
	[tilespmem:$0x1E800] =	vst v63  }
0x19f: {  	v32 =	vld @!p0 [tilespmem:s6+$0x4C0];
	_ =	sdelay $0x6  }
0x1a0: {  	s12 =	simm.s32 @!p0 $0x9400  }
0x1a1: {  	[tilespmem:s12], [sflag:$0x1] =	stream.indirect_vreg.gather @!p0 [hbm4b:s3+s11], $0x40, v32, vm1, $0xb8;
	[tilespmem:$0x1E800] =	vst v63  }
0x1a2: {  	v32 =	vld @!p0 [tilespmem:s6+$0x4D0];
	_ =	sdelay $0x6  }
0x1a3: {  	s12 =	simm.s32 @!p0 $0x9800  }
0x1a4: {  	[tilespmem:s12], [sflag:$0x1] =	stream.indirect_vreg.gather @!p0 [hbm4b:s3+s11], $0x40, v32, vm1, $0xb8;
	[tilespmem:$0x1E800] =	vst v63  }
0x1a5: {  	v32 =	vld @!p0 [tilespmem:s6+$0x4E0];
	_ =	sdelay $0x6  }
0x1a6: {  	s12 =	simm.s32 @!p0 $0x9C00  }
0x1a7: {  	[tilespmem:s12], [sflag:$0x1] =	stream.indirect_vreg.gather @!p0 [hbm4b:s3+s11], $0x40, v32, vm1, $0xb8;
	[tilespmem:$0x1E800] =	vst v63  }
0x1a8: {  	v32 =	vld @!p0 [tilespmem:s6+$0x4F0];
	_ =	sdelay $0x5  }
0x1a9: {  	p1 =	seq.s32 @!p0 s7, $0x0  }
0x1aa: {  	p1 =	por p0, !p1;
	s12 =	simm.s32 @!p0 $0xA000  }
0x1ab: {  	[tilespmem:s12], [sflag:$0x1] =	stream.indirect_vreg.gather @!p0 [hbm4b:s3+s11], $0x40, v32, vm1, $0xb8;
	[tilespmem:$0x1E800] =	vst v63  }
0x1ac: {  	_ =	swait.ge @p1 [sflag:s1], $0x4000  }
0x1ad: {  	[sflag:s1] =	ssyncset.done @p1 $0x0  }
0x1ae: {  	[sflag:s1] =	ssyncadd.s32 @p1 $0xFFFFC000  }
0x1af: {  	v34 =	vld [tilespmem:$0xA400]  }
0x1b0: {  	v33 =	vld [tilespmem:$0xA410]  }
0x1b1: {  	v35 =	vld [tilespmem:$0xA420]  }
0x1b2: {  	s13 =	simm.s32 $0x8;
	s11 =	sor.u32 $0x1, s10;
	v32 =	vimm.s32 $0x0;
	s12 =	simm.s32 $0xA500;
	v36 =	vld [tilespmem:$0xA430]  }
.LBB2_7:
0x1b3: {  	v37 =	vadd.s32 v0, v32  }
0x1b4: {  	v39 =	vadd.s32 v1, v32  }
0x1b5: {  	v38 =	vld [tilespmem:s12+$0xFFFFFF40];
	v41 =	vadd.s32 v2, v32  }
0x1b6: {  	v40 =	vld [tilespmem:s12+$0xFFFFFF50];
	v43 =	vadd.s32 v3, v32;
	v34 =	vmul.f32 $8.000000000e+00, v34  }
0x1b7: {  	v42 =	vld [tilespmem:s12+$0xFFFFFF60];
	v33 =	vmul.f32 $8.000000000e+00, v33  }
0x1b8: {  	v44 =	vld [tilespmem:s12+$0xFFFFFF70];
	v59 =	vmul.f32 $8.000000000e+00, v35;
	[tilespmem:v37+s29+$0x0] =	vst.idx.msk $0xffff, v34  }
0x1b9: {  	v60 =	vmul.f32 $8.000000000e+00, v36;
	[tilespmem:v39+s29+$0x0] =	vst.idx.msk $0xffff, v33  }
0x1ba: {  	v61 =	vadd.s32 v4, v32;
	[tilespmem:v41+s29+$0x0] =	vst.idx.msk $0xffff, v59  }
0x1bb: {  	v62 =	vadd.s32 v5, v32;
	[tilespmem:v43+s29+$0x0] =	vst.idx.msk $0xffff, v60  }
0x1bc: {  	v48 =	vadd.s32 v6, v32;
	v34 =	vld [tilespmem:s12+$0xFFFFFF80]  }
0x1bd: {  	v49 =	vadd.s32 v7, v32;
	v38 =	vmul.f32 $8.000000000e+00, v38;
	v63 =	vld [tilespmem:s12+$0xFFFFFF90]  }
0x1be: {  	v40 =	vmul.f32 $8.000000000e+00, v40;
	v39 =	vld [tilespmem:s12+$0xFFFFFFA0]  }
0x1bf: {  	v50 =	vmul.f32 $8.000000000e+00, v42;
	v43 =	vld [tilespmem:s12+$0xFFFFFFB0];
	[tilespmem:v61+s29+$0x0] =	vst.idx.msk $0xffff, v38  }
0x1c0: {  	v51 =	vmul.f32 $8.000000000e+00, v44;
	[tilespmem:v62+s29+$0x0] =	vst.idx.msk $0xffff, v40  }
0x1c1: {  	v52 =	vadd.s32 v8, v32;
	[tilespmem:v48+s29+$0x0] =	vst.idx.msk $0xffff, v50  }
0x1c2: {  	v53 =	vadd.s32 v9, v32;
	[tilespmem:v49+s29+$0x0] =	vst.idx.msk $0xffff, v51  }
0x1c3: {  	v54 =	vadd.s32 v10, v32;
	v35 =	vld [tilespmem:s12+$0xFFFFFFC0]  }
0x1c4: {  	v55 =	vadd.s32 v11, v32;
	v38 =	vld [tilespmem:s12+$0xFFFFFFD0];
	v34 =	vmul.f32 $8.000000000e+00, v34  }
0x1c5: {  	v41 =	vld [tilespmem:s12+$0xFFFFFFE0];
	v36 =	vmul.f32 $8.000000000e+00, v63  }
0x1c6: {  	v56 =	vld [tilespmem:s12+$0xFFFFFFF0];
	v57 =	vmul.f32 $8.000000000e+00, v39;
	[tilespmem:v52+s29+$0x0] =	vst.idx.msk $0xffff, v34  }
0x1c7: {  	v58 =	vmul.f32 $8.000000000e+00, v43;
	[tilespmem:v53+s29+$0x0] =	vst.idx.msk $0xffff, v36  }
0x1c8: {  	v59 =	vadd.s32 v12, v32;
	[tilespmem:v54+s29+$0x0] =	vst.idx.msk $0xffff, v57  }
0x1c9: {  	v60 =	vadd.s32 v13, v32;
	[tilespmem:v55+s29+$0x0] =	vst.idx.msk $0xffff, v58  }
0x1ca: {  	v61 =	vadd.s32 v14, v32;
	v34 =	vld [tilespmem:s12+$0x0]  }
0x1cb: {  	v62 =	vadd.s32 v15, v32;
	v35 =	vmul.f32 $8.000000000e+00, v35;
	v37 =	vld [tilespmem:s12+$0x10]  }
0x1cc: {  	v38 =	vmul.f32 $8.000000000e+00, v38;
	v40 =	vld [tilespmem:s12+$0x20]  }
0x1cd: {  	v48 =	vmul.f32 $8.000000000e+00, v41;
	v63 =	vld [tilespmem:s12+$0x30];
	[tilespmem:v59+s29+$0x0] =	vst.idx.msk $0xffff, v35  }
0x1ce: {  	v49 =	vmul.f32 $8.000000000e+00, v56;
	[tilespmem:v60+s29+$0x0] =	vst.idx.msk $0xffff, v38  }
0x1cf: {  	v50 =	vadd.s32 v16, v32;
	[tilespmem:v61+s29+$0x0] =	vst.idx.msk $0xffff, v48  }
0x1d0: {  	v51 =	vadd.s32 v17, v32;
	[tilespmem:v62+s29+$0x0] =	vst.idx.msk $0xffff, v49  }
0x1d1: {  	v52 =	vadd.s32 v18, v32;
	v35 =	vld [tilespmem:s12+$0x40]  }
0x1d2: {  	v54 =	vadd.s32 v19, v32;
	v38 =	vld [tilespmem:s12+$0x50];
	v34 =	vmul.f32 $8.000000000e+00, v34  }
0x1d3: {  	v53 =	vld [tilespmem:s12+$0x60];
	v37 =	vmul.f32 $8.000000000e+00, v37  }
0x1d4: {  	v55 =	vld [tilespmem:s12+$0x70];
	v56 =	vmul.f32 $8.000000000e+00, v40;
	[tilespmem:v50+s29+$0x0] =	vst.idx.msk $0xffff, v34  }
0x1d5: {  	v57 =	vmul.f32 $8.000000000e+00, v63;
	[tilespmem:v51+s29+$0x0] =	vst.idx.msk $0xffff, v37  }
0x1d6: {  	v58 =	vadd.s32 v20, v32;
	[tilespmem:v52+s29+$0x0] =	vst.idx.msk $0xffff, v56  }
0x1d7: {  	v59 =	vadd.s32 v21, v32;
	[tilespmem:v54+s29+$0x0] =	vst.idx.msk $0xffff, v57  }
0x1d8: {  	v60 =	vadd.s32 v22, v32;
	v34 =	vld [tilespmem:s12+$0x80]  }
0x1d9: {  	v62 =	vadd.s32 v23, v32;
	v35 =	vmul.f32 $8.000000000e+00, v35;
	v37 =	vld [tilespmem:s12+$0x90]  }
0x1da: {  	v38 =	vmul.f32 $8.000000000e+00, v38;
	v61 =	vld [tilespmem:s12+$0xA0]  }
0x1db: {  	v47 =	vmul.f32 $8.000000000e+00, v53;
	v63 =	vld [tilespmem:s12+$0xB0];
	[tilespmem:v58+s29+$0x0] =	vst.idx.msk $0xffff, v35  }
0x1dc: {  	v48 =	vmul.f32 $8.000000000e+00, v55;
	[tilespmem:v59+s29+$0x0] =	vst.idx.msk $0xffff, v38  }
0x1dd: {  	v49 =	vadd.s32 v24, v32;
	[tilespmem:v60+s29+$0x0] =	vst.idx.msk $0xffff, v47  }
0x1de: {  	v50 =	vadd.s32 v25, v32;
	[tilespmem:v62+s29+$0x0] =	vst.idx.msk $0xffff, v48  }
0x1df: {  	v51 =	vadd.s32 v26, v32;
	v36 =	vld [tilespmem:s12+$0xC0]  }
0x1e0: {  	v53 =	vadd.s32 v27, v32;
	v38 =	vld [tilespmem:s12+$0xD0];
	v34 =	vmul.f32 $8.000000000e+00, v34  }
0x1e1: {  	v52 =	vld [tilespmem:s12+$0xE0];
	v37 =	vmul.f32 $8.000000000e+00, v37  }
0x1e2: {  	v54 =	vld [tilespmem:s12+$0xF0];
	v55 =	vmul.f32 $8.000000000e+00, v61;
	[tilespmem:v49+s29+$0x0] =	vst.idx.msk $0xffff, v34  }
0x1e3: {  	v56 =	vmul.f32 $8.000000000e+00, v63;
	[tilespmem:v50+s29+$0x0] =	vst.idx.msk $0xffff, v37  }
0x1e4: {  	s14 =	smin.u32 s13, $0xFF;
	v57 =	vadd.s32 v28, v32;
	[tilespmem:v51+s29+$0x0] =	vst.idx.msk $0xffff, v55  }
0x1e5: {  	s14 =	sshll.u32 s14, $0x6;
	v58 =	vadd.s32 v29, v32;
	[tilespmem:v53+s29+$0x0] =	vst.idx.msk $0xffff, v56  }
0x1e6: {  	s15 =	sadd.s32 $0xFFFFFFF8, s13;
	v59 =	vadd.s32 v30, v32;
	v34 =	vld [tilespmem:s14+$0xA400]  }
0x1e7: {  	p1 =	slt.u32 s15, $0xF8;
	v61 =	vadd.s32 v31, v32;
	v60 =	vmul.f32 $8.000000000e+00, v36;
	v33 =	vld [tilespmem:s14+$0xA410]  }
.Ltmp2:
0x1e8: {  	v38 =	vmul.f32 $8.000000000e+00, v38;
	v35 =	vld [tilespmem:s14+$0xA420];
	(pc) =	sbr.rel @p1 .LBB2_7-.Ltmp2, $4  }
0x1e9: {  	v62 =	vmul.f32 $8.000000000e+00, v52;
	v36 =	vld [tilespmem:s14+$0xA430];
	[tilespmem:v57+s29+$0x0] =	vst.idx.msk $0xffff, v60  }
0x1ea: {  	v63 =	vmul.f32 $8.000000000e+00, v54;
	[tilespmem:v58+s29+$0x0] =	vst.idx.msk $0xffff, v38  }
0x1eb: {  	[tilespmem:v59+s29+$0x0] =	vst.idx.msk $0xffff, v62  }
0x1ec: {  	s13 =	sadd.s32 $0x8, s13;
	s12 =	sadd.s32 $0x200, s12;
	v32 =	vadd.s32 $0x8, v32;
	[tilespmem:v61+s29+$0x0] =	vst.idx.msk $0xffff, v63  }
0x1ed: {  	s11 =	sadd.s32 s5, s11  }
0x1ee: {  	s12 =	sshll.u32 s11, $0x5  }
0x1ef: {  	s11 =	sshll.u32 s11, $0xB;
	s12 =	sand.u32 $0x1A0, s12  }
0x1f0: {  	s11 =	sand.u32 $0xFFF8000, s11;
	s12 =	sadd.s32 s4, s12  }
0x1f1: {  	s13 =	simm.s32 $0x200;
	s11 =	sadd.s32 s11, s12  }
0x1f2: {  	s14 =	simm.s32 $0x1A708;
	s12 =	simm.s32 $0x1A600;
	s15 =	sadd.s32 $0x0, s11  }
.LBB2_9:
0x1f3: {  	[hbm4b:s15+s2] =	stream.linear.scatter [tilespmem:s12], [sflag:$0x6], $0x100, $0x38;
	[tilespmem:$0x1E800] =	vst v63  }
0x1f4: {  	s15 =	smov.u32 s13;
	s12 =	smov.u32 s14;
	p1 =	sne.s32 s13, $0x7E00  }
.Ltmp3:
0x1f5: {  	s13 =	sadd.s32 $0x200, s13;
	(pc) =	sbr.rel @p1 .LBB2_9-.Ltmp3, $2  }
0x1f6: {  	_ =	sdelay $0x2  }
0x1f7: {  	s14 =	sadd.s32 $0x108, s14;
	s15 =	sadd.s32 s15, s11  }
0x1f8: {  	[hbm4b:s15+s2] =	stream.linear.scatter [tilespmem:s12], [sflag:$0x6], $0x100, $0x38;
	[tilespmem:$0x1E800] =	vst v63  }
0x1f9: {  	_ =	swait.ge [sflag:s30], $0x400  }
0x1fa: {  	[sflag:s30] =	ssyncset.done $0x0  }
0x1fb: {  	[sflag:s30] =	ssyncadd.s32 $0xFFFFFC00  }
0x1fc: {  	_ =	swait.ge [sflag:s30], $0x400  }
0x1fd: {  	[sflag:s30] =	ssyncset.done $0x0  }
0x1fe: {  	[sflag:s30] =	ssyncadd.s32 $0xFFFFFC00  }
0x1ff: {  	_ =	swait.ge [sflag:s30], $0x400  }
0x200: {  	[sflag:s30] =	ssyncset.done $0x0  }
0x201: {  	[sflag:s30] =	ssyncadd.s32 $0xFFFFFC00  }
0x202: {  	_ =	swait.ge [sflag:s30], $0x400  }
0x203: {  	[sflag:s30] =	ssyncset.done $0x0  }
0x204: {  	[sflag:s30] =	ssyncadd.s32 $0xFFFFFC00  }
0x205: {  	_ =	swait.ge [sflag:s30], $0x400  }
0x206: {  	[sflag:s30] =	ssyncset.done $0x0  }
0x207: {  	[sflag:s30] =	ssyncadd.s32 $0xFFFFFC00  }
0x208: {  	_ =	swait.ge [sflag:s30], $0x400  }
0x209: {  	[sflag:s30] =	ssyncset.done $0x0  }
0x20a: {  	[sflag:s30] =	ssyncadd.s32 $0xFFFFFC00  }
0x20b: {  	_ =	swait.ge [sflag:s30], $0x400  }
0x20c: {  	[sflag:s30] =	ssyncset.done $0x0  }
0x20d: {  	[sflag:s30] =	ssyncadd.s32 $0xFFFFFC00  }
0x20e: {  	_ =	swait.ge [sflag:s30], $0x400  }
0x20f: {  	[sflag:s30] =	ssyncset.done $0x0  }
0x210: {  	[sflag:s30] =	ssyncadd.s32 $0xFFFFFC00  }
0x211: {  	_ =	swait.ge [sflag:s30], $0x400  }
0x212: {  	[sflag:s30] =	ssyncset.done $0x0  }
0x213: {  	[sflag:s30] =	ssyncadd.s32 $0xFFFFFC00  }
0x214: {  	_ =	swait.ge [sflag:s30], $0x400  }
0x215: {  	[sflag:s30] =	ssyncset.done $0x0  }
0x216: {  	[sflag:s30] =	ssyncadd.s32 $0xFFFFFC00  }
0x217: {  	_ =	swait.ge [sflag:s30], $0x400  }
0x218: {  	[sflag:s30] =	ssyncset.done $0x0  }
0x219: {  	[sflag:s30] =	ssyncadd.s32 $0xFFFFFC00  }
0x21a: {  	_ =	swait.ge [sflag:s30], $0x400  }
0x21b: {  	[sflag:s30] =	ssyncset.done $0x0  }
0x21c: {  	[sflag:s30] =	ssyncadd.s32 $0xFFFFFC00  }
0x21d: {  	_ =	swait.ge [sflag:s30], $0x400  }
0x21e: {  	[sflag:s30] =	ssyncset.done $0x0  }
0x21f: {  	[sflag:s30] =	ssyncadd.s32 $0xFFFFFC00  }
0x220: {  	_ =	swait.ge [sflag:s30], $0x400  }
0x221: {  	[sflag:s30] =	ssyncset.done $0x0  }
0x222: {  	[sflag:s30] =	ssyncadd.s32 $0xFFFFFC00  }
0x223: {  	_ =	swait.ge [sflag:s30], $0x400  }
0x224: {  	[sflag:s30] =	ssyncset.done $0x0  }
0x225: {  	[sflag:s30] =	ssyncadd.s32 $0xFFFFFC00  }
0x226: {  	_ =	swait.ge [sflag:s30], $0x400  }
0x227: {  	[sflag:s30] =	ssyncset.done $0x0  }
0x228: {  	[sflag:s30] =	ssyncadd.s32 $0xFFFFFC00  }
0x229: {  	v32 =	vld @!p0 [tilespmem:s6+$0x500];
	_ =	sdelay $0x6  }
0x22a: {  	s11 =	simm.s32 @!p0 $0x0;
	s12 =	simm.s32 @!p0 $0xA400  }
0x22b: {  	[tilespmem:s12], [sflag:$0x2] =	stream.indirect_vreg.gather @!p0 [hbm4b:s3+s11], $0x40, v32, vm1, $0xb8;
	[tilespmem:$0x1E800] =	vst v63  }
0x22c: {  	v32 =	vld @!p0 [tilespmem:s6+$0x510];
	_ =	sdelay $0x6  }
0x22d: {  	s12 =	simm.s32 @!p0 $0xA800  }
0x22e: {  	[tilespmem:s12], [sflag:$0x2] =	stream.indirect_vreg.gather @!p0 [hbm4b:s3+s11], $0x40, v32, vm1, $0xb8;
	[tilespmem:$0x1E800] =	vst v63  }
0x22f: {  	v32 =	vld @!p0 [tilespmem:s6+$0x520];
	_ =	sdelay $0x6  }
0x230: {  	s12 =	simm.s32 @!p0 $0xAC00  }
0x231: {  	[tilespmem:s12], [sflag:$0x2] =	stream.indirect_vreg.gather @!p0 [hbm4b:s3+s11], $0x40, v32, vm1, $0xb8;
	[tilespmem:$0x1E800] =	vst v63  }
0x232: {  	v32 =	vld @!p0 [tilespmem:s6+$0x530];
	_ =	sdelay $0x6  }
0x233: {  	s12 =	simm.s32 @!p0 $0xB000  }
0x234: {  	[tilespmem:s12], [sflag:$0x2] =	stream.indirect_vreg.gather @!p0 [hbm4b:s3+s11], $0x40, v32, vm1, $0xb8;
	[tilespmem:$0x1E800] =	vst v63  }
0x235: {  	v32 =	vld @!p0 [tilespmem:s6+$0x540];
	_ =	sdelay $0x6  }
0x236: {  	s12 =	simm.s32 @!p0 $0xB400  }
0x237: {  	[tilespmem:s12], [sflag:$0x2] =	stream.indirect_vreg.gather @!p0 [hbm4b:s3+s11], $0x40, v32, vm1, $0xb8;
	[tilespmem:$0x1E800] =	vst v63  }
0x238: {  	v32 =	vld @!p0 [tilespmem:s6+$0x550];
	_ =	sdelay $0x6  }
0x239: {  	s12 =	simm.s32 @!p0 $0xB800  }
0x23a: {  	[tilespmem:s12], [sflag:$0x2] =	stream.indirect_vreg.gather @!p0 [hbm4b:s3+s11], $0x40, v32, vm1, $0xb8;
	[tilespmem:$0x1E800] =	vst v63  }
0x23b: {  	v32 =	vld @!p0 [tilespmem:s6+$0x560];
	_ =	sdelay $0x6  }
0x23c: {  	s12 =	simm.s32 @!p0 $0xBC00  }
0x23d: {  	[tilespmem:s12], [sflag:$0x2] =	stream.indirect_vreg.gather @!p0 [hbm4b:s3+s11], $0x40, v32, vm1, $0xb8;
	[tilespmem:$0x1E800] =	vst v63  }
0x23e: {  	v32 =	vld @!p0 [tilespmem:s6+$0x570];
	_ =	sdelay $0x6  }
0x23f: {  	s12 =	simm.s32 @!p0 $0xC000  }
0x240: {  	[tilespmem:s12], [sflag:$0x2] =	stream.indirect_vreg.gather @!p0 [hbm4b:s3+s11], $0x40, v32, vm1, $0xb8;
	[tilespmem:$0x1E800] =	vst v63  }
0x241: {  	v32 =	vld @!p0 [tilespmem:s6+$0x580];
	_ =	sdelay $0x6  }
0x242: {  	s12 =	simm.s32 @!p0 $0xC400  }
0x243: {  	[tilespmem:s12], [sflag:$0x2] =	stream.indirect_vreg.gather @!p0 [hbm4b:s3+s11], $0x40, v32, vm1, $0xb8;
	[tilespmem:$0x1E800] =	vst v63  }
0x244: {  	v32 =	vld @!p0 [tilespmem:s6+$0x590];
	_ =	sdelay $0x6  }
0x245: {  	s12 =	simm.s32 @!p0 $0xC800  }
0x246: {  	[tilespmem:s12], [sflag:$0x2] =	stream.indirect_vreg.gather @!p0 [hbm4b:s3+s11], $0x40, v32, vm1, $0xb8;
	[tilespmem:$0x1E800] =	vst v63  }
0x247: {  	v32 =	vld @!p0 [tilespmem:s6+$0x5A0];
	_ =	sdelay $0x6  }
0x248: {  	s12 =	simm.s32 @!p0 $0xCC00  }
0x249: {  	[tilespmem:s12], [sflag:$0x2] =	stream.indirect_vreg.gather @!p0 [hbm4b:s3+s11], $0x40, v32, vm1, $0xb8;
	[tilespmem:$0x1E800] =	vst v63  }
0x24a: {  	v32 =	vld @!p0 [tilespmem:s6+$0x5B0];
	_ =	sdelay $0x6  }
0x24b: {  	s12 =	simm.s32 @!p0 $0xD000  }
0x24c: {  	[tilespmem:s12], [sflag:$0x2] =	stream.indirect_vreg.gather @!p0 [hbm4b:s3+s11], $0x40, v32, vm1, $0xb8;
	[tilespmem:$0x1E800] =	vst v63  }
0x24d: {  	v32 =	vld @!p0 [tilespmem:s6+$0x5C0];
	_ =	sdelay $0x6  }
0x24e: {  	s12 =	simm.s32 @!p0 $0xD400  }
0x24f: {  	[tilespmem:s12], [sflag:$0x2] =	stream.indirect_vreg.gather @!p0 [hbm4b:s3+s11], $0x40, v32, vm1, $0xb8;
	[tilespmem:$0x1E800] =	vst v63  }
0x250: {  	v32 =	vld @!p0 [tilespmem:s6+$0x5D0];
	_ =	sdelay $0x6  }
0x251: {  	s12 =	simm.s32 @!p0 $0xD800  }
0x252: {  	[tilespmem:s12], [sflag:$0x2] =	stream.indirect_vreg.gather @!p0 [hbm4b:s3+s11], $0x40, v32, vm1, $0xb8;
	[tilespmem:$0x1E800] =	vst v63  }
0x253: {  	v32 =	vld @!p0 [tilespmem:s6+$0x5E0];
	_ =	sdelay $0x6  }
0x254: {  	s12 =	simm.s32 @!p0 $0xDC00  }
0x255: {  	[tilespmem:s12], [sflag:$0x2] =	stream.indirect_vreg.gather @!p0 [hbm4b:s3+s11], $0x40, v32, vm1, $0xb8;
	[tilespmem:$0x1E800] =	vst v63  }
0x256: {  	v32 =	vld @!p0 [tilespmem:s6+$0x5F0];
	_ =	sdelay $0x6  }
0x257: {  	s12 =	simm.s32 @!p0 $0xE000  }
0x258: {  	[tilespmem:s12], [sflag:$0x2] =	stream.indirect_vreg.gather @!p0 [hbm4b:s3+s11], $0x40, v32, vm1, $0xb8;
	[tilespmem:$0x1E800] =	vst v63  }
0x259: {  	_ =	swait.ge [sflag:s31], $0x4000  }
0x25a: {  	[sflag:s31] =	ssyncset.done $0x0  }
0x25b: {  	[sflag:s31] =	ssyncadd.s32 $0xFFFFC000  }
0x25c: {  	v34 =	vld [tilespmem:$0xE400]  }
0x25d: {  	v33 =	vld [tilespmem:$0xE410]  }
0x25e: {  	v35 =	vld [tilespmem:$0xE420]  }
0x25f: {  	s10 =	sor.u32 $0x2, s10;
	v32 =	vimm.s32 $0x0;
	s12 =	simm.s32 $0x8;
	s11 =	simm.s32 $0xE500;
	v36 =	vld [tilespmem:$0xE430]  }
.LBB2_11:
0x260: {  	v37 =	vadd.s32 v0, v32  }
0x261: {  	v39 =	vadd.s32 v1, v32  }
0x262: {  	v38 =	vld [tilespmem:s11+$0xFFFFFF40];
	v41 =	vadd.s32 v2, v32  }
0x263: {  	v40 =	vld [tilespmem:s11+$0xFFFFFF50];
	v43 =	vadd.s32 v3, v32;
	v34 =	vmul.f32 $8.000000000e+00, v34  }
0x264: {  	v42 =	vld [tilespmem:s11+$0xFFFFFF60];
	v33 =	vmul.f32 $8.000000000e+00, v33  }
0x265: {  	v44 =	vld [tilespmem:s11+$0xFFFFFF70];
	v59 =	vmul.f32 $8.000000000e+00, v35;
	[tilespmem:v37+s26+$0x0] =	vst.idx.msk $0xffff, v34  }
0x266: {  	v60 =	vmul.f32 $8.000000000e+00, v36;
	[tilespmem:v39+s26+$0x0] =	vst.idx.msk $0xffff, v33  }
0x267: {  	v61 =	vadd.s32 v4, v32;
	[tilespmem:v41+s26+$0x0] =	vst.idx.msk $0xffff, v59  }
0x268: {  	v62 =	vadd.s32 v5, v32;
	[tilespmem:v43+s26+$0x0] =	vst.idx.msk $0xffff, v60  }
0x269: {  	v48 =	vadd.s32 v6, v32;
	v34 =	vld [tilespmem:s11+$0xFFFFFF80]  }
0x26a: {  	v49 =	vadd.s32 v7, v32;
	v38 =	vmul.f32 $8.000000000e+00, v38;
	v63 =	vld [tilespmem:s11+$0xFFFFFF90]  }
0x26b: {  	v40 =	vmul.f32 $8.000000000e+00, v40;
	v39 =	vld [tilespmem:s11+$0xFFFFFFA0]  }
0x26c: {  	v50 =	vmul.f32 $8.000000000e+00, v42;
	v43 =	vld [tilespmem:s11+$0xFFFFFFB0];
	[tilespmem:v61+s26+$0x0] =	vst.idx.msk $0xffff, v38  }
0x26d: {  	v51 =	vmul.f32 $8.000000000e+00, v44;
	[tilespmem:v62+s26+$0x0] =	vst.idx.msk $0xffff, v40  }
0x26e: {  	v52 =	vadd.s32 v8, v32;
	[tilespmem:v48+s26+$0x0] =	vst.idx.msk $0xffff, v50  }
0x26f: {  	v53 =	vadd.s32 v9, v32;
	[tilespmem:v49+s26+$0x0] =	vst.idx.msk $0xffff, v51  }
0x270: {  	v54 =	vadd.s32 v10, v32;
	v35 =	vld [tilespmem:s11+$0xFFFFFFC0]  }
0x271: {  	v55 =	vadd.s32 v11, v32;
	v38 =	vld [tilespmem:s11+$0xFFFFFFD0];
	v34 =	vmul.f32 $8.000000000e+00, v34  }
0x272: {  	v41 =	vld [tilespmem:s11+$0xFFFFFFE0];
	v36 =	vmul.f32 $8.000000000e+00, v63  }
0x273: {  	v56 =	vld [tilespmem:s11+$0xFFFFFFF0];
	v57 =	vmul.f32 $8.000000000e+00, v39;
	[tilespmem:v52+s26+$0x0] =	vst.idx.msk $0xffff, v34  }
0x274: {  	v58 =	vmul.f32 $8.000000000e+00, v43;
	[tilespmem:v53+s26+$0x0] =	vst.idx.msk $0xffff, v36  }
0x275: {  	v59 =	vadd.s32 v12, v32;
	[tilespmem:v54+s26+$0x0] =	vst.idx.msk $0xffff, v57  }
0x276: {  	v60 =	vadd.s32 v13, v32;
	[tilespmem:v55+s26+$0x0] =	vst.idx.msk $0xffff, v58  }
0x277: {  	v61 =	vadd.s32 v14, v32;
	v34 =	vld [tilespmem:s11+$0x0]  }
0x278: {  	v62 =	vadd.s32 v15, v32;
	v35 =	vmul.f32 $8.000000000e+00, v35;
	v37 =	vld [tilespmem:s11+$0x10]  }
0x279: {  	v38 =	vmul.f32 $8.000000000e+00, v38;
	v40 =	vld [tilespmem:s11+$0x20]  }
0x27a: {  	v48 =	vmul.f32 $8.000000000e+00, v41;
	v63 =	vld [tilespmem:s11+$0x30];
	[tilespmem:v59+s26+$0x0] =	vst.idx.msk $0xffff, v35  }
0x27b: {  	v49 =	vmul.f32 $8.000000000e+00, v56;
	[tilespmem:v60+s26+$0x0] =	vst.idx.msk $0xffff, v38  }
0x27c: {  	v50 =	vadd.s32 v16, v32;
	[tilespmem:v61+s26+$0x0] =	vst.idx.msk $0xffff, v48  }
0x27d: {  	v51 =	vadd.s32 v17, v32;
	[tilespmem:v62+s26+$0x0] =	vst.idx.msk $0xffff, v49  }
0x27e: {  	v52 =	vadd.s32 v18, v32;
	v35 =	vld [tilespmem:s11+$0x40]  }
0x27f: {  	v54 =	vadd.s32 v19, v32;
	v38 =	vld [tilespmem:s11+$0x50];
	v34 =	vmul.f32 $8.000000000e+00, v34  }
0x280: {  	v53 =	vld [tilespmem:s11+$0x60];
	v37 =	vmul.f32 $8.000000000e+00, v37  }
0x281: {  	v55 =	vld [tilespmem:s11+$0x70];
	v56 =	vmul.f32 $8.000000000e+00, v40;
	[tilespmem:v50+s26+$0x0] =	vst.idx.msk $0xffff, v34  }
0x282: {  	v57 =	vmul.f32 $8.000000000e+00, v63;
	[tilespmem:v51+s26+$0x0] =	vst.idx.msk $0xffff, v37  }
0x283: {  	v58 =	vadd.s32 v20, v32;
	[tilespmem:v52+s26+$0x0] =	vst.idx.msk $0xffff, v56  }
0x284: {  	v59 =	vadd.s32 v21, v32;
	[tilespmem:v54+s26+$0x0] =	vst.idx.msk $0xffff, v57  }
0x285: {  	v60 =	vadd.s32 v22, v32;
	v34 =	vld [tilespmem:s11+$0x80]  }
0x286: {  	v62 =	vadd.s32 v23, v32;
	v35 =	vmul.f32 $8.000000000e+00, v35;
	v37 =	vld [tilespmem:s11+$0x90]  }
0x287: {  	v38 =	vmul.f32 $8.000000000e+00, v38;
	v61 =	vld [tilespmem:s11+$0xA0]  }
0x288: {  	v47 =	vmul.f32 $8.000000000e+00, v53;
	v63 =	vld [tilespmem:s11+$0xB0];
	[tilespmem:v58+s26+$0x0] =	vst.idx.msk $0xffff, v35  }
0x289: {  	v48 =	vmul.f32 $8.000000000e+00, v55;
	[tilespmem:v59+s26+$0x0] =	vst.idx.msk $0xffff, v38  }
0x28a: {  	v49 =	vadd.s32 v24, v32;
	[tilespmem:v60+s26+$0x0] =	vst.idx.msk $0xffff, v47  }
0x28b: {  	v50 =	vadd.s32 v25, v32;
	[tilespmem:v62+s26+$0x0] =	vst.idx.msk $0xffff, v48  }
0x28c: {  	v51 =	vadd.s32 v26, v32;
	v36 =	vld [tilespmem:s11+$0xC0]  }
0x28d: {  	v53 =	vadd.s32 v27, v32;
	v38 =	vld [tilespmem:s11+$0xD0];
	v34 =	vmul.f32 $8.000000000e+00, v34  }
0x28e: {  	v52 =	vld [tilespmem:s11+$0xE0];
	v37 =	vmul.f32 $8.000000000e+00, v37  }
0x28f: {  	v54 =	vld [tilespmem:s11+$0xF0];
	v55 =	vmul.f32 $8.000000000e+00, v61;
	[tilespmem:v49+s26+$0x0] =	vst.idx.msk $0xffff, v34  }
0x290: {  	v56 =	vmul.f32 $8.000000000e+00, v63;
	[tilespmem:v50+s26+$0x0] =	vst.idx.msk $0xffff, v37  }
0x291: {  	s13 =	smin.u32 s12, $0xFF;
	v57 =	vadd.s32 v28, v32;
	[tilespmem:v51+s26+$0x0] =	vst.idx.msk $0xffff, v55  }
0x292: {  	s13 =	sshll.u32 s13, $0x6;
	v58 =	vadd.s32 v29, v32;
	[tilespmem:v53+s26+$0x0] =	vst.idx.msk $0xffff, v56  }
0x293: {  	s15 =	sadd.s32 $0xFFFFFFF8, s12;
	v59 =	vadd.s32 v30, v32;
	v34 =	vld [tilespmem:s13+$0xE400]  }
0x294: {  	p1 =	slt.u32 s15, $0xF8;
	v61 =	vadd.s32 v31, v32;
	v60 =	vmul.f32 $8.000000000e+00, v36;
	v33 =	vld [tilespmem:s13+$0xE410]  }
.Ltmp4:
0x295: {  	v38 =	vmul.f32 $8.000000000e+00, v38;
	v35 =	vld [tilespmem:s13+$0xE420];
	(pc) =	sbr.rel @p1 .LBB2_11-.Ltmp4, $4  }
0x296: {  	v62 =	vmul.f32 $8.000000000e+00, v52;
	v36 =	vld [tilespmem:s13+$0xE430];
	[tilespmem:v57+s26+$0x0] =	vst.idx.msk $0xffff, v60  }
0x297: {  	v63 =	vmul.f32 $8.000000000e+00, v54;
	[tilespmem:v58+s26+$0x0] =	vst.idx.msk $0xffff, v38  }
0x298: {  	[tilespmem:v59+s26+$0x0] =	vst.idx.msk $0xffff, v62  }
0x299: {  	s12 =	sadd.s32 $0x8, s12;
	s11 =	sadd.s32 $0x200, s11;
	v32 =	vadd.s32 $0x8, v32;
	[tilespmem:v61+s26+$0x0] =	vst.idx.msk $0xffff, v63  }
0x29a: {  	s10 =	sadd.s32 s5, s10  }
0x29b: {  	s11 =	sshll.u32 s10, $0x5  }
0x29c: {  	s10 =	sshll.u32 s10, $0xB;
	s11 =	sand.u32 $0x1C0, s11  }
0x29d: {  	s10 =	sand.u32 $0xFFF8000, s10;
	s11 =	sadd.s32 s4, s11  }
0x29e: {  	s12 =	simm.s32 $0x200;
	s10 =	sadd.s32 s10, s11  }
0x29f: {  	s13 =	simm.s32 $0x16508;
	s11 =	simm.s32 $0x16400;
	s14 =	sadd.s32 $0x0, s10  }
.LBB2_13:
0x2a0: {  	[hbm4b:s14+s2] =	stream.linear.scatter [tilespmem:s11], [sflag:$0x5], $0x100, $0x38;
	[tilespmem:$0x1E800] =	vst v63  }
0x2a1: {  	s14 =	smov.u32 s12;
	s11 =	smov.u32 s13;
	p1 =	sne.s32 s12, $0x7E00  }
.Ltmp5:
0x2a2: {  	s12 =	sadd.s32 $0x200, s12;
	(pc) =	sbr.rel @p1 .LBB2_13-.Ltmp5, $2  }
0x2a3: {  	_ =	sdelay $0x2  }
0x2a4: {  	s13 =	sadd.s32 $0x108, s13;
	s14 =	sadd.s32 s14, s10  }
0x2a5: {  	[hbm4b:s14+s2] =	stream.linear.scatter [tilespmem:s11], [sflag:$0x5], $0x100, $0x38;
	[tilespmem:$0x1E800] =	vst v63  }
0x2a6: {  	_ =	swait.ge [sflag:s0], $0x400  }
0x2a7: {  	[sflag:s0] =	ssyncset.done $0x0  }
0x2a8: {  	[sflag:s0] =	ssyncadd.s32 $0xFFFFFC00  }
0x2a9: {  	_ =	swait.ge [sflag:s0], $0x400  }
0x2aa: {  	[sflag:s0] =	ssyncset.done $0x0  }
0x2ab: {  	[sflag:s0] =	ssyncadd.s32 $0xFFFFFC00  }
0x2ac: {  	_ =	swait.ge [sflag:s0], $0x400  }
0x2ad: {  	[sflag:s0] =	ssyncset.done $0x0  }
0x2ae: {  	[sflag:s0] =	ssyncadd.s32 $0xFFFFFC00  }
0x2af: {  	_ =	swait.ge [sflag:s0], $0x400  }
0x2b0: {  	[sflag:s0] =	ssyncset.done $0x0  }
0x2b1: {  	[sflag:s0] =	ssyncadd.s32 $0xFFFFFC00  }
0x2b2: {  	_ =	swait.ge [sflag:s0], $0x400  }
0x2b3: {  	[sflag:s0] =	ssyncset.done $0x0  }
0x2b4: {  	[sflag:s0] =	ssyncadd.s32 $0xFFFFFC00  }
0x2b5: {  	_ =	swait.ge [sflag:s0], $0x400  }
0x2b6: {  	[sflag:s0] =	ssyncset.done $0x0  }
0x2b7: {  	[sflag:s0] =	ssyncadd.s32 $0xFFFFFC00  }
0x2b8: {  	_ =	swait.ge [sflag:s0], $0x400  }
0x2b9: {  	[sflag:s0] =	ssyncset.done $0x0  }
0x2ba: {  	[sflag:s0] =	ssyncadd.s32 $0xFFFFFC00  }
0x2bb: {  	_ =	swait.ge [sflag:s0], $0x400  }
0x2bc: {  	[sflag:s0] =	ssyncset.done $0x0  }
0x2bd: {  	[sflag:s0] =	ssyncadd.s32 $0xFFFFFC00  }
0x2be: {  	_ =	swait.ge [sflag:s0], $0x400  }
0x2bf: {  	[sflag:s0] =	ssyncset.done $0x0  }
0x2c0: {  	[sflag:s0] =	ssyncadd.s32 $0xFFFFFC00  }
0x2c1: {  	_ =	swait.ge [sflag:s0], $0x400  }
0x2c2: {  	[sflag:s0] =	ssyncset.done $0x0  }
0x2c3: {  	[sflag:s0] =	ssyncadd.s32 $0xFFFFFC00  }
0x2c4: {  	_ =	swait.ge [sflag:s0], $0x400  }
0x2c5: {  	[sflag:s0] =	ssyncset.done $0x0  }
0x2c6: {  	[sflag:s0] =	ssyncadd.s32 $0xFFFFFC00  }
0x2c7: {  	_ =	swait.ge [sflag:s0], $0x400  }
0x2c8: {  	[sflag:s0] =	ssyncset.done $0x0  }
0x2c9: {  	[sflag:s0] =	ssyncadd.s32 $0xFFFFFC00  }
0x2ca: {  	_ =	swait.ge [sflag:s0], $0x400  }
0x2cb: {  	[sflag:s0] =	ssyncset.done $0x0  }
0x2cc: {  	[sflag:s0] =	ssyncadd.s32 $0xFFFFFC00  }
0x2cd: {  	_ =	swait.ge [sflag:s0], $0x400  }
0x2ce: {  	[sflag:s0] =	ssyncset.done $0x0  }
0x2cf: {  	[sflag:s0] =	ssyncadd.s32 $0xFFFFFC00  }
0x2d0: {  	_ =	swait.ge [sflag:s0], $0x400  }
0x2d1: {  	[sflag:s0] =	ssyncset.done $0x0  }
0x2d2: {  	[sflag:s0] =	ssyncadd.s32 $0xFFFFFC00  }
0x2d3: {  	_ =	swait.ge [sflag:s0], $0x400  }
0x2d4: {  	[sflag:s0] =	ssyncset.done $0x0  }
0x2d5: {  	[sflag:s0] =	ssyncadd.s32 $0xFFFFFC00  }
0x2d6: {  	v32 =	vld @!p0 [tilespmem:s6+$0x600];
	_ =	sdelay $0x6  }
0x2d7: {  	s10 =	simm.s32 @!p0 $0x0;
	s11 =	simm.s32 @!p0 $0xE400  }
0x2d8: {  	[tilespmem:s11], [sflag:$0x3] =	stream.indirect_vreg.gather @!p0 [hbm4b:s3+s10], $0x40, v32, vm1, $0xb8;
	[tilespmem:$0x1E800] =	vst v63  }
0x2d9: {  	v32 =	vld @!p0 [tilespmem:s6+$0x610];
	_ =	sdelay $0x6  }
0x2da: {  	s11 =	simm.s32 @!p0 $0xE800  }
0x2db: {  	[tilespmem:s11], [sflag:$0x3] =	stream.indirect_vreg.gather @!p0 [hbm4b:s3+s10], $0x40, v32, vm1, $0xb8;
	[tilespmem:$0x1E800] =	vst v63  }
0x2dc: {  	v32 =	vld @!p0 [tilespmem:s6+$0x620];
	_ =	sdelay $0x6  }
0x2dd: {  	s11 =	simm.s32 @!p0 $0xEC00  }
0x2de: {  	[tilespmem:s11], [sflag:$0x3] =	stream.indirect_vreg.gather @!p0 [hbm4b:s3+s10], $0x40, v32, vm1, $0xb8;
	[tilespmem:$0x1E800] =	vst v63  }
0x2df: {  	v32 =	vld @!p0 [tilespmem:s6+$0x630];
	_ =	sdelay $0x6  }
0x2e0: {  	s11 =	simm.s32 @!p0 $0xF000  }
0x2e1: {  	[tilespmem:s11], [sflag:$0x3] =	stream.indirect_vreg.gather @!p0 [hbm4b:s3+s10], $0x40, v32, vm1, $0xb8;
	[tilespmem:$0x1E800] =	vst v63  }
0x2e2: {  	v32 =	vld @!p0 [tilespmem:s6+$0x640];
	_ =	sdelay $0x6  }
0x2e3: {  	s11 =	simm.s32 @!p0 $0xF400  }
0x2e4: {  	[tilespmem:s11], [sflag:$0x3] =	stream.indirect_vreg.gather @!p0 [hbm4b:s3+s10], $0x40, v32, vm1, $0xb8;
	[tilespmem:$0x1E800] =	vst v63  }
0x2e5: {  	v32 =	vld @!p0 [tilespmem:s6+$0x650];
	_ =	sdelay $0x6  }
0x2e6: {  	s11 =	simm.s32 @!p0 $0xF800  }
0x2e7: {  	[tilespmem:s11], [sflag:$0x3] =	stream.indirect_vreg.gather @!p0 [hbm4b:s3+s10], $0x40, v32, vm1, $0xb8;
	[tilespmem:$0x1E800] =	vst v63  }
0x2e8: {  	v32 =	vld @!p0 [tilespmem:s6+$0x660];
	_ =	sdelay $0x6  }
0x2e9: {  	s11 =	simm.s32 @!p0 $0xFC00  }
0x2ea: {  	[tilespmem:s11], [sflag:$0x3] =	stream.indirect_vreg.gather @!p0 [hbm4b:s3+s10], $0x40, v32, vm1, $0xb8;
	[tilespmem:$0x1E800] =	vst v63  }
0x2eb: {  	v32 =	vld @!p0 [tilespmem:s6+$0x670];
	_ =	sdelay $0x6  }
0x2ec: {  	s11 =	simm.s32 @!p0 $0x10000  }
0x2ed: {  	[tilespmem:s11], [sflag:$0x3] =	stream.indirect_vreg.gather @!p0 [hbm4b:s3+s10], $0x40, v32, vm1, $0xb8;
	[tilespmem:$0x1E800] =	vst v63  }
0x2ee: {  	v32 =	vld @!p0 [tilespmem:s6+$0x680];
	_ =	sdelay $0x6  }
0x2ef: {  	s11 =	simm.s32 @!p0 $0x10400  }
0x2f0: {  	[tilespmem:s11], [sflag:$0x3] =	stream.indirect_vreg.gather @!p0 [hbm4b:s3+s10], $0x40, v32, vm1, $0xb8;
	[tilespmem:$0x1E800] =	vst v63  }
0x2f1: {  	v32 =	vld @!p0 [tilespmem:s6+$0x690];
	_ =	sdelay $0x6  }
0x2f2: {  	s11 =	simm.s32 @!p0 $0x10800  }
0x2f3: {  	[tilespmem:s11], [sflag:$0x3] =	stream.indirect_vreg.gather @!p0 [hbm4b:s3+s10], $0x40, v32, vm1, $0xb8;
	[tilespmem:$0x1E800] =	vst v63  }
0x2f4: {  	v32 =	vld @!p0 [tilespmem:s6+$0x6A0];
	_ =	sdelay $0x6  }
0x2f5: {  	s11 =	simm.s32 @!p0 $0x10C00  }
0x2f6: {  	[tilespmem:s11], [sflag:$0x3] =	stream.indirect_vreg.gather @!p0 [hbm4b:s3+s10], $0x40, v32, vm1, $0xb8;
	[tilespmem:$0x1E800] =	vst v63  }
0x2f7: {  	v32 =	vld @!p0 [tilespmem:s6+$0x6B0];
	_ =	sdelay $0x6  }
0x2f8: {  	s11 =	simm.s32 @!p0 $0x11000  }
0x2f9: {  	[tilespmem:s11], [sflag:$0x3] =	stream.indirect_vreg.gather @!p0 [hbm4b:s3+s10], $0x40, v32, vm1, $0xb8;
	[tilespmem:$0x1E800] =	vst v63  }
0x2fa: {  	v32 =	vld @!p0 [tilespmem:s6+$0x6C0];
	_ =	sdelay $0x6  }
0x2fb: {  	s11 =	simm.s32 @!p0 $0x11400  }
0x2fc: {  	[tilespmem:s11], [sflag:$0x3] =	stream.indirect_vreg.gather @!p0 [hbm4b:s3+s10], $0x40, v32, vm1, $0xb8;
	[tilespmem:$0x1E800] =	vst v63  }
0x2fd: {  	v32 =	vld @!p0 [tilespmem:s6+$0x6D0];
	_ =	sdelay $0x6  }
0x2fe: {  	s11 =	simm.s32 @!p0 $0x11800  }
0x2ff: {  	[tilespmem:s11], [sflag:$0x3] =	stream.indirect_vreg.gather @!p0 [hbm4b:s3+s10], $0x40, v32, vm1, $0xb8;
	[tilespmem:$0x1E800] =	vst v63  }
0x300: {  	v32 =	vld @!p0 [tilespmem:s6+$0x6E0];
	_ =	sdelay $0x6  }
0x301: {  	s11 =	simm.s32 @!p0 $0x11C00  }
0x302: {  	[tilespmem:s11], [sflag:$0x3] =	stream.indirect_vreg.gather @!p0 [hbm4b:s3+s10], $0x40, v32, vm1, $0xb8;
	[tilespmem:$0x1E800] =	vst v63  }
0x303: {  	v32 =	vld @!p0 [tilespmem:s6+$0x6F0];
	_ =	sdelay $0x6  }
0x304: {  	s6 =	simm.s32 @!p0 $0x12000  }
0x305: {  	[tilespmem:s6], [sflag:$0x3] =	stream.indirect_vreg.gather @!p0 [hbm4b:s3+s10], $0x40, v32, vm1, $0xb8;
	[tilespmem:$0x1E800] =	vst v63  }
0x306: {  	_ =	swait.ge [sflag:s1], $0x4000  }
0x307: {  	[sflag:s1] =	ssyncset.done $0x0  }
0x308: {  	[sflag:s1] =	ssyncadd.s32 $0xFFFFC000  }
0x309: {  	v34 =	vld [tilespmem:$0x12400]  }
0x30a: {  	v33 =	vld [tilespmem:$0x12410]  }
0x30b: {  	v35 =	vld [tilespmem:$0x12420]  }
0x30c: {  	v32 =	vimm.s32 $0x0;
	s10 =	simm.s32 $0x8;
	s6 =	simm.s32 $0x12500;
	v36 =	vld [tilespmem:$0x12430]  }
.LBB2_15:
0x30d: {  	v37 =	vadd.s32 v0, v32  }
0x30e: {  	v39 =	vadd.s32 v1, v32  }
0x30f: {  	v38 =	vld [tilespmem:s6+$0xFFFFFF40];
	v41 =	vadd.s32 v2, v32  }
0x310: {  	v40 =	vld [tilespmem:s6+$0xFFFFFF50];
	v43 =	vadd.s32 v3, v32;
	v34 =	vmul.f32 $8.000000000e+00, v34  }
0x311: {  	v42 =	vld [tilespmem:s6+$0xFFFFFF60];
	v33 =	vmul.f32 $8.000000000e+00, v33  }
0x312: {  	v44 =	vld [tilespmem:s6+$0xFFFFFF70];
	v59 =	vmul.f32 $8.000000000e+00, v35;
	[tilespmem:v37+s29+$0x0] =	vst.idx.msk $0xffff, v34  }
0x313: {  	v60 =	vmul.f32 $8.000000000e+00, v36;
	[tilespmem:v39+s29+$0x0] =	vst.idx.msk $0xffff, v33  }
0x314: {  	v61 =	vadd.s32 v4, v32;
	[tilespmem:v41+s29+$0x0] =	vst.idx.msk $0xffff, v59  }
0x315: {  	v62 =	vadd.s32 v5, v32;
	[tilespmem:v43+s29+$0x0] =	vst.idx.msk $0xffff, v60  }
0x316: {  	v48 =	vadd.s32 v6, v32;
	v34 =	vld [tilespmem:s6+$0xFFFFFF80]  }
0x317: {  	v49 =	vadd.s32 v7, v32;
	v38 =	vmul.f32 $8.000000000e+00, v38;
	v63 =	vld [tilespmem:s6+$0xFFFFFF90]  }
0x318: {  	v40 =	vmul.f32 $8.000000000e+00, v40;
	v39 =	vld [tilespmem:s6+$0xFFFFFFA0]  }
0x319: {  	v50 =	vmul.f32 $8.000000000e+00, v42;
	v43 =	vld [tilespmem:s6+$0xFFFFFFB0];
	[tilespmem:v61+s29+$0x0] =	vst.idx.msk $0xffff, v38  }
0x31a: {  	v51 =	vmul.f32 $8.000000000e+00, v44;
	[tilespmem:v62+s29+$0x0] =	vst.idx.msk $0xffff, v40  }
0x31b: {  	v52 =	vadd.s32 v8, v32;
	[tilespmem:v48+s29+$0x0] =	vst.idx.msk $0xffff, v50  }
0x31c: {  	v53 =	vadd.s32 v9, v32;
	[tilespmem:v49+s29+$0x0] =	vst.idx.msk $0xffff, v51  }
0x31d: {  	v54 =	vadd.s32 v10, v32;
	v35 =	vld [tilespmem:s6+$0xFFFFFFC0]  }
0x31e: {  	v55 =	vadd.s32 v11, v32;
	v38 =	vld [tilespmem:s6+$0xFFFFFFD0];
	v34 =	vmul.f32 $8.000000000e+00, v34  }
0x31f: {  	v41 =	vld [tilespmem:s6+$0xFFFFFFE0];
	v36 =	vmul.f32 $8.000000000e+00, v63  }
0x320: {  	v56 =	vld [tilespmem:s6+$0xFFFFFFF0];
	v57 =	vmul.f32 $8.000000000e+00, v39;
	[tilespmem:v52+s29+$0x0] =	vst.idx.msk $0xffff, v34  }
0x321: {  	v58 =	vmul.f32 $8.000000000e+00, v43;
	[tilespmem:v53+s29+$0x0] =	vst.idx.msk $0xffff, v36  }
0x322: {  	v59 =	vadd.s32 v12, v32;
	[tilespmem:v54+s29+$0x0] =	vst.idx.msk $0xffff, v57  }
0x323: {  	v60 =	vadd.s32 v13, v32;
	[tilespmem:v55+s29+$0x0] =	vst.idx.msk $0xffff, v58  }
0x324: {  	v61 =	vadd.s32 v14, v32;
	v34 =	vld [tilespmem:s6+$0x0]  }
0x325: {  	v62 =	vadd.s32 v15, v32;
	v35 =	vmul.f32 $8.000000000e+00, v35;
	v37 =	vld [tilespmem:s6+$0x10]  }
0x326: {  	v38 =	vmul.f32 $8.000000000e+00, v38;
	v40 =	vld [tilespmem:s6+$0x20]  }
0x327: {  	v48 =	vmul.f32 $8.000000000e+00, v41;
	v63 =	vld [tilespmem:s6+$0x30];
	[tilespmem:v59+s29+$0x0] =	vst.idx.msk $0xffff, v35  }
0x328: {  	v49 =	vmul.f32 $8.000000000e+00, v56;
	[tilespmem:v60+s29+$0x0] =	vst.idx.msk $0xffff, v38  }
0x329: {  	v50 =	vadd.s32 v16, v32;
	[tilespmem:v61+s29+$0x0] =	vst.idx.msk $0xffff, v48  }
0x32a: {  	v51 =	vadd.s32 v17, v32;
	[tilespmem:v62+s29+$0x0] =	vst.idx.msk $0xffff, v49  }
0x32b: {  	v52 =	vadd.s32 v18, v32;
	v35 =	vld [tilespmem:s6+$0x40]  }
0x32c: {  	v54 =	vadd.s32 v19, v32;
	v38 =	vld [tilespmem:s6+$0x50];
	v34 =	vmul.f32 $8.000000000e+00, v34  }
0x32d: {  	v53 =	vld [tilespmem:s6+$0x60];
	v37 =	vmul.f32 $8.000000000e+00, v37  }
0x32e: {  	v55 =	vld [tilespmem:s6+$0x70];
	v56 =	vmul.f32 $8.000000000e+00, v40;
	[tilespmem:v50+s29+$0x0] =	vst.idx.msk $0xffff, v34  }
0x32f: {  	v57 =	vmul.f32 $8.000000000e+00, v63;
	[tilespmem:v51+s29+$0x0] =	vst.idx.msk $0xffff, v37  }
0x330: {  	v58 =	vadd.s32 v20, v32;
	[tilespmem:v52+s29+$0x0] =	vst.idx.msk $0xffff, v56  }
0x331: {  	v59 =	vadd.s32 v21, v32;
	[tilespmem:v54+s29+$0x0] =	vst.idx.msk $0xffff, v57  }
0x332: {  	v60 =	vadd.s32 v22, v32;
	v34 =	vld [tilespmem:s6+$0x80]  }
0x333: {  	v62 =	vadd.s32 v23, v32;
	v35 =	vmul.f32 $8.000000000e+00, v35;
	v37 =	vld [tilespmem:s6+$0x90]  }
0x334: {  	v38 =	vmul.f32 $8.000000000e+00, v38;
	v61 =	vld [tilespmem:s6+$0xA0]  }
0x335: {  	v47 =	vmul.f32 $8.000000000e+00, v53;
	v63 =	vld [tilespmem:s6+$0xB0];
	[tilespmem:v58+s29+$0x0] =	vst.idx.msk $0xffff, v35  }
0x336: {  	v48 =	vmul.f32 $8.000000000e+00, v55;
	[tilespmem:v59+s29+$0x0] =	vst.idx.msk $0xffff, v38  }
0x337: {  	v49 =	vadd.s32 v24, v32;
	[tilespmem:v60+s29+$0x0] =	vst.idx.msk $0xffff, v47  }
0x338: {  	v50 =	vadd.s32 v25, v32;
	[tilespmem:v62+s29+$0x0] =	vst.idx.msk $0xffff, v48  }
0x339: {  	v51 =	vadd.s32 v26, v32;
	v36 =	vld [tilespmem:s6+$0xC0]  }
0x33a: {  	v53 =	vadd.s32 v27, v32;
	v38 =	vld [tilespmem:s6+$0xD0];
	v34 =	vmul.f32 $8.000000000e+00, v34  }
0x33b: {  	v52 =	vld [tilespmem:s6+$0xE0];
	v37 =	vmul.f32 $8.000000000e+00, v37  }
0x33c: {  	v54 =	vld [tilespmem:s6+$0xF0];
	v55 =	vmul.f32 $8.000000000e+00, v61;
	[tilespmem:v49+s29+$0x0] =	vst.idx.msk $0xffff, v34  }
0x33d: {  	v56 =	vmul.f32 $8.000000000e+00, v63;
	[tilespmem:v50+s29+$0x0] =	vst.idx.msk $0xffff, v37  }
0x33e: {  	s11 =	smin.u32 s10, $0xFF;
	v57 =	vadd.s32 v28, v32;
	[tilespmem:v51+s29+$0x0] =	vst.idx.msk $0xffff, v55  }
0x33f: {  	s11 =	sshll.u32 s11, $0x6;
	v58 =	vadd.s32 v29, v32;
	[tilespmem:v53+s29+$0x0] =	vst.idx.msk $0xffff, v56  }
0x340: {  	s15 =	sadd.s32 $0xFFFFFFF8, s10;
	v59 =	vadd.s32 v30, v32;
	v34 =	vld [tilespmem:s11+$0x12400]  }
0x341: {  	p0 =	slt.u32 s15, $0xF8;
	v61 =	vadd.s32 v31, v32;
	v60 =	vmul.f32 $8.000000000e+00, v36;
	v33 =	vld [tilespmem:s11+$0x12410]  }
.Ltmp6:
0x342: {  	v38 =	vmul.f32 $8.000000000e+00, v38;
	v35 =	vld [tilespmem:s11+$0x12420];
	(pc) =	sbr.rel @p0 .LBB2_15-.Ltmp6, $4  }
0x343: {  	v62 =	vmul.f32 $8.000000000e+00, v52;
	v36 =	vld [tilespmem:s11+$0x12430];
	[tilespmem:v57+s29+$0x0] =	vst.idx.msk $0xffff, v60  }
0x344: {  	v63 =	vmul.f32 $8.000000000e+00, v54;
	[tilespmem:v58+s29+$0x0] =	vst.idx.msk $0xffff, v38  }
0x345: {  	[tilespmem:v59+s29+$0x0] =	vst.idx.msk $0xffff, v62  }
0x346: {  	s10 =	sadd.s32 $0x8, s10;
	s6 =	sadd.s32 $0x200, s6;
	v32 =	vadd.s32 $0x8, v32;
	[tilespmem:v61+s29+$0x0] =	vst.idx.msk $0xffff, v63  }
0x347: {  	s6 =	sadd.s32 s5, s8  }
0x348: {  	s8 =	sshll.u32 s6, $0x5  }
0x349: {  	s6 =	sshll.u32 s6, $0xB;
	s8 =	sand.u32 $0x1E0, s8  }
0x34a: {  	s6 =	sand.u32 $0xFFF8000, s6;
	s8 =	sadd.s32 s4, s8  }
0x34b: {  	s10 =	simm.s32 $0x200;
	s6 =	sadd.s32 s6, s8  }
0x34c: {  	s11 =	simm.s32 $0x1A708;
	s8 =	simm.s32 $0x1A600;
	s12 =	sadd.s32 $0x0, s6  }
.LBB2_17:
0x34d: {  	[hbm4b:s12+s2] =	stream.linear.scatter [tilespmem:s8], [sflag:$0x6], $0x100, $0x38;
	[tilespmem:$0x1E800] =	vst v63  }
0x34e: {  	s12 =	smov.u32 s10;
	s8 =	smov.u32 s11;
	p0 =	sne.s32 s10, $0x7E00  }
.Ltmp7:
0x34f: {  	s10 =	sadd.s32 $0x200, s10;
	(pc) =	sbr.rel @p0 .LBB2_17-.Ltmp7, $2  }
0x350: {  	_ =	sdelay $0x2  }
0x351: {  	s11 =	sadd.s32 $0x108, s11;
	s12 =	sadd.s32 s12, s6  }
0x352: {  	s7 =	sadd.s32 $0x1, s7  }
0x353: {  	p0 =	sne.s32 s7, $0x19  }
.Ltmp8:
0x354: {  	_ = 	snop;
	(pc) =	sbr.rel @p0 .LBB2_2-.Ltmp8, $2  }
0x355: {  	_ =	sdelay $0x2  }
0x356: {  	[hbm4b:s12+s2] =	stream.linear.scatter [tilespmem:s8], [sflag:$0x6], $0x100, $0x38;
	[tilespmem:$0x1E800] =	vst v63  }
0x357: {  	_ =	swait.ge [sflag:s31], $0x4000  }
0x358: {  	[sflag:s31] =	ssyncset.done $0x0  }
0x359: {  	[sflag:s31] =	ssyncadd.s32 $0xFFFFC000  }
0x35a: {  	_ =	swait.ge [sflag:s1], $0x4000  }
0x35b: {  	s7 =	rddreg [dreg:$0x5]  }
0x35c: {  	s6 =	rddreg [dreg:$0x4];
	s7 =	sadd.s32 $0x1, s7  }
0x35d: {  	p0 =	sne.s32 s7, s6  }
.Ltmp9:
0x35e: {  	_ = 	snop;
	(pc) =	sbr.rel @p0 .LBB2_1-.Ltmp9, $3  }
0x35f: {  	_ =	sdelay $0x1  }
0x360: {  	[sflag:s1] =	ssyncset.done $0x0  }
0x361: {  	[sflag:s1] =	ssyncadd.s32 $0xFFFFC000  }
0x362: {  	_ =	sfence.sel $0x180000  }
0x363: {  	[bflag:$0x0] =	sbarrier.arrive $0xFFFF  }
0x364: {  	_ =	strace $0x90000047  }
0x365: {  	s0 =	stileid.u32;
	[bflag:$0x2] =	sbarrier.arrive $0xFFFF  }
0x366: {  	p0 =	sne.s32 s0, $0x0;
	s0 =	rddreg [dreg:$0x2]  }
0x367: {  	s0 =	sadd.s32 @!p0 $0x100000, s0  }
0x368: {  	[sflag:s0] =	ssyncadd.tile.s32 @!p0 $0x1;
	_ =	shalt  }
.Lfunc_end2:
_tile_overlayer_lowered:
.L_overlay_start_2:
0x369: {  	(tag) =	ssettag $0x2  }
0x36a: {  	s0 =	rddreg [dreg:$0x0];
	s2 =	stileid.u32  }
0x36b: {  	s1 =	rddreg [dreg:$0x1];
	p0 =	sne.s32 s2, $0x0  }
0x36c: {  	s3 =	rddreg [dreg:$0x2];
	[bflag:$0x3] =	sbarrier.arrive $0xFFFF;
	s2 =	simm.s32 @!p0 $0x1C07  }
0x36d: {  	[timem:s3], [sflag:s2] =	dma.local @!p0 [hbm:s0], s1  }
0x36e: {  	s0 =	simm.s32 @!p0 $0x7  }
0x36f: {  	_ =	swait.ge @!p0 [sflag:s0], s1  }
0x370: {  	s1 =	ssub.s32 @!p0 $0x0, s1;
	[sflag:s0] =	ssyncset.done @!p0 $0x0  }
0x371: {  	[sflag:s0] =	ssyncadd.s32 @!p0 s1  }
0x372: {  	[bflag:$0x3] =	sbarrier.arrive $0xFFFF  }
0x373: {  	_ =	shalt  }

</sc_bundles>
